<compile_context>
chip_gen: v7x
topology: tpu7x:2x2x1
jax: 0.10.2.dev20260603
libtpu: 0.0.44.dev20260713+nightly
codegen_flags: <defaults>
</compile_context>

<pallas_src>
import functools

import jax
import jax.numpy as jnp
from jax import lax
from jax.experimental import pallas as pl
from jax.experimental.pallas import tpu as pltpu
from jax.experimental.pallas import tpu_sc as plsc

F32 = jnp.float32



def _bdot(x, w):
    return jnp.dot(x.astype(jnp.bfloat16), w.astype(jnp.bfloat16),
                   preferred_element_type=F32)


def _dense_body(x_ref, w_ref, o_ref):
    o_ref[...] = _bdot(x_ref[...], w_ref[...]).astype(o_ref.dtype)


def _dense_bias_relu_body(x_ref, w_ref, b_ref, o_ref):
    y = _bdot(x_ref[...], w_ref[...])
    o_ref[...] = jnp.maximum(y + b_ref[...], 0.0)


def _matmul(x, w, block, out_dtype=F32):
    m, d = x.shape
    dout = w.shape[1]
    return pl.pallas_call(
        _dense_body,
        grid=(m // block,),
        in_specs=[
            pl.BlockSpec((block, d), lambda i: (i, 0)),
            pl.BlockSpec((d, dout), lambda i: (0, 0)),
        ],
        out_specs=pl.BlockSpec((block, dout), lambda i: (i, 0)),
        out_shape=jax.ShapeDtypeStruct((m, dout), out_dtype),
    )(x, w)


def _affine_relu(x, w, b, block):
    m, d = x.shape
    dout = w.shape[1]
    return pl.pallas_call(
        _dense_bias_relu_body,
        grid=(m // block,),
        in_specs=[
            pl.BlockSpec((block, d), lambda i: (i, 0)),
            pl.BlockSpec((d, dout), lambda i: (0, 0)),
            pl.BlockSpec((1, dout), lambda i: (0, 0)),
        ],
        out_specs=pl.BlockSpec((block, dout), lambda i: (i, 0)),
        out_shape=jax.ShapeDtypeStruct((m, dout), F32),
    )(x, w, b.reshape(1, dout))



_L = 64
_NS = 16


def _sc_segment(table, esrc, edst, zeros, eh=None):
    n, d = table.shape
    with_mul = eh is not None
    _L = 64 if with_mul else 128
    e = esrc.shape[0]
    per_w = e // (2 * _NS)
    full, tail = divmod(per_w, _L)
    assert full % 2 == 0 and full >= 4 and tail % 8 == 0
    npad = zeros.shape[0]
    rows_per_tile = npad // _NS

    mesh = plsc.VectorSubcoreMesh(core_axis_name="core",
                                  subcore_axis_name="subcore")

    scratch = [
        pltpu.VMEM_SHARED((npad, d), F32),
        pltpu.VMEM((_L,), jnp.int32),
        pltpu.VMEM((_L,), jnp.int32),
        pltpu.VMEM((_L,), jnp.int32),
        pltpu.VMEM((_L,), jnp.int32),
        pltpu.VMEM((_L, 128), F32),
        pltpu.VMEM((_L, 128), F32),
        pltpu.VMEM((_L * 128,), jnp.bfloat16),
        pltpu.VMEM((_L * 128,), jnp.bfloat16),
        pltpu.VMEM((max(tail, 8),), jnp.int32),
        pltpu.VMEM((max(tail, 8),), jnp.int32),
        pltpu.SemaphoreType.DMA((2,)),
        pltpu.SemaphoreType.DMA((2,)),
        pltpu.SemaphoreType.DMA((2,)),
        pltpu.SemaphoreType.DMA((2,)),
    ]

    @functools.partial(
        pl.kernel,
        out_type=(jax.ShapeDtypeStruct((npad, d), F32),
                  jax.ShapeDtypeStruct((npad, d), F32)),
        mesh=mesh,
        scratch_types=scratch,
    )
    def sc_kernel(src_hbm, esrc_hbm, edst_hbm, zeros_hbm, eh_hbm,
                  out0, out1,
                  acc, is0, is1, id0, id1, g0, g1, e0b, e1b,
                  tidx_s, tidx_d, semi, semg, seme, sems):
        c = lax.axis_index("core")
        s = lax.axis_index("subcore")
        r0 = s * rows_per_tile
        IS = (is0, is1)
        ID = (id0, id1)
        G = (g0, g1)
        EB = (e0b, e1b)

        pltpu.sync_copy(zeros_hbm.at[pl.ds(r0, rows_per_tile)],
                        acc.at[pl.ds(r0, rows_per_tile)])

        def run_edges(base, nfull, tail):
            def issue_idx(k, b):
                o = base + k * _L
                pltpu.async_copy(esrc_hbm.at[pl.ds(o, _L)], IS[b],
                                 semi.at[b])
                pltpu.async_copy(edst_hbm.at[pl.ds(o, _L)], ID[b],
                                 semi.at[b])

            def wait_idx(b):
                pltpu.make_async_copy(esrc_hbm.at[pl.ds(0, _L)], IS[b],
                                      semi.at[b]).wait()
                pltpu.make_async_copy(edst_hbm.at[pl.ds(0, _L)], ID[b],
                                      semi.at[b]).wait()

            def issue_fetch(k, b):
                pltpu.async_copy(src_hbm.at[IS[b]], G[b], semg.at[b])
                if with_mul:
                    o = (base + k * _L) * 128
                    pltpu.async_copy(eh_hbm.at[pl.ds(o, _L * 128)], EB[b],
                                     seme.at[b])

            def wait_fetch(b):
                pltpu.make_async_copy(src_hbm.at[IS[b]], G[b],
                                      semg.at[b]).wait()
                if with_mul:
                    pltpu.make_async_copy(eh_hbm.at[pl.ds(0, _L * 128)],
                                          EB[b], seme.at[b]).wait()

            def mul_row(gbuf, ebuf, i):
                for q in range(d // 16):
                    ev = ebuf[pl.ds(i * 128 + q * 16, 16)]
                    sl = pl.ds(q * 16, 16)
                    gbuf[i, sl] = gbuf[i, sl] * ev.astype(F32)

            def mul(b):
                if with_mul:
                    @pl.loop(0, _L)
                    def _(i):
                        mul_row(G[b], EB[b], i)

            def issue_scatter(b):
                pltpu.async_copy(G[b], acc.at[ID[b]], sems.at[b],
                                 add=True)

            def wait_scatter(b):
                pltpu.make_async_copy(G[b], acc.at[ID[b]],
                                      sems.at[b]).wait()

            issue_idx(0, 0)
            issue_idx(1, 1)
            wait_idx(0)
            issue_fetch(0, 0)
            plsc.subcore_barrier()

            def chunk_step(k, b, last):
                wait_fetch(b)
                mul(b)
                issue_scatter(b)
                if not last:
                    wait_scatter(b)
                    issue_idx(k + 2, b)
                    wait_idx(b)
                    issue_fetch(k + 2, b)

            wait_idx(1)
            issue_fetch(1, 1)
            @pl.loop(0, nfull // 2 - 1)
            def _(j):
                k = j * 2
                chunk_step(k, 0, False)
                chunk_step(k + 1, 1, False)

            chunk_step(nfull - 2, 0, True)
            chunk_step(nfull - 1, 1, True)
            wait_scatter(0)
            wait_scatter(1)

            if tail:
                o = base + nfull * _L
                pltpu.sync_copy(esrc_hbm.at[pl.ds(o, tail)], tidx_s)
                pltpu.sync_copy(edst_hbm.at[pl.ds(o, tail)], tidx_d)
                pltpu.async_copy(src_hbm.at[tidx_s],
                                 G[0].at[pl.ds(0, tail)],
                                 semg.at[0]).wait()
                if with_mul:
                    pltpu.sync_copy(eh_hbm.at[pl.ds(o * 128, tail * 128)],
                                    EB[0].at[pl.ds(0, tail * 128)])

                    @pl.loop(0, tail)
                    def _(i):
                        mul_row(G[0], EB[0], i)

                pltpu.sync_copy(G[0].at[pl.ds(0, tail)],
                                acc.at[tidx_d], add=True)

        w = c * _NS + s
        run_edges(w * per_w, full, tail)

        plsc.subcore_barrier()

        @pl.when(c == 0)
        def _out0():
            pltpu.sync_copy(acc.at[pl.ds(r0, rows_per_tile)],
                            out0.at[pl.ds(r0, rows_per_tile)])

        @pl.when(c == 1)
        def _out1():
            pltpu.sync_copy(acc.at[pl.ds(r0, rows_per_tile)],
                            out1.at[pl.ds(r0, rows_per_tile)])

    if eh is None:
        eh = jnp.zeros((8 * 128,), jnp.bfloat16)
    return sc_kernel(table, esrc, edst, zeros, eh)



def _node_update_body(hd_ref, md0_ref, md1_ref, mf0_ref, mf1_ref,
                      wdst_ref, bdst_ref,
                      wnu_ref, bnu_ref, iw1_ref, ib1_ref, iw2_ref, ib2_ref,
                      aw1_ref, ab1_ref, aw2_ref, ab2_ref, o_ref):
    def mm(a, b):
        return jnp.dot(a, b, preferred_element_type=F32)

    x = hd_ref[...]
    d = x.shape[1]
    dst = jnp.maximum(mm(x, wdst_ref[...]) + bdst_ref[...], 0.0)
    wnu = wnu_ref[...]
    m = mm(dst, wnu[0:d]) \
        + mm(md0_ref[...] + md1_ref[...], wnu[d:2 * d]) \
        + mm(mf0_ref[...] + mf1_ref[...], wnu[2 * d:3 * d])
    m = jnp.maximum(m + bnu_ref[...], 0.0)
    t = jnp.maximum(mm(m, iw1_ref[...]) + ib1_ref[...], 0.0)
    m = m + jnp.maximum(mm(t, iw2_ref[...]) + ib2_ref[...], 0.0)
    h = x + m
    t2 = jnp.maximum(mm(h, aw1_ref[...]) + ab1_ref[...], 0.0)
    o_ref[...] = h + jnp.maximum(mm(t2, aw2_ref[...]) + ab2_ref[...], 0.0)


def _node_update(h_d, md0, md1, mf0, mf1, W_dst, b_dst, W_nu, b_nu,
                 ir_W1, ir_b1, ir_W2, ir_b2, ar_W1, ar_b1, ar_W2, ar_b2,
                 block=2000):
    n, d = h_d.shape
    row = lambda i: (i, 0)
    fixw = lambda i: (0, 0)
    wspec = pl.BlockSpec((d, d), fixw)
    bspec = pl.BlockSpec((1, d), fixw)
    mspec = pl.BlockSpec((block, d), row)
    return pl.pallas_call(
        _node_update_body,
        grid=(n // block,),
        in_specs=[
            mspec, mspec, mspec, mspec, mspec,
            wspec, bspec,
            pl.BlockSpec((3 * d, d), fixw), bspec,
            wspec, bspec, wspec, bspec,
            wspec, bspec, wspec, bspec,
        ],
        out_specs=pl.BlockSpec((block, d), row),
        out_shape=jax.ShapeDtypeStruct((n, d), F32),
    )(h_d, md0, md1, mf0, mf1, W_dst, b_dst.reshape(1, d), W_nu,
      b_nu.reshape(1, d), ir_W1, ir_b1.reshape(1, d), ir_W2,
      ir_b2.reshape(1, d), ar_W1, ar_b1.reshape(1, d), ar_W2,
      ar_b2.reshape(1, d))



def kernel(node_feat_domestic, edge_feat, node_feat_foreign, a2a_edge_index,
           b2a_src, b2a_dst, W_G, W_sd, b_sd, W_sf, b_sf, W_dst, b_dst,
           W_nu, b_nu, ir_W1, ir_b1, ir_W2, ir_b2,
           ar_W1, ar_b1, ar_W2, ar_b2):
    n, d = node_feat_domestic.shape
    npad = ((n + 8 * _NS - 1) // (8 * _NS)) * (8 * _NS)
    zeros = jnp.zeros((npad, d), F32)
    src_hf = _affine_relu(node_feat_foreign, W_sf, b_sf, block=1280)
    mf0, mf1 = _sc_segment(src_hf, b2a_src, b2a_dst, zeros)
    edge_feat_b, _ = lax.optimization_barrier((edge_feat, src_hf))
    eh = _matmul(edge_feat_b, W_G, block=1280,
                 out_dtype=jnp.bfloat16).reshape(-1)
    src_h = _affine_relu(node_feat_domestic, W_sd, b_sd, block=2000)
    md0, md1 = _sc_segment(src_h, a2a_edge_index[0], a2a_edge_index[1],
                           zeros, eh=eh)
    return _node_update(node_feat_domestic, md0, md1, mf0, mf1,
                        W_dst, b_dst, W_nu, b_nu, ir_W1, ir_b1,
                        ir_W2, ir_b2, ar_W1, ar_b1, ar_W2, ar_b2)

# --- scband reference (transcript-rebuilt; emitter-appended) ---
"""Pipeline reference for scband-ho-conv-11587821765106 (READ-ONLY COPY).

The authoritative reference and input builder live on the scoring server;
editing this copy changes nothing except your own understanding.
"""

import jax, jax.numpy as jnp
import numpy as np

N, E, NB, EB, D = 10000, 320000, 160000, 320000, 128


def setup_inputs(seed: int = 0) -> dict:
    key = jax.random.key(seed)
    ks = jax.random.split(key, 32)

    def nrm(k, shape, s=1.0):
        return jax.random.normal(k, shape, dtype=jnp.float32) * s

    inp = {
        "node_feat_domestic": nrm(ks[0], (N, D)),
        "edge_feat": nrm(ks[1], (E, D)),
        "node_feat_foreign": nrm(ks[2], (NB, D)),
        "a2a_edge_index": jax.random.randint(ks[3], (2, E), 0, N, dtype=jnp.int32),
        "b2a_src": jax.random.randint(ks[4], (EB,), 0, NB, dtype=jnp.int32),
        "b2a_dst": jax.random.randint(ks[5], (EB,), 0, N, dtype=jnp.int32),
        # learned parameters (torch Linear stored as [in, out] so y = x @ W + b)
        "W_G": nrm(ks[6], (D, D), 0.05),
        "W_sd": nrm(ks[7], (D, D), 0.05), "b_sd": nrm(ks[8], (D,), 0.05),
        "W_sf": nrm(ks[9], (D, D), 0.05), "b_sf": nrm(ks[10], (D,), 0.05),
        "W_dst": nrm(ks[11], (D, D), 0.05), "b_dst": nrm(ks[12], (D,), 0.05),
        "W_nu": nrm(ks[13], (3 * D, D), 0.05), "b_nu": nrm(ks[14], (D,), 0.05),
        # interaction residual layer (n_interaction_residual = 1): two dense layers + skip
        "ir_W1": nrm(ks[15], (D, D), 0.05), "ir_b1": nrm(ks[16], (D,), 0.05),
        "ir_W2": nrm(ks[17], (D, D), 0.05), "ir_b2": nrm(ks[18], (D,), 0.05),
        # atom residual layer (n_atom_residual = 1)
        "ar_W1": nrm(ks[19], (D, D), 0.05), "ar_b1": nrm(ks[20], (D,), 0.05),
        "ar_W2": nrm(ks[21], (D, D), 0.05), "ar_b2": nrm(ks[22], (D,), 0.05),
    }
    return inp


def reference(node_feat_domestic, edge_feat, node_feat_foreign,
              a2a_edge_index, b2a_src, b2a_dst,
              W_G, W_sd, b_sd, W_sf, b_sf, W_dst, b_dst, W_nu, b_nu,
              ir_W1, ir_b1, ir_W2, ir_b2, ar_W1, ar_b1, ar_W2, ar_b2):
    act = jax.nn.relu
    n = node_feat_domestic.shape[0]
    # feat_drop = 0.0 -> identity in eval
    h_domestic = node_feat_domestic
    h_foreign = node_feat_foreign
    # eh = G(edge_feat), linear no bias
    eh = edge_feat @ W_G
    # domestic message: u_mul_e then sum over dst
    src_h = act(h_domestic @ W_sd + b_sd)
    msg = src_h[a2a_edge_index[0]] * eh
    m_domestic = jax.ops.segment_sum(msg, a2a_edge_index[1], num_segments=n)
    # foreign message: copy_src then sum over dst
    src_hf = act(h_foreign @ W_sf + b_sf)
    m_foreign = jax.ops.segment_sum(src_hf[b2a_src], b2a_dst, num_segments=n)
    # node update
    dst_h = act(h_domestic @ W_dst + b_dst)
    m = jnp.concatenate([dst_h, m_domestic, m_foreign], axis=1)
    m = act(m @ W_nu + b_nu)
    # interaction residual layer
    m = m + act(act(m @ ir_W1 + ir_b1) @ ir_W2 + ir_b2)
    # residual connection
    h = h_domestic + m
    # atom residual layer
    h = h + act(act(h @ ar_W1 + ar_b1) @ ar_W2 + ar_b2)
    return h

if __name__ == "__main__":
    import jax
    _d = setup_inputs()
    print(jax.jit(kernel)(*tuple(_d.values())))

</pallas_src>

<mosaic_0001>
#map = affine_map<(d0, d1) -> (0, 0)>
#map1 = affine_map<(d0, d1) -> (0)>
module attributes {stable_mosaic.version = 14 : i64} {
  func.func @sc_kernel(%arg0: i32, %arg1: i32, %arg2: memref<10000x128xf32, #tpu.memory_space<hbm>>, %arg3: memref<320000xi32, #tpu.memory_space<hbm>>, %arg4: memref<320000xi32, #tpu.memory_space<hbm>>, %arg5: memref<10112x128xf32, #tpu.memory_space<hbm>>, %arg6: memref<40960000xbf16, #tpu.memory_space<hbm>>, %arg7: memref<10112x128xf32, #tpu.memory_space<hbm>>, %arg8: memref<10112x128xf32, #tpu.memory_space<hbm>>, %arg9: memref<10112x128xf32, #tpu.memory_space<vmem_shared>>, %arg10: memref<64xi32, #tpu.memory_space<vmem>>, %arg11: memref<64xi32, #tpu.memory_space<vmem>>, %arg12: memref<64xi32, #tpu.memory_space<vmem>>, %arg13: memref<64xi32, #tpu.memory_space<vmem>>, %arg14: memref<64x128xf32, #tpu.memory_space<vmem>>, %arg15: memref<64x128xf32, #tpu.memory_space<vmem>>, %arg16: memref<8192xbf16, #tpu.memory_space<vmem>>, %arg17: memref<8192xbf16, #tpu.memory_space<vmem>>, %arg18: memref<16xi32, #tpu.memory_space<vmem>>, %arg19: memref<16xi32, #tpu.memory_space<vmem>>, %arg20: memref<2x!tpu.dma_semaphore, #tpu.memory_space<semaphore_mem>>, %arg21: memref<2x!tpu.dma_semaphore, #tpu.memory_space<semaphore_mem>>, %arg22: memref<2x!tpu.dma_semaphore, #tpu.memory_space<semaphore_mem>>, %arg23: memref<2x!tpu.dma_semaphore, #tpu.memory_space<semaphore_mem>>) attributes {dimension_semantics = [#tpu.dimension_semantics<core_parallel>, #tpu.dimension_semantics<subcore_parallel>], iteration_bounds = array<i64: 2, 16>, scalar_prefetch = 0 : i64, scratch_operands = 15 : i64, tpu.core_type = #tpu.core_type<sc_vector_subcore>, window_params = [{transform_indices = #map}, {transform_indices = #map1}, {transform_indices = #map1}, {transform_indices = #map}, {transform_indices = #map1}, {transform_indices = #map}, {transform_indices = #map}]} {
    %mul3A = arith.constant 632 : i32
    %mul3A_0 = arith.muli %arg1, %mul3A : i32
    "tpu.region"() ({
      %run_scoped3A = tpu.sem_alloc : memref<!tpu.dma_semaphore, #tpu.memory_space<semaphore_mem>>
      %dma_start3A_184 = arith.constant 0 : i32
      %dma_start3A_185 = tpu.memref_slice %arg9[%mul3A_0, %dma_start3A_184] : memref<10112x128xf32, #tpu.memory_space<vmem_shared>> -> memref<632x128xf32, #tpu.memory_space<vmem_shared>>
      %dma_start3A_186 = arith.constant 0 : i32
      %dma_start3A_187 = tpu.memref_slice %arg5[%mul3A_0, %dma_start3A_186] : memref<10112x128xf32, #tpu.memory_space<hbm>> -> memref<632x128xf32, #tpu.memory_space<hbm>>
      tpu.enqueue_dma source(%dma_start3A_187 : memref<632x128xf32, #tpu.memory_space<hbm>>) target(%dma_start3A_185 : memref<632x128xf32, #tpu.memory_space<vmem_shared>>) target_semaphore(%run_scoped3A : memref<!tpu.dma_semaphore, #tpu.memory_space<semaphore_mem>>)
      %dma_wait3A_188 = arith.constant 0 : i32
      %dma_wait3A_189 = tpu.memref_slice %arg9[%mul3A_0, %dma_wait3A_188] : memref<10112x128xf32, #tpu.memory_space<vmem_shared>> -> memref<632x128xf32, #tpu.memory_space<vmem_shared>>
      %dma_wait3A_190 = arith.constant 0 : i32
      %dma_wait3A_191 = tpu.memref_slice %arg5[%mul3A_0, %dma_wait3A_190] : memref<10112x128xf32, #tpu.memory_space<hbm>> -> memref<632x128xf32, #tpu.memory_space<hbm>>
      tpu.wait_dma2 semaphore(%run_scoped3A : memref<!tpu.dma_semaphore, #tpu.memory_space<semaphore_mem>>) src(%dma_wait3A_191 : memref<632x128xf32, #tpu.memory_space<hbm>>) dst(%dma_wait3A_189 : memref<632x128xf32, #tpu.memory_space<vmem_shared>>)
      tpu.yield
    }) : () -> ()
    %mul3A_1 = arith.constant 16 : i32
    %mul3A_2 = arith.muli %arg0, %mul3A_1 : i32
    %add3A = arith.addi %mul3A_2, %arg1 : i32
    %mul3A_3 = arith.constant 10000 : i32
    %mul3A_4 = arith.muli %add3A, %mul3A_3 : i32
    %add3A_5 = arith.constant 0 : i32
    %add3A_6 = arith.addi %mul3A_4, %add3A_5 : i32
    %dma_start3A = arith.constant 0 : i32
    %dma_start3A_7 = tpu.memref_slice %arg3[%add3A_6] : memref<320000xi32, #tpu.memory_space<hbm>> -> memref<64xi32, #tpu.memory_space<hbm>>
    %dma_start3A_8 = tpu.memref_slice %arg20[%dma_start3A] : memref<2x!tpu.dma_semaphore, #tpu.memory_space<semaphore_mem>> -> memref<1x!tpu.dma_semaphore, #tpu.memory_space<semaphore_mem>>
    %dma_start3A_9 = tpu.memref_squeeze %dma_start3A_8 : memref<1x!tpu.dma_semaphore, #tpu.memory_space<semaphore_mem>> -> memref<!tpu.dma_semaphore, #tpu.memory_space<semaphore_mem>>
    %dma_start3A_10 = tpu.memref_slice %arg3[%add3A_6] : memref<320000xi32, #tpu.memory_space<hbm>> -> memref<64xi32, #tpu.memory_space<hbm>>
    tpu.enqueue_dma source(%dma_start3A_10 : memref<64xi32, #tpu.memory_space<hbm>>) target(%arg10 : memref<64xi32, #tpu.memory_space<vmem>>) target_semaphore(%dma_start3A_9 : memref<!tpu.dma_semaphore, #tpu.memory_space<semaphore_mem>>)
    %dma_start3A_11 = arith.constant 0 : i32
    %dma_start3A_12 = tpu.memref_slice %arg4[%add3A_6] : memref<320000xi32, #tpu.memory_space<hbm>> -> memref<64xi32, #tpu.memory_space<hbm>>
    %dma_start3A_13 = tpu.memref_slice %arg20[%dma_start3A_11] : memref<2x!tpu.dma_semaphore, #tpu.memory_space<semaphore_mem>> -> memref<1x!tpu.dma_semaphore, #tpu.memory_space<semaphore_mem>>
    %dma_start3A_14 = tpu.memref_squeeze %dma_start3A_13 : memref<1x!tpu.dma_semaphore, #tpu.memory_space<semaphore_mem>> -> memref<!tpu.dma_semaphore, #tpu.memory_space<semaphore_mem>>
    %dma_start3A_15 = tpu.memref_slice %arg4[%add3A_6] : memref<320000xi32, #tpu.memory_space<hbm>> -> memref<64xi32, #tpu.memory_space<hbm>>
    tpu.enqueue_dma source(%dma_start3A_15 : memref<64xi32, #tpu.memory_space<hbm>>) target(%arg12 : memref<64xi32, #tpu.memory_space<vmem>>) target_semaphore(%dma_start3A_14 : memref<!tpu.dma_semaphore, #tpu.memory_space<semaphore_mem>>)
    %add3A_16 = arith.constant 64 : i32
    %add3A_17 = arith.addi %mul3A_4, %add3A_16 : i32
    %dma_start3A_18 = arith.constant 1 : i32
    %dma_start3A_19 = tpu.memref_slice %arg3[%add3A_17] : memref<320000xi32, #tpu.memory_space<hbm>> -> memref<64xi32, #tpu.memory_space<hbm>>
    %dma_start3A_20 = tpu.memref_slice %arg20[%dma_start3A_18] : memref<2x!tpu.dma_semaphore, #tpu.memory_space<semaphore_mem>> -> memref<1x!tpu.dma_semaphore, #tpu.memory_space<semaphore_mem>>
    %dma_start3A_21 = tpu.memref_squeeze %dma_start3A_20 : memref<1x!tpu.dma_semaphore, #tpu.memory_space<semaphore_mem>> -> memref<!tpu.dma_semaphore, #tpu.memory_space<semaphore_mem>>
    %dma_start3A_22 = tpu.memref_slice %arg3[%add3A_17] : memref<320000xi32, #tpu.memory_space<hbm>> -> memref<64xi32, #tpu.memory_space<hbm>>
    tpu.enqueue_dma source(%dma_start3A_22 : memref<64xi32, #tpu.memory_space<hbm>>) target(%arg11 : memref<64xi32, #tpu.memory_space<vmem>>) target_semaphore(%dma_start3A_21 : memref<!tpu.dma_semaphore, #tpu.memory_space<semaphore_mem>>)
    %dma_start3A_23 = arith.constant 1 : i32
    %dma_start3A_24 = tpu.memref_slice %arg4[%add3A_17] : memref<320000xi32, #tpu.memory_space<hbm>> -> memref<64xi32, #tpu.memory_space<hbm>>
    %dma_start3A_25 = tpu.memref_slice %arg20[%dma_start3A_23] : memref<2x!tpu.dma_semaphore, #tpu.memory_space<semaphore_mem>> -> memref<1x!tpu.dma_semaphore, #tpu.memory_space<semaphore_mem>>
    %dma_start3A_26 = tpu.memref_squeeze %dma_start3A_25 : memref<1x!tpu.dma_semaphore, #tpu.memory_space<semaphore_mem>> -> memref<!tpu.dma_semaphore, #tpu.memory_space<semaphore_mem>>
    %dma_start3A_27 = tpu.memref_slice %arg4[%add3A_17] : memref<320000xi32, #tpu.memory_space<hbm>> -> memref<64xi32, #tpu.memory_space<hbm>>
    tpu.enqueue_dma source(%dma_start3A_27 : memref<64xi32, #tpu.memory_space<hbm>>) target(%arg13 : memref<64xi32, #tpu.memory_space<vmem>>) target_semaphore(%dma_start3A_26 : memref<!tpu.dma_semaphore, #tpu.memory_space<semaphore_mem>>)
    %dma_wait3A = arith.constant 0 : i32
    %dma_wait3A_28 = arith.constant 0 : i32
    %dma_wait3A_29 = tpu.memref_slice %arg3[%dma_wait3A_28] : memref<320000xi32, #tpu.memory_space<hbm>> -> memref<64xi32, #tpu.memory_space<hbm>>
    %dma_wait3A_30 = tpu.memref_slice %arg20[%dma_wait3A] : memref<2x!tpu.dma_semaphore, #tpu.memory_space<semaphore_mem>> -> memref<1x!tpu.dma_semaphore, #tpu.memory_space<semaphore_mem>>
    %dma_wait3A_31 = tpu.memref_squeeze %dma_wait3A_30 : memref<1x!tpu.dma_semaphore, #tpu.memory_space<semaphore_mem>> -> memref<!tpu.dma_semaphore, #tpu.memory_space<semaphore_mem>>
    %dma_wait3A_32 = arith.constant 0 : i32
    %dma_wait3A_33 = tpu.memref_slice %arg3[%dma_wait3A_32] : memref<320000xi32, #tpu.memory_space<hbm>> -> memref<64xi32, #tpu.memory_space<hbm>>
    tpu.wait_dma2 semaphore(%dma_wait3A_31 : memref<!tpu.dma_semaphore, #tpu.memory_space<semaphore_mem>>) src(%dma_wait3A_33 : memref<64xi32, #tpu.memory_space<hbm>>) dst(%arg10 : memref<64xi32, #tpu.memory_space<vmem>>)
    %dma_wait3A_34 = arith.constant 0 : i32
    %dma_wait3A_35 = arith.constant 0 : i32
    %dma_wait3A_36 = tpu.memref_slice %arg4[%dma_wait3A_35] : memref<320000xi32, #tpu.memory_space<hbm>> -> memref<64xi32, #tpu.memory_space<hbm>>
    %dma_wait3A_37 = tpu.memref_slice %arg20[%dma_wait3A_34] : memref<2x!tpu.dma_semaphore, #tpu.memory_space<semaphore_mem>> -> memref<1x!tpu.dma_semaphore, #tpu.memory_space<semaphore_mem>>
    %dma_wait3A_38 = tpu.memref_squeeze %dma_wait3A_37 : memref<1x!tpu.dma_semaphore, #tpu.memory_space<semaphore_mem>> -> memref<!tpu.dma_semaphore, #tpu.memory_space<semaphore_mem>>
    %dma_wait3A_39 = arith.constant 0 : i32
    %dma_wait3A_40 = tpu.memref_slice %arg4[%dma_wait3A_39] : memref<320000xi32, #tpu.memory_space<hbm>> -> memref<64xi32, #tpu.memory_space<hbm>>
    tpu.wait_dma2 semaphore(%dma_wait3A_38 : memref<!tpu.dma_semaphore, #tpu.memory_space<semaphore_mem>>) src(%dma_wait3A_40 : memref<64xi32, #tpu.memory_space<hbm>>) dst(%arg12 : memref<64xi32, #tpu.memory_space<vmem>>)
    %dma_start3A_41 = arith.constant 0 : i32
    %dma_start3A_42 = arith.constant 0 : i32
    %dma_start3A_43 = arith.constant 0 : i32
    %dma_start3A_44 = tpu.memref_slice %arg2[%dma_start3A_42, %dma_start3A_43] : memref<10000x128xf32, #tpu.memory_space<hbm>> -> memref<10000x128xf32, #tpu.memory_space<hbm>>
    %dma_start3A_45 = tpu.memref_slice %arg21[%dma_start3A_41] : memref<2x!tpu.dma_semaphore, #tpu.memory_space<semaphore_mem>> -> memref<1x!tpu.dma_semaphore, #tpu.memory_space<semaphore_mem>>
    %dma_start3A_46 = tpu.memref_squeeze %dma_start3A_45 : memref<1x!tpu.dma_semaphore, #tpu.memory_space<semaphore_mem>> -> memref<!tpu.dma_semaphore, #tpu.memory_space<semaphore_mem>>
    tpu.enqueue_indirect_dma source(%dma_start3A_44 : memref<10000x128xf32, #tpu.memory_space<hbm>>) target(%arg14 : memref<64x128xf32, #tpu.memory_space<vmem>>) offsets(%arg10 : memref<64xi32, #tpu.memory_space<vmem>>) semaphore(%dma_start3A_46 : memref<!tpu.dma_semaphore, #tpu.memory_space<semaphore_mem>>)
    %add3A_47 = arith.constant 0 : i32
    %add3A_48 = arith.addi %mul3A_4, %add3A_47 : i32
    %mul3A_49 = arith.constant 128 : i32
    %mul3A_50 = arith.muli %add3A_48, %mul3A_49 : i32
    %dma_start3A_51 = arith.constant 0 : i32
    %dma_start3A_52 = tpu.memref_slice %arg6[%mul3A_50] : memref<40960000xbf16, #tpu.memory_space<hbm>> -> memref<8192xbf16, #tpu.memory_space<hbm>>
    %dma_start3A_53 = tpu.memref_slice %arg22[%dma_start3A_51] : memref<2x!tpu.dma_semaphore, #tpu.memory_space<semaphore_mem>> -> memref<1x!tpu.dma_semaphore, #tpu.memory_space<semaphore_mem>>
    %dma_start3A_54 = tpu.memref_squeeze %dma_start3A_53 : memref<1x!tpu.dma_semaphore, #tpu.memory_space<semaphore_mem>> -> memref<!tpu.dma_semaphore, #tpu.memory_space<semaphore_mem>>
    %dma_start3A_55 = tpu.memref_slice %arg6[%mul3A_50] : memref<40960000xbf16, #tpu.memory_space<hbm>> -> memref<8192xbf16, #tpu.memory_space<hbm>>
    tpu.enqueue_dma source(%dma_start3A_55 : memref<8192xbf16, #tpu.memory_space<hbm>>) target(%arg16 : memref<8192xbf16, #tpu.memory_space<vmem>>) target_semaphore(%dma_start3A_54 : memref<!tpu.dma_semaphore, #tpu.memory_space<semaphore_mem>>)
    %barrier3A = arith.constant 0 : index
    tpu.barrier barrier_id(%barrier3A)
    %dma_wait3A_56 = arith.constant 1 : i32
    %dma_wait3A_57 = arith.constant 0 : i32
    %dma_wait3A_58 = tpu.memref_slice %arg3[%dma_wait3A_57] : memref<320000xi32, #tpu.memory_space<hbm>> -> memref<64xi32, #tpu.memory_space<hbm>>
    %dma_wait3A_59 = tpu.memref_slice %arg20[%dma_wait3A_56] : memref<2x!tpu.dma_semaphore, #tpu.memory_space<semaphore_mem>> -> memref<1x!tpu.dma_semaphore, #tpu.memory_space<semaphore_mem>>
    %dma_wait3A_60 = tpu.memref_squeeze %dma_wait3A_59 : memref<1x!tpu.dma_semaphore, #tpu.memory_space<semaphore_mem>> -> memref<!tpu.dma_semaphore, #tpu.memory_space<semaphore_mem>>
    %dma_wait3A_61 = arith.constant 0 : i32
    %dma_wait3A_62 = tpu.memref_slice %arg3[%dma_wait3A_61] : memref<320000xi32, #tpu.memory_space<hbm>> -> memref<64xi32, #tpu.memory_space<hbm>>
    tpu.wait_dma2 semaphore(%dma_wait3A_60 : memref<!tpu.dma_semaphore, #tpu.memory_space<semaphore_mem>>) src(%dma_wait3A_62 : memref<64xi32, #tpu.memory_space<hbm>>) dst(%arg11 : memref<64xi32, #tpu.memory_space<vmem>>)
    %dma_wait3A_63 = arith.constant 1 : i32
    %dma_wait3A_64 = arith.constant 0 : i32
    %dma_wait3A_65 = tpu.memref_slice %arg4[%dma_wait3A_64] : memref<320000xi32, #tpu.memory_space<hbm>> -> memref<64xi32, #tpu.memory_space<hbm>>
    %dma_wait3A_66 = tpu.memref_slice %arg20[%dma_wait3A_63] : memref<2x!tpu.dma_semaphore, #tpu.memory_space<semaphore_mem>> -> memref<1x!tpu.dma_semaphore, #tpu.memory_space<semaphore_mem>>
    %dma_wait3A_67 = tpu.memref_squeeze %dma_wait3A_66 : memref<1x!tpu.dma_semaphore, #tpu.memory_space<semaphore_mem>> -> memref<!tpu.dma_semaphore, #tpu.memory_space<semaphore_mem>>
    %dma_wait3A_68 = arith.constant 0 : i32
    %dma_wait3A_69 = tpu.memref_slice %arg4[%dma_wait3A_68] : memref<320000xi32, #tpu.memory_space<hbm>> -> memref<64xi32, #tpu.memory_space<hbm>>
    tpu.wait_dma2 semaphore(%dma_wait3A_67 : memref<!tpu.dma_semaphore, #tpu.memory_space<semaphore_mem>>) src(%dma_wait3A_69 : memref<64xi32, #tpu.memory_space<hbm>>) dst(%arg13 : memref<64xi32, #tpu.memory_space<vmem>>)
    %dma_start3A_70 = arith.constant 1 : i32
    %dma_start3A_71 = arith.constant 0 : i32
    %dma_start3A_72 = arith.constant 0 : i32
    %dma_start3A_73 = tpu.memref_slice %arg2[%dma_start3A_71, %dma_start3A_72] : memref<10000x128xf32, #tpu.memory_space<hbm>> -> memref<10000x128xf32, #tpu.memory_space<hbm>>
    %dma_start3A_74 = tpu.memref_slice %arg21[%dma_start3A_70] : memref<2x!tpu.dma_semaphore, #tpu.memory_space<semaphore_mem>> -> memref<1x!tpu.dma_semaphore, #tpu.memory_space<semaphore_mem>>
    %dma_start3A_75 = tpu.memref_squeeze %dma_start3A_74 : memref<1x!tpu.dma_semaphore, #tpu.memory_space<semaphore_mem>> -> memref<!tpu.dma_semaphore, #tpu.memory_space<semaphore_mem>>
    tpu.enqueue_indirect_dma source(%dma_start3A_73 : memref<10000x128xf32, #tpu.memory_space<hbm>>) target(%arg15 : memref<64x128xf32, #tpu.memory_space<vmem>>) offsets(%arg11 : memref<64xi32, #tpu.memory_space<vmem>>) semaphore(%dma_start3A_75 : memref<!tpu.dma_semaphore, #tpu.memory_space<semaphore_mem>>)
    %add3A_76 = arith.constant 64 : i32
    %add3A_77 = arith.addi %mul3A_4, %add3A_76 : i32
    %mul3A_78 = arith.constant 128 : i32
    %mul3A_79 = arith.muli %add3A_77, %mul3A_78 : i32
    %dma_start3A_80 = arith.constant 1 : i32
    %dma_start3A_81 = tpu.memref_slice %arg6[%mul3A_79] : memref<40960000xbf16, #tpu.memory_space<hbm>> -> memref<8192xbf16, #tpu.memory_space<hbm>>
    %dma_start3A_82 = tpu.memref_slice %arg22[%dma_start3A_80] : memref<2x!tpu.dma_semaphore, #tpu.memory_space<semaphore_mem>> -> memref<1x!tpu.dma_semaphore, #tpu.memory_space<semaphore_mem>>
    %dma_start3A_83 = tpu.memref_squeeze %dma_start3A_82 : memref<1x!tpu.dma_semaphore, #tpu.memory_space<semaphore_mem>> -> memref<!tpu.dma_semaphore, #tpu.memory_space<semaphore_mem>>
    %dma_start3A_84 = tpu.memref_slice %arg6[%mul3A_79] : memref<40960000xbf16, #tpu.memory_space<hbm>> -> memref<8192xbf16, #tpu.memory_space<hbm>>
    tpu.enqueue_dma source(%dma_start3A_84 : memref<8192xbf16, #tpu.memory_space<hbm>>) target(%arg17 : memref<8192xbf16, #tpu.memory_space<vmem>>) target_semaphore(%dma_start3A_83 : memref<!tpu.dma_semaphore, #tpu.memory_space<semaphore_mem>>)
    %scan3A = arith.constant 0 : i32
    %scan3A_85 = arith.constant 77 : i32
    %scan3A_86 = arith.addi %scan3A, %scan3A_85 : i32
    %scan3A_87 = arith.constant 1 : i32
    scf.for %scan3A_184 = %scan3A to %scan3A_86 step %scan3A_87  : i32 {
      %mul3A_185 = arith.constant 1 : i32
      %mul3A_186 = arith.muli %scan3A_184, %mul3A_185 : i32
      %add3A_187 = arith.constant 0 : i32
      %add3A_188 = arith.addi %add3A_187, %mul3A_186 : i32
      %mul3A_189 = arith.constant 2 : i32
      %mul3A_190 = arith.muli %add3A_188, %mul3A_189 : i32
      %dma_wait3A_191 = arith.constant 0 : i32
      %dma_wait3A_192 = arith.constant 0 : i32
      %dma_wait3A_193 = arith.constant 0 : i32
      %dma_wait3A_194 = tpu.memref_slice %arg2[%dma_wait3A_192, %dma_wait3A_193] : memref<10000x128xf32, #tpu.memory_space<hbm>> -> memref<10000x128xf32, #tpu.memory_space<hbm>>
      %dma_wait3A_195 = tpu.memref_slice %arg21[%dma_wait3A_191] : memref<2x!tpu.dma_semaphore, #tpu.memory_space<semaphore_mem>> -> memref<1x!tpu.dma_semaphore, #tpu.memory_space<semaphore_mem>>
      %dma_wait3A_196 = tpu.memref_squeeze %dma_wait3A_195 : memref<1x!tpu.dma_semaphore, #tpu.memory_space<semaphore_mem>> -> memref<!tpu.dma_semaphore, #tpu.memory_space<semaphore_mem>>
      tpu.wait_indirect_dma semaphore(%dma_wait3A_196 : memref<!tpu.dma_semaphore, #tpu.memory_space<semaphore_mem>>) src(%dma_wait3A_194 : memref<10000x128xf32, #tpu.memory_space<hbm>>) dst(%arg14 : memref<64x128xf32, #tpu.memory_space<vmem>>)
      %dma_wait3A_197 = arith.constant 0 : i32
      %dma_wait3A_198 = arith.constant 0 : i32
      %dma_wait3A_199 = tpu.memref_slice %arg6[%dma_wait3A_198] : memref<40960000xbf16, #tpu.memory_space<hbm>> -> memref<8192xbf16, #tpu.memory_space<hbm>>
      %dma_wait3A_200 = tpu.memref_slice %arg22[%dma_wait3A_197] : memref<2x!tpu.dma_semaphore, #tpu.memory_space<semaphore_mem>> -> memref<1x!tpu.dma_semaphore, #tpu.memory_space<semaphore_mem>>
      %dma_wait3A_201 = tpu.memref_squeeze %dma_wait3A_200 : memref<1x!tpu.dma_semaphore, #tpu.memory_space<semaphore_mem>> -> memref<!tpu.dma_semaphore, #tpu.memory_space<semaphore_mem>>
      %dma_wait3A_202 = arith.constant 0 : i32
      %dma_wait3A_203 = tpu.memref_slice %arg6[%dma_wait3A_202] : memref<40960000xbf16, #tpu.memory_space<hbm>> -> memref<8192xbf16, #tpu.memory_space<hbm>>
      tpu.wait_dma2 semaphore(%dma_wait3A_201 : memref<!tpu.dma_semaphore, #tpu.memory_space<semaphore_mem>>) src(%dma_wait3A_203 : memref<8192xbf16, #tpu.memory_space<hbm>>) dst(%arg16 : memref<8192xbf16, #tpu.memory_space<vmem>>)
      %scan3A_204 = arith.constant 0 : i32
      %scan3A_205 = arith.constant 64 : i32
      %scan3A_206 = arith.addi %scan3A_204, %scan3A_205 : i32
      %scan3A_207 = arith.constant 1 : i32
      scf.for %scan3A_347 = %scan3A_204 to %scan3A_206 step %scan3A_207  : i32 {
        %mul3A_348 = arith.constant 1 : i32
        %mul3A_349 = arith.muli %scan3A_347, %mul3A_348 : i32
        %add3A_350 = arith.constant 0 : i32
        %add3A_351 = arith.addi %add3A_350, %mul3A_349 : i32
        %mul3A_352 = arith.constant 128 : i32
        %mul3A_353 = arith.muli %add3A_351, %mul3A_352 : i32
        %add3A_354 = arith.constant 0 : i32
        %add3A_355 = arith.addi %mul3A_353, %add3A_354 : i32
        %get3A = arith.index_cast %add3A_355 : i32 to index
        %get3A_356 = tpu.vector_load %arg16[%get3A] {strides = array<i32>} : memref<8192xbf16, #tpu.memory_space<vmem>>, vector<16xbf16>,
        %get3A_357 = vector.shape_cast %get3A_356 : vector<16xbf16> to vector<16xbf16>
        %get3A_358 = arith.index_cast %add3A_351 : i32 to index
        %get3A_359 = arith.constant 0 : index
        %get3A_360 = tpu.vector_load %arg14[%get3A_358, %get3A_359] {strides = array<i32>} : memref<64x128xf32, #tpu.memory_space<vmem>>, vector<1x16xf32>,
        %get3A_361 = vector.shape_cast %get3A_360 : vector<1x16xf32> to vector<16xf32>
        %convert_element_type3A_362 = arith.extf %get3A_357 : vector<16xbf16> to vector<16xf32>
        %mul3A_363 = arith.mulf %get3A_361, %convert_element_type3A_362 : vector<16xf32>
        %swap3A = arith.index_cast %add3A_351 : i32 to index
        %swap3A_364 = arith.constant 0 : index
        %swap3A_365 = tpu.vector_load %arg14[%swap3A, %swap3A_364] {strides = array<i32>} : memref<64x128xf32, #tpu.memory_space<vmem>>, vector<1x16xf32>,
        %swap3A_366 = vector.shape_cast %swap3A_365 : vector<1x16xf32> to vector<16xf32>
        %swap3A_367 = vector.shape_cast %mul3A_363 : vector<16xf32> to vector<1x16xf32>
        tpu.vector_store %arg14[%swap3A, %swap3A_364], %swap3A_367 {strides = array<i32>} : memref<64x128xf32, #tpu.memory_space<vmem>>, vector<1x16xf32>,
        %mul3A_368 = arith.constant 128 : i32
        %mul3A_369 = arith.muli %add3A_351, %mul3A_368 : i32
        %add3A_370 = arith.constant 16 : i32
        %add3A_371 = arith.addi %mul3A_369, %add3A_370 : i32
        %get3A_372 = arith.index_cast %add3A_371 : i32 to index
        %get3A_373 = tpu.vector_load %arg16[%get3A_372] {strides = array<i32>} : memref<8192xbf16, #tpu.memory_space<vmem>>, vector<16xbf16>,
        %get3A_374 = vector.shape_cast %get3A_373 : vector<16xbf16> to vector<16xbf16>
        %get3A_375 = arith.index_cast %add3A_351 : i32 to index
        %get3A_376 = arith.constant 16 : index
        %get3A_377 = tpu.vector_load %arg14[%get3A_375, %get3A_376] {strides = array<i32>} : memref<64x128xf32, #tpu.memory_space<vmem>>, vector<1x16xf32>,
        %get3A_378 = vector.shape_cast %get3A_377 : vector<1x16xf32> to vector<16xf32>
        %convert_element_type3A_379 = arith.extf %get3A_374 : vector<16xbf16> to vector<16xf32>
        %mul3A_380 = arith.mulf %get3A_378, %convert_element_type3A_379 : vector<16xf32>
        %swap3A_381 = arith.index_cast %add3A_351 : i32 to index
        %swap3A_382 = arith.constant 16 : index
        %swap3A_383 = tpu.vector_load %arg14[%swap3A_381, %swap3A_382] {strides = array<i32>} : memref<64x128xf32, #tpu.memory_space<vmem>>, vector<1x16xf32>,
        %swap3A_384 = vector.shape_cast %swap3A_383 : vector<1x16xf32> to vector<16xf32>
        %swap3A_385 = vector.shape_cast %mul3A_380 : vector<16xf32> to vector<1x16xf32>
        tpu.vector_store %arg14[%swap3A_381, %swap3A_382], %swap3A_385 {strides = array<i32>} : memref<64x128xf32, #tpu.memory_space<vmem>>, vector<1x16xf32>,
        %mul3A_386 = arith.constant 128 : i32
        %mul3A_387 = arith.muli %add3A_351, %mul3A_386 : i32
        %add3A_388 = arith.constant 32 : i32
        %add3A_389 = arith.addi %mul3A_387, %add3A_388 : i32
        %get3A_390 = arith.index_cast %add3A_389 : i32 to index
        %get3A_391 = tpu.vector_load %arg16[%get3A_390] {strides = array<i32>} : memref<8192xbf16, #tpu.memory_space<vmem>>, vector<16xbf16>,
        %get3A_392 = vector.shape_cast %get3A_391 : vector<16xbf16> to vector<16xbf16>
        %get3A_393 = arith.index_cast %add3A_351 : i32 to index
        %get3A_394 = arith.constant 32 : index
        %get3A_395 = tpu.vector_load %arg14[%get3A_393, %get3A_394] {strides = array<i32>} : memref<64x128xf32, #tpu.memory_space<vmem>>, vector<1x16xf32>,
        %get3A_396 = vector.shape_cast %get3A_395 : vector<1x16xf32> to vector<16xf32>
        %convert_element_type3A_397 = arith.extf %get3A_392 : vector<16xbf16> to vector<16xf32>
        %mul3A_398 = arith.mulf %get3A_396, %convert_element_type3A_397 : vector<16xf32>
        %swap3A_399 = arith.index_cast %add3A_351 : i32 to index
        %swap3A_400 = arith.constant 32 : index
        %swap3A_401 = tpu.vector_load %arg14[%swap3A_399, %swap3A_400] {strides = array<i32>} : memref<64x128xf32, #tpu.memory_space<vmem>>, vector<1x16xf32>,
        %swap3A_402 = vector.shape_cast %swap3A_401 : vector<1x16xf32> to vector<16xf32>
        %swap3A_403 = vector.shape_cast %mul3A_398 : vector<16xf32> to vector<1x16xf32>
        tpu.vector_store %arg14[%swap3A_399, %swap3A_400], %swap3A_403 {strides = array<i32>} : memref<64x128xf32, #tpu.memory_space<vmem>>, vector<1x16xf32>,
        %mul3A_404 = arith.constant 128 : i32
        %mul3A_405 = arith.muli %add3A_351, %mul3A_404 : i32
        %add3A_406 = arith.constant 48 : i32
        %add3A_407 = arith.addi %mul3A_405, %add3A_406 : i32
        %get3A_408 = arith.index_cast %add3A_407 : i32 to index
        %get3A_409 = tpu.vector_load %arg16[%get3A_408] {strides = array<i32>} : memref<8192xbf16, #tpu.memory_space<vmem>>, vector<16xbf16>,
        %get3A_410 = vector.shape_cast %get3A_409 : vector<16xbf16> to vector<16xbf16>
        %get3A_411 = arith.index_cast %add3A_351 : i32 to index
        %get3A_412 = arith.constant 48 : index
        %get3A_413 = tpu.vector_load %arg14[%get3A_411, %get3A_412] {strides = array<i32>} : memref<64x128xf32, #tpu.memory_space<vmem>>, vector<1x16xf32>,
        %get3A_414 = vector.shape_cast %get3A_413 : vector<1x16xf32> to vector<16xf32>
        %convert_element_type3A_415 = arith.extf %get3A_410 : vector<16xbf16> to vector<16xf32>
        %mul3A_416 = arith.mulf %get3A_414, %convert_element_type3A_415 : vector<16xf32>
        %swap3A_417 = arith.index_cast %add3A_351 : i32 to index
        %swap3A_418 = arith.constant 48 : index
        %swap3A_419 = tpu.vector_load %arg14[%swap3A_417, %swap3A_418] {strides = array<i32>} : memref<64x128xf32, #tpu.memory_space<vmem>>, vector<1x16xf32>,
        %swap3A_420 = vector.shape_cast %swap3A_419 : vector<1x16xf32> to vector<16xf32>
        %swap3A_421 = vector.shape_cast %mul3A_416 : vector<16xf32> to vector<1x16xf32>
        tpu.vector_store %arg14[%swap3A_417, %swap3A_418], %swap3A_421 {strides = array<i32>} : memref<64x128xf32, #tpu.memory_space<vmem>>, vector<1x16xf32>,
        %mul3A_422 = arith.constant 128 : i32
        %mul3A_423 = arith.muli %add3A_351, %mul3A_422 : i32
        %add3A_424 = arith.constant 64 : i32
        %add3A_425 = arith.addi %mul3A_423, %add3A_424 : i32
        %get3A_426 = arith.index_cast %add3A_425 : i32 to index
        %get3A_427 = tpu.vector_load %arg16[%get3A_426] {strides = array<i32>} : memref<8192xbf16, #tpu.memory_space<vmem>>, vector<16xbf16>,
        %get3A_428 = vector.shape_cast %get3A_427 : vector<16xbf16> to vector<16xbf16>
        %get3A_429 = arith.index_cast %add3A_351 : i32 to index
        %get3A_430 = arith.constant 64 : index
        %get3A_431 = tpu.vector_load %arg14[%get3A_429, %get3A_430] {strides = array<i32>} : memref<64x128xf32, #tpu.memory_space<vmem>>, vector<1x16xf32>,
        %get3A_432 = vector.shape_cast %get3A_431 : vector<1x16xf32> to vector<16xf32>
        %convert_element_type3A_433 = arith.extf %get3A_428 : vector<16xbf16> to vector<16xf32>
        %mul3A_434 = arith.mulf %get3A_432, %convert_element_type3A_433 : vector<16xf32>
        %swap3A_435 = arith.index_cast %add3A_351 : i32 to index
        %swap3A_436 = arith.constant 64 : index
        %swap3A_437 = tpu.vector_load %arg14[%swap3A_435, %swap3A_436] {strides = array<i32>} : memref<64x128xf32, #tpu.memory_space<vmem>>, vector<1x16xf32>,
        %swap3A_438 = vector.shape_cast %swap3A_437 : vector<1x16xf32> to vector<16xf32>
        %swap3A_439 = vector.shape_cast %mul3A_434 : vector<16xf32> to vector<1x16xf32>
        tpu.vector_store %arg14[%swap3A_435, %swap3A_436], %swap3A_439 {strides = array<i32>} : memref<64x128xf32, #tpu.memory_space<vmem>>, vector<1x16xf32>,
        %mul3A_440 = arith.constant 128 : i32
        %mul3A_441 = arith.muli %add3A_351, %mul3A_440 : i32
        %add3A_442 = arith.constant 80 : i32
        %add3A_443 = arith.addi %mul3A_441, %add3A_442 : i32
        %get3A_444 = arith.index_cast %add3A_443 : i32 to index
        %get3A_445 = tpu.vector_load %arg16[%get3A_444] {strides = array<i32>} : memref<8192xbf16, #tpu.memory_space<vmem>>, vector<16xbf16>,
        %get3A_446 = vector.shape_cast %get3A_445 : vector<16xbf16> to vector<16xbf16>
        %get3A_447 = arith.index_cast %add3A_351 : i32 to index
        %get3A_448 = arith.constant 80 : index
        %get3A_449 = tpu.vector_load %arg14[%get3A_447, %get3A_448] {strides = array<i32>} : memref<64x128xf32, #tpu.memory_space<vmem>>, vector<1x16xf32>,
        %get3A_450 = vector.shape_cast %get3A_449 : vector<1x16xf32> to vector<16xf32>
        %convert_element_type3A_451 = arith.extf %get3A_446 : vector<16xbf16> to vector<16xf32>
        %mul3A_452 = arith.mulf %get3A_450, %convert_element_type3A_451 : vector<16xf32>
        %swap3A_453 = arith.index_cast %add3A_351 : i32 to index
        %swap3A_454 = arith.constant 80 : index
        %swap3A_455 = tpu.vector_load %arg14[%swap3A_453, %swap3A_454] {strides = array<i32>} : memref<64x128xf32, #tpu.memory_space<vmem>>, vector<1x16xf32>,
        %swap3A_456 = vector.shape_cast %swap3A_455 : vector<1x16xf32> to vector<16xf32>
        %swap3A_457 = vector.shape_cast %mul3A_452 : vector<16xf32> to vector<1x16xf32>
        tpu.vector_store %arg14[%swap3A_453, %swap3A_454], %swap3A_457 {strides = array<i32>} : memref<64x128xf32, #tpu.memory_space<vmem>>, vector<1x16xf32>,
        %mul3A_458 = arith.constant 128 : i32
        %mul3A_459 = arith.muli %add3A_351, %mul3A_458 : i32
        %add3A_460 = arith.constant 96 : i32
        %add3A_461 = arith.addi %mul3A_459, %add3A_460 : i32
        %get3A_462 = arith.index_cast %add3A_461 : i32 to index
        %get3A_463 = tpu.vector_load %arg16[%get3A_462] {strides = array<i32>} : memref<8192xbf16, #tpu.memory_space<vmem>>, vector<16xbf16>,
        %get3A_464 = vector.shape_cast %get3A_463 : vector<16xbf16> to vector<16xbf16>
        %get3A_465 = arith.index_cast %add3A_351 : i32 to index
        %get3A_466 = arith.constant 96 : index
        %get3A_467 = tpu.vector_load %arg14[%get3A_465, %get3A_466] {strides = array<i32>} : memref<64x128xf32, #tpu.memory_space<vmem>>, vector<1x16xf32>,
        %get3A_468 = vector.shape_cast %get3A_467 : vector<1x16xf32> to vector<16xf32>
        %convert_element_type3A_469 = arith.extf %get3A_464 : vector<16xbf16> to vector<16xf32>
        %mul3A_470 = arith.mulf %get3A_468, %convert_element_type3A_469 : vector<16xf32>
        %swap3A_471 = arith.index_cast %add3A_351 : i32 to index
        %swap3A_472 = arith.constant 96 : index
        %swap3A_473 = tpu.vector_load %arg14[%swap3A_471, %swap3A_472] {strides = array<i32>} : memref<64x128xf32, #tpu.memory_space<vmem>>, vector<1x16xf32>,
        %swap3A_474 = vector.shape_cast %swap3A_473 : vector<1x16xf32> to vector<16xf32>
        %swap3A_475 = vector.shape_cast %mul3A_470 : vector<16xf32> to vector<1x16xf32>
        tpu.vector_store %arg14[%swap3A_471, %swap3A_472], %swap3A_475 {strides = array<i32>} : memref<64x128xf32, #tpu.memory_space<vmem>>, vector<1x16xf32>,
        %mul3A_476 = arith.constant 128 : i32
        %mul3A_477 = arith.muli %add3A_351, %mul3A_476 : i32
        %add3A_478 = arith.constant 112 : i32
        %add3A_479 = arith.addi %mul3A_477, %add3A_478 : i32
        %get3A_480 = arith.index_cast %add3A_479 : i32 to index
        %get3A_481 = tpu.vector_load %arg16[%get3A_480] {strides = array<i32>} : memref<8192xbf16, #tpu.memory_space<vmem>>, vector<16xbf16>,
        %get3A_482 = vector.shape_cast %get3A_481 : vector<16xbf16> to vector<16xbf16>
        %get3A_483 = arith.index_cast %add3A_351 : i32 to index
        %get3A_484 = arith.constant 112 : index
        %get3A_485 = tpu.vector_load %arg14[%get3A_483, %get3A_484] {strides = array<i32>} : memref<64x128xf32, #tpu.memory_space<vmem>>, vector<1x16xf32>,
        %get3A_486 = vector.shape_cast %get3A_485 : vector<1x16xf32> to vector<16xf32>
        %convert_element_type3A_487 = arith.extf %get3A_482 : vector<16xbf16> to vector<16xf32>
        %mul3A_488 = arith.mulf %get3A_486, %convert_element_type3A_487 : vector<16xf32>
        %swap3A_489 = arith.index_cast %add3A_351 : i32 to index
        %swap3A_490 = arith.constant 112 : index
        %swap3A_491 = tpu.vector_load %arg14[%swap3A_489, %swap3A_490] {strides = array<i32>} : memref<64x128xf32, #tpu.memory_space<vmem>>, vector<1x16xf32>,
        %swap3A_492 = vector.shape_cast %swap3A_491 : vector<1x16xf32> to vector<16xf32>
        %swap3A_493 = vector.shape_cast %mul3A_488 : vector<16xf32> to vector<1x16xf32>
        tpu.vector_store %arg14[%swap3A_489, %swap3A_490], %swap3A_493 {strides = array<i32>} : memref<64x128xf32, #tpu.memory_space<vmem>>, vector<1x16xf32>,
      }
      %scan3A_208 = arith.constant 64 : i32
      %dma_start3A_209 = arith.constant 0 : i32
      %dma_start3A_210 = arith.constant 0 : i32
      %dma_start3A_211 = arith.constant 0 : i32
      %dma_start3A_212 = tpu.memref_slice %arg9[%dma_start3A_210, %dma_start3A_211] : memref<10112x128xf32, #tpu.memory_space<vmem_shared>> -> memref<10112x128xf32, #tpu.memory_space<vmem_shared>>
      %dma_start3A_213 = tpu.memref_slice %arg23[%dma_start3A_209] : memref<2x!tpu.dma_semaphore, #tpu.memory_space<semaphore_mem>> -> memref<1x!tpu.dma_semaphore, #tpu.memory_space<semaphore_mem>>
      %dma_start3A_214 = tpu.memref_squeeze %dma_start3A_213 : memref<1x!tpu.dma_semaphore, #tpu.memory_space<semaphore_mem>> -> memref<!tpu.dma_semaphore, #tpu.memory_space<semaphore_mem>>
      tpu.enqueue_indirect_dma source(%arg14 : memref<64x128xf32, #tpu.memory_space<vmem>>) target(%dma_start3A_212 : memref<10112x128xf32, #tpu.memory_space<vmem_shared>>) offsets(%arg12 : memref<64xi32, #tpu.memory_space<vmem>>) semaphore(%dma_start3A_214 : memref<!tpu.dma_semaphore, #tpu.memory_space<semaphore_mem>>) {add = true}
      %dma_wait3A_215 = arith.constant 0 : i32
      %dma_wait3A_216 = arith.constant 0 : i32
      %dma_wait3A_217 = arith.constant 0 : i32
      %dma_wait3A_218 = tpu.memref_slice %arg9[%dma_wait3A_216, %dma_wait3A_217] : memref<10112x128xf32, #tpu.memory_space<vmem_shared>> -> memref<10112x128xf32, #tpu.memory_space<vmem_shared>>
      %dma_wait3A_219 = tpu.memref_slice %arg23[%dma_wait3A_215] : memref<2x!tpu.dma_semaphore, #tpu.memory_space<semaphore_mem>> -> memref<1x!tpu.dma_semaphore, #tpu.memory_space<semaphore_mem>>
      %dma_wait3A_220 = tpu.memref_squeeze %dma_wait3A_219 : memref<1x!tpu.dma_semaphore, #tpu.memory_space<semaphore_mem>> -> memref<!tpu.dma_semaphore, #tpu.memory_space<semaphore_mem>>
      tpu.wait_indirect_dma semaphore(%dma_wait3A_220 : memref<!tpu.dma_semaphore, #tpu.memory_space<semaphore_mem>>) src(%arg14 : memref<64x128xf32, #tpu.memory_space<vmem>>) dst(%dma_wait3A_218 : memref<10112x128xf32, #tpu.memory_space<vmem_shared>>)
      %add3A_221 = arith.constant 2 : i32
      %add3A_222 = arith.addi %mul3A_190, %add3A_221 : i32
      %mul3A_223 = arith.constant 64 : i32
      %mul3A_224 = arith.muli %add3A_222, %mul3A_223 : i32
      %add3A_225 = arith.addi %mul3A_4, %mul3A_224 : i32
      %dma_start3A_226 = arith.constant 0 : i32
      %dma_start3A_227 = tpu.memref_slice %arg3[%add3A_225] : memref<320000xi32, #tpu.memory_space<hbm>> -> memref<64xi32, #tpu.memory_space<hbm>>
      %dma_start3A_228 = tpu.memref_slice %arg20[%dma_start3A_226] : memref<2x!tpu.dma_semaphore, #tpu.memory_space<semaphore_mem>> -> memref<1x!tpu.dma_semaphore, #tpu.memory_space<semaphore_mem>>
      %dma_start3A_229 = tpu.memref_squeeze %dma_start3A_228 : memref<1x!tpu.dma_semaphore, #tpu.memory_space<semaphore_mem>> -> memref<!tpu.dma_semaphore, #tpu.memory_space<semaphore_mem>>
      %dma_start3A_230 = tpu.memref_slice %arg3[%add3A_225] : memref<320000xi32, #tpu.memory_space<hbm>> -> memref<64xi32, #tpu.memory_space<hbm>>
      tpu.enqueue_dma source(%dma_start3A_230 : memref<64xi32, #tpu.memory_space<hbm>>) target(%arg10 : memref<64xi32, #tpu.memory_space<vmem>>) target_semaphore(%dma_start3A_229 : memref<!tpu.dma_semaphore, #tpu.memory_space<semaphore_mem>>)
      %dma_start3A_231 = arith.constant 0 : i32
      %dma_start3A_232 = tpu.memref_slice %arg4[%add3A_225] : memref<320000xi32, #tpu.memory_space<hbm>> -> memref<64xi32, #tpu.memory_space<hbm>>
      %dma_start3A_233 = tpu.memref_slice %arg20[%dma_start3A_231] : memref<2x!tpu.dma_semaphore, #tpu.memory_space<semaphore_mem>> -> memref<1x!tpu.dma_semaphore, #tpu.memory_space<semaphore_mem>>
      %dma_start3A_234 = tpu.memref_squeeze %dma_start3A_233 : memref<1x!tpu.dma_semaphore, #tpu.memory_space<semaphore_mem>> -> memref<!tpu.dma_semaphore, #tpu.memory_space<semaphore_mem>>
      %dma_start3A_235 = tpu.memref_slice %arg4[%add3A_225] : memref<320000xi32, #tpu.memory_space<hbm>> -> memref<64xi32, #tpu.memory_space<hbm>>
      tpu.enqueue_dma source(%dma_start3A_235 : memref<64xi32, #tpu.memory_space<hbm>>) target(%arg12 : memref<64xi32, #tpu.memory_space<vmem>>) target_semaphore(%dma_start3A_234 : memref<!tpu.dma_semaphore, #tpu.memory_space<semaphore_mem>>)
      %dma_wait3A_236 = arith.constant 0 : i32
      %dma_wait3A_237 = arith.constant 0 : i32
      %dma_wait3A_238 = tpu.memref_slice %arg3[%dma_wait3A_237] : memref<320000xi32, #tpu.memory_space<hbm>> -> memref<64xi32, #tpu.memory_space<hbm>>
      %dma_wait3A_239 = tpu.memref_slice %arg20[%dma_wait3A_236] : memref<2x!tpu.dma_semaphore, #tpu.memory_space<semaphore_mem>> -> memref<1x!tpu.dma_semaphore, #tpu.memory_space<semaphore_mem>>
      %dma_wait3A_240 = tpu.memref_squeeze %dma_wait3A_239 : memref<1x!tpu.dma_semaphore, #tpu.memory_space<semaphore_mem>> -> memref<!tpu.dma_semaphore, #tpu.memory_space<semaphore_mem>>
      %dma_wait3A_241 = arith.constant 0 : i32
      %dma_wait3A_242 = tpu.memref_slice %arg3[%dma_wait3A_241] : memref<320000xi32, #tpu.memory_space<hbm>> -> memref<64xi32, #tpu.memory_space<hbm>>
      tpu.wait_dma2 semaphore(%dma_wait3A_240 : memref<!tpu.dma_semaphore, #tpu.memory_space<semaphore_mem>>) src(%dma_wait3A_242 : memref<64xi32, #tpu.memory_space<hbm>>) dst(%arg10 : memref<64xi32, #tpu.memory_space<vmem>>)
      %dma_wait3A_243 = arith.constant 0 : i32
      %dma_wait3A_244 = arith.constant 0 : i32
      %dma_wait3A_245 = tpu.memref_slice %arg4[%dma_wait3A_244] : memref<320000xi32, #tpu.memory_space<hbm>> -> memref<64xi32, #tpu.memory_space<hbm>>
      %dma_wait3A_246 = tpu.memref_slice %arg20[%dma_wait3A_243] : memref<2x!tpu.dma_semaphore, #tpu.memory_space<semaphore_mem>> -> memref<1x!tpu.dma_semaphore, #tpu.memory_space<semaphore_mem>>
      %dma_wait3A_247 = tpu.memref_squeeze %dma_wait3A_246 : memref<1x!tpu.dma_semaphore, #tpu.memory_space<semaphore_mem>> -> memref<!tpu.dma_semaphore, #tpu.memory_space<semaphore_mem>>
      %dma_wait3A_248 = arith.constant 0 : i32
      %dma_wait3A_249 = tpu.memref_slice %arg4[%dma_wait3A_248] : memref<320000xi32, #tpu.memory_space<hbm>> -> memref<64xi32, #tpu.memory_space<hbm>>
      tpu.wait_dma2 semaphore(%dma_wait3A_247 : memref<!tpu.dma_semaphore, #tpu.memory_space<semaphore_mem>>) src(%dma_wait3A_249 : memref<64xi32, #tpu.memory_space<hbm>>) dst(%arg12 : memref<64xi32, #tpu.memory_space<vmem>>)
      %add3A_250 = arith.constant 2 : i32
      %add3A_251 = arith.addi %mul3A_190, %add3A_250 : i32
      %dma_start3A_252 = arith.constant 0 : i32
      %dma_start3A_253 = arith.constant 0 : i32
      %dma_start3A_254 = arith.constant 0 : i32
      %dma_start3A_255 = tpu.memref_slice %arg2[%dma_start3A_253, %dma_start3A_254] : memref<10000x128xf32, #tpu.memory_space<hbm>> -> memref<10000x128xf32, #tpu.memory_space<hbm>>
      %dma_start3A_256 = tpu.memref_slice %arg21[%dma_start3A_252] : memref<2x!tpu.dma_semaphore, #tpu.memory_space<semaphore_mem>> -> memref<1x!tpu.dma_semaphore, #tpu.memory_space<semaphore_mem>>
      %dma_start3A_257 = tpu.memref_squeeze %dma_start3A_256 : memref<1x!tpu.dma_semaphore, #tpu.memory_space<semaphore_mem>> -> memref<!tpu.dma_semaphore, #tpu.memory_space<semaphore_mem>>
      tpu.enqueue_indirect_dma source(%dma_start3A_255 : memref<10000x128xf32, #tpu.memory_space<hbm>>) target(%arg14 : memref<64x128xf32, #tpu.memory_space<vmem>>) offsets(%arg10 : memref<64xi32, #tpu.memory_space<vmem>>) semaphore(%dma_start3A_257 : memref<!tpu.dma_semaphore, #tpu.memory_space<semaphore_mem>>)
      %mul3A_258 = arith.constant 64 : i32
      %mul3A_259 = arith.muli %add3A_251, %mul3A_258 : i32
      %add3A_260 = arith.addi %mul3A_4, %mul3A_259 : i32
      %mul3A_261 = arith.constant 128 : i32
      %mul3A_262 = arith.muli %add3A_260, %mul3A_261 : i32
      %dma_start3A_263 = arith.constant 0 : i32
      %dma_start3A_264 = tpu.memref_slice %arg6[%mul3A_262] : memref<40960000xbf16, #tpu.memory_space<hbm>> -> memref<8192xbf16, #tpu.memory_space<hbm>>
      %dma_start3A_265 = tpu.memref_slice %arg22[%dma_start3A_263] : memref<2x!tpu.dma_semaphore, #tpu.memory_space<semaphore_mem>> -> memref<1x!tpu.dma_semaphore, #tpu.memory_space<semaphore_mem>>
      %dma_start3A_266 = tpu.memref_squeeze %dma_start3A_265 : memref<1x!tpu.dma_semaphore, #tpu.memory_space<semaphore_mem>> -> memref<!tpu.dma_semaphore, #tpu.memory_space<semaphore_mem>>
      %dma_start3A_267 = tpu.memref_slice %arg6[%mul3A_262] : memref<40960000xbf16, #tpu.memory_space<hbm>> -> memref<8192xbf16, #tpu.memory_space<hbm>>
      tpu.enqueue_dma source(%dma_start3A_267 : memref<8192xbf16, #tpu.memory_space<hbm>>) target(%arg16 : memref<8192xbf16, #tpu.memory_space<vmem>>) target_semaphore(%dma_start3A_266 : memref<!tpu.dma_semaphore, #tpu.memory_space<semaphore_mem>>)
      %add3A_268 = arith.constant 1 : i32
      %add3A_269 = arith.addi %mul3A_190, %add3A_268 : i32
      %dma_wait3A_270 = arith.constant 1 : i32
      %dma_wait3A_271 = arith.constant 0 : i32
      %dma_wait3A_272 = arith.constant 0 : i32
      %dma_wait3A_273 = tpu.memref_slice %arg2[%dma_wait3A_271, %dma_wait3A_272] : memref<10000x128xf32, #tpu.memory_space<hbm>> -> memref<10000x128xf32, #tpu.memory_space<hbm>>
      %dma_wait3A_274 = tpu.memref_slice %arg21[%dma_wait3A_270] : memref<2x!tpu.dma_semaphore, #tpu.memory_space<semaphore_mem>> -> memref<1x!tpu.dma_semaphore, #tpu.memory_space<semaphore_mem>>
      %dma_wait3A_275 = tpu.memref_squeeze %dma_wait3A_274 : memref<1x!tpu.dma_semaphore, #tpu.memory_space<semaphore_mem>> -> memref<!tpu.dma_semaphore, #tpu.memory_space<semaphore_mem>>
      tpu.wait_indirect_dma semaphore(%dma_wait3A_275 : memref<!tpu.dma_semaphore, #tpu.memory_space<semaphore_mem>>) src(%dma_wait3A_273 : memref<10000x128xf32, #tpu.memory_space<hbm>>) dst(%arg15 : memref<64x128xf32, #tpu.memory_space<vmem>>)
      %dma_wait3A_276 = arith.constant 1 : i32
      %dma_wait3A_277 = arith.constant 0 : i32
      %dma_wait3A_278 = tpu.memref_slice %arg6[%dma_wait3A_277] : memref<40960000xbf16, #tpu.memory_space<hbm>> -> memref<8192xbf16, #tpu.memory_space<hbm>>
      %dma_wait3A_279 = tpu.memref_slice %arg22[%dma_wait3A_276] : memref<2x!tpu.dma_semaphore, #tpu.memory_space<semaphore_mem>> -> memref<1x!tpu.dma_semaphore, #tpu.memory_space<semaphore_mem>>
      %dma_wait3A_280 = tpu.memref_squeeze %dma_wait3A_279 : memref<1x!tpu.dma_semaphore, #tpu.memory_space<semaphore_mem>> -> memref<!tpu.dma_semaphore, #tpu.memory_space<semaphore_mem>>
      %dma_wait3A_281 = arith.constant 0 : i32
      %dma_wait3A_282 = tpu.memref_slice %arg6[%dma_wait3A_281] : memref<40960000xbf16, #tpu.memory_space<hbm>> -> memref<8192xbf16, #tpu.memory_space<hbm>>
      tpu.wait_dma2 semaphore(%dma_wait3A_280 : memref<!tpu.dma_semaphore, #tpu.memory_space<semaphore_mem>>) src(%dma_wait3A_282 : memref<8192xbf16, #tpu.memory_space<hbm>>) dst(%arg17 : memref<8192xbf16, #tpu.memory_space<vmem>>)
      %scan3A_283 = arith.constant 0 : i32
      %scan3A_284 = arith.constant 64 : i32
      %scan3A_285 = arith.addi %scan3A_283, %scan3A_284 : i32
      %scan3A_286 = arith.constant 1 : i32
      scf.for %scan3A_347 = %scan3A_283 to %scan3A_285 step %scan3A_286  : i32 {
        %mul3A_348 = arith.constant 1 : i32
        %mul3A_349 = arith.muli %scan3A_347, %mul3A_348 : i32
        %add3A_350 = arith.constant 0 : i32
        %add3A_351 = arith.addi %add3A_350, %mul3A_349 : i32
        %mul3A_352 = arith.constant 128 : i32
        %mul3A_353 = arith.muli %add3A_351, %mul3A_352 : i32
        %add3A_354 = arith.constant 0 : i32
        %add3A_355 = arith.addi %mul3A_353, %add3A_354 : i32
        %get3A = arith.index_cast %add3A_355 : i32 to index
        %get3A_356 = tpu.vector_load %arg17[%get3A] {strides = array<i32>} : memref<8192xbf16, #tpu.memory_space<vmem>>, vector<16xbf16>,
        %get3A_357 = vector.shape_cast %get3A_356 : vector<16xbf16> to vector<16xbf16>
        %get3A_358 = arith.index_cast %add3A_351 : i32 to index
        %get3A_359 = arith.constant 0 : index
        %get3A_360 = tpu.vector_load %arg15[%get3A_358, %get3A_359] {strides = array<i32>} : memref<64x128xf32, #tpu.memory_space<vmem>>, vector<1x16xf32>,
        %get3A_361 = vector.shape_cast %get3A_360 : vector<1x16xf32> to vector<16xf32>
        %convert_element_type3A_362 = arith.extf %get3A_357 : vector<16xbf16> to vector<16xf32>
        %mul3A_363 = arith.mulf %get3A_361, %convert_element_type3A_362 : vector<16xf32>
        %swap3A = arith.index_cast %add3A_351 : i32 to index
        %swap3A_364 = arith.constant 0 : index
        %swap3A_365 = tpu.vector_load %arg15[%swap3A, %swap3A_364] {strides = array<i32>} : memref<64x128xf32, #tpu.memory_space<vmem>>, vector<1x16xf32>,
        %swap3A_366 = vector.shape_cast %swap3A_365 : vector<1x16xf32> to vector<16xf32>
        %swap3A_367 = vector.shape_cast %mul3A_363 : vector<16xf32> to vector<1x16xf32>
        tpu.vector_store %arg15[%swap3A, %swap3A_364], %swap3A_367 {strides = array<i32>} : memref<64x128xf32, #tpu.memory_space<vmem>>, vector<1x16xf32>,
        %mul3A_368 = arith.constant 128 : i32
        %mul3A_369 = arith.muli %add3A_351, %mul3A_368 : i32
        %add3A_370 = arith.constant 16 : i32
        %add3A_371 = arith.addi %mul3A_369, %add3A_370 : i32
        %get3A_372 = arith.index_cast %add3A_371 : i32 to index
        %get3A_373 = tpu.vector_load %arg17[%get3A_372] {strides = array<i32>} : memref<8192xbf16, #tpu.memory_space<vmem>>, vector<16xbf16>,
        %get3A_374 = vector.shape_cast %get3A_373 : vector<16xbf16> to vector<16xbf16>
        %get3A_375 = arith.index_cast %add3A_351 : i32 to index
        %get3A_376 = arith.constant 16 : index
        %get3A_377 = tpu.vector_load %arg15[%get3A_375, %get3A_376] {strides = array<i32>} : memref<64x128xf32, #tpu.memory_space<vmem>>, vector<1x16xf32>,
        %get3A_378 = vector.shape_cast %get3A_377 : vector<1x16xf32> to vector<16xf32>
        %convert_element_type3A_379 = arith.extf %get3A_374 : vector<16xbf16> to vector<16xf32>
        %mul3A_380 = arith.mulf %get3A_378, %convert_element_type3A_379 : vector<16xf32>
        %swap3A_381 = arith.index_cast %add3A_351 : i32 to index
        %swap3A_382 = arith.constant 16 : index
        %swap3A_383 = tpu.vector_load %arg15[%swap3A_381, %swap3A_382] {strides = array<i32>} : memref<64x128xf32, #tpu.memory_space<vmem>>, vector<1x16xf32>,
        %swap3A_384 = vector.shape_cast %swap3A_383 : vector<1x16xf32> to vector<16xf32>
        %swap3A_385 = vector.shape_cast %mul3A_380 : vector<16xf32> to vector<1x16xf32>
        tpu.vector_store %arg15[%swap3A_381, %swap3A_382], %swap3A_385 {strides = array<i32>} : memref<64x128xf32, #tpu.memory_space<vmem>>, vector<1x16xf32>,
        %mul3A_386 = arith.constant 128 : i32
        %mul3A_387 = arith.muli %add3A_351, %mul3A_386 : i32
        %add3A_388 = arith.constant 32 : i32
        %add3A_389 = arith.addi %mul3A_387, %add3A_388 : i32
        %get3A_390 = arith.index_cast %add3A_389 : i32 to index
        %get3A_391 = tpu.vector_load %arg17[%get3A_390] {strides = array<i32>} : memref<8192xbf16, #tpu.memory_space<vmem>>, vector<16xbf16>,
        %get3A_392 = vector.shape_cast %get3A_391 : vector<16xbf16> to vector<16xbf16>
        %get3A_393 = arith.index_cast %add3A_351 : i32 to index
        %get3A_394 = arith.constant 32 : index
        %get3A_395 = tpu.vector_load %arg15[%get3A_393, %get3A_394] {strides = array<i32>} : memref<64x128xf32, #tpu.memory_space<vmem>>, vector<1x16xf32>,
        %get3A_396 = vector.shape_cast %get3A_395 : vector<1x16xf32> to vector<16xf32>
        %convert_element_type3A_397 = arith.extf %get3A_392 : vector<16xbf16> to vector<16xf32>
        %mul3A_398 = arith.mulf %get3A_396, %convert_element_type3A_397 : vector<16xf32>
        %swap3A_399 = arith.index_cast %add3A_351 : i32 to index
        %swap3A_400 = arith.constant 32 : index
        %swap3A_401 = tpu.vector_load %arg15[%swap3A_399, %swap3A_400] {strides = array<i32>} : memref<64x128xf32, #tpu.memory_space<vmem>>, vector<1x16xf32>,
        %swap3A_402 = vector.shape_cast %swap3A_401 : vector<1x16xf32> to vector<16xf32>
        %swap3A_403 = vector.shape_cast %mul3A_398 : vector<16xf32> to vector<1x16xf32>
        tpu.vector_store %arg15[%swap3A_399, %swap3A_400], %swap3A_403 {strides = array<i32>} : memref<64x128xf32, #tpu.memory_space<vmem>>, vector<1x16xf32>,
        %mul3A_404 = arith.constant 128 : i32
        %mul3A_405 = arith.muli %add3A_351, %mul3A_404 : i32
        %add3A_406 = arith.constant 48 : i32
        %add3A_407 = arith.addi %mul3A_405, %add3A_406 : i32
        %get3A_408 = arith.index_cast %add3A_407 : i32 to index
        %get3A_409 = tpu.vector_load %arg17[%get3A_408] {strides = array<i32>} : memref<8192xbf16, #tpu.memory_space<vmem>>, vector<16xbf16>,
        %get3A_410 = vector.shape_cast %get3A_409 : vector<16xbf16> to vector<16xbf16>
        %get3A_411 = arith.index_cast %add3A_351 : i32 to index
        %get3A_412 = arith.constant 48 : index
        %get3A_413 = tpu.vector_load %arg15[%get3A_411, %get3A_412] {strides = array<i32>} : memref<64x128xf32, #tpu.memory_space<vmem>>, vector<1x16xf32>,
        %get3A_414 = vector.shape_cast %get3A_413 : vector<1x16xf32> to vector<16xf32>
        %convert_element_type3A_415 = arith.extf %get3A_410 : vector<16xbf16> to vector<16xf32>
        %mul3A_416 = arith.mulf %get3A_414, %convert_element_type3A_415 : vector<16xf32>
        %swap3A_417 = arith.index_cast %add3A_351 : i32 to index
        %swap3A_418 = arith.constant 48 : index
        %swap3A_419 = tpu.vector_load %arg15[%swap3A_417, %swap3A_418] {strides = array<i32>} : memref<64x128xf32, #tpu.memory_space<vmem>>, vector<1x16xf32>,
        %swap3A_420 = vector.shape_cast %swap3A_419 : vector<1x16xf32> to vector<16xf32>
        %swap3A_421 = vector.shape_cast %mul3A_416 : vector<16xf32> to vector<1x16xf32>
        tpu.vector_store %arg15[%swap3A_417, %swap3A_418], %swap3A_421 {strides = array<i32>} : memref<64x128xf32, #tpu.memory_space<vmem>>, vector<1x16xf32>,
        %mul3A_422 = arith.constant 128 : i32
        %mul3A_423 = arith.muli %add3A_351, %mul3A_422 : i32
        %add3A_424 = arith.constant 64 : i32
        %add3A_425 = arith.addi %mul3A_423, %add3A_424 : i32
        %get3A_426 = arith.index_cast %add3A_425 : i32 to index
        %get3A_427 = tpu.vector_load %arg17[%get3A_426] {strides = array<i32>} : memref<8192xbf16, #tpu.memory_space<vmem>>, vector<16xbf16>,
        %get3A_428 = vector.shape_cast %get3A_427 : vector<16xbf16> to vector<16xbf16>
        %get3A_429 = arith.index_cast %add3A_351 : i32 to index
        %get3A_430 = arith.constant 64 : index
        %get3A_431 = tpu.vector_load %arg15[%get3A_429, %get3A_430] {strides = array<i32>} : memref<64x128xf32, #tpu.memory_space<vmem>>, vector<1x16xf32>,
        %get3A_432 = vector.shape_cast %get3A_431 : vector<1x16xf32> to vector<16xf32>
        %convert_element_type3A_433 = arith.extf %get3A_428 : vector<16xbf16> to vector<16xf32>
        %mul3A_434 = arith.mulf %get3A_432, %convert_element_type3A_433 : vector<16xf32>
        %swap3A_435 = arith.index_cast %add3A_351 : i32 to index
        %swap3A_436 = arith.constant 64 : index
        %swap3A_437 = tpu.vector_load %arg15[%swap3A_435, %swap3A_436] {strides = array<i32>} : memref<64x128xf32, #tpu.memory_space<vmem>>, vector<1x16xf32>,
        %swap3A_438 = vector.shape_cast %swap3A_437 : vector<1x16xf32> to vector<16xf32>
        %swap3A_439 = vector.shape_cast %mul3A_434 : vector<16xf32> to vector<1x16xf32>
        tpu.vector_store %arg15[%swap3A_435, %swap3A_436], %swap3A_439 {strides = array<i32>} : memref<64x128xf32, #tpu.memory_space<vmem>>, vector<1x16xf32>,
        %mul3A_440 = arith.constant 128 : i32
        %mul3A_441 = arith.muli %add3A_351, %mul3A_440 : i32
        %add3A_442 = arith.constant 80 : i32
        %add3A_443 = arith.addi %mul3A_441, %add3A_442 : i32
        %get3A_444 = arith.index_cast %add3A_443 : i32 to index
        %get3A_445 = tpu.vector_load %arg17[%get3A_444] {strides = array<i32>} : memref<8192xbf16, #tpu.memory_space<vmem>>, vector<16xbf16>,
        %get3A_446 = vector.shape_cast %get3A_445 : vector<16xbf16> to vector<16xbf16>
        %get3A_447 = arith.index_cast %add3A_351 : i32 to index
        %get3A_448 = arith.constant 80 : index
        %get3A_449 = tpu.vector_load %arg15[%get3A_447, %get3A_448] {strides = array<i32>} : memref<64x128xf32, #tpu.memory_space<vmem>>, vector<1x16xf32>,
        %get3A_450 = vector.shape_cast %get3A_449 : vector<1x16xf32> to vector<16xf32>
        %convert_element_type3A_451 = arith.extf %get3A_446 : vector<16xbf16> to vector<16xf32>
        %mul3A_452 = arith.mulf %get3A_450, %convert_element_type3A_451 : vector<16xf32>
        %swap3A_453 = arith.index_cast %add3A_351 : i32 to index
        %swap3A_454 = arith.constant 80 : index
        %swap3A_455 = tpu.vector_load %arg15[%swap3A_453, %swap3A_454] {strides = array<i32>} : memref<64x128xf32, #tpu.memory_space<vmem>>, vector<1x16xf32>,
        %swap3A_456 = vector.shape_cast %swap3A_455 : vector<1x16xf32> to vector<16xf32>
        %swap3A_457 = vector.shape_cast %mul3A_452 : vector<16xf32> to vector<1x16xf32>
        tpu.vector_store %arg15[%swap3A_453, %swap3A_454], %swap3A_457 {strides = array<i32>} : memref<64x128xf32, #tpu.memory_space<vmem>>, vector<1x16xf32>,
        %mul3A_458 = arith.constant 128 : i32
        %mul3A_459 = arith.muli %add3A_351, %mul3A_458 : i32
        %add3A_460 = arith.constant 96 : i32
        %add3A_461 = arith.addi %mul3A_459, %add3A_460 : i32
        %get3A_462 = arith.index_cast %add3A_461 : i32 to index
        %get3A_463 = tpu.vector_load %arg17[%get3A_462] {strides = array<i32>} : memref<8192xbf16, #tpu.memory_space<vmem>>, vector<16xbf16>,
        %get3A_464 = vector.shape_cast %get3A_463 : vector<16xbf16> to vector<16xbf16>
        %get3A_465 = arith.index_cast %add3A_351 : i32 to index
        %get3A_466 = arith.constant 96 : index
        %get3A_467 = tpu.vector_load %arg15[%get3A_465, %get3A_466] {strides = array<i32>} : memref<64x128xf32, #tpu.memory_space<vmem>>, vector<1x16xf32>,
        %get3A_468 = vector.shape_cast %get3A_467 : vector<1x16xf32> to vector<16xf32>
        %convert_element_type3A_469 = arith.extf %get3A_464 : vector<16xbf16> to vector<16xf32>
        %mul3A_470 = arith.mulf %get3A_468, %convert_element_type3A_469 : vector<16xf32>
        %swap3A_471 = arith.index_cast %add3A_351 : i32 to index
        %swap3A_472 = arith.constant 96 : index
        %swap3A_473 = tpu.vector_load %arg15[%swap3A_471, %swap3A_472] {strides = array<i32>} : memref<64x128xf32, #tpu.memory_space<vmem>>, vector<1x16xf32>,
        %swap3A_474 = vector.shape_cast %swap3A_473 : vector<1x16xf32> to vector<16xf32>
        %swap3A_475 = vector.shape_cast %mul3A_470 : vector<16xf32> to vector<1x16xf32>
        tpu.vector_store %arg15[%swap3A_471, %swap3A_472], %swap3A_475 {strides = array<i32>} : memref<64x128xf32, #tpu.memory_space<vmem>>, vector<1x16xf32>,
        %mul3A_476 = arith.constant 128 : i32
        %mul3A_477 = arith.muli %add3A_351, %mul3A_476 : i32
        %add3A_478 = arith.constant 112 : i32
        %add3A_479 = arith.addi %mul3A_477, %add3A_478 : i32
        %get3A_480 = arith.index_cast %add3A_479 : i32 to index
        %get3A_481 = tpu.vector_load %arg17[%get3A_480] {strides = array<i32>} : memref<8192xbf16, #tpu.memory_space<vmem>>, vector<16xbf16>,
        %get3A_482 = vector.shape_cast %get3A_481 : vector<16xbf16> to vector<16xbf16>
        %get3A_483 = arith.index_cast %add3A_351 : i32 to index
        %get3A_484 = arith.constant 112 : index
        %get3A_485 = tpu.vector_load %arg15[%get3A_483, %get3A_484] {strides = array<i32>} : memref<64x128xf32, #tpu.memory_space<vmem>>, vector<1x16xf32>,
        %get3A_486 = vector.shape_cast %get3A_485 : vector<1x16xf32> to vector<16xf32>
        %convert_element_type3A_487 = arith.extf %get3A_482 : vector<16xbf16> to vector<16xf32>
        %mul3A_488 = arith.mulf %get3A_486, %convert_element_type3A_487 : vector<16xf32>
        %swap3A_489 = arith.index_cast %add3A_351 : i32 to index
        %swap3A_490 = arith.constant 112 : index
        %swap3A_491 = tpu.vector_load %arg15[%swap3A_489, %swap3A_490] {strides = array<i32>} : memref<64x128xf32, #tpu.memory_space<vmem>>, vector<1x16xf32>,
        %swap3A_492 = vector.shape_cast %swap3A_491 : vector<1x16xf32> to vector<16xf32>
        %swap3A_493 = vector.shape_cast %mul3A_488 : vector<16xf32> to vector<1x16xf32>
        tpu.vector_store %arg15[%swap3A_489, %swap3A_490], %swap3A_493 {strides = array<i32>} : memref<64x128xf32, #tpu.memory_space<vmem>>, vector<1x16xf32>,
      }
      %scan3A_287 = arith.constant 64 : i32
      %dma_start3A_288 = arith.constant 1 : i32
      %dma_start3A_289 = arith.constant 0 : i32
      %dma_start3A_290 = arith.constant 0 : i32
      %dma_start3A_291 = tpu.memref_slice %arg9[%dma_start3A_289, %dma_start3A_290] : memref<10112x128xf32, #tpu.memory_space<vmem_shared>> -> memref<10112x128xf32, #tpu.memory_space<vmem_shared>>
      %dma_start3A_292 = tpu.memref_slice %arg23[%dma_start3A_288] : memref<2x!tpu.dma_semaphore, #tpu.memory_space<semaphore_mem>> -> memref<1x!tpu.dma_semaphore, #tpu.memory_space<semaphore_mem>>
      %dma_start3A_293 = tpu.memref_squeeze %dma_start3A_292 : memref<1x!tpu.dma_semaphore, #tpu.memory_space<semaphore_mem>> -> memref<!tpu.dma_semaphore, #tpu.memory_space<semaphore_mem>>
      tpu.enqueue_indirect_dma source(%arg15 : memref<64x128xf32, #tpu.memory_space<vmem>>) target(%dma_start3A_291 : memref<10112x128xf32, #tpu.memory_space<vmem_shared>>) offsets(%arg13 : memref<64xi32, #tpu.memory_space<vmem>>) semaphore(%dma_start3A_293 : memref<!tpu.dma_semaphore, #tpu.memory_space<semaphore_mem>>) {add = true}
      %dma_wait3A_294 = arith.constant 1 : i32
      %dma_wait3A_295 = arith.constant 0 : i32
      %dma_wait3A_296 = arith.constant 0 : i32
      %dma_wait3A_297 = tpu.memref_slice %arg9[%dma_wait3A_295, %dma_wait3A_296] : memref<10112x128xf32, #tpu.memory_space<vmem_shared>> -> memref<10112x128xf32, #tpu.memory_space<vmem_shared>>
      %dma_wait3A_298 = tpu.memref_slice %arg23[%dma_wait3A_294] : memref<2x!tpu.dma_semaphore, #tpu.memory_space<semaphore_mem>> -> memref<1x!tpu.dma_semaphore, #tpu.memory_space<semaphore_mem>>
      %dma_wait3A_299 = tpu.memref_squeeze %dma_wait3A_298 : memref<1x!tpu.dma_semaphore, #tpu.memory_space<semaphore_mem>> -> memref<!tpu.dma_semaphore, #tpu.memory_space<semaphore_mem>>
      tpu.wait_indirect_dma semaphore(%dma_wait3A_299 : memref<!tpu.dma_semaphore, #tpu.memory_space<semaphore_mem>>) src(%arg15 : memref<64x128xf32, #tpu.memory_space<vmem>>) dst(%dma_wait3A_297 : memref<10112x128xf32, #tpu.memory_space<vmem_shared>>)
      %add3A_300 = arith.constant 2 : i32
      %add3A_301 = arith.addi %add3A_269, %add3A_300 : i32
      %mul3A_302 = arith.constant 64 : i32
      %mul3A_303 = arith.muli %add3A_301, %mul3A_302 : i32
      %add3A_304 = arith.addi %mul3A_4, %mul3A_303 : i32
      %dma_start3A_305 = arith.constant 1 : i32
      %dma_start3A_306 = tpu.memref_slice %arg3[%add3A_304] : memref<320000xi32, #tpu.memory_space<hbm>> -> memref<64xi32, #tpu.memory_space<hbm>>
      %dma_start3A_307 = tpu.memref_slice %arg20[%dma_start3A_305] : memref<2x!tpu.dma_semaphore, #tpu.memory_space<semaphore_mem>> -> memref<1x!tpu.dma_semaphore, #tpu.memory_space<semaphore_mem>>
      %dma_start3A_308 = tpu.memref_squeeze %dma_start3A_307 : memref<1x!tpu.dma_semaphore, #tpu.memory_space<semaphore_mem>> -> memref<!tpu.dma_semaphore, #tpu.memory_space<semaphore_mem>>
      %dma_start3A_309 = tpu.memref_slice %arg3[%add3A_304] : memref<320000xi32, #tpu.memory_space<hbm>> -> memref<64xi32, #tpu.memory_space<hbm>>
      tpu.enqueue_dma source(%dma_start3A_309 : memref<64xi32, #tpu.memory_space<hbm>>) target(%arg11 : memref<64xi32, #tpu.memory_space<vmem>>) target_semaphore(%dma_start3A_308 : memref<!tpu.dma_semaphore, #tpu.memory_space<semaphore_mem>>)
      %dma_start3A_310 = arith.constant 1 : i32
      %dma_start3A_311 = tpu.memref_slice %arg4[%add3A_304] : memref<320000xi32, #tpu.memory_space<hbm>> -> memref<64xi32, #tpu.memory_space<hbm>>
      %dma_start3A_312 = tpu.memref_slice %arg20[%dma_start3A_310] : memref<2x!tpu.dma_semaphore, #tpu.memory_space<semaphore_mem>> -> memref<1x!tpu.dma_semaphore, #tpu.memory_space<semaphore_mem>>
      %dma_start3A_313 = tpu.memref_squeeze %dma_start3A_312 : memref<1x!tpu.dma_semaphore, #tpu.memory_space<semaphore_mem>> -> memref<!tpu.dma_semaphore, #tpu.memory_space<semaphore_mem>>
      %dma_start3A_314 = tpu.memref_slice %arg4[%add3A_304] : memref<320000xi32, #tpu.memory_space<hbm>> -> memref<64xi32, #tpu.memory_space<hbm>>
      tpu.enqueue_dma source(%dma_start3A_314 : memref<64xi32, #tpu.memory_space<hbm>>) target(%arg13 : memref<64xi32, #tpu.memory_space<vmem>>) target_semaphore(%dma_start3A_313 : memref<!tpu.dma_semaphore, #tpu.memory_space<semaphore_mem>>)
      %dma_wait3A_315 = arith.constant 1 : i32
      %dma_wait3A_316 = arith.constant 0 : i32
      %dma_wait3A_317 = tpu.memref_slice %arg3[%dma_wait3A_316] : memref<320000xi32, #tpu.memory_space<hbm>> -> memref<64xi32, #tpu.memory_space<hbm>>
      %dma_wait3A_318 = tpu.memref_slice %arg20[%dma_wait3A_315] : memref<2x!tpu.dma_semaphore, #tpu.memory_space<semaphore_mem>> -> memref<1x!tpu.dma_semaphore, #tpu.memory_space<semaphore_mem>>
      %dma_wait3A_319 = tpu.memref_squeeze %dma_wait3A_318 : memref<1x!tpu.dma_semaphore, #tpu.memory_space<semaphore_mem>> -> memref<!tpu.dma_semaphore, #tpu.memory_space<semaphore_mem>>
      %dma_wait3A_320 = arith.constant 0 : i32
      %dma_wait3A_321 = tpu.memref_slice %arg3[%dma_wait3A_320] : memref<320000xi32, #tpu.memory_space<hbm>> -> memref<64xi32, #tpu.memory_space<hbm>>
      tpu.wait_dma2 semaphore(%dma_wait3A_319 : memref<!tpu.dma_semaphore, #tpu.memory_space<semaphore_mem>>) src(%dma_wait3A_321 : memref<64xi32, #tpu.memory_space<hbm>>) dst(%arg11 : memref<64xi32, #tpu.memory_space<vmem>>)
      %dma_wait3A_322 = arith.constant 1 : i32
      %dma_wait3A_323 = arith.constant 0 : i32
      %dma_wait3A_324 = tpu.memref_slice %arg4[%dma_wait3A_323] : memref<320000xi32, #tpu.memory_space<hbm>> -> memref<64xi32, #tpu.memory_space<hbm>>
      %dma_wait3A_325 = tpu.memref_slice %arg20[%dma_wait3A_322] : memref<2x!tpu.dma_semaphore, #tpu.memory_space<semaphore_mem>> -> memref<1x!tpu.dma_semaphore, #tpu.memory_space<semaphore_mem>>
      %dma_wait3A_326 = tpu.memref_squeeze %dma_wait3A_325 : memref<1x!tpu.dma_semaphore, #tpu.memory_space<semaphore_mem>> -> memref<!tpu.dma_semaphore, #tpu.memory_space<semaphore_mem>>
      %dma_wait3A_327 = arith.constant 0 : i32
      %dma_wait3A_328 = tpu.memref_slice %arg4[%dma_wait3A_327] : memref<320000xi32, #tpu.memory_space<hbm>> -> memref<64xi32, #tpu.memory_space<hbm>>
      tpu.wait_dma2 semaphore(%dma_wait3A_326 : memref<!tpu.dma_semaphore, #tpu.memory_space<semaphore_mem>>) src(%dma_wait3A_328 : memref<64xi32, #tpu.memory_space<hbm>>) dst(%arg13 : memref<64xi32, #tpu.memory_space<vmem>>)
      %add3A_329 = arith.constant 2 : i32
      %add3A_330 = arith.addi %add3A_269, %add3A_329 : i32
      %dma_start3A_331 = arith.constant 1 : i32
      %dma_start3A_332 = arith.constant 0 : i32
      %dma_start3A_333 = arith.constant 0 : i32
      %dma_start3A_334 = tpu.memref_slice %arg2[%dma_start3A_332, %dma_start3A_333] : memref<10000x128xf32, #tpu.memory_space<hbm>> -> memref<10000x128xf32, #tpu.memory_space<hbm>>
      %dma_start3A_335 = tpu.memref_slice %arg21[%dma_start3A_331] : memref<2x!tpu.dma_semaphore, #tpu.memory_space<semaphore_mem>> -> memref<1x!tpu.dma_semaphore, #tpu.memory_space<semaphore_mem>>
      %dma_start3A_336 = tpu.memref_squeeze %dma_start3A_335 : memref<1x!tpu.dma_semaphore, #tpu.memory_space<semaphore_mem>> -> memref<!tpu.dma_semaphore, #tpu.memory_space<semaphore_mem>>
      tpu.enqueue_indirect_dma source(%dma_start3A_334 : memref<10000x128xf32, #tpu.memory_space<hbm>>) target(%arg15 : memref<64x128xf32, #tpu.memory_space<vmem>>) offsets(%arg11 : memref<64xi32, #tpu.memory_space<vmem>>) semaphore(%dma_start3A_336 : memref<!tpu.dma_semaphore, #tpu.memory_space<semaphore_mem>>)
      %mul3A_337 = arith.constant 64 : i32
      %mul3A_338 = arith.muli %add3A_330, %mul3A_337 : i32
      %add3A_339 = arith.addi %mul3A_4, %mul3A_338 : i32
      %mul3A_340 = arith.constant 128 : i32
      %mul3A_341 = arith.muli %add3A_339, %mul3A_340 : i32
      %dma_start3A_342 = arith.constant 1 : i32
      %dma_start3A_343 = tpu.memref_slice %arg6[%mul3A_341] : memref<40960000xbf16, #tpu.memory_space<hbm>> -> memref<8192xbf16, #tpu.memory_space<hbm>>
      %dma_start3A_344 = tpu.memref_slice %arg22[%dma_start3A_342] : memref<2x!tpu.dma_semaphore, #tpu.memory_space<semaphore_mem>> -> memref<1x!tpu.dma_semaphore, #tpu.memory_space<semaphore_mem>>
      %dma_start3A_345 = tpu.memref_squeeze %dma_start3A_344 : memref<1x!tpu.dma_semaphore, #tpu.memory_space<semaphore_mem>> -> memref<!tpu.dma_semaphore, #tpu.memory_space<semaphore_mem>>
      %dma_start3A_346 = tpu.memref_slice %arg6[%mul3A_341] : memref<40960000xbf16, #tpu.memory_space<hbm>> -> memref<8192xbf16, #tpu.memory_space<hbm>>
      tpu.enqueue_dma source(%dma_start3A_346 : memref<8192xbf16, #tpu.memory_space<hbm>>) target(%arg17 : memref<8192xbf16, #tpu.memory_space<vmem>>) target_semaphore(%dma_start3A_345 : memref<!tpu.dma_semaphore, #tpu.memory_space<semaphore_mem>>)
    }
    %scan3A_88 = arith.constant 77 : i32
    %dma_wait3A_89 = arith.constant 0 : i32
    %dma_wait3A_90 = arith.constant 0 : i32
    %dma_wait3A_91 = arith.constant 0 : i32
    %dma_wait3A_92 = tpu.memref_slice %arg2[%dma_wait3A_90, %dma_wait3A_91] : memref<10000x128xf32, #tpu.memory_space<hbm>> -> memref<10000x128xf32, #tpu.memory_space<hbm>>
    %dma_wait3A_93 = tpu.memref_slice %arg21[%dma_wait3A_89] : memref<2x!tpu.dma_semaphore, #tpu.memory_space<semaphore_mem>> -> memref<1x!tpu.dma_semaphore, #tpu.memory_space<semaphore_mem>>
    %dma_wait3A_94 = tpu.memref_squeeze %dma_wait3A_93 : memref<1x!tpu.dma_semaphore, #tpu.memory_space<semaphore_mem>> -> memref<!tpu.dma_semaphore, #tpu.memory_space<semaphore_mem>>
    tpu.wait_indirect_dma semaphore(%dma_wait3A_94 : memref<!tpu.dma_semaphore, #tpu.memory_space<semaphore_mem>>) src(%dma_wait3A_92 : memref<10000x128xf32, #tpu.memory_space<hbm>>) dst(%arg14 : memref<64x128xf32, #tpu.memory_space<vmem>>)
    %dma_wait3A_95 = arith.constant 0 : i32
    %dma_wait3A_96 = arith.constant 0 : i32
    %dma_wait3A_97 = tpu.memref_slice %arg6[%dma_wait3A_96] : memref<40960000xbf16, #tpu.memory_space<hbm>> -> memref<8192xbf16, #tpu.memory_space<hbm>>
    %dma_wait3A_98 = tpu.memref_slice %arg22[%dma_wait3A_95] : memref<2x!tpu.dma_semaphore, #tpu.memory_space<semaphore_mem>> -> memref<1x!tpu.dma_semaphore, #tpu.memory_space<semaphore_mem>>
    %dma_wait3A_99 = tpu.memref_squeeze %dma_wait3A_98 : memref<1x!tpu.dma_semaphore, #tpu.memory_space<semaphore_mem>> -> memref<!tpu.dma_semaphore, #tpu.memory_space<semaphore_mem>>
    %dma_wait3A_100 = arith.constant 0 : i32
    %dma_wait3A_101 = tpu.memref_slice %arg6[%dma_wait3A_100] : memref<40960000xbf16, #tpu.memory_space<hbm>> -> memref<8192xbf16, #tpu.memory_space<hbm>>
    tpu.wait_dma2 semaphore(%dma_wait3A_99 : memref<!tpu.dma_semaphore, #tpu.memory_space<semaphore_mem>>) src(%dma_wait3A_101 : memref<8192xbf16, #tpu.memory_space<hbm>>) dst(%arg16 : memref<8192xbf16, #tpu.memory_space<vmem>>)
    %scan3A_102 = arith.constant 0 : i32
    %scan3A_103 = arith.constant 64 : i32
    %scan3A_104 = arith.addi %scan3A_102, %scan3A_103 : i32
    %scan3A_105 = arith.constant 1 : i32
    scf.for %scan3A_184 = %scan3A_102 to %scan3A_104 step %scan3A_105  : i32 {
      %mul3A_185 = arith.constant 1 : i32
      %mul3A_186 = arith.muli %scan3A_184, %mul3A_185 : i32
      %add3A_187 = arith.constant 0 : i32
      %add3A_188 = arith.addi %add3A_187, %mul3A_186 : i32
      %mul3A_189 = arith.constant 128 : i32
      %mul3A_190 = arith.muli %add3A_188, %mul3A_189 : i32
      %add3A_191 = arith.constant 0 : i32
      %add3A_192 = arith.addi %mul3A_190, %add3A_191 : i32
      %get3A = arith.index_cast %add3A_192 : i32 to index
      %get3A_193 = tpu.vector_load %arg16[%get3A] {strides = array<i32>} : memref<8192xbf16, #tpu.memory_space<vmem>>, vector<16xbf16>,
      %get3A_194 = vector.shape_cast %get3A_193 : vector<16xbf16> to vector<16xbf16>
      %get3A_195 = arith.index_cast %add3A_188 : i32 to index
      %get3A_196 = arith.constant 0 : index
      %get3A_197 = tpu.vector_load %arg14[%get3A_195, %get3A_196] {strides = array<i32>} : memref<64x128xf32, #tpu.memory_space<vmem>>, vector<1x16xf32>,
      %get3A_198 = vector.shape_cast %get3A_197 : vector<1x16xf32> to vector<16xf32>
      %convert_element_type3A_199 = arith.extf %get3A_194 : vector<16xbf16> to vector<16xf32>
      %mul3A_200 = arith.mulf %get3A_198, %convert_element_type3A_199 : vector<16xf32>
      %swap3A = arith.index_cast %add3A_188 : i32 to index
      %swap3A_201 = arith.constant 0 : index
      %swap3A_202 = tpu.vector_load %arg14[%swap3A, %swap3A_201] {strides = array<i32>} : memref<64x128xf32, #tpu.memory_space<vmem>>, vector<1x16xf32>,
      %swap3A_203 = vector.shape_cast %swap3A_202 : vector<1x16xf32> to vector<16xf32>
      %swap3A_204 = vector.shape_cast %mul3A_200 : vector<16xf32> to vector<1x16xf32>
      tpu.vector_store %arg14[%swap3A, %swap3A_201], %swap3A_204 {strides = array<i32>} : memref<64x128xf32, #tpu.memory_space<vmem>>, vector<1x16xf32>,
      %mul3A_205 = arith.constant 128 : i32
      %mul3A_206 = arith.muli %add3A_188, %mul3A_205 : i32
      %add3A_207 = arith.constant 16 : i32
      %add3A_208 = arith.addi %mul3A_206, %add3A_207 : i32
      %get3A_209 = arith.index_cast %add3A_208 : i32 to index
      %get3A_210 = tpu.vector_load %arg16[%get3A_209] {strides = array<i32>} : memref<8192xbf16, #tpu.memory_space<vmem>>, vector<16xbf16>,
      %get3A_211 = vector.shape_cast %get3A_210 : vector<16xbf16> to vector<16xbf16>
      %get3A_212 = arith.index_cast %add3A_188 : i32 to index
      %get3A_213 = arith.constant 16 : index
      %get3A_214 = tpu.vector_load %arg14[%get3A_212, %get3A_213] {strides = array<i32>} : memref<64x128xf32, #tpu.memory_space<vmem>>, vector<1x16xf32>,
      %get3A_215 = vector.shape_cast %get3A_214 : vector<1x16xf32> to vector<16xf32>
      %convert_element_type3A_216 = arith.extf %get3A_211 : vector<16xbf16> to vector<16xf32>
      %mul3A_217 = arith.mulf %get3A_215, %convert_element_type3A_216 : vector<16xf32>
      %swap3A_218 = arith.index_cast %add3A_188 : i32 to index
      %swap3A_219 = arith.constant 16 : index
      %swap3A_220 = tpu.vector_load %arg14[%swap3A_218, %swap3A_219] {strides = array<i32>} : memref<64x128xf32, #tpu.memory_space<vmem>>, vector<1x16xf32>,
      %swap3A_221 = vector.shape_cast %swap3A_220 : vector<1x16xf32> to vector<16xf32>
      %swap3A_222 = vector.shape_cast %mul3A_217 : vector<16xf32> to vector<1x16xf32>
      tpu.vector_store %arg14[%swap3A_218, %swap3A_219], %swap3A_222 {strides = array<i32>} : memref<64x128xf32, #tpu.memory_space<vmem>>, vector<1x16xf32>,
      %mul3A_223 = arith.constant 128 : i32
      %mul3A_224 = arith.muli %add3A_188, %mul3A_223 : i32
      %add3A_225 = arith.constant 32 : i32
      %add3A_226 = arith.addi %mul3A_224, %add3A_225 : i32
      %get3A_227 = arith.index_cast %add3A_226 : i32 to index
      %get3A_228 = tpu.vector_load %arg16[%get3A_227] {strides = array<i32>} : memref<8192xbf16, #tpu.memory_space<vmem>>, vector<16xbf16>,
      %get3A_229 = vector.shape_cast %get3A_228 : vector<16xbf16> to vector<16xbf16>
      %get3A_230 = arith.index_cast %add3A_188 : i32 to index
      %get3A_231 = arith.constant 32 : index
      %get3A_232 = tpu.vector_load %arg14[%get3A_230, %get3A_231] {strides = array<i32>} : memref<64x128xf32, #tpu.memory_space<vmem>>, vector<1x16xf32>,
      %get3A_233 = vector.shape_cast %get3A_232 : vector<1x16xf32> to vector<16xf32>
      %convert_element_type3A_234 = arith.extf %get3A_229 : vector<16xbf16> to vector<16xf32>
      %mul3A_235 = arith.mulf %get3A_233, %convert_element_type3A_234 : vector<16xf32>
      %swap3A_236 = arith.index_cast %add3A_188 : i32 to index
      %swap3A_237 = arith.constant 32 : index
      %swap3A_238 = tpu.vector_load %arg14[%swap3A_236, %swap3A_237] {strides = array<i32>} : memref<64x128xf32, #tpu.memory_space<vmem>>, vector<1x16xf32>,
      %swap3A_239 = vector.shape_cast %swap3A_238 : vector<1x16xf32> to vector<16xf32>
      %swap3A_240 = vector.shape_cast %mul3A_235 : vector<16xf32> to vector<1x16xf32>
      tpu.vector_store %arg14[%swap3A_236, %swap3A_237], %swap3A_240 {strides = array<i32>} : memref<64x128xf32, #tpu.memory_space<vmem>>, vector<1x16xf32>,
      %mul3A_241 = arith.constant 128 : i32
      %mul3A_242 = arith.muli %add3A_188, %mul3A_241 : i32
      %add3A_243 = arith.constant 48 : i32
      %add3A_244 = arith.addi %mul3A_242, %add3A_243 : i32
      %get3A_245 = arith.index_cast %add3A_244 : i32 to index
      %get3A_246 = tpu.vector_load %arg16[%get3A_245] {strides = array<i32>} : memref<8192xbf16, #tpu.memory_space<vmem>>, vector<16xbf16>,
      %get3A_247 = vector.shape_cast %get3A_246 : vector<16xbf16> to vector<16xbf16>
      %get3A_248 = arith.index_cast %add3A_188 : i32 to index
      %get3A_249 = arith.constant 48 : index
      %get3A_250 = tpu.vector_load %arg14[%get3A_248, %get3A_249] {strides = array<i32>} : memref<64x128xf32, #tpu.memory_space<vmem>>, vector<1x16xf32>,
      %get3A_251 = vector.shape_cast %get3A_250 : vector<1x16xf32> to vector<16xf32>
      %convert_element_type3A_252 = arith.extf %get3A_247 : vector<16xbf16> to vector<16xf32>
      %mul3A_253 = arith.mulf %get3A_251, %convert_element_type3A_252 : vector<16xf32>
      %swap3A_254 = arith.index_cast %add3A_188 : i32 to index
      %swap3A_255 = arith.constant 48 : index
      %swap3A_256 = tpu.vector_load %arg14[%swap3A_254, %swap3A_255] {strides = array<i32>} : memref<64x128xf32, #tpu.memory_space<vmem>>, vector<1x16xf32>,
      %swap3A_257 = vector.shape_cast %swap3A_256 : vector<1x16xf32> to vector<16xf32>
      %swap3A_258 = vector.shape_cast %mul3A_253 : vector<16xf32> to vector<1x16xf32>
      tpu.vector_store %arg14[%swap3A_254, %swap3A_255], %swap3A_258 {strides = array<i32>} : memref<64x128xf32, #tpu.memory_space<vmem>>, vector<1x16xf32>,
      %mul3A_259 = arith.constant 128 : i32
      %mul3A_260 = arith.muli %add3A_188, %mul3A_259 : i32
      %add3A_261 = arith.constant 64 : i32
      %add3A_262 = arith.addi %mul3A_260, %add3A_261 : i32
      %get3A_263 = arith.index_cast %add3A_262 : i32 to index
      %get3A_264 = tpu.vector_load %arg16[%get3A_263] {strides = array<i32>} : memref<8192xbf16, #tpu.memory_space<vmem>>, vector<16xbf16>,
      %get3A_265 = vector.shape_cast %get3A_264 : vector<16xbf16> to vector<16xbf16>
      %get3A_266 = arith.index_cast %add3A_188 : i32 to index
      %get3A_267 = arith.constant 64 : index
      %get3A_268 = tpu.vector_load %arg14[%get3A_266, %get3A_267] {strides = array<i32>} : memref<64x128xf32, #tpu.memory_space<vmem>>, vector<1x16xf32>,
      %get3A_269 = vector.shape_cast %get3A_268 : vector<1x16xf32> to vector<16xf32>
      %convert_element_type3A_270 = arith.extf %get3A_265 : vector<16xbf16> to vector<16xf32>
      %mul3A_271 = arith.mulf %get3A_269, %convert_element_type3A_270 : vector<16xf32>
      %swap3A_272 = arith.index_cast %add3A_188 : i32 to index
      %swap3A_273 = arith.constant 64 : index
      %swap3A_274 = tpu.vector_load %arg14[%swap3A_272, %swap3A_273] {strides = array<i32>} : memref<64x128xf32, #tpu.memory_space<vmem>>, vector<1x16xf32>,
      %swap3A_275 = vector.shape_cast %swap3A_274 : vector<1x16xf32> to vector<16xf32>
      %swap3A_276 = vector.shape_cast %mul3A_271 : vector<16xf32> to vector<1x16xf32>
      tpu.vector_store %arg14[%swap3A_272, %swap3A_273], %swap3A_276 {strides = array<i32>} : memref<64x128xf32, #tpu.memory_space<vmem>>, vector<1x16xf32>,
      %mul3A_277 = arith.constant 128 : i32
      %mul3A_278 = arith.muli %add3A_188, %mul3A_277 : i32
      %add3A_279 = arith.constant 80 : i32
      %add3A_280 = arith.addi %mul3A_278, %add3A_279 : i32
      %get3A_281 = arith.index_cast %add3A_280 : i32 to index
      %get3A_282 = tpu.vector_load %arg16[%get3A_281] {strides = array<i32>} : memref<8192xbf16, #tpu.memory_space<vmem>>, vector<16xbf16>,
      %get3A_283 = vector.shape_cast %get3A_282 : vector<16xbf16> to vector<16xbf16>
      %get3A_284 = arith.index_cast %add3A_188 : i32 to index
      %get3A_285 = arith.constant 80 : index
      %get3A_286 = tpu.vector_load %arg14[%get3A_284, %get3A_285] {strides = array<i32>} : memref<64x128xf32, #tpu.memory_space<vmem>>, vector<1x16xf32>,
      %get3A_287 = vector.shape_cast %get3A_286 : vector<1x16xf32> to vector<16xf32>
      %convert_element_type3A_288 = arith.extf %get3A_283 : vector<16xbf16> to vector<16xf32>
      %mul3A_289 = arith.mulf %get3A_287, %convert_element_type3A_288 : vector<16xf32>
      %swap3A_290 = arith.index_cast %add3A_188 : i32 to index
      %swap3A_291 = arith.constant 80 : index
      %swap3A_292 = tpu.vector_load %arg14[%swap3A_290, %swap3A_291] {strides = array<i32>} : memref<64x128xf32, #tpu.memory_space<vmem>>, vector<1x16xf32>,
      %swap3A_293 = vector.shape_cast %swap3A_292 : vector<1x16xf32> to vector<16xf32>
      %swap3A_294 = vector.shape_cast %mul3A_289 : vector<16xf32> to vector<1x16xf32>
      tpu.vector_store %arg14[%swap3A_290, %swap3A_291], %swap3A_294 {strides = array<i32>} : memref<64x128xf32, #tpu.memory_space<vmem>>, vector<1x16xf32>,
      %mul3A_295 = arith.constant 128 : i32
      %mul3A_296 = arith.muli %add3A_188, %mul3A_295 : i32
      %add3A_297 = arith.constant 96 : i32
      %add3A_298 = arith.addi %mul3A_296, %add3A_297 : i32
      %get3A_299 = arith.index_cast %add3A_298 : i32 to index
      %get3A_300 = tpu.vector_load %arg16[%get3A_299] {strides = array<i32>} : memref<8192xbf16, #tpu.memory_space<vmem>>, vector<16xbf16>,
      %get3A_301 = vector.shape_cast %get3A_300 : vector<16xbf16> to vector<16xbf16>
      %get3A_302 = arith.index_cast %add3A_188 : i32 to index
      %get3A_303 = arith.constant 96 : index
      %get3A_304 = tpu.vector_load %arg14[%get3A_302, %get3A_303] {strides = array<i32>} : memref<64x128xf32, #tpu.memory_space<vmem>>, vector<1x16xf32>,
      %get3A_305 = vector.shape_cast %get3A_304 : vector<1x16xf32> to vector<16xf32>
      %convert_element_type3A_306 = arith.extf %get3A_301 : vector<16xbf16> to vector<16xf32>
      %mul3A_307 = arith.mulf %get3A_305, %convert_element_type3A_306 : vector<16xf32>
      %swap3A_308 = arith.index_cast %add3A_188 : i32 to index
      %swap3A_309 = arith.constant 96 : index
      %swap3A_310 = tpu.vector_load %arg14[%swap3A_308, %swap3A_309] {strides = array<i32>} : memref<64x128xf32, #tpu.memory_space<vmem>>, vector<1x16xf32>,
      %swap3A_311 = vector.shape_cast %swap3A_310 : vector<1x16xf32> to vector<16xf32>
      %swap3A_312 = vector.shape_cast %mul3A_307 : vector<16xf32> to vector<1x16xf32>
      tpu.vector_store %arg14[%swap3A_308, %swap3A_309], %swap3A_312 {strides = array<i32>} : memref<64x128xf32, #tpu.memory_space<vmem>>, vector<1x16xf32>,
      %mul3A_313 = arith.constant 128 : i32
      %mul3A_314 = arith.muli %add3A_188, %mul3A_313 : i32
      %add3A_315 = arith.constant 112 : i32
      %add3A_316 = arith.addi %mul3A_314, %add3A_315 : i32
      %get3A_317 = arith.index_cast %add3A_316 : i32 to index
      %get3A_318 = tpu.vector_load %arg16[%get3A_317] {strides = array<i32>} : memref<8192xbf16, #tpu.memory_space<vmem>>, vector<16xbf16>,
      %get3A_319 = vector.shape_cast %get3A_318 : vector<16xbf16> to vector<16xbf16>
      %get3A_320 = arith.index_cast %add3A_188 : i32 to index
      %get3A_321 = arith.constant 112 : index
      %get3A_322 = tpu.vector_load %arg14[%get3A_320, %get3A_321] {strides = array<i32>} : memref<64x128xf32, #tpu.memory_space<vmem>>, vector<1x16xf32>,
      %get3A_323 = vector.shape_cast %get3A_322 : vector<1x16xf32> to vector<16xf32>
      %convert_element_type3A_324 = arith.extf %get3A_319 : vector<16xbf16> to vector<16xf32>
      %mul3A_325 = arith.mulf %get3A_323, %convert_element_type3A_324 : vector<16xf32>
      %swap3A_326 = arith.index_cast %add3A_188 : i32 to index
      %swap3A_327 = arith.constant 112 : index
      %swap3A_328 = tpu.vector_load %arg14[%swap3A_326, %swap3A_327] {strides = array<i32>} : memref<64x128xf32, #tpu.memory_space<vmem>>, vector<1x16xf32>,
      %swap3A_329 = vector.shape_cast %swap3A_328 : vector<1x16xf32> to vector<16xf32>
      %swap3A_330 = vector.shape_cast %mul3A_325 : vector<16xf32> to vector<1x16xf32>
      tpu.vector_store %arg14[%swap3A_326, %swap3A_327], %swap3A_330 {strides = array<i32>} : memref<64x128xf32, #tpu.memory_space<vmem>>, vector<1x16xf32>,
    }
    %scan3A_106 = arith.constant 64 : i32
    %dma_start3A_107 = arith.constant 0 : i32
    %dma_start3A_108 = arith.constant 0 : i32
    %dma_start3A_109 = arith.constant 0 : i32
    %dma_start3A_110 = tpu.memref_slice %arg9[%dma_start3A_108, %dma_start3A_109] : memref<10112x128xf32, #tpu.memory_space<vmem_shared>> -> memref<10112x128xf32, #tpu.memory_space<vmem_shared>>
    %dma_start3A_111 = tpu.memref_slice %arg23[%dma_start3A_107] : memref<2x!tpu.dma_semaphore, #tpu.memory_space<semaphore_mem>> -> memref<1x!tpu.dma_semaphore, #tpu.memory_space<semaphore_mem>>
    %dma_start3A_112 = tpu.memref_squeeze %dma_start3A_111 : memref<1x!tpu.dma_semaphore, #tpu.memory_space<semaphore_mem>> -> memref<!tpu.dma_semaphore, #tpu.memory_space<semaphore_mem>>
    tpu.enqueue_indirect_dma source(%arg14 : memref<64x128xf32, #tpu.memory_space<vmem>>) target(%dma_start3A_110 : memref<10112x128xf32, #tpu.memory_space<vmem_shared>>) offsets(%arg12 : memref<64xi32, #tpu.memory_space<vmem>>) semaphore(%dma_start3A_112 : memref<!tpu.dma_semaphore, #tpu.memory_space<semaphore_mem>>) {add = true}
    %dma_wait3A_113 = arith.constant 1 : i32
    %dma_wait3A_114 = arith.constant 0 : i32
    %dma_wait3A_115 = arith.constant 0 : i32
    %dma_wait3A_116 = tpu.memref_slice %arg2[%dma_wait3A_114, %dma_wait3A_115] : memref<10000x128xf32, #tpu.memory_space<hbm>> -> memref<10000x128xf32, #tpu.memory_space<hbm>>
    %dma_wait3A_117 = tpu.memref_slice %arg21[%dma_wait3A_113] : memref<2x!tpu.dma_semaphore, #tpu.memory_space<semaphore_mem>> -> memref<1x!tpu.dma_semaphore, #tpu.memory_space<semaphore_mem>>
    %dma_wait3A_118 = tpu.memref_squeeze %dma_wait3A_117 : memref<1x!tpu.dma_semaphore, #tpu.memory_space<semaphore_mem>> -> memref<!tpu.dma_semaphore, #tpu.memory_space<semaphore_mem>>
    tpu.wait_indirect_dma semaphore(%dma_wait3A_118 : memref<!tpu.dma_semaphore, #tpu.memory_space<semaphore_mem>>) src(%dma_wait3A_116 : memref<10000x128xf32, #tpu.memory_space<hbm>>) dst(%arg15 : memref<64x128xf32, #tpu.memory_space<vmem>>)
    %dma_wait3A_119 = arith.constant 1 : i32
    %dma_wait3A_120 = arith.constant 0 : i32
    %dma_wait3A_121 = tpu.memref_slice %arg6[%dma_wait3A_120] : memref<40960000xbf16, #tpu.memory_space<hbm>> -> memref<8192xbf16, #tpu.memory_space<hbm>>
    %dma_wait3A_122 = tpu.memref_slice %arg22[%dma_wait3A_119] : memref<2x!tpu.dma_semaphore, #tpu.memory_space<semaphore_mem>> -> memref<1x!tpu.dma_semaphore, #tpu.memory_space<semaphore_mem>>
    %dma_wait3A_123 = tpu.memref_squeeze %dma_wait3A_122 : memref<1x!tpu.dma_semaphore, #tpu.memory_space<semaphore_mem>> -> memref<!tpu.dma_semaphore, #tpu.memory_space<semaphore_mem>>
    %dma_wait3A_124 = arith.constant 0 : i32
    %dma_wait3A_125 = tpu.memref_slice %arg6[%dma_wait3A_124] : memref<40960000xbf16, #tpu.memory_space<hbm>> -> memref<8192xbf16, #tpu.memory_space<hbm>>
    tpu.wait_dma2 semaphore(%dma_wait3A_123 : memref<!tpu.dma_semaphore, #tpu.memory_space<semaphore_mem>>) src(%dma_wait3A_125 : memref<8192xbf16, #tpu.memory_space<hbm>>) dst(%arg17 : memref<8192xbf16, #tpu.memory_space<vmem>>)
    %scan3A_126 = arith.constant 0 : i32
    %scan3A_127 = arith.constant 64 : i32
    %scan3A_128 = arith.addi %scan3A_126, %scan3A_127 : i32
    %scan3A_129 = arith.constant 1 : i32
    scf.for %scan3A_184 = %scan3A_126 to %scan3A_128 step %scan3A_129  : i32 {
      %mul3A_185 = arith.constant 1 : i32
      %mul3A_186 = arith.muli %scan3A_184, %mul3A_185 : i32
      %add3A_187 = arith.constant 0 : i32
      %add3A_188 = arith.addi %add3A_187, %mul3A_186 : i32
      %mul3A_189 = arith.constant 128 : i32
      %mul3A_190 = arith.muli %add3A_188, %mul3A_189 : i32
      %add3A_191 = arith.constant 0 : i32
      %add3A_192 = arith.addi %mul3A_190, %add3A_191 : i32
      %get3A = arith.index_cast %add3A_192 : i32 to index
      %get3A_193 = tpu.vector_load %arg17[%get3A] {strides = array<i32>} : memref<8192xbf16, #tpu.memory_space<vmem>>, vector<16xbf16>,
      %get3A_194 = vector.shape_cast %get3A_193 : vector<16xbf16> to vector<16xbf16>
      %get3A_195 = arith.index_cast %add3A_188 : i32 to index
      %get3A_196 = arith.constant 0 : index
      %get3A_197 = tpu.vector_load %arg15[%get3A_195, %get3A_196] {strides = array<i32>} : memref<64x128xf32, #tpu.memory_space<vmem>>, vector<1x16xf32>,
      %get3A_198 = vector.shape_cast %get3A_197 : vector<1x16xf32> to vector<16xf32>
      %convert_element_type3A_199 = arith.extf %get3A_194 : vector<16xbf16> to vector<16xf32>
      %mul3A_200 = arith.mulf %get3A_198, %convert_element_type3A_199 : vector<16xf32>
      %swap3A = arith.index_cast %add3A_188 : i32 to index
      %swap3A_201 = arith.constant 0 : index
      %swap3A_202 = tpu.vector_load %arg15[%swap3A, %swap3A_201] {strides = array<i32>} : memref<64x128xf32, #tpu.memory_space<vmem>>, vector<1x16xf32>,
      %swap3A_203 = vector.shape_cast %swap3A_202 : vector<1x16xf32> to vector<16xf32>
      %swap3A_204 = vector.shape_cast %mul3A_200 : vector<16xf32> to vector<1x16xf32>
      tpu.vector_store %arg15[%swap3A, %swap3A_201], %swap3A_204 {strides = array<i32>} : memref<64x128xf32, #tpu.memory_space<vmem>>, vector<1x16xf32>,
      %mul3A_205 = arith.constant 128 : i32
      %mul3A_206 = arith.muli %add3A_188, %mul3A_205 : i32
      %add3A_207 = arith.constant 16 : i32
      %add3A_208 = arith.addi %mul3A_206, %add3A_207 : i32
      %get3A_209 = arith.index_cast %add3A_208 : i32 to index
      %get3A_210 = tpu.vector_load %arg17[%get3A_209] {strides = array<i32>} : memref<8192xbf16, #tpu.memory_space<vmem>>, vector<16xbf16>,
      %get3A_211 = vector.shape_cast %get3A_210 : vector<16xbf16> to vector<16xbf16>
      %get3A_212 = arith.index_cast %add3A_188 : i32 to index
      %get3A_213 = arith.constant 16 : index
      %get3A_214 = tpu.vector_load %arg15[%get3A_212, %get3A_213] {strides = array<i32>} : memref<64x128xf32, #tpu.memory_space<vmem>>, vector<1x16xf32>,
      %get3A_215 = vector.shape_cast %get3A_214 : vector<1x16xf32> to vector<16xf32>
      %convert_element_type3A_216 = arith.extf %get3A_211 : vector<16xbf16> to vector<16xf32>
      %mul3A_217 = arith.mulf %get3A_215, %convert_element_type3A_216 : vector<16xf32>
      %swap3A_218 = arith.index_cast %add3A_188 : i32 to index
      %swap3A_219 = arith.constant 16 : index
      %swap3A_220 = tpu.vector_load %arg15[%swap3A_218, %swap3A_219] {strides = array<i32>} : memref<64x128xf32, #tpu.memory_space<vmem>>, vector<1x16xf32>,
      %swap3A_221 = vector.shape_cast %swap3A_220 : vector<1x16xf32> to vector<16xf32>
      %swap3A_222 = vector.shape_cast %mul3A_217 : vector<16xf32> to vector<1x16xf32>
      tpu.vector_store %arg15[%swap3A_218, %swap3A_219], %swap3A_222 {strides = array<i32>} : memref<64x128xf32, #tpu.memory_space<vmem>>, vector<1x16xf32>,
      %mul3A_223 = arith.constant 128 : i32
      %mul3A_224 = arith.muli %add3A_188, %mul3A_223 : i32
      %add3A_225 = arith.constant 32 : i32
      %add3A_226 = arith.addi %mul3A_224, %add3A_225 : i32
      %get3A_227 = arith.index_cast %add3A_226 : i32 to index
      %get3A_228 = tpu.vector_load %arg17[%get3A_227] {strides = array<i32>} : memref<8192xbf16, #tpu.memory_space<vmem>>, vector<16xbf16>,
      %get3A_229 = vector.shape_cast %get3A_228 : vector<16xbf16> to vector<16xbf16>
      %get3A_230 = arith.index_cast %add3A_188 : i32 to index
      %get3A_231 = arith.constant 32 : index
      %get3A_232 = tpu.vector_load %arg15[%get3A_230, %get3A_231] {strides = array<i32>} : memref<64x128xf32, #tpu.memory_space<vmem>>, vector<1x16xf32>,
      %get3A_233 = vector.shape_cast %get3A_232 : vector<1x16xf32> to vector<16xf32>
      %convert_element_type3A_234 = arith.extf %get3A_229 : vector<16xbf16> to vector<16xf32>
      %mul3A_235 = arith.mulf %get3A_233, %convert_element_type3A_234 : vector<16xf32>
      %swap3A_236 = arith.index_cast %add3A_188 : i32 to index
      %swap3A_237 = arith.constant 32 : index
      %swap3A_238 = tpu.vector_load %arg15[%swap3A_236, %swap3A_237] {strides = array<i32>} : memref<64x128xf32, #tpu.memory_space<vmem>>, vector<1x16xf32>,
      %swap3A_239 = vector.shape_cast %swap3A_238 : vector<1x16xf32> to vector<16xf32>
      %swap3A_240 = vector.shape_cast %mul3A_235 : vector<16xf32> to vector<1x16xf32>
      tpu.vector_store %arg15[%swap3A_236, %swap3A_237], %swap3A_240 {strides = array<i32>} : memref<64x128xf32, #tpu.memory_space<vmem>>, vector<1x16xf32>,
      %mul3A_241 = arith.constant 128 : i32
      %mul3A_242 = arith.muli %add3A_188, %mul3A_241 : i32
      %add3A_243 = arith.constant 48 : i32
      %add3A_244 = arith.addi %mul3A_242, %add3A_243 : i32
      %get3A_245 = arith.index_cast %add3A_244 : i32 to index
      %get3A_246 = tpu.vector_load %arg17[%get3A_245] {strides = array<i32>} : memref<8192xbf16, #tpu.memory_space<vmem>>, vector<16xbf16>,
      %get3A_247 = vector.shape_cast %get3A_246 : vector<16xbf16> to vector<16xbf16>
      %get3A_248 = arith.index_cast %add3A_188 : i32 to index
      %get3A_249 = arith.constant 48 : index
      %get3A_250 = tpu.vector_load %arg15[%get3A_248, %get3A_249] {strides = array<i32>} : memref<64x128xf32, #tpu.memory_space<vmem>>, vector<1x16xf32>,
      %get3A_251 = vector.shape_cast %get3A_250 : vector<1x16xf32> to vector<16xf32>
      %convert_element_type3A_252 = arith.extf %get3A_247 : vector<16xbf16> to vector<16xf32>
      %mul3A_253 = arith.mulf %get3A_251, %convert_element_type3A_252 : vector<16xf32>
      %swap3A_254 = arith.index_cast %add3A_188 : i32 to index
      %swap3A_255 = arith.constant 48 : index
      %swap3A_256 = tpu.vector_load %arg15[%swap3A_254, %swap3A_255] {strides = array<i32>} : memref<64x128xf32, #tpu.memory_space<vmem>>, vector<1x16xf32>,
      %swap3A_257 = vector.shape_cast %swap3A_256 : vector<1x16xf32> to vector<16xf32>
      %swap3A_258 = vector.shape_cast %mul3A_253 : vector<16xf32> to vector<1x16xf32>
      tpu.vector_store %arg15[%swap3A_254, %swap3A_255], %swap3A_258 {strides = array<i32>} : memref<64x128xf32, #tpu.memory_space<vmem>>, vector<1x16xf32>,
      %mul3A_259 = arith.constant 128 : i32
      %mul3A_260 = arith.muli %add3A_188, %mul3A_259 : i32
      %add3A_261 = arith.constant 64 : i32
      %add3A_262 = arith.addi %mul3A_260, %add3A_261 : i32
      %get3A_263 = arith.index_cast %add3A_262 : i32 to index
      %get3A_264 = tpu.vector_load %arg17[%get3A_263] {strides = array<i32>} : memref<8192xbf16, #tpu.memory_space<vmem>>, vector<16xbf16>,
      %get3A_265 = vector.shape_cast %get3A_264 : vector<16xbf16> to vector<16xbf16>
      %get3A_266 = arith.index_cast %add3A_188 : i32 to index
      %get3A_267 = arith.constant 64 : index
      %get3A_268 = tpu.vector_load %arg15[%get3A_266, %get3A_267] {strides = array<i32>} : memref<64x128xf32, #tpu.memory_space<vmem>>, vector<1x16xf32>,
      %get3A_269 = vector.shape_cast %get3A_268 : vector<1x16xf32> to vector<16xf32>
      %convert_element_type3A_270 = arith.extf %get3A_265 : vector<16xbf16> to vector<16xf32>
      %mul3A_271 = arith.mulf %get3A_269, %convert_element_type3A_270 : vector<16xf32>
      %swap3A_272 = arith.index_cast %add3A_188 : i32 to index
      %swap3A_273 = arith.constant 64 : index
      %swap3A_274 = tpu.vector_load %arg15[%swap3A_272, %swap3A_273] {strides = array<i32>} : memref<64x128xf32, #tpu.memory_space<vmem>>, vector<1x16xf32>,
      %swap3A_275 = vector.shape_cast %swap3A_274 : vector<1x16xf32> to vector<16xf32>
      %swap3A_276 = vector.shape_cast %mul3A_271 : vector<16xf32> to vector<1x16xf32>
      tpu.vector_store %arg15[%swap3A_272, %swap3A_273], %swap3A_276 {strides = array<i32>} : memref<64x128xf32, #tpu.memory_space<vmem>>, vector<1x16xf32>,
      %mul3A_277 = arith.constant 128 : i32
      %mul3A_278 = arith.muli %add3A_188, %mul3A_277 : i32
      %add3A_279 = arith.constant 80 : i32
      %add3A_280 = arith.addi %mul3A_278, %add3A_279 : i32
      %get3A_281 = arith.index_cast %add3A_280 : i32 to index
      %get3A_282 = tpu.vector_load %arg17[%get3A_281] {strides = array<i32>} : memref<8192xbf16, #tpu.memory_space<vmem>>, vector<16xbf16>,
      %get3A_283 = vector.shape_cast %get3A_282 : vector<16xbf16> to vector<16xbf16>
      %get3A_284 = arith.index_cast %add3A_188 : i32 to index
      %get3A_285 = arith.constant 80 : index
      %get3A_286 = tpu.vector_load %arg15[%get3A_284, %get3A_285] {strides = array<i32>} : memref<64x128xf32, #tpu.memory_space<vmem>>, vector<1x16xf32>,
      %get3A_287 = vector.shape_cast %get3A_286 : vector<1x16xf32> to vector<16xf32>
      %convert_element_type3A_288 = arith.extf %get3A_283 : vector<16xbf16> to vector<16xf32>
      %mul3A_289 = arith.mulf %get3A_287, %convert_element_type3A_288 : vector<16xf32>
      %swap3A_290 = arith.index_cast %add3A_188 : i32 to index
      %swap3A_291 = arith.constant 80 : index
      %swap3A_292 = tpu.vector_load %arg15[%swap3A_290, %swap3A_291] {strides = array<i32>} : memref<64x128xf32, #tpu.memory_space<vmem>>, vector<1x16xf32>,
      %swap3A_293 = vector.shape_cast %swap3A_292 : vector<1x16xf32> to vector<16xf32>
      %swap3A_294 = vector.shape_cast %mul3A_289 : vector<16xf32> to vector<1x16xf32>
      tpu.vector_store %arg15[%swap3A_290, %swap3A_291], %swap3A_294 {strides = array<i32>} : memref<64x128xf32, #tpu.memory_space<vmem>>, vector<1x16xf32>,
      %mul3A_295 = arith.constant 128 : i32
      %mul3A_296 = arith.muli %add3A_188, %mul3A_295 : i32
      %add3A_297 = arith.constant 96 : i32
      %add3A_298 = arith.addi %mul3A_296, %add3A_297 : i32
      %get3A_299 = arith.index_cast %add3A_298 : i32 to index
      %get3A_300 = tpu.vector_load %arg17[%get3A_299] {strides = array<i32>} : memref<8192xbf16, #tpu.memory_space<vmem>>, vector<16xbf16>,
      %get3A_301 = vector.shape_cast %get3A_300 : vector<16xbf16> to vector<16xbf16>
      %get3A_302 = arith.index_cast %add3A_188 : i32 to index
      %get3A_303 = arith.constant 96 : index
      %get3A_304 = tpu.vector_load %arg15[%get3A_302, %get3A_303] {strides = array<i32>} : memref<64x128xf32, #tpu.memory_space<vmem>>, vector<1x16xf32>,
      %get3A_305 = vector.shape_cast %get3A_304 : vector<1x16xf32> to vector<16xf32>
      %convert_element_type3A_306 = arith.extf %get3A_301 : vector<16xbf16> to vector<16xf32>
      %mul3A_307 = arith.mulf %get3A_305, %convert_element_type3A_306 : vector<16xf32>
      %swap3A_308 = arith.index_cast %add3A_188 : i32 to index
      %swap3A_309 = arith.constant 96 : index
      %swap3A_310 = tpu.vector_load %arg15[%swap3A_308, %swap3A_309] {strides = array<i32>} : memref<64x128xf32, #tpu.memory_space<vmem>>, vector<1x16xf32>,
      %swap3A_311 = vector.shape_cast %swap3A_310 : vector<1x16xf32> to vector<16xf32>
      %swap3A_312 = vector.shape_cast %mul3A_307 : vector<16xf32> to vector<1x16xf32>
      tpu.vector_store %arg15[%swap3A_308, %swap3A_309], %swap3A_312 {strides = array<i32>} : memref<64x128xf32, #tpu.memory_space<vmem>>, vector<1x16xf32>,
      %mul3A_313 = arith.constant 128 : i32
      %mul3A_314 = arith.muli %add3A_188, %mul3A_313 : i32
      %add3A_315 = arith.constant 112 : i32
      %add3A_316 = arith.addi %mul3A_314, %add3A_315 : i32
      %get3A_317 = arith.index_cast %add3A_316 : i32 to index
      %get3A_318 = tpu.vector_load %arg17[%get3A_317] {strides = array<i32>} : memref<8192xbf16, #tpu.memory_space<vmem>>, vector<16xbf16>,
      %get3A_319 = vector.shape_cast %get3A_318 : vector<16xbf16> to vector<16xbf16>
      %get3A_320 = arith.index_cast %add3A_188 : i32 to index
      %get3A_321 = arith.constant 112 : index
      %get3A_322 = tpu.vector_load %arg15[%get3A_320, %get3A_321] {strides = array<i32>} : memref<64x128xf32, #tpu.memory_space<vmem>>, vector<1x16xf32>,
      %get3A_323 = vector.shape_cast %get3A_322 : vector<1x16xf32> to vector<16xf32>
      %convert_element_type3A_324 = arith.extf %get3A_319 : vector<16xbf16> to vector<16xf32>
      %mul3A_325 = arith.mulf %get3A_323, %convert_element_type3A_324 : vector<16xf32>
      %swap3A_326 = arith.index_cast %add3A_188 : i32 to index
      %swap3A_327 = arith.constant 112 : index
      %swap3A_328 = tpu.vector_load %arg15[%swap3A_326, %swap3A_327] {strides = array<i32>} : memref<64x128xf32, #tpu.memory_space<vmem>>, vector<1x16xf32>,
      %swap3A_329 = vector.shape_cast %swap3A_328 : vector<1x16xf32> to vector<16xf32>
      %swap3A_330 = vector.shape_cast %mul3A_325 : vector<16xf32> to vector<1x16xf32>
      tpu.vector_store %arg15[%swap3A_326, %swap3A_327], %swap3A_330 {strides = array<i32>} : memref<64x128xf32, #tpu.memory_space<vmem>>, vector<1x16xf32>,
    }
    %scan3A_130 = arith.constant 64 : i32
    %dma_start3A_131 = arith.constant 1 : i32
    %dma_start3A_132 = arith.constant 0 : i32
    %dma_start3A_133 = arith.constant 0 : i32
    %dma_start3A_134 = tpu.memref_slice %arg9[%dma_start3A_132, %dma_start3A_133] : memref<10112x128xf32, #tpu.memory_space<vmem_shared>> -> memref<10112x128xf32, #tpu.memory_space<vmem_shared>>
    %dma_start3A_135 = tpu.memref_slice %arg23[%dma_start3A_131] : memref<2x!tpu.dma_semaphore, #tpu.memory_space<semaphore_mem>> -> memref<1x!tpu.dma_semaphore, #tpu.memory_space<semaphore_mem>>
    %dma_start3A_136 = tpu.memref_squeeze %dma_start3A_135 : memref<1x!tpu.dma_semaphore, #tpu.memory_space<semaphore_mem>> -> memref<!tpu.dma_semaphore, #tpu.memory_space<semaphore_mem>>
    tpu.enqueue_indirect_dma source(%arg15 : memref<64x128xf32, #tpu.memory_space<vmem>>) target(%dma_start3A_134 : memref<10112x128xf32, #tpu.memory_space<vmem_shared>>) offsets(%arg13 : memref<64xi32, #tpu.memory_space<vmem>>) semaphore(%dma_start3A_136 : memref<!tpu.dma_semaphore, #tpu.memory_space<semaphore_mem>>) {add = true}
    %dma_wait3A_137 = arith.constant 0 : i32
    %dma_wait3A_138 = arith.constant 0 : i32
    %dma_wait3A_139 = arith.constant 0 : i32
    %dma_wait3A_140 = tpu.memref_slice %arg9[%dma_wait3A_138, %dma_wait3A_139] : memref<10112x128xf32, #tpu.memory_space<vmem_shared>> -> memref<10112x128xf32, #tpu.memory_space<vmem_shared>>
    %dma_wait3A_141 = tpu.memref_slice %arg23[%dma_wait3A_137] : memref<2x!tpu.dma_semaphore, #tpu.memory_space<semaphore_mem>> -> memref<1x!tpu.dma_semaphore, #tpu.memory_space<semaphore_mem>>
    %dma_wait3A_142 = tpu.memref_squeeze %dma_wait3A_141 : memref<1x!tpu.dma_semaphore, #tpu.memory_space<semaphore_mem>> -> memref<!tpu.dma_semaphore, #tpu.memory_space<semaphore_mem>>
    tpu.wait_indirect_dma semaphore(%dma_wait3A_142 : memref<!tpu.dma_semaphore, #tpu.memory_space<semaphore_mem>>) src(%arg14 : memref<64x128xf32, #tpu.memory_space<vmem>>) dst(%dma_wait3A_140 : memref<10112x128xf32, #tpu.memory_space<vmem_shared>>)
    %dma_wait3A_143 = arith.constant 1 : i32
    %dma_wait3A_144 = arith.constant 0 : i32
    %dma_wait3A_145 = arith.constant 0 : i32
    %dma_wait3A_146 = tpu.memref_slice %arg9[%dma_wait3A_144, %dma_wait3A_145] : memref<10112x128xf32, #tpu.memory_space<vmem_shared>> -> memref<10112x128xf32, #tpu.memory_space<vmem_shared>>
    %dma_wait3A_147 = tpu.memref_slice %arg23[%dma_wait3A_143] : memref<2x!tpu.dma_semaphore, #tpu.memory_space<semaphore_mem>> -> memref<1x!tpu.dma_semaphore, #tpu.memory_space<semaphore_mem>>
    %dma_wait3A_148 = tpu.memref_squeeze %dma_wait3A_147 : memref<1x!tpu.dma_semaphore, #tpu.memory_space<semaphore_mem>> -> memref<!tpu.dma_semaphore, #tpu.memory_space<semaphore_mem>>
    tpu.wait_indirect_dma semaphore(%dma_wait3A_148 : memref<!tpu.dma_semaphore, #tpu.memory_space<semaphore_mem>>) src(%arg15 : memref<64x128xf32, #tpu.memory_space<vmem>>) dst(%dma_wait3A_146 : memref<10112x128xf32, #tpu.memory_space<vmem_shared>>)
    %add3A_149 = arith.constant 9984 : i32
    %add3A_150 = arith.addi %mul3A_4, %add3A_149 : i32
    "tpu.region"() ({
      %run_scoped3A = tpu.sem_alloc : memref<!tpu.dma_semaphore, #tpu.memory_space<semaphore_mem>>
      %dma_start3A_184 = tpu.memref_slice %arg3[%add3A_150] : memref<320000xi32, #tpu.memory_space<hbm>> -> memref<16xi32, #tpu.memory_space<hbm>>
      %dma_start3A_185 = tpu.memref_slice %arg3[%add3A_150] : memref<320000xi32, #tpu.memory_space<hbm>> -> memref<16xi32, #tpu.memory_space<hbm>>
      tpu.enqueue_dma source(%dma_start3A_185 : memref<16xi32, #tpu.memory_space<hbm>>) target(%arg18 : memref<16xi32, #tpu.memory_space<vmem>>) target_semaphore(%run_scoped3A : memref<!tpu.dma_semaphore, #tpu.memory_space<semaphore_mem>>)
      %dma_wait3A_186 = tpu.memref_slice %arg3[%add3A_150] : memref<320000xi32, #tpu.memory_space<hbm>> -> memref<16xi32, #tpu.memory_space<hbm>>
      %dma_wait3A_187 = tpu.memref_slice %arg3[%add3A_150] : memref<320000xi32, #tpu.memory_space<hbm>> -> memref<16xi32, #tpu.memory_space<hbm>>
      tpu.wait_dma2 semaphore(%run_scoped3A : memref<!tpu.dma_semaphore, #tpu.memory_space<semaphore_mem>>) src(%dma_wait3A_187 : memref<16xi32, #tpu.memory_space<hbm>>) dst(%arg18 : memref<16xi32, #tpu.memory_space<vmem>>)
      tpu.yield
    }) : () -> ()
    "tpu.region"() ({
      %run_scoped3A = tpu.sem_alloc : memref<!tpu.dma_semaphore, #tpu.memory_space<semaphore_mem>>
      %dma_start3A_184 = tpu.memref_slice %arg4[%add3A_150] : memref<320000xi32, #tpu.memory_space<hbm>> -> memref<16xi32, #tpu.memory_space<hbm>>
      %dma_start3A_185 = tpu.memref_slice %arg4[%add3A_150] : memref<320000xi32, #tpu.memory_space<hbm>> -> memref<16xi32, #tpu.memory_space<hbm>>
      tpu.enqueue_dma source(%dma_start3A_185 : memref<16xi32, #tpu.memory_space<hbm>>) target(%arg19 : memref<16xi32, #tpu.memory_space<vmem>>) target_semaphore(%run_scoped3A : memref<!tpu.dma_semaphore, #tpu.memory_space<semaphore_mem>>)
      %dma_wait3A_186 = tpu.memref_slice %arg4[%add3A_150] : memref<320000xi32, #tpu.memory_space<hbm>> -> memref<16xi32, #tpu.memory_space<hbm>>
      %dma_wait3A_187 = tpu.memref_slice %arg4[%add3A_150] : memref<320000xi32, #tpu.memory_space<hbm>> -> memref<16xi32, #tpu.memory_space<hbm>>
      tpu.wait_dma2 semaphore(%run_scoped3A : memref<!tpu.dma_semaphore, #tpu.memory_space<semaphore_mem>>) src(%dma_wait3A_187 : memref<16xi32, #tpu.memory_space<hbm>>) dst(%arg19 : memref<16xi32, #tpu.memory_space<vmem>>)
      tpu.yield
    }) : () -> ()
    %dma_start3A_151 = arith.constant 0 : i32
    %dma_start3A_152 = arith.constant 0 : i32
    %dma_start3A_153 = arith.constant 0 : i32
    %dma_start3A_154 = tpu.memref_slice %arg14[%dma_start3A_152, %dma_start3A_153] : memref<64x128xf32, #tpu.memory_space<vmem>> -> memref<16x128xf32, #tpu.memory_space<vmem>>
    %dma_start3A_155 = arith.constant 0 : i32
    %dma_start3A_156 = arith.constant 0 : i32
    %dma_start3A_157 = tpu.memref_slice %arg2[%dma_start3A_155, %dma_start3A_156] : memref<10000x128xf32, #tpu.memory_space<hbm>> -> memref<10000x128xf32, #tpu.memory_space<hbm>>
    %dma_start3A_158 = tpu.memref_slice %arg21[%dma_start3A_151] : memref<2x!tpu.dma_semaphore, #tpu.memory_space<semaphore_mem>> -> memref<1x!tpu.dma_semaphore, #tpu.memory_space<semaphore_mem>>
    %dma_start3A_159 = tpu.memref_squeeze %dma_start3A_158 : memref<1x!tpu.dma_semaphore, #tpu.memory_space<semaphore_mem>> -> memref<!tpu.dma_semaphore, #tpu.memory_space<semaphore_mem>>
    tpu.enqueue_indirect_dma source(%dma_start3A_157 : memref<10000x128xf32, #tpu.memory_space<hbm>>) target(%dma_start3A_154 : memref<16x128xf32, #tpu.memory_space<vmem>>) offsets(%arg18 : memref<16xi32, #tpu.memory_space<vmem>>) semaphore(%dma_start3A_159 : memref<!tpu.dma_semaphore, #tpu.memory_space<semaphore_mem>>)
    %dma_wait3A_160 = arith.constant 0 : i32
    %dma_wait3A_161 = arith.constant 0 : i32
    %dma_wait3A_162 = arith.constant 0 : i32
    %dma_wait3A_163 = tpu.memref_slice %arg14[%dma_wait3A_161, %dma_wait3A_162] : memref<64x128xf32, #tpu.memory_space<vmem>> -> memref<16x128xf32, #tpu.memory_space<vmem>>
    %dma_wait3A_164 = arith.constant 0 : i32
    %dma_wait3A_165 = arith.constant 0 : i32
    %dma_wait3A_166 = tpu.memref_slice %arg2[%dma_wait3A_164, %dma_wait3A_165] : memref<10000x128xf32, #tpu.memory_space<hbm>> -> memref<10000x128xf32, #tpu.memory_space<hbm>>
    %dma_wait3A_167 = tpu.memref_slice %arg21[%dma_wait3A_160] : memref<2x!tpu.dma_semaphore, #tpu.memory_space<semaphore_mem>> -> memref<1x!tpu.dma_semaphore, #tpu.memory_space<semaphore_mem>>
    %dma_wait3A_168 = tpu.memref_squeeze %dma_wait3A_167 : memref<1x!tpu.dma_semaphore, #tpu.memory_space<semaphore_mem>> -> memref<!tpu.dma_semaphore, #tpu.memory_space<semaphore_mem>>
    tpu.wait_indirect_dma semaphore(%dma_wait3A_168 : memref<!tpu.dma_semaphore, #tpu.memory_space<semaphore_mem>>) src(%dma_wait3A_166 : memref<10000x128xf32, #tpu.memory_space<hbm>>) dst(%dma_wait3A_163 : memref<16x128xf32, #tpu.memory_space<vmem>>)
    %mul3A_169 = arith.constant 128 : i32
    %mul3A_170 = arith.muli %add3A_150, %mul3A_169 : i32
    "tpu.region"() ({
      %run_scoped3A = tpu.sem_alloc : memref<!tpu.dma_semaphore, #tpu.memory_space<semaphore_mem>>
      %dma_start3A_184 = arith.constant 0 : i32
      %dma_start3A_185 = tpu.memref_slice %arg16[%dma_start3A_184] : memref<8192xbf16, #tpu.memory_space<vmem>> -> memref<2048xbf16, #tpu.memory_space<vmem>>
      %dma_start3A_186 = tpu.memref_slice %arg6[%mul3A_170] : memref<40960000xbf16, #tpu.memory_space<hbm>> -> memref<2048xbf16, #tpu.memory_space<hbm>>
      %dma_start3A_187 = arith.constant 0 : i32
      %dma_start3A_188 = tpu.memref_slice %arg16[%dma_start3A_187] : memref<8192xbf16, #tpu.memory_space<vmem>> -> memref<2048xbf16, #tpu.memory_space<vmem>>
      %dma_start3A_189 = tpu.memref_slice %arg6[%mul3A_170] : memref<40960000xbf16, #tpu.memory_space<hbm>> -> memref<2048xbf16, #tpu.memory_space<hbm>>
      tpu.enqueue_dma source(%dma_start3A_189 : memref<2048xbf16, #tpu.memory_space<hbm>>) target(%dma_start3A_188 : memref<2048xbf16, #tpu.memory_space<vmem>>) target_semaphore(%run_scoped3A : memref<!tpu.dma_semaphore, #tpu.memory_space<semaphore_mem>>)
      %dma_wait3A_190 = arith.constant 0 : i32
      %dma_wait3A_191 = tpu.memref_slice %arg16[%dma_wait3A_190] : memref<8192xbf16, #tpu.memory_space<vmem>> -> memref<2048xbf16, #tpu.memory_space<vmem>>
      %dma_wait3A_192 = tpu.memref_slice %arg6[%mul3A_170] : memref<40960000xbf16, #tpu.memory_space<hbm>> -> memref<2048xbf16, #tpu.memory_space<hbm>>
      %dma_wait3A_193 = arith.constant 0 : i32
      %dma_wait3A_194 = tpu.memref_slice %arg16[%dma_wait3A_193] : memref<8192xbf16, #tpu.memory_space<vmem>> -> memref<2048xbf16, #tpu.memory_space<vmem>>
      %dma_wait3A_195 = tpu.memref_slice %arg6[%mul3A_170] : memref<40960000xbf16, #tpu.memory_space<hbm>> -> memref<2048xbf16, #tpu.memory_space<hbm>>
      tpu.wait_dma2 semaphore(%run_scoped3A : memref<!tpu.dma_semaphore, #tpu.memory_space<semaphore_mem>>) src(%dma_wait3A_195 : memref<2048xbf16, #tpu.memory_space<hbm>>) dst(%dma_wait3A_194 : memref<2048xbf16, #tpu.memory_space<vmem>>)
      tpu.yield
    }) : () -> ()
    %scan3A_171 = arith.constant 0 : i32
    %scan3A_172 = arith.constant 16 : i32
    %scan3A_173 = arith.addi %scan3A_171, %scan3A_172 : i32
    %scan3A_174 = arith.constant 1 : i32
    scf.for %scan3A_184 = %scan3A_171 to %scan3A_173 step %scan3A_174  : i32 {
      %mul3A_185 = arith.constant 1 : i32
      %mul3A_186 = arith.muli %scan3A_184, %mul3A_185 : i32
      %add3A_187 = arith.constant 0 : i32
      %add3A_188 = arith.addi %add3A_187, %mul3A_186 : i32
      %mul3A_189 = arith.constant 128 : i32
      %mul3A_190 = arith.muli %add3A_188, %mul3A_189 : i32
      %add3A_191 = arith.constant 0 : i32
      %add3A_192 = arith.addi %mul3A_190, %add3A_191 : i32
      %get3A = arith.index_cast %add3A_192 : i32 to index
      %get3A_193 = tpu.vector_load %arg16[%get3A] {strides = array<i32>} : memref<8192xbf16, #tpu.memory_space<vmem>>, vector<16xbf16>,
      %get3A_194 = vector.shape_cast %get3A_193 : vector<16xbf16> to vector<16xbf16>
      %get3A_195 = arith.index_cast %add3A_188 : i32 to index
      %get3A_196 = arith.constant 0 : index
      %get3A_197 = tpu.vector_load %arg14[%get3A_195, %get3A_196] {strides = array<i32>} : memref<64x128xf32, #tpu.memory_space<vmem>>, vector<1x16xf32>,
      %get3A_198 = vector.shape_cast %get3A_197 : vector<1x16xf32> to vector<16xf32>
      %convert_element_type3A_199 = arith.extf %get3A_194 : vector<16xbf16> to vector<16xf32>
      %mul3A_200 = arith.mulf %get3A_198, %convert_element_type3A_199 : vector<16xf32>
      %swap3A = arith.index_cast %add3A_188 : i32 to index
      %swap3A_201 = arith.constant 0 : index
      %swap3A_202 = tpu.vector_load %arg14[%swap3A, %swap3A_201] {strides = array<i32>} : memref<64x128xf32, #tpu.memory_space<vmem>>, vector<1x16xf32>,
      %swap3A_203 = vector.shape_cast %swap3A_202 : vector<1x16xf32> to vector<16xf32>
      %swap3A_204 = vector.shape_cast %mul3A_200 : vector<16xf32> to vector<1x16xf32>
      tpu.vector_store %arg14[%swap3A, %swap3A_201], %swap3A_204 {strides = array<i32>} : memref<64x128xf32, #tpu.memory_space<vmem>>, vector<1x16xf32>,
      %mul3A_205 = arith.constant 128 : i32
      %mul3A_206 = arith.muli %add3A_188, %mul3A_205 : i32
      %add3A_207 = arith.constant 16 : i32
      %add3A_208 = arith.addi %mul3A_206, %add3A_207 : i32
      %get3A_209 = arith.index_cast %add3A_208 : i32 to index
      %get3A_210 = tpu.vector_load %arg16[%get3A_209] {strides = array<i32>} : memref<8192xbf16, #tpu.memory_space<vmem>>, vector<16xbf16>,
      %get3A_211 = vector.shape_cast %get3A_210 : vector<16xbf16> to vector<16xbf16>
      %get3A_212 = arith.index_cast %add3A_188 : i32 to index
      %get3A_213 = arith.constant 16 : index
      %get3A_214 = tpu.vector_load %arg14[%get3A_212, %get3A_213] {strides = array<i32>} : memref<64x128xf32, #tpu.memory_space<vmem>>, vector<1x16xf32>,
      %get3A_215 = vector.shape_cast %get3A_214 : vector<1x16xf32> to vector<16xf32>
      %convert_element_type3A_216 = arith.extf %get3A_211 : vector<16xbf16> to vector<16xf32>
      %mul3A_217 = arith.mulf %get3A_215, %convert_element_type3A_216 : vector<16xf32>
      %swap3A_218 = arith.index_cast %add3A_188 : i32 to index
      %swap3A_219 = arith.constant 16 : index
      %swap3A_220 = tpu.vector_load %arg14[%swap3A_218, %swap3A_219] {strides = array<i32>} : memref<64x128xf32, #tpu.memory_space<vmem>>, vector<1x16xf32>,
      %swap3A_221 = vector.shape_cast %swap3A_220 : vector<1x16xf32> to vector<16xf32>
      %swap3A_222 = vector.shape_cast %mul3A_217 : vector<16xf32> to vector<1x16xf32>
      tpu.vector_store %arg14[%swap3A_218, %swap3A_219], %swap3A_222 {strides = array<i32>} : memref<64x128xf32, #tpu.memory_space<vmem>>, vector<1x16xf32>,
      %mul3A_223 = arith.constant 128 : i32
      %mul3A_224 = arith.muli %add3A_188, %mul3A_223 : i32
      %add3A_225 = arith.constant 32 : i32
      %add3A_226 = arith.addi %mul3A_224, %add3A_225 : i32
      %get3A_227 = arith.index_cast %add3A_226 : i32 to index
      %get3A_228 = tpu.vector_load %arg16[%get3A_227] {strides = array<i32>} : memref<8192xbf16, #tpu.memory_space<vmem>>, vector<16xbf16>,
      %get3A_229 = vector.shape_cast %get3A_228 : vector<16xbf16> to vector<16xbf16>
      %get3A_230 = arith.index_cast %add3A_188 : i32 to index
      %get3A_231 = arith.constant 32 : index
      %get3A_232 = tpu.vector_load %arg14[%get3A_230, %get3A_231] {strides = array<i32>} : memref<64x128xf32, #tpu.memory_space<vmem>>, vector<1x16xf32>,
      %get3A_233 = vector.shape_cast %get3A_232 : vector<1x16xf32> to vector<16xf32>
      %convert_element_type3A_234 = arith.extf %get3A_229 : vector<16xbf16> to vector<16xf32>
      %mul3A_235 = arith.mulf %get3A_233, %convert_element_type3A_234 : vector<16xf32>
      %swap3A_236 = arith.index_cast %add3A_188 : i32 to index
      %swap3A_237 = arith.constant 32 : index
      %swap3A_238 = tpu.vector_load %arg14[%swap3A_236, %swap3A_237] {strides = array<i32>} : memref<64x128xf32, #tpu.memory_space<vmem>>, vector<1x16xf32>,
      %swap3A_239 = vector.shape_cast %swap3A_238 : vector<1x16xf32> to vector<16xf32>
      %swap3A_240 = vector.shape_cast %mul3A_235 : vector<16xf32> to vector<1x16xf32>
      tpu.vector_store %arg14[%swap3A_236, %swap3A_237], %swap3A_240 {strides = array<i32>} : memref<64x128xf32, #tpu.memory_space<vmem>>, vector<1x16xf32>,
      %mul3A_241 = arith.constant 128 : i32
      %mul3A_242 = arith.muli %add3A_188, %mul3A_241 : i32
      %add3A_243 = arith.constant 48 : i32
      %add3A_244 = arith.addi %mul3A_242, %add3A_243 : i32
      %get3A_245 = arith.index_cast %add3A_244 : i32 to index
      %get3A_246 = tpu.vector_load %arg16[%get3A_245] {strides = array<i32>} : memref<8192xbf16, #tpu.memory_space<vmem>>, vector<16xbf16>,
      %get3A_247 = vector.shape_cast %get3A_246 : vector<16xbf16> to vector<16xbf16>
      %get3A_248 = arith.index_cast %add3A_188 : i32 to index
      %get3A_249 = arith.constant 48 : index
      %get3A_250 = tpu.vector_load %arg14[%get3A_248, %get3A_249] {strides = array<i32>} : memref<64x128xf32, #tpu.memory_space<vmem>>, vector<1x16xf32>,
      %get3A_251 = vector.shape_cast %get3A_250 : vector<1x16xf32> to vector<16xf32>
      %convert_element_type3A_252 = arith.extf %get3A_247 : vector<16xbf16> to vector<16xf32>
      %mul3A_253 = arith.mulf %get3A_251, %convert_element_type3A_252 : vector<16xf32>
      %swap3A_254 = arith.index_cast %add3A_188 : i32 to index
      %swap3A_255 = arith.constant 48 : index
      %swap3A_256 = tpu.vector_load %arg14[%swap3A_254, %swap3A_255] {strides = array<i32>} : memref<64x128xf32, #tpu.memory_space<vmem>>, vector<1x16xf32>,
      %swap3A_257 = vector.shape_cast %swap3A_256 : vector<1x16xf32> to vector<16xf32>
      %swap3A_258 = vector.shape_cast %mul3A_253 : vector<16xf32> to vector<1x16xf32>
      tpu.vector_store %arg14[%swap3A_254, %swap3A_255], %swap3A_258 {strides = array<i32>} : memref<64x128xf32, #tpu.memory_space<vmem>>, vector<1x16xf32>,
      %mul3A_259 = arith.constant 128 : i32
      %mul3A_260 = arith.muli %add3A_188, %mul3A_259 : i32
      %add3A_261 = arith.constant 64 : i32
      %add3A_262 = arith.addi %mul3A_260, %add3A_261 : i32
      %get3A_263 = arith.index_cast %add3A_262 : i32 to index
      %get3A_264 = tpu.vector_load %arg16[%get3A_263] {strides = array<i32>} : memref<8192xbf16, #tpu.memory_space<vmem>>, vector<16xbf16>,
      %get3A_265 = vector.shape_cast %get3A_264 : vector<16xbf16> to vector<16xbf16>
      %get3A_266 = arith.index_cast %add3A_188 : i32 to index
      %get3A_267 = arith.constant 64 : index
      %get3A_268 = tpu.vector_load %arg14[%get3A_266, %get3A_267] {strides = array<i32>} : memref<64x128xf32, #tpu.memory_space<vmem>>, vector<1x16xf32>,
      %get3A_269 = vector.shape_cast %get3A_268 : vector<1x16xf32> to vector<16xf32>
      %convert_element_type3A_270 = arith.extf %get3A_265 : vector<16xbf16> to vector<16xf32>
      %mul3A_271 = arith.mulf %get3A_269, %convert_element_type3A_270 : vector<16xf32>
      %swap3A_272 = arith.index_cast %add3A_188 : i32 to index
      %swap3A_273 = arith.constant 64 : index
      %swap3A_274 = tpu.vector_load %arg14[%swap3A_272, %swap3A_273] {strides = array<i32>} : memref<64x128xf32, #tpu.memory_space<vmem>>, vector<1x16xf32>,
      %swap3A_275 = vector.shape_cast %swap3A_274 : vector<1x16xf32> to vector<16xf32>
      %swap3A_276 = vector.shape_cast %mul3A_271 : vector<16xf32> to vector<1x16xf32>
      tpu.vector_store %arg14[%swap3A_272, %swap3A_273], %swap3A_276 {strides = array<i32>} : memref<64x128xf32, #tpu.memory_space<vmem>>, vector<1x16xf32>,
      %mul3A_277 = arith.constant 128 : i32
      %mul3A_278 = arith.muli %add3A_188, %mul3A_277 : i32
      %add3A_279 = arith.constant 80 : i32
      %add3A_280 = arith.addi %mul3A_278, %add3A_279 : i32
      %get3A_281 = arith.index_cast %add3A_280 : i32 to index
      %get3A_282 = tpu.vector_load %arg16[%get3A_281] {strides = array<i32>} : memref<8192xbf16, #tpu.memory_space<vmem>>, vector<16xbf16>,
      %get3A_283 = vector.shape_cast %get3A_282 : vector<16xbf16> to vector<16xbf16>
      %get3A_284 = arith.index_cast %add3A_188 : i32 to index
      %get3A_285 = arith.constant 80 : index
      %get3A_286 = tpu.vector_load %arg14[%get3A_284, %get3A_285] {strides = array<i32>} : memref<64x128xf32, #tpu.memory_space<vmem>>, vector<1x16xf32>,
      %get3A_287 = vector.shape_cast %get3A_286 : vector<1x16xf32> to vector<16xf32>
      %convert_element_type3A_288 = arith.extf %get3A_283 : vector<16xbf16> to vector<16xf32>
      %mul3A_289 = arith.mulf %get3A_287, %convert_element_type3A_288 : vector<16xf32>
      %swap3A_290 = arith.index_cast %add3A_188 : i32 to index
      %swap3A_291 = arith.constant 80 : index
      %swap3A_292 = tpu.vector_load %arg14[%swap3A_290, %swap3A_291] {strides = array<i32>} : memref<64x128xf32, #tpu.memory_space<vmem>>, vector<1x16xf32>,
      %swap3A_293 = vector.shape_cast %swap3A_292 : vector<1x16xf32> to vector<16xf32>
      %swap3A_294 = vector.shape_cast %mul3A_289 : vector<16xf32> to vector<1x16xf32>
      tpu.vector_store %arg14[%swap3A_290, %swap3A_291], %swap3A_294 {strides = array<i32>} : memref<64x128xf32, #tpu.memory_space<vmem>>, vector<1x16xf32>,
      %mul3A_295 = arith.constant 128 : i32
      %mul3A_296 = arith.muli %add3A_188, %mul3A_295 : i32
      %add3A_297 = arith.constant 96 : i32
      %add3A_298 = arith.addi %mul3A_296, %add3A_297 : i32
      %get3A_299 = arith.index_cast %add3A_298 : i32 to index
      %get3A_300 = tpu.vector_load %arg16[%get3A_299] {strides = array<i32>} : memref<8192xbf16, #tpu.memory_space<vmem>>, vector<16xbf16>,
      %get3A_301 = vector.shape_cast %get3A_300 : vector<16xbf16> to vector<16xbf16>
      %get3A_302 = arith.index_cast %add3A_188 : i32 to index
      %get3A_303 = arith.constant 96 : index
      %get3A_304 = tpu.vector_load %arg14[%get3A_302, %get3A_303] {strides = array<i32>} : memref<64x128xf32, #tpu.memory_space<vmem>>, vector<1x16xf32>,
      %get3A_305 = vector.shape_cast %get3A_304 : vector<1x16xf32> to vector<16xf32>
      %convert_element_type3A_306 = arith.extf %get3A_301 : vector<16xbf16> to vector<16xf32>
      %mul3A_307 = arith.mulf %get3A_305, %convert_element_type3A_306 : vector<16xf32>
      %swap3A_308 = arith.index_cast %add3A_188 : i32 to index
      %swap3A_309 = arith.constant 96 : index
      %swap3A_310 = tpu.vector_load %arg14[%swap3A_308, %swap3A_309] {strides = array<i32>} : memref<64x128xf32, #tpu.memory_space<vmem>>, vector<1x16xf32>,
      %swap3A_311 = vector.shape_cast %swap3A_310 : vector<1x16xf32> to vector<16xf32>
      %swap3A_312 = vector.shape_cast %mul3A_307 : vector<16xf32> to vector<1x16xf32>
      tpu.vector_store %arg14[%swap3A_308, %swap3A_309], %swap3A_312 {strides = array<i32>} : memref<64x128xf32, #tpu.memory_space<vmem>>, vector<1x16xf32>,
      %mul3A_313 = arith.constant 128 : i32
      %mul3A_314 = arith.muli %add3A_188, %mul3A_313 : i32
      %add3A_315 = arith.constant 112 : i32
      %add3A_316 = arith.addi %mul3A_314, %add3A_315 : i32
      %get3A_317 = arith.index_cast %add3A_316 : i32 to index
      %get3A_318 = tpu.vector_load %arg16[%get3A_317] {strides = array<i32>} : memref<8192xbf16, #tpu.memory_space<vmem>>, vector<16xbf16>,
      %get3A_319 = vector.shape_cast %get3A_318 : vector<16xbf16> to vector<16xbf16>
      %get3A_320 = arith.index_cast %add3A_188 : i32 to index
      %get3A_321 = arith.constant 112 : index
      %get3A_322 = tpu.vector_load %arg14[%get3A_320, %get3A_321] {strides = array<i32>} : memref<64x128xf32, #tpu.memory_space<vmem>>, vector<1x16xf32>,
      %get3A_323 = vector.shape_cast %get3A_322 : vector<1x16xf32> to vector<16xf32>
      %convert_element_type3A_324 = arith.extf %get3A_319 : vector<16xbf16> to vector<16xf32>
      %mul3A_325 = arith.mulf %get3A_323, %convert_element_type3A_324 : vector<16xf32>
      %swap3A_326 = arith.index_cast %add3A_188 : i32 to index
      %swap3A_327 = arith.constant 112 : index
      %swap3A_328 = tpu.vector_load %arg14[%swap3A_326, %swap3A_327] {strides = array<i32>} : memref<64x128xf32, #tpu.memory_space<vmem>>, vector<1x16xf32>,
      %swap3A_329 = vector.shape_cast %swap3A_328 : vector<1x16xf32> to vector<16xf32>
      %swap3A_330 = vector.shape_cast %mul3A_325 : vector<16xf32> to vector<1x16xf32>
      tpu.vector_store %arg14[%swap3A_326, %swap3A_327], %swap3A_330 {strides = array<i32>} : memref<64x128xf32, #tpu.memory_space<vmem>>, vector<1x16xf32>,
    }
    %scan3A_175 = arith.constant 16 : i32
    "tpu.region"() ({
      %run_scoped3A = tpu.sem_alloc : memref<!tpu.dma_semaphore, #tpu.memory_space<semaphore_mem>>
      %dma_start3A_184 = arith.constant 0 : i32
      %dma_start3A_185 = arith.constant 0 : i32
      %dma_start3A_186 = tpu.memref_slice %arg14[%dma_start3A_184, %dma_start3A_185] : memref<64x128xf32, #tpu.memory_space<vmem>> -> memref<16x128xf32, #tpu.memory_space<vmem>>
      %dma_start3A_187 = arith.constant 0 : i32
      %dma_start3A_188 = arith.constant 0 : i32
      %dma_start3A_189 = tpu.memref_slice %arg9[%dma_start3A_187, %dma_start3A_188] : memref<10112x128xf32, #tpu.memory_space<vmem_shared>> -> memref<10112x128xf32, #tpu.memory_space<vmem_shared>>
      tpu.enqueue_indirect_dma source(%dma_start3A_186 : memref<16x128xf32, #tpu.memory_space<vmem>>) target(%dma_start3A_189 : memref<10112x128xf32, #tpu.memory_space<vmem_shared>>) offsets(%arg19 : memref<16xi32, #tpu.memory_space<vmem>>) semaphore(%run_scoped3A : memref<!tpu.dma_semaphore, #tpu.memory_space<semaphore_mem>>) {add = true}
      %dma_wait3A_190 = arith.constant 0 : i32
      %dma_wait3A_191 = arith.constant 0 : i32
      %dma_wait3A_192 = tpu.memref_slice %arg14[%dma_wait3A_190, %dma_wait3A_191] : memref<64x128xf32, #tpu.memory_space<vmem>> -> memref<16x128xf32, #tpu.memory_space<vmem>>
      %dma_wait3A_193 = arith.constant 0 : i32
      %dma_wait3A_194 = arith.constant 0 : i32
      %dma_wait3A_195 = tpu.memref_slice %arg9[%dma_wait3A_193, %dma_wait3A_194] : memref<10112x128xf32, #tpu.memory_space<vmem_shared>> -> memref<10112x128xf32, #tpu.memory_space<vmem_shared>>
      tpu.wait_indirect_dma semaphore(%run_scoped3A : memref<!tpu.dma_semaphore, #tpu.memory_space<semaphore_mem>>) src(%dma_wait3A_192 : memref<16x128xf32, #tpu.memory_space<vmem>>) dst(%dma_wait3A_195 : memref<10112x128xf32, #tpu.memory_space<vmem_shared>>)
      tpu.yield
    }) : () -> ()
    %barrier3A_176 = arith.constant 0 : index
    tpu.barrier barrier_id(%barrier3A_176)
    %eq3A = arith.constant 0 : i32
    %eq3A_177 = arith.cmpi eq, %arg0, %eq3A : i32
    %convert_element_type3A = arith.extui %eq3A_177 : i1 to i32
    %cond3A = arith.constant 0 : i32
    %cond3A_178 = arith.cmpi ne, %convert_element_type3A, %cond3A : i32
    scf.if %cond3A_178 {
      "tpu.region"() ({
        %run_scoped3A = tpu.sem_alloc : memref<!tpu.dma_semaphore, #tpu.memory_space<semaphore_mem>>
        %dma_start3A_184 = arith.constant 0 : i32
        %dma_start3A_185 = tpu.memref_slice %arg7[%mul3A_0, %dma_start3A_184] : memref<10112x128xf32, #tpu.memory_space<hbm>> -> memref<632x128xf32, #tpu.memory_space<hbm>>
        %dma_start3A_186 = arith.constant 0 : i32
        %dma_start3A_187 = tpu.memref_slice %arg9[%mul3A_0, %dma_start3A_186] : memref<10112x128xf32, #tpu.memory_space<vmem_shared>> -> memref<632x128xf32, #tpu.memory_space<vmem_shared>>
        tpu.enqueue_dma source(%dma_start3A_187 : memref<632x128xf32, #tpu.memory_space<vmem_shared>>) target(%dma_start3A_185 : memref<632x128xf32, #tpu.memory_space<hbm>>) target_semaphore(%run_scoped3A : memref<!tpu.dma_semaphore, #tpu.memory_space<semaphore_mem>>)
        %dma_wait3A_188 = arith.constant 0 : i32
        %dma_wait3A_189 = tpu.memref_slice %arg7[%mul3A_0, %dma_wait3A_188] : memref<10112x128xf32, #tpu.memory_space<hbm>> -> memref<632x128xf32, #tpu.memory_space<hbm>>
        %dma_wait3A_190 = arith.constant 0 : i32
        %dma_wait3A_191 = tpu.memref_slice %arg9[%mul3A_0, %dma_wait3A_190] : memref<10112x128xf32, #tpu.memory_space<vmem_shared>> -> memref<632x128xf32, #tpu.memory_space<vmem_shared>>
        tpu.wait_dma2 semaphore(%run_scoped3A : memref<!tpu.dma_semaphore, #tpu.memory_space<semaphore_mem>>) src(%dma_wait3A_191 : memref<632x128xf32, #tpu.memory_space<vmem_shared>>) dst(%dma_wait3A_189 : memref<632x128xf32, #tpu.memory_space<hbm>>)
        tpu.yield
      }) : () -> ()
    } else {
    }
    %eq3A_179 = arith.constant 1 : i32
    %eq3A_180 = arith.cmpi eq, %arg0, %eq3A_179 : i32
    %convert_element_type3A_181 = arith.extui %eq3A_180 : i1 to i32
    %cond3A_182 = arith.constant 0 : i32
    %cond3A_183 = arith.cmpi ne, %convert_element_type3A_181, %cond3A_182 : i32
    scf.if %cond3A_183 {
      "tpu.region"() ({
        %run_scoped3A = tpu.sem_alloc : memref<!tpu.dma_semaphore, #tpu.memory_space<semaphore_mem>>
        %dma_start3A_184 = arith.constant 0 : i32
        %dma_start3A_185 = tpu.memref_slice %arg8[%mul3A_0, %dma_start3A_184] : memref<10112x128xf32, #tpu.memory_space<hbm>> -> memref<632x128xf32, #tpu.memory_space<hbm>>
        %dma_start3A_186 = arith.constant 0 : i32
        %dma_start3A_187 = tpu.memref_slice %arg9[%mul3A_0, %dma_start3A_186] : memref<10112x128xf32, #tpu.memory_space<vmem_shared>> -> memref<632x128xf32, #tpu.memory_space<vmem_shared>>
        tpu.enqueue_dma source(%dma_start3A_187 : memref<632x128xf32, #tpu.memory_space<vmem_shared>>) target(%dma_start3A_185 : memref<632x128xf32, #tpu.memory_space<hbm>>) target_semaphore(%run_scoped3A : memref<!tpu.dma_semaphore, #tpu.memory_space<semaphore_mem>>)
        %dma_wait3A_188 = arith.constant 0 : i32
        %dma_wait3A_189 = tpu.memref_slice %arg8[%mul3A_0, %dma_wait3A_188] : memref<10112x128xf32, #tpu.memory_space<hbm>> -> memref<632x128xf32, #tpu.memory_space<hbm>>
        %dma_wait3A_190 = arith.constant 0 : i32
        %dma_wait3A_191 = tpu.memref_slice %arg9[%mul3A_0, %dma_wait3A_190] : memref<10112x128xf32, #tpu.memory_space<vmem_shared>> -> memref<632x128xf32, #tpu.memory_space<vmem_shared>>
        tpu.wait_dma2 semaphore(%run_scoped3A : memref<!tpu.dma_semaphore, #tpu.memory_space<semaphore_mem>>) src(%dma_wait3A_191 : memref<632x128xf32, #tpu.memory_space<vmem_shared>>) dst(%dma_wait3A_189 : memref<632x128xf32, #tpu.memory_space<hbm>>)
        tpu.yield
      }) : () -> ()
    } else {
    }
    return
  }
}

#map = affine_map<(d0, d1) -> (0, 0)>
#map1 = affine_map<(d0, d1) -> (0)>
module attributes {stable_mosaic.version = 14 : i64} {
  func.func @sc_kernel(%arg0: i32, %arg1: i32, %arg2: memref<160000x128xf32, #tpu.memory_space<hbm>>, %arg3: memref<320000xi32, #tpu.memory_space<hbm>>, %arg4: memref<320000xi32, #tpu.memory_space<hbm>>, %arg5: memref<10112x128xf32, #tpu.memory_space<hbm>>, %arg6: memref<1024xbf16, #tpu.memory_space<hbm>>, %arg7: memref<10112x128xf32, #tpu.memory_space<hbm>>, %arg8: memref<10112x128xf32, #tpu.memory_space<hbm>>, %arg9: memref<10112x128xf32, #tpu.memory_space<vmem_shared>>, %arg10: memref<128xi32, #tpu.memory_space<vmem>>, %arg11: memref<128xi32, #tpu.memory_space<vmem>>, %arg12: memref<128xi32, #tpu.memory_space<vmem>>, %arg13: memref<128xi32, #tpu.memory_space<vmem>>, %arg14: memref<128x128xf32, #tpu.memory_space<vmem>>, %arg15: memref<128x128xf32, #tpu.memory_space<vmem>>, %arg16: memref<16384xbf16, #tpu.memory_space<vmem>>, %arg17: memref<16384xbf16, #tpu.memory_space<vmem>>, %arg18: memref<16xi32, #tpu.memory_space<vmem>>, %arg19: memref<16xi32, #tpu.memory_space<vmem>>, %arg20: memref<2x!tpu.dma_semaphore, #tpu.memory_space<semaphore_mem>>, %arg21: memref<2x!tpu.dma_semaphore, #tpu.memory_space<semaphore_mem>>, %arg22: memref<2x!tpu.dma_semaphore, #tpu.memory_space<semaphore_mem>>, %arg23: memref<2x!tpu.dma_semaphore, #tpu.memory_space<semaphore_mem>>) attributes {dimension_semantics = [#tpu.dimension_semantics<core_parallel>, #tpu.dimension_semantics<subcore_parallel>], iteration_bounds = array<i64: 2, 16>, scalar_prefetch = 0 : i64, scratch_operands = 15 : i64, tpu.core_type = #tpu.core_type<sc_vector_subcore>, window_params = [{transform_indices = #map}, {transform_indices = #map1}, {transform_indices = #map1}, {transform_indices = #map}, {transform_indices = #map1}, {transform_indices = #map}, {transform_indices = #map}]} {
    %mul3A = arith.constant 632 : i32
    %mul3A_0 = arith.muli %arg1, %mul3A : i32
    "tpu.region"() ({
      %run_scoped3A = tpu.sem_alloc : memref<!tpu.dma_semaphore, #tpu.memory_space<semaphore_mem>>
      %dma_start3A_135 = arith.constant 0 : i32
      %dma_start3A_136 = tpu.memref_slice %arg9[%mul3A_0, %dma_start3A_135] : memref<10112x128xf32, #tpu.memory_space<vmem_shared>> -> memref<632x128xf32, #tpu.memory_space<vmem_shared>>
      %dma_start3A_137 = arith.constant 0 : i32
      %dma_start3A_138 = tpu.memref_slice %arg5[%mul3A_0, %dma_start3A_137] : memref<10112x128xf32, #tpu.memory_space<hbm>> -> memref<632x128xf32, #tpu.memory_space<hbm>>
      tpu.enqueue_dma source(%dma_start3A_138 : memref<632x128xf32, #tpu.memory_space<hbm>>) target(%dma_start3A_136 : memref<632x128xf32, #tpu.memory_space<vmem_shared>>) target_semaphore(%run_scoped3A : memref<!tpu.dma_semaphore, #tpu.memory_space<semaphore_mem>>)
      %dma_wait3A_139 = arith.constant 0 : i32
      %dma_wait3A_140 = tpu.memref_slice %arg9[%mul3A_0, %dma_wait3A_139] : memref<10112x128xf32, #tpu.memory_space<vmem_shared>> -> memref<632x128xf32, #tpu.memory_space<vmem_shared>>
      %dma_wait3A_141 = arith.constant 0 : i32
      %dma_wait3A_142 = tpu.memref_slice %arg5[%mul3A_0, %dma_wait3A_141] : memref<10112x128xf32, #tpu.memory_space<hbm>> -> memref<632x128xf32, #tpu.memory_space<hbm>>
      tpu.wait_dma2 semaphore(%run_scoped3A : memref<!tpu.dma_semaphore, #tpu.memory_space<semaphore_mem>>) src(%dma_wait3A_142 : memref<632x128xf32, #tpu.memory_space<hbm>>) dst(%dma_wait3A_140 : memref<632x128xf32, #tpu.memory_space<vmem_shared>>)
      tpu.yield
    }) : () -> ()
    %mul3A_1 = arith.constant 16 : i32
    %mul3A_2 = arith.muli %arg0, %mul3A_1 : i32
    %add3A = arith.addi %mul3A_2, %arg1 : i32
    %mul3A_3 = arith.constant 10000 : i32
    %mul3A_4 = arith.muli %add3A, %mul3A_3 : i32
    %add3A_5 = arith.constant 0 : i32
    %add3A_6 = arith.addi %mul3A_4, %add3A_5 : i32
    %dma_start3A = arith.constant 0 : i32
    %dma_start3A_7 = tpu.memref_slice %arg3[%add3A_6] : memref<320000xi32, #tpu.memory_space<hbm>> -> memref<128xi32, #tpu.memory_space<hbm>>
    %dma_start3A_8 = tpu.memref_slice %arg20[%dma_start3A] : memref<2x!tpu.dma_semaphore, #tpu.memory_space<semaphore_mem>> -> memref<1x!tpu.dma_semaphore, #tpu.memory_space<semaphore_mem>>
    %dma_start3A_9 = tpu.memref_squeeze %dma_start3A_8 : memref<1x!tpu.dma_semaphore, #tpu.memory_space<semaphore_mem>> -> memref<!tpu.dma_semaphore, #tpu.memory_space<semaphore_mem>>
    %dma_start3A_10 = tpu.memref_slice %arg3[%add3A_6] : memref<320000xi32, #tpu.memory_space<hbm>> -> memref<128xi32, #tpu.memory_space<hbm>>
    tpu.enqueue_dma source(%dma_start3A_10 : memref<128xi32, #tpu.memory_space<hbm>>) target(%arg10 : memref<128xi32, #tpu.memory_space<vmem>>) target_semaphore(%dma_start3A_9 : memref<!tpu.dma_semaphore, #tpu.memory_space<semaphore_mem>>)
    %dma_start3A_11 = arith.constant 0 : i32
    %dma_start3A_12 = tpu.memref_slice %arg4[%add3A_6] : memref<320000xi32, #tpu.memory_space<hbm>> -> memref<128xi32, #tpu.memory_space<hbm>>
    %dma_start3A_13 = tpu.memref_slice %arg20[%dma_start3A_11] : memref<2x!tpu.dma_semaphore, #tpu.memory_space<semaphore_mem>> -> memref<1x!tpu.dma_semaphore, #tpu.memory_space<semaphore_mem>>
    %dma_start3A_14 = tpu.memref_squeeze %dma_start3A_13 : memref<1x!tpu.dma_semaphore, #tpu.memory_space<semaphore_mem>> -> memref<!tpu.dma_semaphore, #tpu.memory_space<semaphore_mem>>
    %dma_start3A_15 = tpu.memref_slice %arg4[%add3A_6] : memref<320000xi32, #tpu.memory_space<hbm>> -> memref<128xi32, #tpu.memory_space<hbm>>
    tpu.enqueue_dma source(%dma_start3A_15 : memref<128xi32, #tpu.memory_space<hbm>>) target(%arg12 : memref<128xi32, #tpu.memory_space<vmem>>) target_semaphore(%dma_start3A_14 : memref<!tpu.dma_semaphore, #tpu.memory_space<semaphore_mem>>)
    %add3A_16 = arith.constant 128 : i32
    %add3A_17 = arith.addi %mul3A_4, %add3A_16 : i32
    %dma_start3A_18 = arith.constant 1 : i32
    %dma_start3A_19 = tpu.memref_slice %arg3[%add3A_17] : memref<320000xi32, #tpu.memory_space<hbm>> -> memref<128xi32, #tpu.memory_space<hbm>>
    %dma_start3A_20 = tpu.memref_slice %arg20[%dma_start3A_18] : memref<2x!tpu.dma_semaphore, #tpu.memory_space<semaphore_mem>> -> memref<1x!tpu.dma_semaphore, #tpu.memory_space<semaphore_mem>>
    %dma_start3A_21 = tpu.memref_squeeze %dma_start3A_20 : memref<1x!tpu.dma_semaphore, #tpu.memory_space<semaphore_mem>> -> memref<!tpu.dma_semaphore, #tpu.memory_space<semaphore_mem>>
    %dma_start3A_22 = tpu.memref_slice %arg3[%add3A_17] : memref<320000xi32, #tpu.memory_space<hbm>> -> memref<128xi32, #tpu.memory_space<hbm>>
    tpu.enqueue_dma source(%dma_start3A_22 : memref<128xi32, #tpu.memory_space<hbm>>) target(%arg11 : memref<128xi32, #tpu.memory_space<vmem>>) target_semaphore(%dma_start3A_21 : memref<!tpu.dma_semaphore, #tpu.memory_space<semaphore_mem>>)
    %dma_start3A_23 = arith.constant 1 : i32
    %dma_start3A_24 = tpu.memref_slice %arg4[%add3A_17] : memref<320000xi32, #tpu.memory_space<hbm>> -> memref<128xi32, #tpu.memory_space<hbm>>
    %dma_start3A_25 = tpu.memref_slice %arg20[%dma_start3A_23] : memref<2x!tpu.dma_semaphore, #tpu.memory_space<semaphore_mem>> -> memref<1x!tpu.dma_semaphore, #tpu.memory_space<semaphore_mem>>
    %dma_start3A_26 = tpu.memref_squeeze %dma_start3A_25 : memref<1x!tpu.dma_semaphore, #tpu.memory_space<semaphore_mem>> -> memref<!tpu.dma_semaphore, #tpu.memory_space<semaphore_mem>>
    %dma_start3A_27 = tpu.memref_slice %arg4[%add3A_17] : memref<320000xi32, #tpu.memory_space<hbm>> -> memref<128xi32, #tpu.memory_space<hbm>>
    tpu.enqueue_dma source(%dma_start3A_27 : memref<128xi32, #tpu.memory_space<hbm>>) target(%arg13 : memref<128xi32, #tpu.memory_space<vmem>>) target_semaphore(%dma_start3A_26 : memref<!tpu.dma_semaphore, #tpu.memory_space<semaphore_mem>>)
    %dma_wait3A = arith.constant 0 : i32
    %dma_wait3A_28 = arith.constant 0 : i32
    %dma_wait3A_29 = tpu.memref_slice %arg3[%dma_wait3A_28] : memref<320000xi32, #tpu.memory_space<hbm>> -> memref<128xi32, #tpu.memory_space<hbm>>
    %dma_wait3A_30 = tpu.memref_slice %arg20[%dma_wait3A] : memref<2x!tpu.dma_semaphore, #tpu.memory_space<semaphore_mem>> -> memref<1x!tpu.dma_semaphore, #tpu.memory_space<semaphore_mem>>
    %dma_wait3A_31 = tpu.memref_squeeze %dma_wait3A_30 : memref<1x!tpu.dma_semaphore, #tpu.memory_space<semaphore_mem>> -> memref<!tpu.dma_semaphore, #tpu.memory_space<semaphore_mem>>
    %dma_wait3A_32 = arith.constant 0 : i32
    %dma_wait3A_33 = tpu.memref_slice %arg3[%dma_wait3A_32] : memref<320000xi32, #tpu.memory_space<hbm>> -> memref<128xi32, #tpu.memory_space<hbm>>
    tpu.wait_dma2 semaphore(%dma_wait3A_31 : memref<!tpu.dma_semaphore, #tpu.memory_space<semaphore_mem>>) src(%dma_wait3A_33 : memref<128xi32, #tpu.memory_space<hbm>>) dst(%arg10 : memref<128xi32, #tpu.memory_space<vmem>>)
    %dma_wait3A_34 = arith.constant 0 : i32
    %dma_wait3A_35 = arith.constant 0 : i32
    %dma_wait3A_36 = tpu.memref_slice %arg4[%dma_wait3A_35] : memref<320000xi32, #tpu.memory_space<hbm>> -> memref<128xi32, #tpu.memory_space<hbm>>
    %dma_wait3A_37 = tpu.memref_slice %arg20[%dma_wait3A_34] : memref<2x!tpu.dma_semaphore, #tpu.memory_space<semaphore_mem>> -> memref<1x!tpu.dma_semaphore, #tpu.memory_space<semaphore_mem>>
    %dma_wait3A_38 = tpu.memref_squeeze %dma_wait3A_37 : memref<1x!tpu.dma_semaphore, #tpu.memory_space<semaphore_mem>> -> memref<!tpu.dma_semaphore, #tpu.memory_space<semaphore_mem>>
    %dma_wait3A_39 = arith.constant 0 : i32
    %dma_wait3A_40 = tpu.memref_slice %arg4[%dma_wait3A_39] : memref<320000xi32, #tpu.memory_space<hbm>> -> memref<128xi32, #tpu.memory_space<hbm>>
    tpu.wait_dma2 semaphore(%dma_wait3A_38 : memref<!tpu.dma_semaphore, #tpu.memory_space<semaphore_mem>>) src(%dma_wait3A_40 : memref<128xi32, #tpu.memory_space<hbm>>) dst(%arg12 : memref<128xi32, #tpu.memory_space<vmem>>)
    %dma_start3A_41 = arith.constant 0 : i32
    %dma_start3A_42 = arith.constant 0 : i32
    %dma_start3A_43 = arith.constant 0 : i32
    %dma_start3A_44 = tpu.memref_slice %arg2[%dma_start3A_42, %dma_start3A_43] : memref<160000x128xf32, #tpu.memory_space<hbm>> -> memref<160000x128xf32, #tpu.memory_space<hbm>>
    %dma_start3A_45 = tpu.memref_slice %arg21[%dma_start3A_41] : memref<2x!tpu.dma_semaphore, #tpu.memory_space<semaphore_mem>> -> memref<1x!tpu.dma_semaphore, #tpu.memory_space<semaphore_mem>>
    %dma_start3A_46 = tpu.memref_squeeze %dma_start3A_45 : memref<1x!tpu.dma_semaphore, #tpu.memory_space<semaphore_mem>> -> memref<!tpu.dma_semaphore, #tpu.memory_space<semaphore_mem>>
    tpu.enqueue_indirect_dma source(%dma_start3A_44 : memref<160000x128xf32, #tpu.memory_space<hbm>>) target(%arg14 : memref<128x128xf32, #tpu.memory_space<vmem>>) offsets(%arg10 : memref<128xi32, #tpu.memory_space<vmem>>) semaphore(%dma_start3A_46 : memref<!tpu.dma_semaphore, #tpu.memory_space<semaphore_mem>>)
    %barrier3A = arith.constant 0 : index
    tpu.barrier barrier_id(%barrier3A)
    %dma_wait3A_47 = arith.constant 1 : i32
    %dma_wait3A_48 = arith.constant 0 : i32
    %dma_wait3A_49 = tpu.memref_slice %arg3[%dma_wait3A_48] : memref<320000xi32, #tpu.memory_space<hbm>> -> memref<128xi32, #tpu.memory_space<hbm>>
    %dma_wait3A_50 = tpu.memref_slice %arg20[%dma_wait3A_47] : memref<2x!tpu.dma_semaphore, #tpu.memory_space<semaphore_mem>> -> memref<1x!tpu.dma_semaphore, #tpu.memory_space<semaphore_mem>>
    %dma_wait3A_51 = tpu.memref_squeeze %dma_wait3A_50 : memref<1x!tpu.dma_semaphore, #tpu.memory_space<semaphore_mem>> -> memref<!tpu.dma_semaphore, #tpu.memory_space<semaphore_mem>>
    %dma_wait3A_52 = arith.constant 0 : i32
    %dma_wait3A_53 = tpu.memref_slice %arg3[%dma_wait3A_52] : memref<320000xi32, #tpu.memory_space<hbm>> -> memref<128xi32, #tpu.memory_space<hbm>>
    tpu.wait_dma2 semaphore(%dma_wait3A_51 : memref<!tpu.dma_semaphore, #tpu.memory_space<semaphore_mem>>) src(%dma_wait3A_53 : memref<128xi32, #tpu.memory_space<hbm>>) dst(%arg11 : memref<128xi32, #tpu.memory_space<vmem>>)
    %dma_wait3A_54 = arith.constant 1 : i32
    %dma_wait3A_55 = arith.constant 0 : i32
    %dma_wait3A_56 = tpu.memref_slice %arg4[%dma_wait3A_55] : memref<320000xi32, #tpu.memory_space<hbm>> -> memref<128xi32, #tpu.memory_space<hbm>>
    %dma_wait3A_57 = tpu.memref_slice %arg20[%dma_wait3A_54] : memref<2x!tpu.dma_semaphore, #tpu.memory_space<semaphore_mem>> -> memref<1x!tpu.dma_semaphore, #tpu.memory_space<semaphore_mem>>
    %dma_wait3A_58 = tpu.memref_squeeze %dma_wait3A_57 : memref<1x!tpu.dma_semaphore, #tpu.memory_space<semaphore_mem>> -> memref<!tpu.dma_semaphore, #tpu.memory_space<semaphore_mem>>
    %dma_wait3A_59 = arith.constant 0 : i32
    %dma_wait3A_60 = tpu.memref_slice %arg4[%dma_wait3A_59] : memref<320000xi32, #tpu.memory_space<hbm>> -> memref<128xi32, #tpu.memory_space<hbm>>
    tpu.wait_dma2 semaphore(%dma_wait3A_58 : memref<!tpu.dma_semaphore, #tpu.memory_space<semaphore_mem>>) src(%dma_wait3A_60 : memref<128xi32, #tpu.memory_space<hbm>>) dst(%arg13 : memref<128xi32, #tpu.memory_space<vmem>>)
    %dma_start3A_61 = arith.constant 1 : i32
    %dma_start3A_62 = arith.constant 0 : i32
    %dma_start3A_63 = arith.constant 0 : i32
    %dma_start3A_64 = tpu.memref_slice %arg2[%dma_start3A_62, %dma_start3A_63] : memref<160000x128xf32, #tpu.memory_space<hbm>> -> memref<160000x128xf32, #tpu.memory_space<hbm>>
    %dma_start3A_65 = tpu.memref_slice %arg21[%dma_start3A_61] : memref<2x!tpu.dma_semaphore, #tpu.memory_space<semaphore_mem>> -> memref<1x!tpu.dma_semaphore, #tpu.memory_space<semaphore_mem>>
    %dma_start3A_66 = tpu.memref_squeeze %dma_start3A_65 : memref<1x!tpu.dma_semaphore, #tpu.memory_space<semaphore_mem>> -> memref<!tpu.dma_semaphore, #tpu.memory_space<semaphore_mem>>
    tpu.enqueue_indirect_dma source(%dma_start3A_64 : memref<160000x128xf32, #tpu.memory_space<hbm>>) target(%arg15 : memref<128x128xf32, #tpu.memory_space<vmem>>) offsets(%arg11 : memref<128xi32, #tpu.memory_space<vmem>>) semaphore(%dma_start3A_66 : memref<!tpu.dma_semaphore, #tpu.memory_space<semaphore_mem>>)
    %scan3A = arith.constant 0 : i32
    %scan3A_67 = arith.constant 38 : i32
    %scan3A_68 = arith.addi %scan3A, %scan3A_67 : i32
    %scan3A_69 = arith.constant 1 : i32
    scf.for %scan3A_135 = %scan3A to %scan3A_68 step %scan3A_69  : i32 {
      %mul3A_136 = arith.constant 1 : i32
      %mul3A_137 = arith.muli %scan3A_135, %mul3A_136 : i32
      %add3A_138 = arith.constant 0 : i32
      %add3A_139 = arith.addi %add3A_138, %mul3A_137 : i32
      %mul3A_140 = arith.constant 2 : i32
      %mul3A_141 = arith.muli %add3A_139, %mul3A_140 : i32
      %dma_wait3A_142 = arith.constant 0 : i32
      %dma_wait3A_143 = arith.constant 0 : i32
      %dma_wait3A_144 = arith.constant 0 : i32
      %dma_wait3A_145 = tpu.memref_slice %arg2[%dma_wait3A_143, %dma_wait3A_144] : memref<160000x128xf32, #tpu.memory_space<hbm>> -> memref<160000x128xf32, #tpu.memory_space<hbm>>
      %dma_wait3A_146 = tpu.memref_slice %arg21[%dma_wait3A_142] : memref<2x!tpu.dma_semaphore, #tpu.memory_space<semaphore_mem>> -> memref<1x!tpu.dma_semaphore, #tpu.memory_space<semaphore_mem>>
      %dma_wait3A_147 = tpu.memref_squeeze %dma_wait3A_146 : memref<1x!tpu.dma_semaphore, #tpu.memory_space<semaphore_mem>> -> memref<!tpu.dma_semaphore, #tpu.memory_space<semaphore_mem>>
      tpu.wait_indirect_dma semaphore(%dma_wait3A_147 : memref<!tpu.dma_semaphore, #tpu.memory_space<semaphore_mem>>) src(%dma_wait3A_145 : memref<160000x128xf32, #tpu.memory_space<hbm>>) dst(%arg14 : memref<128x128xf32, #tpu.memory_space<vmem>>)
      %dma_start3A_148 = arith.constant 0 : i32
      %dma_start3A_149 = arith.constant 0 : i32
      %dma_start3A_150 = arith.constant 0 : i32
      %dma_start3A_151 = tpu.memref_slice %arg9[%dma_start3A_149, %dma_start3A_150] : memref<10112x128xf32, #tpu.memory_space<vmem_shared>> -> memref<10112x128xf32, #tpu.memory_space<vmem_shared>>
      %dma_start3A_152 = tpu.memref_slice %arg23[%dma_start3A_148] : memref<2x!tpu.dma_semaphore, #tpu.memory_space<semaphore_mem>> -> memref<1x!tpu.dma_semaphore, #tpu.memory_space<semaphore_mem>>
      %dma_start3A_153 = tpu.memref_squeeze %dma_start3A_152 : memref<1x!tpu.dma_semaphore, #tpu.memory_space<semaphore_mem>> -> memref<!tpu.dma_semaphore, #tpu.memory_space<semaphore_mem>>
      tpu.enqueue_indirect_dma source(%arg14 : memref<128x128xf32, #tpu.memory_space<vmem>>) target(%dma_start3A_151 : memref<10112x128xf32, #tpu.memory_space<vmem_shared>>) offsets(%arg12 : memref<128xi32, #tpu.memory_space<vmem>>) semaphore(%dma_start3A_153 : memref<!tpu.dma_semaphore, #tpu.memory_space<semaphore_mem>>) {add = true}
      %dma_wait3A_154 = arith.constant 0 : i32
      %dma_wait3A_155 = arith.constant 0 : i32
      %dma_wait3A_156 = arith.constant 0 : i32
      %dma_wait3A_157 = tpu.memref_slice %arg9[%dma_wait3A_155, %dma_wait3A_156] : memref<10112x128xf32, #tpu.memory_space<vmem_shared>> -> memref<10112x128xf32, #tpu.memory_space<vmem_shared>>
      %dma_wait3A_158 = tpu.memref_slice %arg23[%dma_wait3A_154] : memref<2x!tpu.dma_semaphore, #tpu.memory_space<semaphore_mem>> -> memref<1x!tpu.dma_semaphore, #tpu.memory_space<semaphore_mem>>
      %dma_wait3A_159 = tpu.memref_squeeze %dma_wait3A_158 : memref<1x!tpu.dma_semaphore, #tpu.memory_space<semaphore_mem>> -> memref<!tpu.dma_semaphore, #tpu.memory_space<semaphore_mem>>
      tpu.wait_indirect_dma semaphore(%dma_wait3A_159 : memref<!tpu.dma_semaphore, #tpu.memory_space<semaphore_mem>>) src(%arg14 : memref<128x128xf32, #tpu.memory_space<vmem>>) dst(%dma_wait3A_157 : memref<10112x128xf32, #tpu.memory_space<vmem_shared>>)
      %add3A_160 = arith.constant 2 : i32
      %add3A_161 = arith.addi %mul3A_141, %add3A_160 : i32
      %mul3A_162 = arith.constant 128 : i32
      %mul3A_163 = arith.muli %add3A_161, %mul3A_162 : i32
      %add3A_164 = arith.addi %mul3A_4, %mul3A_163 : i32
      %dma_start3A_165 = arith.constant 0 : i32
      %dma_start3A_166 = tpu.memref_slice %arg3[%add3A_164] : memref<320000xi32, #tpu.memory_space<hbm>> -> memref<128xi32, #tpu.memory_space<hbm>>
      %dma_start3A_167 = tpu.memref_slice %arg20[%dma_start3A_165] : memref<2x!tpu.dma_semaphore, #tpu.memory_space<semaphore_mem>> -> memref<1x!tpu.dma_semaphore, #tpu.memory_space<semaphore_mem>>
      %dma_start3A_168 = tpu.memref_squeeze %dma_start3A_167 : memref<1x!tpu.dma_semaphore, #tpu.memory_space<semaphore_mem>> -> memref<!tpu.dma_semaphore, #tpu.memory_space<semaphore_mem>>
      %dma_start3A_169 = tpu.memref_slice %arg3[%add3A_164] : memref<320000xi32, #tpu.memory_space<hbm>> -> memref<128xi32, #tpu.memory_space<hbm>>
      tpu.enqueue_dma source(%dma_start3A_169 : memref<128xi32, #tpu.memory_space<hbm>>) target(%arg10 : memref<128xi32, #tpu.memory_space<vmem>>) target_semaphore(%dma_start3A_168 : memref<!tpu.dma_semaphore, #tpu.memory_space<semaphore_mem>>)
      %dma_start3A_170 = arith.constant 0 : i32
      %dma_start3A_171 = tpu.memref_slice %arg4[%add3A_164] : memref<320000xi32, #tpu.memory_space<hbm>> -> memref<128xi32, #tpu.memory_space<hbm>>
      %dma_start3A_172 = tpu.memref_slice %arg20[%dma_start3A_170] : memref<2x!tpu.dma_semaphore, #tpu.memory_space<semaphore_mem>> -> memref<1x!tpu.dma_semaphore, #tpu.memory_space<semaphore_mem>>
      %dma_start3A_173 = tpu.memref_squeeze %dma_start3A_172 : memref<1x!tpu.dma_semaphore, #tpu.memory_space<semaphore_mem>> -> memref<!tpu.dma_semaphore, #tpu.memory_space<semaphore_mem>>
      %dma_start3A_174 = tpu.memref_slice %arg4[%add3A_164] : memref<320000xi32, #tpu.memory_space<hbm>> -> memref<128xi32, #tpu.memory_space<hbm>>
      tpu.enqueue_dma source(%dma_start3A_174 : memref<128xi32, #tpu.memory_space<hbm>>) target(%arg12 : memref<128xi32, #tpu.memory_space<vmem>>) target_semaphore(%dma_start3A_173 : memref<!tpu.dma_semaphore, #tpu.memory_space<semaphore_mem>>)
      %dma_wait3A_175 = arith.constant 0 : i32
      %dma_wait3A_176 = arith.constant 0 : i32
      %dma_wait3A_177 = tpu.memref_slice %arg3[%dma_wait3A_176] : memref<320000xi32, #tpu.memory_space<hbm>> -> memref<128xi32, #tpu.memory_space<hbm>>
      %dma_wait3A_178 = tpu.memref_slice %arg20[%dma_wait3A_175] : memref<2x!tpu.dma_semaphore, #tpu.memory_space<semaphore_mem>> -> memref<1x!tpu.dma_semaphore, #tpu.memory_space<semaphore_mem>>
      %dma_wait3A_179 = tpu.memref_squeeze %dma_wait3A_178 : memref<1x!tpu.dma_semaphore, #tpu.memory_space<semaphore_mem>> -> memref<!tpu.dma_semaphore, #tpu.memory_space<semaphore_mem>>
      %dma_wait3A_180 = arith.constant 0 : i32
      %dma_wait3A_181 = tpu.memref_slice %arg3[%dma_wait3A_180] : memref<320000xi32, #tpu.memory_space<hbm>> -> memref<128xi32, #tpu.memory_space<hbm>>
      tpu.wait_dma2 semaphore(%dma_wait3A_179 : memref<!tpu.dma_semaphore, #tpu.memory_space<semaphore_mem>>) src(%dma_wait3A_181 : memref<128xi32, #tpu.memory_space<hbm>>) dst(%arg10 : memref<128xi32, #tpu.memory_space<vmem>>)
      %dma_wait3A_182 = arith.constant 0 : i32
      %dma_wait3A_183 = arith.constant 0 : i32
      %dma_wait3A_184 = tpu.memref_slice %arg4[%dma_wait3A_183] : memref<320000xi32, #tpu.memory_space<hbm>> -> memref<128xi32, #tpu.memory_space<hbm>>
      %dma_wait3A_185 = tpu.memref_slice %arg20[%dma_wait3A_182] : memref<2x!tpu.dma_semaphore, #tpu.memory_space<semaphore_mem>> -> memref<1x!tpu.dma_semaphore, #tpu.memory_space<semaphore_mem>>
      %dma_wait3A_186 = tpu.memref_squeeze %dma_wait3A_185 : memref<1x!tpu.dma_semaphore, #tpu.memory_space<semaphore_mem>> -> memref<!tpu.dma_semaphore, #tpu.memory_space<semaphore_mem>>
      %dma_wait3A_187 = arith.constant 0 : i32
      %dma_wait3A_188 = tpu.memref_slice %arg4[%dma_wait3A_187] : memref<320000xi32, #tpu.memory_space<hbm>> -> memref<128xi32, #tpu.memory_space<hbm>>
      tpu.wait_dma2 semaphore(%dma_wait3A_186 : memref<!tpu.dma_semaphore, #tpu.memory_space<semaphore_mem>>) src(%dma_wait3A_188 : memref<128xi32, #tpu.memory_space<hbm>>) dst(%arg12 : memref<128xi32, #tpu.memory_space<vmem>>)
      %add3A_189 = arith.constant 2 : i32
      %add3A_190 = arith.addi %mul3A_141, %add3A_189 : i32
      %dma_start3A_191 = arith.constant 0 : i32
      %dma_start3A_192 = arith.constant 0 : i32
      %dma_start3A_193 = arith.constant 0 : i32
      %dma_start3A_194 = tpu.memref_slice %arg2[%dma_start3A_192, %dma_start3A_193] : memref<160000x128xf32, #tpu.memory_space<hbm>> -> memref<160000x128xf32, #tpu.memory_space<hbm>>
      %dma_start3A_195 = tpu.memref_slice %arg21[%dma_start3A_191] : memref<2x!tpu.dma_semaphore, #tpu.memory_space<semaphore_mem>> -> memref<1x!tpu.dma_semaphore, #tpu.memory_space<semaphore_mem>>
      %dma_start3A_196 = tpu.memref_squeeze %dma_start3A_195 : memref<1x!tpu.dma_semaphore, #tpu.memory_space<semaphore_mem>> -> memref<!tpu.dma_semaphore, #tpu.memory_space<semaphore_mem>>
      tpu.enqueue_indirect_dma source(%dma_start3A_194 : memref<160000x128xf32, #tpu.memory_space<hbm>>) target(%arg14 : memref<128x128xf32, #tpu.memory_space<vmem>>) offsets(%arg10 : memref<128xi32, #tpu.memory_space<vmem>>) semaphore(%dma_start3A_196 : memref<!tpu.dma_semaphore, #tpu.memory_space<semaphore_mem>>)
      %add3A_197 = arith.constant 1 : i32
      %add3A_198 = arith.addi %mul3A_141, %add3A_197 : i32
      %dma_wait3A_199 = arith.constant 1 : i32
      %dma_wait3A_200 = arith.constant 0 : i32
      %dma_wait3A_201 = arith.constant 0 : i32
      %dma_wait3A_202 = tpu.memref_slice %arg2[%dma_wait3A_200, %dma_wait3A_201] : memref<160000x128xf32, #tpu.memory_space<hbm>> -> memref<160000x128xf32, #tpu.memory_space<hbm>>
      %dma_wait3A_203 = tpu.memref_slice %arg21[%dma_wait3A_199] : memref<2x!tpu.dma_semaphore, #tpu.memory_space<semaphore_mem>> -> memref<1x!tpu.dma_semaphore, #tpu.memory_space<semaphore_mem>>
      %dma_wait3A_204 = tpu.memref_squeeze %dma_wait3A_203 : memref<1x!tpu.dma_semaphore, #tpu.memory_space<semaphore_mem>> -> memref<!tpu.dma_semaphore, #tpu.memory_space<semaphore_mem>>
      tpu.wait_indirect_dma semaphore(%dma_wait3A_204 : memref<!tpu.dma_semaphore, #tpu.memory_space<semaphore_mem>>) src(%dma_wait3A_202 : memref<160000x128xf32, #tpu.memory_space<hbm>>) dst(%arg15 : memref<128x128xf32, #tpu.memory_space<vmem>>)
      %dma_start3A_205 = arith.constant 1 : i32
      %dma_start3A_206 = arith.constant 0 : i32
      %dma_start3A_207 = arith.constant 0 : i32
      %dma_start3A_208 = tpu.memref_slice %arg9[%dma_start3A_206, %dma_start3A_207] : memref<10112x128xf32, #tpu.memory_space<vmem_shared>> -> memref<10112x128xf32, #tpu.memory_space<vmem_shared>>
      %dma_start3A_209 = tpu.memref_slice %arg23[%dma_start3A_205] : memref<2x!tpu.dma_semaphore, #tpu.memory_space<semaphore_mem>> -> memref<1x!tpu.dma_semaphore, #tpu.memory_space<semaphore_mem>>
      %dma_start3A_210 = tpu.memref_squeeze %dma_start3A_209 : memref<1x!tpu.dma_semaphore, #tpu.memory_space<semaphore_mem>> -> memref<!tpu.dma_semaphore, #tpu.memory_space<semaphore_mem>>
      tpu.enqueue_indirect_dma source(%arg15 : memref<128x128xf32, #tpu.memory_space<vmem>>) target(%dma_start3A_208 : memref<10112x128xf32, #tpu.memory_space<vmem_shared>>) offsets(%arg13 : memref<128xi32, #tpu.memory_space<vmem>>) semaphore(%dma_start3A_210 : memref<!tpu.dma_semaphore, #tpu.memory_space<semaphore_mem>>) {add = true}
      %dma_wait3A_211 = arith.constant 1 : i32
      %dma_wait3A_212 = arith.constant 0 : i32
      %dma_wait3A_213 = arith.constant 0 : i32
      %dma_wait3A_214 = tpu.memref_slice %arg9[%dma_wait3A_212, %dma_wait3A_213] : memref<10112x128xf32, #tpu.memory_space<vmem_shared>> -> memref<10112x128xf32, #tpu.memory_space<vmem_shared>>
      %dma_wait3A_215 = tpu.memref_slice %arg23[%dma_wait3A_211] : memref<2x!tpu.dma_semaphore, #tpu.memory_space<semaphore_mem>> -> memref<1x!tpu.dma_semaphore, #tpu.memory_space<semaphore_mem>>
      %dma_wait3A_216 = tpu.memref_squeeze %dma_wait3A_215 : memref<1x!tpu.dma_semaphore, #tpu.memory_space<semaphore_mem>> -> memref<!tpu.dma_semaphore, #tpu.memory_space<semaphore_mem>>
      tpu.wait_indirect_dma semaphore(%dma_wait3A_216 : memref<!tpu.dma_semaphore, #tpu.memory_space<semaphore_mem>>) src(%arg15 : memref<128x128xf32, #tpu.memory_space<vmem>>) dst(%dma_wait3A_214 : memref<10112x128xf32, #tpu.memory_space<vmem_shared>>)
      %add3A_217 = arith.constant 2 : i32
      %add3A_218 = arith.addi %add3A_198, %add3A_217 : i32
      %mul3A_219 = arith.constant 128 : i32
      %mul3A_220 = arith.muli %add3A_218, %mul3A_219 : i32
      %add3A_221 = arith.addi %mul3A_4, %mul3A_220 : i32
      %dma_start3A_222 = arith.constant 1 : i32
      %dma_start3A_223 = tpu.memref_slice %arg3[%add3A_221] : memref<320000xi32, #tpu.memory_space<hbm>> -> memref<128xi32, #tpu.memory_space<hbm>>
      %dma_start3A_224 = tpu.memref_slice %arg20[%dma_start3A_222] : memref<2x!tpu.dma_semaphore, #tpu.memory_space<semaphore_mem>> -> memref<1x!tpu.dma_semaphore, #tpu.memory_space<semaphore_mem>>
      %dma_start3A_225 = tpu.memref_squeeze %dma_start3A_224 : memref<1x!tpu.dma_semaphore, #tpu.memory_space<semaphore_mem>> -> memref<!tpu.dma_semaphore, #tpu.memory_space<semaphore_mem>>
      %dma_start3A_226 = tpu.memref_slice %arg3[%add3A_221] : memref<320000xi32, #tpu.memory_space<hbm>> -> memref<128xi32, #tpu.memory_space<hbm>>
      tpu.enqueue_dma source(%dma_start3A_226 : memref<128xi32, #tpu.memory_space<hbm>>) target(%arg11 : memref<128xi32, #tpu.memory_space<vmem>>) target_semaphore(%dma_start3A_225 : memref<!tpu.dma_semaphore, #tpu.memory_space<semaphore_mem>>)
      %dma_start3A_227 = arith.constant 1 : i32
      %dma_start3A_228 = tpu.memref_slice %arg4[%add3A_221] : memref<320000xi32, #tpu.memory_space<hbm>> -> memref<128xi32, #tpu.memory_space<hbm>>
      %dma_start3A_229 = tpu.memref_slice %arg20[%dma_start3A_227] : memref<2x!tpu.dma_semaphore, #tpu.memory_space<semaphore_mem>> -> memref<1x!tpu.dma_semaphore, #tpu.memory_space<semaphore_mem>>
      %dma_start3A_230 = tpu.memref_squeeze %dma_start3A_229 : memref<1x!tpu.dma_semaphore, #tpu.memory_space<semaphore_mem>> -> memref<!tpu.dma_semaphore, #tpu.memory_space<semaphore_mem>>
      %dma_start3A_231 = tpu.memref_slice %arg4[%add3A_221] : memref<320000xi32, #tpu.memory_space<hbm>> -> memref<128xi32, #tpu.memory_space<hbm>>
      tpu.enqueue_dma source(%dma_start3A_231 : memref<128xi32, #tpu.memory_space<hbm>>) target(%arg13 : memref<128xi32, #tpu.memory_space<vmem>>) target_semaphore(%dma_start3A_230 : memref<!tpu.dma_semaphore, #tpu.memory_space<semaphore_mem>>)
      %dma_wait3A_232 = arith.constant 1 : i32
      %dma_wait3A_233 = arith.constant 0 : i32
      %dma_wait3A_234 = tpu.memref_slice %arg3[%dma_wait3A_233] : memref<320000xi32, #tpu.memory_space<hbm>> -> memref<128xi32, #tpu.memory_space<hbm>>
      %dma_wait3A_235 = tpu.memref_slice %arg20[%dma_wait3A_232] : memref<2x!tpu.dma_semaphore, #tpu.memory_space<semaphore_mem>> -> memref<1x!tpu.dma_semaphore, #tpu.memory_space<semaphore_mem>>
      %dma_wait3A_236 = tpu.memref_squeeze %dma_wait3A_235 : memref<1x!tpu.dma_semaphore, #tpu.memory_space<semaphore_mem>> -> memref<!tpu.dma_semaphore, #tpu.memory_space<semaphore_mem>>
      %dma_wait3A_237 = arith.constant 0 : i32
      %dma_wait3A_238 = tpu.memref_slice %arg3[%dma_wait3A_237] : memref<320000xi32, #tpu.memory_space<hbm>> -> memref<128xi32, #tpu.memory_space<hbm>>
      tpu.wait_dma2 semaphore(%dma_wait3A_236 : memref<!tpu.dma_semaphore, #tpu.memory_space<semaphore_mem>>) src(%dma_wait3A_238 : memref<128xi32, #tpu.memory_space<hbm>>) dst(%arg11 : memref<128xi32, #tpu.memory_space<vmem>>)
      %dma_wait3A_239 = arith.constant 1 : i32
      %dma_wait3A_240 = arith.constant 0 : i32
      %dma_wait3A_241 = tpu.memref_slice %arg4[%dma_wait3A_240] : memref<320000xi32, #tpu.memory_space<hbm>> -> memref<128xi32, #tpu.memory_space<hbm>>
      %dma_wait3A_242 = tpu.memref_slice %arg20[%dma_wait3A_239] : memref<2x!tpu.dma_semaphore, #tpu.memory_space<semaphore_mem>> -> memref<1x!tpu.dma_semaphore, #tpu.memory_space<semaphore_mem>>
      %dma_wait3A_243 = tpu.memref_squeeze %dma_wait3A_242 : memref<1x!tpu.dma_semaphore, #tpu.memory_space<semaphore_mem>> -> memref<!tpu.dma_semaphore, #tpu.memory_space<semaphore_mem>>
      %dma_wait3A_244 = arith.constant 0 : i32
      %dma_wait3A_245 = tpu.memref_slice %arg4[%dma_wait3A_244] : memref<320000xi32, #tpu.memory_space<hbm>> -> memref<128xi32, #tpu.memory_space<hbm>>
      tpu.wait_dma2 semaphore(%dma_wait3A_243 : memref<!tpu.dma_semaphore, #tpu.memory_space<semaphore_mem>>) src(%dma_wait3A_245 : memref<128xi32, #tpu.memory_space<hbm>>) dst(%arg13 : memref<128xi32, #tpu.memory_space<vmem>>)
      %add3A_246 = arith.constant 2 : i32
      %add3A_247 = arith.addi %add3A_198, %add3A_246 : i32
      %dma_start3A_248 = arith.constant 1 : i32
      %dma_start3A_249 = arith.constant 0 : i32
      %dma_start3A_250 = arith.constant 0 : i32
      %dma_start3A_251 = tpu.memref_slice %arg2[%dma_start3A_249, %dma_start3A_250] : memref<160000x128xf32, #tpu.memory_space<hbm>> -> memref<160000x128xf32, #tpu.memory_space<hbm>>
      %dma_start3A_252 = tpu.memref_slice %arg21[%dma_start3A_248] : memref<2x!tpu.dma_semaphore, #tpu.memory_space<semaphore_mem>> -> memref<1x!tpu.dma_semaphore, #tpu.memory_space<semaphore_mem>>
      %dma_start3A_253 = tpu.memref_squeeze %dma_start3A_252 : memref<1x!tpu.dma_semaphore, #tpu.memory_space<semaphore_mem>> -> memref<!tpu.dma_semaphore, #tpu.memory_space<semaphore_mem>>
      tpu.enqueue_indirect_dma source(%dma_start3A_251 : memref<160000x128xf32, #tpu.memory_space<hbm>>) target(%arg15 : memref<128x128xf32, #tpu.memory_space<vmem>>) offsets(%arg11 : memref<128xi32, #tpu.memory_space<vmem>>) semaphore(%dma_start3A_253 : memref<!tpu.dma_semaphore, #tpu.memory_space<semaphore_mem>>)
    }
    %scan3A_70 = arith.constant 38 : i32
    %dma_wait3A_71 = arith.constant 0 : i32
    %dma_wait3A_72 = arith.constant 0 : i32
    %dma_wait3A_73 = arith.constant 0 : i32
    %dma_wait3A_74 = tpu.memref_slice %arg2[%dma_wait3A_72, %dma_wait3A_73] : memref<160000x128xf32, #tpu.memory_space<hbm>> -> memref<160000x128xf32, #tpu.memory_space<hbm>>
    %dma_wait3A_75 = tpu.memref_slice %arg21[%dma_wait3A_71] : memref<2x!tpu.dma_semaphore, #tpu.memory_space<semaphore_mem>> -> memref<1x!tpu.dma_semaphore, #tpu.memory_space<semaphore_mem>>
    %dma_wait3A_76 = tpu.memref_squeeze %dma_wait3A_75 : memref<1x!tpu.dma_semaphore, #tpu.memory_space<semaphore_mem>> -> memref<!tpu.dma_semaphore, #tpu.memory_space<semaphore_mem>>
    tpu.wait_indirect_dma semaphore(%dma_wait3A_76 : memref<!tpu.dma_semaphore, #tpu.memory_space<semaphore_mem>>) src(%dma_wait3A_74 : memref<160000x128xf32, #tpu.memory_space<hbm>>) dst(%arg14 : memref<128x128xf32, #tpu.memory_space<vmem>>)
    %dma_start3A_77 = arith.constant 0 : i32
    %dma_start3A_78 = arith.constant 0 : i32
    %dma_start3A_79 = arith.constant 0 : i32
    %dma_start3A_80 = tpu.memref_slice %arg9[%dma_start3A_78, %dma_start3A_79] : memref<10112x128xf32, #tpu.memory_space<vmem_shared>> -> memref<10112x128xf32, #tpu.memory_space<vmem_shared>>
    %dma_start3A_81 = tpu.memref_slice %arg23[%dma_start3A_77] : memref<2x!tpu.dma_semaphore, #tpu.memory_space<semaphore_mem>> -> memref<1x!tpu.dma_semaphore, #tpu.memory_space<semaphore_mem>>
    %dma_start3A_82 = tpu.memref_squeeze %dma_start3A_81 : memref<1x!tpu.dma_semaphore, #tpu.memory_space<semaphore_mem>> -> memref<!tpu.dma_semaphore, #tpu.memory_space<semaphore_mem>>
    tpu.enqueue_indirect_dma source(%arg14 : memref<128x128xf32, #tpu.memory_space<vmem>>) target(%dma_start3A_80 : memref<10112x128xf32, #tpu.memory_space<vmem_shared>>) offsets(%arg12 : memref<128xi32, #tpu.memory_space<vmem>>) semaphore(%dma_start3A_82 : memref<!tpu.dma_semaphore, #tpu.memory_space<semaphore_mem>>) {add = true}
    %dma_wait3A_83 = arith.constant 1 : i32
    %dma_wait3A_84 = arith.constant 0 : i32
    %dma_wait3A_85 = arith.constant 0 : i32
    %dma_wait3A_86 = tpu.memref_slice %arg2[%dma_wait3A_84, %dma_wait3A_85] : memref<160000x128xf32, #tpu.memory_space<hbm>> -> memref<160000x128xf32, #tpu.memory_space<hbm>>
    %dma_wait3A_87 = tpu.memref_slice %arg21[%dma_wait3A_83] : memref<2x!tpu.dma_semaphore, #tpu.memory_space<semaphore_mem>> -> memref<1x!tpu.dma_semaphore, #tpu.memory_space<semaphore_mem>>
    %dma_wait3A_88 = tpu.memref_squeeze %dma_wait3A_87 : memref<1x!tpu.dma_semaphore, #tpu.memory_space<semaphore_mem>> -> memref<!tpu.dma_semaphore, #tpu.memory_space<semaphore_mem>>
    tpu.wait_indirect_dma semaphore(%dma_wait3A_88 : memref<!tpu.dma_semaphore, #tpu.memory_space<semaphore_mem>>) src(%dma_wait3A_86 : memref<160000x128xf32, #tpu.memory_space<hbm>>) dst(%arg15 : memref<128x128xf32, #tpu.memory_space<vmem>>)
    %dma_start3A_89 = arith.constant 1 : i32
    %dma_start3A_90 = arith.constant 0 : i32
    %dma_start3A_91 = arith.constant 0 : i32
    %dma_start3A_92 = tpu.memref_slice %arg9[%dma_start3A_90, %dma_start3A_91] : memref<10112x128xf32, #tpu.memory_space<vmem_shared>> -> memref<10112x128xf32, #tpu.memory_space<vmem_shared>>
    %dma_start3A_93 = tpu.memref_slice %arg23[%dma_start3A_89] : memref<2x!tpu.dma_semaphore, #tpu.memory_space<semaphore_mem>> -> memref<1x!tpu.dma_semaphore, #tpu.memory_space<semaphore_mem>>
    %dma_start3A_94 = tpu.memref_squeeze %dma_start3A_93 : memref<1x!tpu.dma_semaphore, #tpu.memory_space<semaphore_mem>> -> memref<!tpu.dma_semaphore, #tpu.memory_space<semaphore_mem>>
    tpu.enqueue_indirect_dma source(%arg15 : memref<128x128xf32, #tpu.memory_space<vmem>>) target(%dma_start3A_92 : memref<10112x128xf32, #tpu.memory_space<vmem_shared>>) offsets(%arg13 : memref<128xi32, #tpu.memory_space<vmem>>) semaphore(%dma_start3A_94 : memref<!tpu.dma_semaphore, #tpu.memory_space<semaphore_mem>>) {add = true}
    %dma_wait3A_95 = arith.constant 0 : i32
    %dma_wait3A_96 = arith.constant 0 : i32
    %dma_wait3A_97 = arith.constant 0 : i32
    %dma_wait3A_98 = tpu.memref_slice %arg9[%dma_wait3A_96, %dma_wait3A_97] : memref<10112x128xf32, #tpu.memory_space<vmem_shared>> -> memref<10112x128xf32, #tpu.memory_space<vmem_shared>>
    %dma_wait3A_99 = tpu.memref_slice %arg23[%dma_wait3A_95] : memref<2x!tpu.dma_semaphore, #tpu.memory_space<semaphore_mem>> -> memref<1x!tpu.dma_semaphore, #tpu.memory_space<semaphore_mem>>
    %dma_wait3A_100 = tpu.memref_squeeze %dma_wait3A_99 : memref<1x!tpu.dma_semaphore, #tpu.memory_space<semaphore_mem>> -> memref<!tpu.dma_semaphore, #tpu.memory_space<semaphore_mem>>
    tpu.wait_indirect_dma semaphore(%dma_wait3A_100 : memref<!tpu.dma_semaphore, #tpu.memory_space<semaphore_mem>>) src(%arg14 : memref<128x128xf32, #tpu.memory_space<vmem>>) dst(%dma_wait3A_98 : memref<10112x128xf32, #tpu.memory_space<vmem_shared>>)
    %dma_wait3A_101 = arith.constant 1 : i32
    %dma_wait3A_102 = arith.constant 0 : i32
    %dma_wait3A_103 = arith.constant 0 : i32
    %dma_wait3A_104 = tpu.memref_slice %arg9[%dma_wait3A_102, %dma_wait3A_103] : memref<10112x128xf32, #tpu.memory_space<vmem_shared>> -> memref<10112x128xf32, #tpu.memory_space<vmem_shared>>
    %dma_wait3A_105 = tpu.memref_slice %arg23[%dma_wait3A_101] : memref<2x!tpu.dma_semaphore, #tpu.memory_space<semaphore_mem>> -> memref<1x!tpu.dma_semaphore, #tpu.memory_space<semaphore_mem>>
    %dma_wait3A_106 = tpu.memref_squeeze %dma_wait3A_105 : memref<1x!tpu.dma_semaphore, #tpu.memory_space<semaphore_mem>> -> memref<!tpu.dma_semaphore, #tpu.memory_space<semaphore_mem>>
    tpu.wait_indirect_dma semaphore(%dma_wait3A_106 : memref<!tpu.dma_semaphore, #tpu.memory_space<semaphore_mem>>) src(%arg15 : memref<128x128xf32, #tpu.memory_space<vmem>>) dst(%dma_wait3A_104 : memref<10112x128xf32, #tpu.memory_space<vmem_shared>>)
    %add3A_107 = arith.constant 9984 : i32
    %add3A_108 = arith.addi %mul3A_4, %add3A_107 : i32
    "tpu.region"() ({
      %run_scoped3A = tpu.sem_alloc : memref<!tpu.dma_semaphore, #tpu.memory_space<semaphore_mem>>
      %dma_start3A_135 = tpu.memref_slice %arg3[%add3A_108] : memref<320000xi32, #tpu.memory_space<hbm>> -> memref<16xi32, #tpu.memory_space<hbm>>
      %dma_start3A_136 = tpu.memref_slice %arg3[%add3A_108] : memref<320000xi32, #tpu.memory_space<hbm>> -> memref<16xi32, #tpu.memory_space<hbm>>
      tpu.enqueue_dma source(%dma_start3A_136 : memref<16xi32, #tpu.memory_space<hbm>>) target(%arg18 : memref<16xi32, #tpu.memory_space<vmem>>) target_semaphore(%run_scoped3A : memref<!tpu.dma_semaphore, #tpu.memory_space<semaphore_mem>>)
      %dma_wait3A_137 = tpu.memref_slice %arg3[%add3A_108] : memref<320000xi32, #tpu.memory_space<hbm>> -> memref<16xi32, #tpu.memory_space<hbm>>
      %dma_wait3A_138 = tpu.memref_slice %arg3[%add3A_108] : memref<320000xi32, #tpu.memory_space<hbm>> -> memref<16xi32, #tpu.memory_space<hbm>>
      tpu.wait_dma2 semaphore(%run_scoped3A : memref<!tpu.dma_semaphore, #tpu.memory_space<semaphore_mem>>) src(%dma_wait3A_138 : memref<16xi32, #tpu.memory_space<hbm>>) dst(%arg18 : memref<16xi32, #tpu.memory_space<vmem>>)
      tpu.yield
    }) : () -> ()
    "tpu.region"() ({
      %run_scoped3A = tpu.sem_alloc : memref<!tpu.dma_semaphore, #tpu.memory_space<semaphore_mem>>
      %dma_start3A_135 = tpu.memref_slice %arg4[%add3A_108] : memref<320000xi32, #tpu.memory_space<hbm>> -> memref<16xi32, #tpu.memory_space<hbm>>
      %dma_start3A_136 = tpu.memref_slice %arg4[%add3A_108] : memref<320000xi32, #tpu.memory_space<hbm>> -> memref<16xi32, #tpu.memory_space<hbm>>
      tpu.enqueue_dma source(%dma_start3A_136 : memref<16xi32, #tpu.memory_space<hbm>>) target(%arg19 : memref<16xi32, #tpu.memory_space<vmem>>) target_semaphore(%run_scoped3A : memref<!tpu.dma_semaphore, #tpu.memory_space<semaphore_mem>>)
      %dma_wait3A_137 = tpu.memref_slice %arg4[%add3A_108] : memref<320000xi32, #tpu.memory_space<hbm>> -> memref<16xi32, #tpu.memory_space<hbm>>
      %dma_wait3A_138 = tpu.memref_slice %arg4[%add3A_108] : memref<320000xi32, #tpu.memory_space<hbm>> -> memref<16xi32, #tpu.memory_space<hbm>>
      tpu.wait_dma2 semaphore(%run_scoped3A : memref<!tpu.dma_semaphore, #tpu.memory_space<semaphore_mem>>) src(%dma_wait3A_138 : memref<16xi32, #tpu.memory_space<hbm>>) dst(%arg19 : memref<16xi32, #tpu.memory_space<vmem>>)
      tpu.yield
    }) : () -> ()
    %dma_start3A_109 = arith.constant 0 : i32
    %dma_start3A_110 = arith.constant 0 : i32
    %dma_start3A_111 = arith.constant 0 : i32
    %dma_start3A_112 = tpu.memref_slice %arg14[%dma_start3A_110, %dma_start3A_111] : memref<128x128xf32, #tpu.memory_space<vmem>> -> memref<16x128xf32, #tpu.memory_space<vmem>>
    %dma_start3A_113 = arith.constant 0 : i32
    %dma_start3A_114 = arith.constant 0 : i32
    %dma_start3A_115 = tpu.memref_slice %arg2[%dma_start3A_113, %dma_start3A_114] : memref<160000x128xf32, #tpu.memory_space<hbm>> -> memref<160000x128xf32, #tpu.memory_space<hbm>>
    %dma_start3A_116 = tpu.memref_slice %arg21[%dma_start3A_109] : memref<2x!tpu.dma_semaphore, #tpu.memory_space<semaphore_mem>> -> memref<1x!tpu.dma_semaphore, #tpu.memory_space<semaphore_mem>>
    %dma_start3A_117 = tpu.memref_squeeze %dma_start3A_116 : memref<1x!tpu.dma_semaphore, #tpu.memory_space<semaphore_mem>> -> memref<!tpu.dma_semaphore, #tpu.memory_space<semaphore_mem>>
    tpu.enqueue_indirect_dma source(%dma_start3A_115 : memref<160000x128xf32, #tpu.memory_space<hbm>>) target(%dma_start3A_112 : memref<16x128xf32, #tpu.memory_space<vmem>>) offsets(%arg18 : memref<16xi32, #tpu.memory_space<vmem>>) semaphore(%dma_start3A_117 : memref<!tpu.dma_semaphore, #tpu.memory_space<semaphore_mem>>)
    %dma_wait3A_118 = arith.constant 0 : i32
    %dma_wait3A_119 = arith.constant 0 : i32
    %dma_wait3A_120 = arith.constant 0 : i32
    %dma_wait3A_121 = tpu.memref_slice %arg14[%dma_wait3A_119, %dma_wait3A_120] : memref<128x128xf32, #tpu.memory_space<vmem>> -> memref<16x128xf32, #tpu.memory_space<vmem>>
    %dma_wait3A_122 = arith.constant 0 : i32
    %dma_wait3A_123 = arith.constant 0 : i32
    %dma_wait3A_124 = tpu.memref_slice %arg2[%dma_wait3A_122, %dma_wait3A_123] : memref<160000x128xf32, #tpu.memory_space<hbm>> -> memref<160000x128xf32, #tpu.memory_space<hbm>>
    %dma_wait3A_125 = tpu.memref_slice %arg21[%dma_wait3A_118] : memref<2x!tpu.dma_semaphore, #tpu.memory_space<semaphore_mem>> -> memref<1x!tpu.dma_semaphore, #tpu.memory_space<semaphore_mem>>
    %dma_wait3A_126 = tpu.memref_squeeze %dma_wait3A_125 : memref<1x!tpu.dma_semaphore, #tpu.memory_space<semaphore_mem>> -> memref<!tpu.dma_semaphore, #tpu.memory_space<semaphore_mem>>
    tpu.wait_indirect_dma semaphore(%dma_wait3A_126 : memref<!tpu.dma_semaphore, #tpu.memory_space<semaphore_mem>>) src(%dma_wait3A_124 : memref<160000x128xf32, #tpu.memory_space<hbm>>) dst(%dma_wait3A_121 : memref<16x128xf32, #tpu.memory_space<vmem>>)
    "tpu.region"() ({
      %run_scoped3A = tpu.sem_alloc : memref<!tpu.dma_semaphore, #tpu.memory_space<semaphore_mem>>
      %dma_start3A_135 = arith.constant 0 : i32
      %dma_start3A_136 = arith.constant 0 : i32
      %dma_start3A_137 = tpu.memref_slice %arg14[%dma_start3A_135, %dma_start3A_136] : memref<128x128xf32, #tpu.memory_space<vmem>> -> memref<16x128xf32, #tpu.memory_space<vmem>>
      %dma_start3A_138 = arith.constant 0 : i32
      %dma_start3A_139 = arith.constant 0 : i32
      %dma_start3A_140 = tpu.memref_slice %arg9[%dma_start3A_138, %dma_start3A_139] : memref<10112x128xf32, #tpu.memory_space<vmem_shared>> -> memref<10112x128xf32, #tpu.memory_space<vmem_shared>>
      tpu.enqueue_indirect_dma source(%dma_start3A_137 : memref<16x128xf32, #tpu.memory_space<vmem>>) target(%dma_start3A_140 : memref<10112x128xf32, #tpu.memory_space<vmem_shared>>) offsets(%arg19 : memref<16xi32, #tpu.memory_space<vmem>>) semaphore(%run_scoped3A : memref<!tpu.dma_semaphore, #tpu.memory_space<semaphore_mem>>) {add = true}
      %dma_wait3A_141 = arith.constant 0 : i32
      %dma_wait3A_142 = arith.constant 0 : i32
      %dma_wait3A_143 = tpu.memref_slice %arg14[%dma_wait3A_141, %dma_wait3A_142] : memref<128x128xf32, #tpu.memory_space<vmem>> -> memref<16x128xf32, #tpu.memory_space<vmem>>
      %dma_wait3A_144 = arith.constant 0 : i32
      %dma_wait3A_145 = arith.constant 0 : i32
      %dma_wait3A_146 = tpu.memref_slice %arg9[%dma_wait3A_144, %dma_wait3A_145] : memref<10112x128xf32, #tpu.memory_space<vmem_shared>> -> memref<10112x128xf32, #tpu.memory_space<vmem_shared>>
      tpu.wait_indirect_dma semaphore(%run_scoped3A : memref<!tpu.dma_semaphore, #tpu.memory_space<semaphore_mem>>) src(%dma_wait3A_143 : memref<16x128xf32, #tpu.memory_space<vmem>>) dst(%dma_wait3A_146 : memref<10112x128xf32, #tpu.memory_space<vmem_shared>>)
      tpu.yield
    }) : () -> ()
    %barrier3A_127 = arith.constant 0 : index
    tpu.barrier barrier_id(%barrier3A_127)
    %eq3A = arith.constant 0 : i32
    %eq3A_128 = arith.cmpi eq, %arg0, %eq3A : i32
    %convert_element_type3A = arith.extui %eq3A_128 : i1 to i32
    %cond3A = arith.constant 0 : i32
    %cond3A_129 = arith.cmpi ne, %convert_element_type3A, %cond3A : i32
    scf.if %cond3A_129 {
      "tpu.region"() ({
        %run_scoped3A = tpu.sem_alloc : memref<!tpu.dma_semaphore, #tpu.memory_space<semaphore_mem>>
        %dma_start3A_135 = arith.constant 0 : i32
        %dma_start3A_136 = tpu.memref_slice %arg7[%mul3A_0, %dma_start3A_135] : memref<10112x128xf32, #tpu.memory_space<hbm>> -> memref<632x128xf32, #tpu.memory_space<hbm>>
        %dma_start3A_137 = arith.constant 0 : i32
        %dma_start3A_138 = tpu.memref_slice %arg9[%mul3A_0, %dma_start3A_137] : memref<10112x128xf32, #tpu.memory_space<vmem_shared>> -> memref<632x128xf32, #tpu.memory_space<vmem_shared>>
        tpu.enqueue_dma source(%dma_start3A_138 : memref<632x128xf32, #tpu.memory_space<vmem_shared>>) target(%dma_start3A_136 : memref<632x128xf32, #tpu.memory_space<hbm>>) target_semaphore(%run_scoped3A : memref<!tpu.dma_semaphore, #tpu.memory_space<semaphore_mem>>)
        %dma_wait3A_139 = arith.constant 0 : i32
        %dma_wait3A_140 = tpu.memref_slice %arg7[%mul3A_0, %dma_wait3A_139] : memref<10112x128xf32, #tpu.memory_space<hbm>> -> memref<632x128xf32, #tpu.memory_space<hbm>>
        %dma_wait3A_141 = arith.constant 0 : i32
        %dma_wait3A_142 = tpu.memref_slice %arg9[%mul3A_0, %dma_wait3A_141] : memref<10112x128xf32, #tpu.memory_space<vmem_shared>> -> memref<632x128xf32, #tpu.memory_space<vmem_shared>>
        tpu.wait_dma2 semaphore(%run_scoped3A : memref<!tpu.dma_semaphore, #tpu.memory_space<semaphore_mem>>) src(%dma_wait3A_142 : memref<632x128xf32, #tpu.memory_space<vmem_shared>>) dst(%dma_wait3A_140 : memref<632x128xf32, #tpu.memory_space<hbm>>)
        tpu.yield
      }) : () -> ()
    } else {
    }
    %eq3A_130 = arith.constant 1 : i32
    %eq3A_131 = arith.cmpi eq, %arg0, %eq3A_130 : i32
    %convert_element_type3A_132 = arith.extui %eq3A_131 : i1 to i32
    %cond3A_133 = arith.constant 0 : i32
    %cond3A_134 = arith.cmpi ne, %convert_element_type3A_132, %cond3A_133 : i32
    scf.if %cond3A_134 {
      "tpu.region"() ({
        %run_scoped3A = tpu.sem_alloc : memref<!tpu.dma_semaphore, #tpu.memory_space<semaphore_mem>>
        %dma_start3A_135 = arith.constant 0 : i32
        %dma_start3A_136 = tpu.memref_slice %arg8[%mul3A_0, %dma_start3A_135] : memref<10112x128xf32, #tpu.memory_space<hbm>> -> memref<632x128xf32, #tpu.memory_space<hbm>>
        %dma_start3A_137 = arith.constant 0 : i32
        %dma_start3A_138 = tpu.memref_slice %arg9[%mul3A_0, %dma_start3A_137] : memref<10112x128xf32, #tpu.memory_space<vmem_shared>> -> memref<632x128xf32, #tpu.memory_space<vmem_shared>>
        tpu.enqueue_dma source(%dma_start3A_138 : memref<632x128xf32, #tpu.memory_space<vmem_shared>>) target(%dma_start3A_136 : memref<632x128xf32, #tpu.memory_space<hbm>>) target_semaphore(%run_scoped3A : memref<!tpu.dma_semaphore, #tpu.memory_space<semaphore_mem>>)
        %dma_wait3A_139 = arith.constant 0 : i32
        %dma_wait3A_140 = tpu.memref_slice %arg8[%mul3A_0, %dma_wait3A_139] : memref<10112x128xf32, #tpu.memory_space<hbm>> -> memref<632x128xf32, #tpu.memory_space<hbm>>
        %dma_wait3A_141 = arith.constant 0 : i32
        %dma_wait3A_142 = tpu.memref_slice %arg9[%mul3A_0, %dma_wait3A_141] : memref<10112x128xf32, #tpu.memory_space<vmem_shared>> -> memref<632x128xf32, #tpu.memory_space<vmem_shared>>
        tpu.wait_dma2 semaphore(%run_scoped3A : memref<!tpu.dma_semaphore, #tpu.memory_space<semaphore_mem>>) src(%dma_wait3A_142 : memref<632x128xf32, #tpu.memory_space<vmem_shared>>) dst(%dma_wait3A_140 : memref<632x128xf32, #tpu.memory_space<hbm>>)
        tpu.yield
      }) : () -> ()
    } else {
    }
    return
  }
}

module attributes {stable_mosaic.version = 14 : i64} {
  func.func @_dense_body(%arg0: i32, %arg1: memref<1280x128xf32, #tpu.memory_space<vmem>>, %arg2: memref<128x128xf32, #tpu.memory_space<vmem>>, %arg3: memref<1280x128xbf16, #tpu.memory_space<vmem>>) attributes {dimension_semantics = [#tpu.dimension_semantics<arbitrary>], iteration_bounds = array<i64: 250>, scalar_prefetch = 0 : i64, scratch_operands = 0 : i64, tpu.core_type = #tpu.core_type<tc>, window_params = [{transform_indices = @transform_0, window_bounds = array<i64: 1280, 128>}, {pipeline_mode = #tpu.pipeline_mode<synchronous>, transform_indices = @transform_1, window_bounds = array<i64: 128, 128>}, {transform_indices = @transform_2, window_bounds = array<i64: 1280, 128>}]} {
    %get3A = arith.constant 0 : index
    %get3A_0 = arith.constant 0 : index
    %get3A_1 = vector.load %arg1[%get3A, %get3A_0] : memref<1280x128xf32, #tpu.memory_space<vmem>>, vector<1280x128xf32>
    %get3A_2 = arith.constant 0 : index
    %get3A_3 = arith.constant 0 : index
    %get3A_4 = vector.load %arg2[%get3A_2, %get3A_3] : memref<128x128xf32, #tpu.memory_space<vmem>>, vector<128x128xf32>
    %convert_element_type3A = arith.truncf %get3A_1 : vector<1280x128xf32> to vector<1280x128xbf16>
    %convert_element_type3A_5 = arith.truncf %get3A_4 : vector<128x128xf32> to vector<128x128xbf16>
    %dot_general3A = arith.constant dense<0.000000e+00> : vector<1280x128xf32>
    %dot_general3A_6 = tpu.matmul %convert_element_type3A, %convert_element_type3A_5, %dot_general3A {dimension_numbers = #tpu.dot_dimension_numbers<[1], [0], [0], [1], [0, 0, 1, 1], [], []>, transpose_lhs_hint = false} : vector<1280x128xbf16>, vector<128x128xbf16>, vector<1280x128xf32> -> vector<1280x128xf32>
    %convert_element_type3A_7 = arith.truncf %dot_general3A_6 : vector<1280x128xf32> to vector<1280x128xbf16>
    %swap3A = arith.constant 0 : index
    %swap3A_8 = arith.constant 0 : index
    %swap3A_9 = vector.load %arg3[%swap3A, %swap3A_8] : memref<1280x128xbf16, #tpu.memory_space<vmem>>, vector<1280x128xbf16>
    tpu.vector_store %arg3[%swap3A, %swap3A_8], %convert_element_type3A_7 {strides = array<i32>} : memref<1280x128xbf16, #tpu.memory_space<vmem>>, vector<1280x128xbf16>,
    return
  }
  func.func @transform_0(%arg0: i32) -> (i32, i32) {
    %c0_i32 = arith.constant 0 : i32
    %c0_i32_0 = arith.constant 0 : i32
    return %arg0, %c0_i32 : i32, i32
  }
  func.func @transform_1(%arg0: i32) -> (i32, i32) {
    %c0_i32 = arith.constant 0 : i32
    %c0_i32_0 = arith.constant 0 : i32
    %c0_i32_1 = arith.constant 0 : i32
    return %c0_i32, %c0_i32_0 : i32, i32
  }
  func.func @transform_2(%arg0: i32) -> (i32, i32) {
    %c0_i32 = arith.constant 0 : i32
    %c0_i32_0 = arith.constant 0 : i32
    return %arg0, %c0_i32 : i32, i32
  }
}

module attributes {stable_mosaic.version = 14 : i64} {
  func.func @_dense_bias_relu_body(%arg0: i32, %arg1: memref<1280x128xf32, #tpu.memory_space<vmem>>, %arg2: memref<128x128xf32, #tpu.memory_space<vmem>>, %arg3: memref<1x128xf32, #tpu.memory_space<vmem>>, %arg4: memref<1280x128xf32, #tpu.memory_space<vmem>>) attributes {dimension_semantics = [#tpu.dimension_semantics<arbitrary>], iteration_bounds = array<i64: 125>, scalar_prefetch = 0 : i64, scratch_operands = 0 : i64, tpu.core_type = #tpu.core_type<tc>, window_params = [{transform_indices = @transform_0, window_bounds = array<i64: 1280, 128>}, {pipeline_mode = #tpu.pipeline_mode<synchronous>, transform_indices = @transform_1, window_bounds = array<i64: 128, 128>}, {pipeline_mode = #tpu.pipeline_mode<synchronous>, transform_indices = @transform_2, window_bounds = array<i64: 1, 128>}, {transform_indices = @transform_3, window_bounds = array<i64: 1280, 128>}]} {
    %get3A = arith.constant 0 : index
    %get3A_0 = arith.constant 0 : index
    %get3A_1 = vector.load %arg1[%get3A, %get3A_0] : memref<1280x128xf32, #tpu.memory_space<vmem>>, vector<1280x128xf32>
    %get3A_2 = arith.constant 0 : index
    %get3A_3 = arith.constant 0 : index
    %get3A_4 = vector.load %arg2[%get3A_2, %get3A_3] : memref<128x128xf32, #tpu.memory_space<vmem>>, vector<128x128xf32>
    %convert_element_type3A = arith.truncf %get3A_1 : vector<1280x128xf32> to vector<1280x128xbf16>
    %convert_element_type3A_5 = arith.truncf %get3A_4 : vector<128x128xf32> to vector<128x128xbf16>
    %dot_general3A = arith.constant dense<0.000000e+00> : vector<1280x128xf32>
    %dot_general3A_6 = tpu.matmul %convert_element_type3A, %convert_element_type3A_5, %dot_general3A {dimension_numbers = #tpu.dot_dimension_numbers<[1], [0], [0], [1], [0, 0, 1, 1], [], []>, transpose_lhs_hint = false} : vector<1280x128xbf16>, vector<128x128xbf16>, vector<1280x128xf32> -> vector<1280x128xf32>
    %get3A_7 = arith.constant 0 : index
    %get3A_8 = arith.constant 0 : index
    %get3A_9 = vector.load %arg3[%get3A_7, %get3A_8] : memref<1x128xf32, #tpu.memory_space<vmem>>, vector<1x128xf32>
    %add3A = vector.broadcast %get3A_9 : vector<1x128xf32> to vector<1280x128xf32>
    %add3A_10 = arith.addf %dot_general3A_6, %add3A : vector<1280x128xf32>
    %max3A = arith.constant 0.000000e+00 : f32
    %max3A_11 = vector.broadcast %max3A : f32 to vector<1280x128xf32>
    %max3A_12 = arith.maximumf %add3A_10, %max3A_11 : vector<1280x128xf32>
    %swap3A = arith.constant 0 : index
    %swap3A_13 = arith.constant 0 : index
    %swap3A_14 = vector.load %arg4[%swap3A, %swap3A_13] : memref<1280x128xf32, #tpu.memory_space<vmem>>, vector<1280x128xf32>
    tpu.vector_store %arg4[%swap3A, %swap3A_13], %max3A_12 {strides = array<i32>} : memref<1280x128xf32, #tpu.memory_space<vmem>>, vector<1280x128xf32>,
    return
  }
  func.func @transform_0(%arg0: i32) -> (i32, i32) {
    %c0_i32 = arith.constant 0 : i32
    %c0_i32_0 = arith.constant 0 : i32
    return %arg0, %c0_i32 : i32, i32
  }
  func.func @transform_1(%arg0: i32) -> (i32, i32) {
    %c0_i32 = arith.constant 0 : i32
    %c0_i32_0 = arith.constant 0 : i32
    %c0_i32_1 = arith.constant 0 : i32
    return %c0_i32, %c0_i32_0 : i32, i32
  }
  func.func @transform_2(%arg0: i32) -> (i32, i32) {
    %c0_i32 = arith.constant 0 : i32
    %c0_i32_0 = arith.constant 0 : i32
    %c0_i32_1 = arith.constant 0 : i32
    return %c0_i32, %c0_i32_0 : i32, i32
  }
  func.func @transform_3(%arg0: i32) -> (i32, i32) {
    %c0_i32 = arith.constant 0 : i32
    %c0_i32_0 = arith.constant 0 : i32
    return %arg0, %c0_i32 : i32, i32
  }
}

module attributes {stable_mosaic.version = 14 : i64} {
  func.func @_dense_bias_relu_body(%arg0: i32, %arg1: memref<2000x128xf32, #tpu.memory_space<vmem>>, %arg2: memref<128x128xf32, #tpu.memory_space<vmem>>, %arg3: memref<1x128xf32, #tpu.memory_space<vmem>>, %arg4: memref<2000x128xf32, #tpu.memory_space<vmem>>) attributes {dimension_semantics = [#tpu.dimension_semantics<arbitrary>], iteration_bounds = array<i64: 5>, scalar_prefetch = 0 : i64, scratch_operands = 0 : i64, tpu.core_type = #tpu.core_type<tc>, window_params = [{transform_indices = @transform_0, window_bounds = array<i64: 2000, 128>}, {pipeline_mode = #tpu.pipeline_mode<synchronous>, transform_indices = @transform_1, window_bounds = array<i64: 128, 128>}, {pipeline_mode = #tpu.pipeline_mode<synchronous>, transform_indices = @transform_2, window_bounds = array<i64: 1, 128>}, {transform_indices = @transform_3, window_bounds = array<i64: 2000, 128>}]} {
    %get3A = arith.constant 0 : index
    %get3A_0 = arith.constant 0 : index
    %get3A_1 = vector.load %arg1[%get3A, %get3A_0] : memref<2000x128xf32, #tpu.memory_space<vmem>>, vector<2000x128xf32>
    %get3A_2 = arith.constant 0 : index
    %get3A_3 = arith.constant 0 : index
    %get3A_4 = vector.load %arg2[%get3A_2, %get3A_3] : memref<128x128xf32, #tpu.memory_space<vmem>>, vector<128x128xf32>
    %convert_element_type3A = arith.truncf %get3A_1 : vector<2000x128xf32> to vector<2000x128xbf16>
    %convert_element_type3A_5 = arith.truncf %get3A_4 : vector<128x128xf32> to vector<128x128xbf16>
    %dot_general3A = arith.constant dense<0.000000e+00> : vector<2000x128xf32>
    %dot_general3A_6 = tpu.matmul %convert_element_type3A, %convert_element_type3A_5, %dot_general3A {dimension_numbers = #tpu.dot_dimension_numbers<[1], [0], [0], [1], [0, 0, 1, 1], [], []>, transpose_lhs_hint = false} : vector<2000x128xbf16>, vector<128x128xbf16>, vector<2000x128xf32> -> vector<2000x128xf32>
    %get3A_7 = arith.constant 0 : index
    %get3A_8 = arith.constant 0 : index
    %get3A_9 = vector.load %arg3[%get3A_7, %get3A_8] : memref<1x128xf32, #tpu.memory_space<vmem>>, vector<1x128xf32>
    %add3A = vector.broadcast %get3A_9 : vector<1x128xf32> to vector<2000x128xf32>
    %add3A_10 = arith.addf %dot_general3A_6, %add3A : vector<2000x128xf32>
    %max3A = arith.constant 0.000000e+00 : f32
    %max3A_11 = vector.broadcast %max3A : f32 to vector<2000x128xf32>
    %max3A_12 = arith.maximumf %add3A_10, %max3A_11 : vector<2000x128xf32>
    %swap3A = arith.constant 0 : index
    %swap3A_13 = arith.constant 0 : index
    %swap3A_14 = vector.load %arg4[%swap3A, %swap3A_13] : memref<2000x128xf32, #tpu.memory_space<vmem>>, vector<2000x128xf32>
    tpu.vector_store %arg4[%swap3A, %swap3A_13], %max3A_12 {strides = array<i32>} : memref<2000x128xf32, #tpu.memory_space<vmem>>, vector<2000x128xf32>,
    return
  }
  func.func @transform_0(%arg0: i32) -> (i32, i32) {
    %c0_i32 = arith.constant 0 : i32
    %c0_i32_0 = arith.constant 0 : i32
    return %arg0, %c0_i32 : i32, i32
  }
  func.func @transform_1(%arg0: i32) -> (i32, i32) {
    %c0_i32 = arith.constant 0 : i32
    %c0_i32_0 = arith.constant 0 : i32
    %c0_i32_1 = arith.constant 0 : i32
    return %c0_i32, %c0_i32_0 : i32, i32
  }
  func.func @transform_2(%arg0: i32) -> (i32, i32) {
    %c0_i32 = arith.constant 0 : i32
    %c0_i32_0 = arith.constant 0 : i32
    %c0_i32_1 = arith.constant 0 : i32
    return %c0_i32, %c0_i32_0 : i32, i32
  }
  func.func @transform_3(%arg0: i32) -> (i32, i32) {
    %c0_i32 = arith.constant 0 : i32
    %c0_i32_0 = arith.constant 0 : i32
    return %arg0, %c0_i32 : i32, i32
  }
}

module attributes {stable_mosaic.version = 14 : i64} {
  func.func @_node_update_body(%arg0: i32, %arg1: memref<2000x128xf32, #tpu.memory_space<vmem>>, %arg2: memref<2000x128xf32, #tpu.memory_space<vmem>>, %arg3: memref<2000x128xf32, #tpu.memory_space<vmem>>, %arg4: memref<2000x128xf32, #tpu.memory_space<vmem>>, %arg5: memref<2000x128xf32, #tpu.memory_space<vmem>>, %arg6: memref<128x128xf32, #tpu.memory_space<vmem>>, %arg7: memref<1x128xf32, #tpu.memory_space<vmem>>, %arg8: memref<384x128xf32, #tpu.memory_space<vmem>>, %arg9: memref<1x128xf32, #tpu.memory_space<vmem>>, %arg10: memref<128x128xf32, #tpu.memory_space<vmem>>, %arg11: memref<1x128xf32, #tpu.memory_space<vmem>>, %arg12: memref<128x128xf32, #tpu.memory_space<vmem>>, %arg13: memref<1x128xf32, #tpu.memory_space<vmem>>, %arg14: memref<128x128xf32, #tpu.memory_space<vmem>>, %arg15: memref<1x128xf32, #tpu.memory_space<vmem>>, %arg16: memref<128x128xf32, #tpu.memory_space<vmem>>, %arg17: memref<1x128xf32, #tpu.memory_space<vmem>>, %arg18: memref<2000x128xf32, #tpu.memory_space<vmem>>) attributes {dimension_semantics = [#tpu.dimension_semantics<arbitrary>], iteration_bounds = array<i64: 5>, scalar_prefetch = 0 : i64, scratch_operands = 0 : i64, tpu.core_type = #tpu.core_type<tc>, window_params = [{transform_indices = @transform_0, window_bounds = array<i64: 2000, 128>}, {transform_indices = @transform_1, window_bounds = array<i64: 2000, 128>}, {transform_indices = @transform_2, window_bounds = array<i64: 2000, 128>}, {transform_indices = @transform_3, window_bounds = array<i64: 2000, 128>}, {transform_indices = @transform_4, window_bounds = array<i64: 2000, 128>}, {pipeline_mode = #tpu.pipeline_mode<synchronous>, transform_indices = @transform_5, window_bounds = array<i64: 128, 128>}, {pipeline_mode = #tpu.pipeline_mode<synchronous>, transform_indices = @transform_6, window_bounds = array<i64: 1, 128>}, {pipeline_mode = #tpu.pipeline_mode<synchronous>, transform_indices = @transform_7, window_bounds = array<i64: 384, 128>}, {pipeline_mode = #tpu.pipeline_mode<synchronous>, transform_indices = @transform_8, window_bounds = array<i64: 1, 128>}, {pipeline_mode = #tpu.pipeline_mode<synchronous>, transform_indices = @transform_9, window_bounds = array<i64: 128, 128>}, {pipeline_mode = #tpu.pipeline_mode<synchronous>, transform_indices = @transform_10, window_bounds = array<i64: 1, 128>}, {pipeline_mode = #tpu.pipeline_mode<synchronous>, transform_indices = @transform_11, window_bounds = array<i64: 128, 128>}, {pipeline_mode = #tpu.pipeline_mode<synchronous>, transform_indices = @transform_12, window_bounds = array<i64: 1, 128>}, {pipeline_mode = #tpu.pipeline_mode<synchronous>, transform_indices = @transform_13, window_bounds = array<i64: 128, 128>}, {pipeline_mode = #tpu.pipeline_mode<synchronous>, transform_indices = @transform_14, window_bounds = array<i64: 1, 128>}, {pipeline_mode = #tpu.pipeline_mode<synchronous>, transform_indices = @transform_15, window_bounds = array<i64: 128, 128>}, {pipeline_mode = #tpu.pipeline_mode<synchronous>, transform_indices = @transform_16, window_bounds = array<i64: 1, 128>}, {transform_indices = @transform_17, window_bounds = array<i64: 2000, 128>}]} {
    %get3A = arith.constant 0 : index
    %get3A_0 = arith.constant 0 : index
    %get3A_1 = vector.load %arg1[%get3A, %get3A_0] : memref<2000x128xf32, #tpu.memory_space<vmem>>, vector<2000x128xf32>
    %get3A_2 = arith.constant 0 : index
    %get3A_3 = arith.constant 0 : index
    %get3A_4 = vector.load %arg6[%get3A_2, %get3A_3] : memref<128x128xf32, #tpu.memory_space<vmem>>, vector<128x128xf32>
    %dot_general3A = arith.constant dense<0.000000e+00> : vector<2000x128xf32>
    %dot_general3A_5 = tpu.matmul %get3A_1, %get3A_4, %dot_general3A {dimension_numbers = #tpu.dot_dimension_numbers<[1], [0], [0], [1], [0, 0, 1, 1], [], []>, transpose_lhs_hint = false} : vector<2000x128xf32>, vector<128x128xf32>, vector<2000x128xf32> -> vector<2000x128xf32>
    %get3A_6 = arith.constant 0 : index
    %get3A_7 = arith.constant 0 : index
    %get3A_8 = vector.load %arg7[%get3A_6, %get3A_7] : memref<1x128xf32, #tpu.memory_space<vmem>>, vector<1x128xf32>
    %add3A = vector.broadcast %get3A_8 : vector<1x128xf32> to vector<2000x128xf32>
    %add3A_9 = arith.addf %dot_general3A_5, %add3A : vector<2000x128xf32>
    %max3A = arith.constant 0.000000e+00 : f32
    %max3A_10 = vector.broadcast %max3A : f32 to vector<2000x128xf32>
    %max3A_11 = arith.maximumf %add3A_9, %max3A_10 : vector<2000x128xf32>
    %get3A_12 = arith.constant 0 : index
    %get3A_13 = arith.constant 0 : index
    %get3A_14 = vector.load %arg8[%get3A_12, %get3A_13] : memref<384x128xf32, #tpu.memory_space<vmem>>, vector<384x128xf32>
    %slice3A = vector.extract_strided_slice %get3A_14 {offsets = [0, 0], sizes = [128, 128], strides = [1, 1]} : vector<384x128xf32> to vector<128x128xf32>
    %dot_general3A_15 = arith.constant dense<0.000000e+00> : vector<2000x128xf32>
    %dot_general3A_16 = tpu.matmul %max3A_11, %slice3A, %dot_general3A_15 {dimension_numbers = #tpu.dot_dimension_numbers<[1], [0], [0], [1], [0, 0, 1, 1], [], []>, transpose_lhs_hint = false} : vector<2000x128xf32>, vector<128x128xf32>, vector<2000x128xf32> -> vector<2000x128xf32>
    %get3A_17 = arith.constant 0 : index
    %get3A_18 = arith.constant 0 : index
    %get3A_19 = vector.load %arg2[%get3A_17, %get3A_18] : memref<2000x128xf32, #tpu.memory_space<vmem>>, vector<2000x128xf32>
    %get3A_20 = arith.constant 0 : index
    %get3A_21 = arith.constant 0 : index
    %get3A_22 = vector.load %arg3[%get3A_20, %get3A_21] : memref<2000x128xf32, #tpu.memory_space<vmem>>, vector<2000x128xf32>
    %add3A_23 = arith.addf %get3A_19, %get3A_22 : vector<2000x128xf32>
    %slice3A_24 = vector.extract_strided_slice %get3A_14 {offsets = [128, 0], sizes = [128, 128], strides = [1, 1]} : vector<384x128xf32> to vector<128x128xf32>
    %dot_general3A_25 = arith.constant dense<0.000000e+00> : vector<2000x128xf32>
    %dot_general3A_26 = tpu.matmul %add3A_23, %slice3A_24, %dot_general3A_25 {dimension_numbers = #tpu.dot_dimension_numbers<[1], [0], [0], [1], [0, 0, 1, 1], [], []>, transpose_lhs_hint = false} : vector<2000x128xf32>, vector<128x128xf32>, vector<2000x128xf32> -> vector<2000x128xf32>
    %add3A_27 = arith.addf %dot_general3A_16, %dot_general3A_26 : vector<2000x128xf32>
    %get3A_28 = arith.constant 0 : index
    %get3A_29 = arith.constant 0 : index
    %get3A_30 = vector.load %arg4[%get3A_28, %get3A_29] : memref<2000x128xf32, #tpu.memory_space<vmem>>, vector<2000x128xf32>
    %get3A_31 = arith.constant 0 : index
    %get3A_32 = arith.constant 0 : index
    %get3A_33 = vector.load %arg5[%get3A_31, %get3A_32] : memref<2000x128xf32, #tpu.memory_space<vmem>>, vector<2000x128xf32>
    %add3A_34 = arith.addf %get3A_30, %get3A_33 : vector<2000x128xf32>
    %slice3A_35 = vector.extract_strided_slice %get3A_14 {offsets = [256, 0], sizes = [128, 128], strides = [1, 1]} : vector<384x128xf32> to vector<128x128xf32>
    %dot_general3A_36 = arith.constant dense<0.000000e+00> : vector<2000x128xf32>
    %dot_general3A_37 = tpu.matmul %add3A_34, %slice3A_35, %dot_general3A_36 {dimension_numbers = #tpu.dot_dimension_numbers<[1], [0], [0], [1], [0, 0, 1, 1], [], []>, transpose_lhs_hint = false} : vector<2000x128xf32>, vector<128x128xf32>, vector<2000x128xf32> -> vector<2000x128xf32>
    %add3A_38 = arith.addf %add3A_27, %dot_general3A_37 : vector<2000x128xf32>
    %get3A_39 = arith.constant 0 : index
    %get3A_40 = arith.constant 0 : index
    %get3A_41 = vector.load %arg9[%get3A_39, %get3A_40] : memref<1x128xf32, #tpu.memory_space<vmem>>, vector<1x128xf32>
    %add3A_42 = vector.broadcast %get3A_41 : vector<1x128xf32> to vector<2000x128xf32>
    %add3A_43 = arith.addf %add3A_38, %add3A_42 : vector<2000x128xf32>
    %max3A_44 = arith.constant 0.000000e+00 : f32
    %max3A_45 = vector.broadcast %max3A_44 : f32 to vector<2000x128xf32>
    %max3A_46 = arith.maximumf %add3A_43, %max3A_45 : vector<2000x128xf32>
    %get3A_47 = arith.constant 0 : index
    %get3A_48 = arith.constant 0 : index
    %get3A_49 = vector.load %arg10[%get3A_47, %get3A_48] : memref<128x128xf32, #tpu.memory_space<vmem>>, vector<128x128xf32>
    %dot_general3A_50 = arith.constant dense<0.000000e+00> : vector<2000x128xf32>
    %dot_general3A_51 = tpu.matmul %max3A_46, %get3A_49, %dot_general3A_50 {dimension_numbers = #tpu.dot_dimension_numbers<[1], [0], [0], [1], [0, 0, 1, 1], [], []>, transpose_lhs_hint = false} : vector<2000x128xf32>, vector<128x128xf32>, vector<2000x128xf32> -> vector<2000x128xf32>
    %get3A_52 = arith.constant 0 : index
    %get3A_53 = arith.constant 0 : index
    %get3A_54 = vector.load %arg11[%get3A_52, %get3A_53] : memref<1x128xf32, #tpu.memory_space<vmem>>, vector<1x128xf32>
    %add3A_55 = vector.broadcast %get3A_54 : vector<1x128xf32> to vector<2000x128xf32>
    %add3A_56 = arith.addf %dot_general3A_51, %add3A_55 : vector<2000x128xf32>
    %max3A_57 = arith.constant 0.000000e+00 : f32
    %max3A_58 = vector.broadcast %max3A_57 : f32 to vector<2000x128xf32>
    %max3A_59 = arith.maximumf %add3A_56, %max3A_58 : vector<2000x128xf32>
    %get3A_60 = arith.constant 0 : index
    %get3A_61 = arith.constant 0 : index
    %get3A_62 = vector.load %arg12[%get3A_60, %get3A_61] : memref<128x128xf32, #tpu.memory_space<vmem>>, vector<128x128xf32>
    %dot_general3A_63 = arith.constant dense<0.000000e+00> : vector<2000x128xf32>
    %dot_general3A_64 = tpu.matmul %max3A_59, %get3A_62, %dot_general3A_63 {dimension_numbers = #tpu.dot_dimension_numbers<[1], [0], [0], [1], [0, 0, 1, 1], [], []>, transpose_lhs_hint = false} : vector<2000x128xf32>, vector<128x128xf32>, vector<2000x128xf32> -> vector<2000x128xf32>
    %get3A_65 = arith.constant 0 : index
    %get3A_66 = arith.constant 0 : index
    %get3A_67 = vector.load %arg13[%get3A_65, %get3A_66] : memref<1x128xf32, #tpu.memory_space<vmem>>, vector<1x128xf32>
    %add3A_68 = vector.broadcast %get3A_67 : vector<1x128xf32> to vector<2000x128xf32>
    %add3A_69 = arith.addf %dot_general3A_64, %add3A_68 : vector<2000x128xf32>
    %max3A_70 = arith.constant 0.000000e+00 : f32
    %max3A_71 = vector.broadcast %max3A_70 : f32 to vector<2000x128xf32>
    %max3A_72 = arith.maximumf %add3A_69, %max3A_71 : vector<2000x128xf32>
    %add3A_73 = arith.addf %max3A_46, %max3A_72 : vector<2000x128xf32>
    %add3A_74 = arith.addf %get3A_1, %add3A_73 : vector<2000x128xf32>
    %get3A_75 = arith.constant 0 : index
    %get3A_76 = arith.constant 0 : index
    %get3A_77 = vector.load %arg14[%get3A_75, %get3A_76] : memref<128x128xf32, #tpu.memory_space<vmem>>, vector<128x128xf32>
    %dot_general3A_78 = arith.constant dense<0.000000e+00> : vector<2000x128xf32>
    %dot_general3A_79 = tpu.matmul %add3A_74, %get3A_77, %dot_general3A_78 {dimension_numbers = #tpu.dot_dimension_numbers<[1], [0], [0], [1], [0, 0, 1, 1], [], []>, transpose_lhs_hint = false} : vector<2000x128xf32>, vector<128x128xf32>, vector<2000x128xf32> -> vector<2000x128xf32>
    %get3A_80 = arith.constant 0 : index
    %get3A_81 = arith.constant 0 : index
    %get3A_82 = vector.load %arg15[%get3A_80, %get3A_81] : memref<1x128xf32, #tpu.memory_space<vmem>>, vector<1x128xf32>
    %add3A_83 = vector.broadcast %get3A_82 : vector<1x128xf32> to vector<2000x128xf32>
    %add3A_84 = arith.addf %dot_general3A_79, %add3A_83 : vector<2000x128xf32>
    %max3A_85 = arith.constant 0.000000e+00 : f32
    %max3A_86 = vector.broadcast %max3A_85 : f32 to vector<2000x128xf32>
    %max3A_87 = arith.maximumf %add3A_84, %max3A_86 : vector<2000x128xf32>
    %get3A_88 = arith.constant 0 : index
    %get3A_89 = arith.constant 0 : index
    %get3A_90 = vector.load %arg16[%get3A_88, %get3A_89] : memref<128x128xf32, #tpu.memory_space<vmem>>, vector<128x128xf32>
    %dot_general3A_91 = arith.constant dense<0.000000e+00> : vector<2000x128xf32>
    %dot_general3A_92 = tpu.matmul %max3A_87, %get3A_90, %dot_general3A_91 {dimension_numbers = #tpu.dot_dimension_numbers<[1], [0], [0], [1], [0, 0, 1, 1], [], []>, transpose_lhs_hint = false} : vector<2000x128xf32>, vector<128x128xf32>, vector<2000x128xf32> -> vector<2000x128xf32>
    %get3A_93 = arith.constant 0 : index
    %get3A_94 = arith.constant 0 : index
    %get3A_95 = vector.load %arg17[%get3A_93, %get3A_94] : memref<1x128xf32, #tpu.memory_space<vmem>>, vector<1x128xf32>
    %add3A_96 = vector.broadcast %get3A_95 : vector<1x128xf32> to vector<2000x128xf32>
    %add3A_97 = arith.addf %dot_general3A_92, %add3A_96 : vector<2000x128xf32>
    %max3A_98 = arith.constant 0.000000e+00 : f32
    %max3A_99 = vector.broadcast %max3A_98 : f32 to vector<2000x128xf32>
    %max3A_100 = arith.maximumf %add3A_97, %max3A_99 : vector<2000x128xf32>
    %add3A_101 = arith.addf %add3A_74, %max3A_100 : vector<2000x128xf32>
    %swap3A = arith.constant 0 : index
    %swap3A_102 = arith.constant 0 : index
    %swap3A_103 = vector.load %arg18[%swap3A, %swap3A_102] : memref<2000x128xf32, #tpu.memory_space<vmem>>, vector<2000x128xf32>
    tpu.vector_store %arg18[%swap3A, %swap3A_102], %add3A_101 {strides = array<i32>} : memref<2000x128xf32, #tpu.memory_space<vmem>>, vector<2000x128xf32>,
    return
  }
  func.func @transform_0(%arg0: i32) -> (i32, i32) {
    %c0_i32 = arith.constant 0 : i32
    %c0_i32_0 = arith.constant 0 : i32
    return %arg0, %c0_i32 : i32, i32
  }
  func.func @transform_1(%arg0: i32) -> (i32, i32) {
    %c0_i32 = arith.constant 0 : i32
    %c0_i32_0 = arith.constant 0 : i32
    return %arg0, %c0_i32 : i32, i32
  }
  func.func @transform_2(%arg0: i32) -> (i32, i32) {
    %c0_i32 = arith.constant 0 : i32
    %c0_i32_0 = arith.constant 0 : i32
    return %arg0, %c0_i32 : i32, i32
  }
  func.func @transform_3(%arg0: i32) -> (i32, i32) {
    %c0_i32 = arith.constant 0 : i32
    %c0_i32_0 = arith.constant 0 : i32
    return %arg0, %c0_i32 : i32, i32
  }
  func.func @transform_4(%arg0: i32) -> (i32, i32) {
    %c0_i32 = arith.constant 0 : i32
    %c0_i32_0 = arith.constant 0 : i32
    return %arg0, %c0_i32 : i32, i32
  }
  func.func @transform_5(%arg0: i32) -> (i32, i32) {
    %c0_i32 = arith.constant 0 : i32
    %c0_i32_0 = arith.constant 0 : i32
    %c0_i32_1 = arith.constant 0 : i32
    return %c0_i32, %c0_i32_0 : i32, i32
  }
  func.func @transform_6(%arg0: i32) -> (i32, i32) {
    %c0_i32 = arith.constant 0 : i32
    %c0_i32_0 = arith.constant 0 : i32
    %c0_i32_1 = arith.constant 0 : i32
    return %c0_i32, %c0_i32_0 : i32, i32
  }
  func.func @transform_7(%arg0: i32) -> (i32, i32) {
    %c0_i32 = arith.constant 0 : i32
    %c0_i32_0 = arith.constant 0 : i32
    %c0_i32_1 = arith.constant 0 : i32
    return %c0_i32, %c0_i32_0 : i32, i32
  }
  func.func @transform_8(%arg0: i32) -> (i32, i32) {
    %c0_i32 = arith.constant 0 : i32
    %c0_i32_0 = arith.constant 0 : i32
    %c0_i32_1 = arith.constant 0 : i32
    return %c0_i32, %c0_i32_0 : i32, i32
  }
  func.func @transform_9(%arg0: i32) -> (i32, i32) {
    %c0_i32 = arith.constant 0 : i32
    %c0_i32_0 = arith.constant 0 : i32
    %c0_i32_1 = arith.constant 0 : i32
    return %c0_i32, %c0_i32_0 : i32, i32
  }
  func.func @transform_10(%arg0: i32) -> (i32, i32) {
    %c0_i32 = arith.constant 0 : i32
    %c0_i32_0 = arith.constant 0 : i32
    %c0_i32_1 = arith.constant 0 : i32
    return %c0_i32, %c0_i32_0 : i32, i32
  }
  func.func @transform_11(%arg0: i32) -> (i32, i32) {
    %c0_i32 = arith.constant 0 : i32
    %c0_i32_0 = arith.constant 0 : i32
    %c0_i32_1 = arith.constant 0 : i32
    return %c0_i32, %c0_i32_0 : i32, i32
  }
  func.func @transform_12(%arg0: i32) -> (i32, i32) {
    %c0_i32 = arith.constant 0 : i32
    %c0_i32_0 = arith.constant 0 : i32
    %c0_i32_1 = arith.constant 0 : i32
    return %c0_i32, %c0_i32_0 : i32, i32
  }
  func.func @transform_13(%arg0: i32) -> (i32, i32) {
    %c0_i32 = arith.constant 0 : i32
    %c0_i32_0 = arith.constant 0 : i32
    %c0_i32_1 = arith.constant 0 : i32
    return %c0_i32, %c0_i32_0 : i32, i32
  }
  func.func @transform_14(%arg0: i32) -> (i32, i32) {
    %c0_i32 = arith.constant 0 : i32
    %c0_i32_0 = arith.constant 0 : i32
    %c0_i32_1 = arith.constant 0 : i32
    return %c0_i32, %c0_i32_0 : i32, i32
  }
  func.func @transform_15(%arg0: i32) -> (i32, i32) {
    %c0_i32 = arith.constant 0 : i32
    %c0_i32_0 = arith.constant 0 : i32
    %c0_i32_1 = arith.constant 0 : i32
    return %c0_i32, %c0_i32_0 : i32, i32
  }
  func.func @transform_16(%arg0: i32) -> (i32, i32) {
    %c0_i32 = arith.constant 0 : i32
    %c0_i32_0 = arith.constant 0 : i32
    %c0_i32_1 = arith.constant 0 : i32
    return %c0_i32, %c0_i32_0 : i32, i32
  }
  func.func @transform_17(%arg0: i32) -> (i32, i32) {
    %c0_i32 = arith.constant 0 : i32
    %c0_i32_0 = arith.constant 0 : i32
    return %arg0, %c0_i32 : i32, i32
  }
}

</mosaic_0001>

<sc_bundles>
// kernel: kernel.11.cloned.1.call-start
scs
__scs_entry_jumppad:
0x0: {  	(pc) =	sbr.rel $0x88, $3  }
0x1: {  	(tag) =	ssettag $0x0;
	lr =	simm.s32 $0x1  }
0x2: {  	[smem:$0x3F8A] =	sst lr;
	_ =	strace $0xD0000000  }
0x3: {  	_ = 	snop  }
0x4: {  	_ = 	snop  }
0x5: {  	_ = 	snop  }
0x6: {  	_ = 	snop  }
0x7: {  	_ = 	snop  }
__scs_overlays_trampoline_lowered:
0x8: {  	[smem:$0x3F99] =	sst s0  }
0x9: {  	[smem:$0x3F9A] =	sst s1  }
0xa: {  	[smem:$0x3F9B] =	sst s2  }
0xb: {  	[smem:$0x3F9C] =	sst s3  }
0xc: {  	[smem:$0x3F9D] =	sst s4  }
0xd: {  	[smem:$0x3F9E] =	sst s5  }
0xe: {  	[smem:$0x3F9F] =	sst s6  }
0xf: {  	[smem:$0x3FA0] =	sst s7  }
0x10: {  	[smem:$0x3FA1] =	sst s8  }
0x11: {  	[smem:$0x3FA2] =	sst s9;
	s0 =	simm.s32 @!p0 $0x0  }
0x12: {  	s1 =	sld [smem:$0x3F88];
	s0 =	simm.s32 @p0 $0x1  }
0x13: {  	[smem:$0x3FA3] =	sst s0;
	s0 =	simm.s32 @!p1 $0x0  }
0x14: {  	s2 =	sld [smem:$0x3F87];
	s0 =	simm.s32 @p1 $0x1  }
0x15: {  	[smem:$0x3FA4] =	sst s0;
	s0 =	simm.s32 @!p2 $0x0  }
0x16: {  	s3 =	sld [smem:$0x3FDB];
	s0 =	simm.s32 @p2 $0x1  }
0x17: {  	s4 =	simm.s32 $0x1BF5;
	[smem:$0x3FA6] =	sst s0  }
0x18: {  	s0 =	sld [smem:$0x3F89];
	_ =	swait.ge [sflag:s4], $0x0  }
0x19: {  	s7 =	sld [smem:$0x3F8A]  }
0x1a: {  	s8 =	sadd.s32 $0xFFFFE003, lr  }
0x1b: {  	s9 =	sadd.s32 $0xFFFFFEF7, lr;
	s5 =	simm.s32 $0xFFFFFFFF;
	p2 =	slt.u32 s8, $0xFFFFF086  }
0x1c: {  	p1 =	slt.u32 s9, $0xF7A;
	s5 =	simm.s32 @!p2 $0x0  }
0x1d: {  	s5 =	simm.s32 @p1 $0x1;
	p0 =	seq.s32 s7, s2  }
0x1e: {  	s7 =	smul.u32 @!p0 $0xF7A, s2;
	p2 =	seq.s32 @!p0 s5, $0x0  }
0x1f: {  	s9 =	smul.u32 $0xF7A, s1;
	s8 =	simm.s32 @!p0 $0x1BF5;
	p2 =	por !p2, p0  }
0x20: {  	[sflag:s8] =	ssyncset.s32 @!p0 $0xFFFFF086;
	s6 =	sadd.s32 @!p0 s3, s7;
	s7 =	simm.s32 @!p0 $0x108  }
0x21: {  	s3 =	sadd.s32 s3, s9;
	s6 =	sadd.s32 @!p0 $0x88, s6;
	s7 =	simm.s32 @p2 $0x1082  }
0x22: {  	[simem:s7], [sflag:s8] =	dma.local @!p0 [hbm:s6], $0xF7A  }
0x23: {  	s9 =	sor.u32 $0xD0000000, s2;
	s6 =	simm.s32 $0x108;
	_ =	swait.ge @!p0 [sflag:s8], $0x0  }
0x24: {  	s3 =	sadd.s32 $0x88, s3;
	s6 =	simm.s32 @!p1 $0x1082;
	[sflag:s4] =	ssyncset.s32 $0xFFFFF086  }
0x25: {  	[simem:s6], [sflag:s4] =	dma.local [hbm:s3], $0xF7A  }
0x26: {  	[smem:$0x3F8A] =	sst s1;
	(tag) =	ssettag s2;
	_ =	strace s9  }
0x27: {  	s1 =	sld [smem:$0x3F9A]  }
0x28: {  	s2 =	sld [smem:$0x3F9B]  }
0x29: {  	s4 =	sld [smem:$0x3F9D]  }
0x2a: {  	p0 =	seq.s32 s5, $0x0;
	s5 =	sld [smem:$0x3F9E]  }
0x2b: {  	s6 =	sld [smem:$0x3F9F]  }
0x2c: {  	s7 =	sld [smem:$0x3FA0]  }
0x2d: {  	s3 =	simm.s32 $0x108;
	s8 =	sld [smem:$0x3FA1]  }
0x2e: {  	s3 =	simm.s32 @!p0 $0x1082;
	s9 =	sld [smem:$0x3FA2]  }
0x2f: {  	lr =	sadd.s32 s0, s3;
	s0 =	sld [smem:$0x3F99]  }
0x30: {  	s3 =	sld [smem:$0x3F9C]  }
0x31: {  	[smem:$0x3FA5] =	sst s10  }
0x32: {  	s10 =	sld [smem:$0x3FA3];
	_ =	sdelay $0x3  }
0x33: {  	p0 =	seq.s32 s10, $0x1;
	s10 =	sld [smem:$0x3FA5];
	_ =	sdelay $0x3  }
0x34: {  	[smem:$0x3FA5] =	sst s10  }
0x35: {  	s10 =	sld [smem:$0x3FA4];
	_ =	sdelay $0x3  }
0x36: {  	p1 =	seq.s32 s10, $0x1;
	s10 =	sld [smem:$0x3FA5];
	_ =	sdelay $0x3  }
0x37: {  	[smem:$0x3FA5] =	sst s10  }
0x38: {  	s10 =	sld [smem:$0x3FA6]  }
0x39: {  	_ = 	snop;
	(pc) =	sbr.ind lr, $3  }
0x3a: {  	_ = 	snop  }
0x3b: {  	_ = 	snop  }
0x3c: {  	p2 =	seq.s32 s10, $0x1;
	s10 =	sld [smem:$0x3FA5]  }
0x3d: {  	_ =	shalt  }
0x3e: {  	_ =	shalt  }
0x3f: {  	_ =	shalt  }
0x40: {  	_ =	shalt  }
0x41: {  	_ =	shalt  }
0x42: {  	_ =	shalt  }
0x43: {  	_ =	shalt  }
0x44: {  	_ =	shalt  }
0x45: {  	_ =	shalt  }
0x46: {  	_ =	shalt  }
0x47: {  	_ =	shalt  }
0x48: {  	_ =	shalt  }
0x49: {  	_ =	shalt  }
0x4a: {  	_ =	shalt  }
0x4b: {  	_ =	shalt  }
0x4c: {  	_ =	shalt  }
0x4d: {  	_ =	shalt  }
0x4e: {  	_ =	shalt  }
0x4f: {  	_ =	shalt  }
0x50: {  	_ =	shalt  }
0x51: {  	_ =	shalt  }
0x52: {  	_ =	shalt  }
0x53: {  	_ =	shalt  }
0x54: {  	_ =	shalt  }
0x55: {  	_ =	shalt  }
0x56: {  	_ =	shalt  }
0x57: {  	_ =	shalt  }
0x58: {  	_ =	shalt  }
0x59: {  	_ =	shalt  }
0x5a: {  	_ =	shalt  }
0x5b: {  	_ =	shalt  }
0x5c: {  	_ =	shalt  }
0x5d: {  	_ =	shalt  }
0x5e: {  	_ =	shalt  }
0x5f: {  	_ =	shalt  }
0x60: {  	_ =	shalt  }
0x61: {  	_ =	shalt  }
0x62: {  	_ =	shalt  }
0x63: {  	_ =	shalt  }
0x64: {  	_ =	shalt  }
0x65: {  	_ =	shalt  }
0x66: {  	_ =	shalt  }
0x67: {  	_ =	shalt  }
0x68: {  	_ =	shalt  }
0x69: {  	_ =	shalt  }
0x6a: {  	_ =	shalt  }
0x6b: {  	_ =	shalt  }
0x6c: {  	_ =	shalt  }
0x6d: {  	_ =	shalt  }
0x6e: {  	_ =	shalt  }
0x6f: {  	_ =	shalt  }
0x70: {  	_ =	shalt  }
0x71: {  	_ =	shalt  }
0x72: {  	_ =	shalt  }
0x73: {  	_ =	shalt  }
0x74: {  	_ =	shalt  }
0x75: {  	_ =	shalt  }
0x76: {  	_ =	shalt  }
0x77: {  	_ =	shalt  }
0x78: {  	_ =	shalt  }
0x79: {  	_ =	shalt  }
0x7a: {  	_ =	shalt  }
0x7b: {  	_ =	shalt  }
0x7c: {  	_ =	shalt  }
0x7d: {  	_ =	shalt  }
0x7e: {  	_ =	shalt  }
0x7f: {  	_ =	shalt  }
0x80: {  	_ =	shalt  }
0x81: {  	_ =	shalt  }
0x82: {  	_ =	shalt  }
0x83: {  	_ =	shalt  }
0x84: {  	_ =	shalt  }
0x85: {  	_ =	shalt  }
0x86: {  	_ =	shalt  }
0x87: {  	_ =	shalt  }
.Lfunc_end0:
.L_simem_size_0:
called_computation.1_lowered:
.L_overlay_start_0:
0x88: {  	s2 =	sld [smem:$0x3FD9]  }
0x89: {  	s3 =	sld [smem:$0x3FFE];
	_ =	sdelay $0x1  }
0x8a: {  	s1 =	srdreg.scid  }
0x8b: {  	s0 =	sand.u32 $0x1, s1  }
0x8c: {  	s17 =	sshll.u32 s0, $0xA;
	s2 =	sadd.s32 s3, s2  }
0x8d: {  	s2 =	sadd.s32 s2, s17  }
0x8e: {  	[smem:$0x3FB1] =	sst s2  }
0x8f: {  	_ = 	snop  }
0x90: {  	s18 =	sld [smem:$0x3FD0];
	(tm) =	ssettm $0x1  }
0x91: {  	s19 =	sld [smem:$0x3FFB];
	_ =	sdelay $0x3  }
0x92: {  	_ =	strace s19  }
0x93: {  	s2 =	sld [smem:$0x3FFC];
	_ =	sdelay $0x3  }
0x94: {  	_ =	strace s2  }
0x95: {  	s2 =	sld [smem:$0x3FFD];
	_ =	sdelay $0x3  }
0x96: {  	_ =	strace s2  }
0x97: {  	_ =	strace $0x8FFFFFFF  }
0x98: {  	s20 =	sld [smem:$0x3FDB];
	_ =	sdelay $0x1  }
0x99: {  	s4 =	simm.s32 $_scs_section_size  }
0x9a: {  	s5 =	simm.s32 $_size__tile_overlayer_lowered;
	s6 =	simm.s32 $_tile_overlayer_lowered  }
0x9b: {  	s7 =	simm.s32 $0x1BFF;
	s21 =	sshll.u32 s6, $0x1;
	s4 =	sadd.s32 s4, s20  }
0x9c: {  	s22 =	simm.s32 $0x0;
	s5 =	sshll.u32 s5, $0x1;
	s6 =	sadd.s32 s21, s4  }
0x9d: {  	[timem:s22], [sflag:s7] =	dma.local [hbm:s6], s5  }
0x9e: {  	_ =	swait.ge [sflag:s7], s5  }
0x9f: {  	s5 =	ssub.s32 $0x0, s5;
	[sflag:s7] =	ssyncset.done $0x0  }
0xa0: {  	[sflag:s7] =	ssyncadd.s32 s5;
	_ =	sdelay $0x1  }
0xa1: {  	s23 =	simm.s32 $0x1B8B  }
0xa2: {  	_ =	swait.ge [sflag:s23], $0x1  }
0xa3: {  	[sflag:s23] =	ssyncset.done $0x0  }
0xa4: {  	[sflag:s23] =	ssyncadd.s32 $0xFFFFFFFF  }
0xa5: {  	s5 =	sld [smem:$0x0]  }
0xa6: {  	s6 =	sand.u32 $0xFFFFFFFE, s1  }
0xa7: {  	p0 =	sne.s32 s1, s6  }
0xa8: {  	s6 =	sshll.u32 @p0 s6, $0xE  }
0xa9: {  	s6 =	sadd.s32 @p0 $0x11B8D, s6;
	s7 =	sshll.u32 @p0 s5, $0x11  }
0xaa: {  	s6 =	sor.u32 @p0 s7, s6  }
0xab: {  	[sflag:s6] =	ssyncadd.remote.s32 @p0 $0x1;
	_ =	sdelay $0x1  }
0xac: {  	s6 =	simm.s32 @p0 $0x1B8D  }
0xad: {  	_ =	swait.eq @p0 [sflag:s6], $0x1  }
0xae: {  	[sflag:s6] =	ssyncadd.s32 @p0 $0xFFFFFFFF  }
0xaf: {  	s7 =	sshll.u32 @!p0 s1, $0xE  }
0xb0: {  	s7 =	sor.u32 @!p0 $0x4000, s7;
	s6 =	simm.s32 @!p0 $0x1B8D  }
0xb1: {  	s5 =	sshll.u32 @!p0 s5, $0x11;
	s7 =	sadd.s32 @!p0 $0x11B8D, s7;
	_ =	swait.eq @!p0 [sflag:s6], $0x1  }
0xb2: {  	s5 =	sor.u32 @!p0 s5, s7;
	[sflag:s6] =	ssyncadd.s32 @!p0 $0xFFFFFFFF  }
0xb3: {  	s25 =	simm.s32 $0x1B8E;
	s24 =	sld [smem:$0x3FFE];
	[sflag:s5] =	ssyncadd.remote.s32 @!p0 $0x1  }
0xb4: {  	s26 =	simm.s32 $execute0_lowered;
	[smem:$0x3FD2] =	sst s25  }
0xb5: {  	s6 =	sshll.u32 s26, $0x1;
	_ =	strace $0x80000049;
	[dreg:$0x1] =	wrdreg $0xFFFFFFFF  }
0xb6: {  	s28 =	simm.s32 $_size_execute0_lowered;
	s4 =	sadd.s32 s4, s6;
	[dreg:$0x0] =	wrdreg $0x0  }
0xb7: {  	s6 =	sshll.u32 s28, $0x1;
	[dreg:$0x2] =	wrdreg s4  }
0xb8: {  	[dreg:$0x3] =	wrdreg s6  }
0xb9: {  	[dreg:$0x4] =	wrdreg $0xC0  }
0xba: {  	_ =	task [dreg:s22], $0x5FFFF  }
0xbb: {  	[dreg:$0x1] =	wrdreg $0xFFFFFFFF  }
0xbc: {  	[dreg:$0x0] =	wrdreg $0x60  }
0xbd: {  	[dreg:$0x2] =	wrdreg s18  }
0xbe: {  	[dreg:$0x3] =	wrdreg s24  }
0xbf: {  	[dreg:$0x4] =	wrdreg $0x0  }
0xc0: {  	[dreg:$0x5] =	wrdreg $0xA  }
0xc1: {  	_ =	task.clear_ibuf [dreg:s22], $0x6FFFF;
	_ =	strace $0x90000049  }
0xc2: {  	s29 =	simm.s32 $0xA;
	_ =	strace $0x8000004B  }
0xc3: {  	_ =	swait.ge [sflag:s29], $0x1  }
0xc4: {  	[sflag:s29] =	ssyncadd.s32 $0xFFFFFFFF  }
0xc5: {  	_ =	strace $0x9000004B  }
0xc6: {  	_ =	sfence  }
0xc7: {  	s30 =	sld [smem:$0x0];
	_ =	sdelay $0x2  }
0xc8: {  	s31 =	sshll.u32 s1, $0xD;
	s1 =	sshrl.u32 s1, $0x2  }
0xc9: {  	s4 =	sand.u32 $0x4000, s31;
	s1 =	sadd.s32 s1, s30  }
0xca: {  	s0 =	sor.u32 s4, s0;
	s1 =	sshll.u32 s1, $0x11  }
0xcb: {  	s0 =	sor.u32 s1, s0  }
0xcc: {  	s0 =	sadd.s32 $0x8F2B, s0  }
0xcd: {  	[sflag:s0] =	ssyncadd.remote.s32 $0x1  }
0xce: {  	_ =	sfence.sel $0xFFFF  }
0xcf: {  	[dreg:$0x0] =	wrdreg $0xFFFFFFFF;
	(pc) =	sbr.abs _section_cstart, $3  }
0xd0: {  	[dreg:$0x1] =	wrdreg $0xFFFFFFFF  }
0xd1: {  	_ =	task.clear_ibuf [dreg:s22], $0x2FFFF;
	_ =	strace $0x9FFFFFFF  }
0xd2: {  	(tm) =	ssettm $0x7FFFFFFF  }
0xd3: {  	_ =	shalt  }
tec
execute0_lowered:
.L_overlay_start_1:
0x0: {  	(tag) =	ssettag $0x1  }
0x1: {  	s1 =	rddreg [dreg:$0x0]  }
0x2: {  	s0 =	rddreg [dreg:$0x1]  }
0x3: {  	s3 =	rddreg [dreg:$0x2];
	s4 =	simm.s32 $0x0  }
0x4: {  	s13 =	stileid.u32;
	s7 =	srdreg.scid;
	s28 =	simm.s32 $0x13C80  }
0x5: {  	s29 =	simm.s32 $0x13D80;
	s30 =	simm.s32 $0x1;
	s31 =	simm.s32 $0x40  }
0x6: {  	[smem:$0x7FF] =	sst s4;
	s2 =	smul.u32 $0x2780, s13;
	s5 =	sadd.s32 $0x565E00, s0  }
0x7: {  	s6 =	sadd.s32 $0x55C000, s0;
	s8 =	sand.u32 $0x1, s7;
	s9 =	smul.u32 $0x4F000, s13  }
0x8: {  	s7 =	sadd.s32 $0x2EB000, s0;
	_ =	strace $0x8000004A;
	s10 =	sshll.u32 s8, $0x4  }
0x9: {  	s25 =	ssub.s32 $0x2, s8;
	p0 =	seq.s32 s8, $0x1;
	s8 =	simm.s32 $0x597400  }
0xa: {  	s2 =	sadd.s32 s2, s0;
	s10 =	sor.u32 s13, s10;
	s11 =	sshrl.u32 s25, $0x1  }
0xb: {  	s9 =	sshrl.u32 s9, $0x2;
	s8 =	simm.s32 @!p0 $0x56FC00;
	s12 =	smul.u32 $0x2710, s10  }
0xc: {  	s0 =	ssub.s32 s25, s11;
	s9 =	sadd.s32 s9, s3;
	s26 =	sadd.s32 $0x274800, s2  }
0xd: {  	s11 =	sshll.u32 s13, $0x6;
	s10 =	smul.u32 $0x13880, s10;
	[dreg:$0x4] =	wrdreg s9  }
0xe: {  	[dreg:$0x5] =	wrdreg s26;
	s17 =	sor.u32 $0x1C09, s11;
	s0 =	smax.u32 s0, $0x1  }
0xf: {  	s26 =	sadd.s32 s8, s2;
	s8 =	simm.s32 $0x2;
	s13 =	sshrl.u32 s12, $0x3  }
0x10: {  	s14 =	sadd.s32 $0x40, s12;
	s20 =	sadd.s32 $0x2700, s12;
	[dreg:$0x11] =	wrdreg s0  }
0x11: {  	s10 =	sadd.s32 s7, s10;
	s22 =	sadd.s32 $0x80, s12;
	[dreg:$0x12] =	wrdreg s26  }
0x12: {  	s26 =	simm.s32 $0x13D00;
	s0 =	simm.s32 $0x13E00;
	[dreg:$0x6] =	wrdreg s17  }
0x13: {  	s15 =	sadd.s32 s5, s13;
	s16 =	sshrl.u32 s14, $0x3;
	s11 =	sadd.s32 s6, s13  }
0x14: {  	s19 =	sshll.u32 s14, $0x3;
	[dreg:$0xb] =	wrdreg s10;
	s21 =	sshrl.u32 s20, $0x3  }
0x15: {  	[dreg:$0xd] =	wrdreg s22;
	s24 =	sshll.u32 s20, $0x3;
	s13 =	simm.s32 $0x5  }
0x16: {  	s14 =	simm.s32 $0x7;
	s10 =	simm.s32 $0x0;
	[dreg:$0x7] =	wrdreg s15  }
0x17: {  	[dreg:$0x8] =	wrdreg s11;
	s18 =	sadd.s32 s5, s16;
	s9 =	sadd.s32 s6, s16  }
0x18: {  	s23 =	sadd.s32 s5, s21;
	s25 =	sadd.s32 s7, s24;
	[dreg:$0x9] =	wrdreg s18  }
0x19: {  	s15 =	simm.s32 $0x4;
	s16 =	simm.s32 $0x6;
	[dreg:$0xa] =	wrdreg s9  }
0x1a: {  	s9 =	sadd.s32 s7, s19;
	s18 =	sadd.s32 $0xC0, s12;
	[dreg:$0xe] =	wrdreg s23  }
0x1b: {  	[dreg:$0x10] =	wrdreg s25;
	s23 =	simm.s32 $0x9;
	s25 =	simm.s32 $0x13C00  }
0x1c: {  	s12 =	simm.s32 $0x3;
	[dreg:$0xc] =	wrdreg s9;
	s9 =	sadd.s32 s6, s21  }
0x1d: {  	s19 =	simm.s32 $0x8;
	[dreg:$0xf] =	wrdreg s9;
	s9 =	simm.s32 $0x15E00  }
.LBB2_1:
0x1e: {  	[dreg:$0x13] =	wrdreg s10  }
0x1f: {  	s2 =	rddreg [dreg:$0x4]  }
0x20: {  	s24 =	rddreg [dreg:$0x5];
	s22 =	sshrl.u32 s2, $0x3  }
0x21: {  	[dreg:$0x14] =	wrdreg s22  }
0x22: {  	[spmem:s22], [sflag:s17] =	dma.local [hbm:s24], $0x2780  }
0x23: {  	_ =	swait.ge [sflag:s23], $0x2780  }
0x24: {  	[sflag:s23] =	ssyncset.done $0x0  }
0x25: {  	s10 =	rddreg [dreg:$0x7];
	[sflag:s23] =	ssyncadd.s32 $0xFFFFD880  }
0x26: {  	[tilespmem:s25], [sflag:$0x1] =	stream.linear.gather [hbm4b:s10+s4], $0x40, $0x38;
	[tilespmem:$0x19F00] =	vst v63  }
0x27: {  	s11 =	rddreg [dreg:$0x8]  }
0x28: {  	[tilespmem:s26], [sflag:$0x1] =	stream.linear.gather [hbm4b:s11+s4], $0x40, $0x38;
	[tilespmem:$0x19F00] =	vst v63  }
0x29: {  	s17 =	rddreg [dreg:$0x9]  }
0x2a: {  	[tilespmem:s28], [sflag:$0x2] =	stream.linear.gather [hbm4b:s17+s4], $0x40, $0x38;
	[tilespmem:$0x19F00] =	vst v63  }
0x2b: {  	s20 =	rddreg [dreg:$0xa]  }
0x2c: {  	[tilespmem:s29], [sflag:$0x2] =	stream.linear.gather [hbm4b:s20+s4], $0x40, $0x38;
	[tilespmem:$0x19F00] =	vst v63  }
0x2d: {  	_ =	swait.ge [sflag:s30], $0x40  }
0x2e: {  	[sflag:s30] =	ssyncset.done $0x0  }
0x2f: {  	[sflag:s30] =	ssyncadd.s32 $0xFFFFFFC0  }
0x30: {  	_ =	swait.ge [sflag:s30], $0x40  }
0x31: {  	[sflag:s30] =	ssyncset.done $0x0  }
0x32: {  	[sflag:s30] =	ssyncadd.s32 $0xFFFFFFC0  }
0x33: {  	[tilespmem:s0], [sflag:$0x3] =	stream.indirect.gather [hbm4b:s1+s31], $0x80, s25, s31, $0xb8;
	[tilespmem:$0x19F00] =	vst v63  }
0x34: {  	s22 =	simm.s32 $0x17E00;
	s21 =	rddreg [dreg:$0xb]  }
0x35: {  	[tilespmem:s22], [sflag:$0x5] =	stream.linear.gather [hbm4b:s21+s4], $0x1000, $0x38;
	[tilespmem:$0x19F00] =	vst v63  }
0x36: {  	[bflag:$0x0] =	sbarrier.arrive $0xFFFF  }
0x37: {  	_ =	swait.ge [sflag:s8], $0x40  }
0x38: {  	[sflag:s8] =	ssyncset.done $0x0  }
0x39: {  	[sflag:s8] =	ssyncadd.s32 $0xFFFFFFC0  }
0x3a: {  	_ =	swait.ge [sflag:s8], $0x40  }
0x3b: {  	[sflag:s8] =	ssyncset.done $0x0  }
0x3c: {  	[sflag:s8] =	ssyncadd.s32 $0xFFFFFFC0  }
0x3d: {  	[tilespmem:s9], [sflag:$0x4] =	stream.indirect.gather [hbm4b:s1+s31], $0x80, s28, s31, $0xb8;
	[tilespmem:$0x19F00] =	vst v63  }
0x3e: {  	s24 =	simm.s32 $0x18E00;
	s22 =	simm.s32 $0x0;
	s23 =	rddreg [dreg:$0xc]  }
0x3f: {  	[tilespmem:s24], [sflag:$0x6] =	stream.linear.gather [hbm4b:s23+s4], $0x1000, $0x38;
	[tilespmem:$0x19F00] =	vst v63  }
.LBB2_2:
0x40: {  	_ =	swait.ge [sflag:s12], $0x2000  }
0x41: {  	[sflag:s12] =	ssyncset.done $0x0  }
0x42: {  	[sflag:s12] =	ssyncadd.s32 $0xFFFFE000  }
0x43: {  	s10 =	simm.s32 $0x0;
	_ =	swait.ge [sflag:s13], $0x1000  }
0x44: {  	s11 =	sand.u32 $0x1F00, s10;
	[sflag:s13] =	ssyncset.done $0x0  }
0x45: {  	s11 =	sshrl.u32 s11, $0x1;
	[sflag:s13] =	ssyncadd.s32 $0xFFFFF000  }
0x46: {  	v0 =	vld [tilespmem:s11+$0x17E00]  }
0x47: {  	s23 =	simm.s32 $0x13E40  }
0x48: {  	v1 =	vld [tilespmem:s23+$0xFFFFFFC0];
	_ =	sdelay $0x1  }
0x49: {  	s20 =	sand.u32 $0x10, s10  }
0x4a: {  	v0 =	vshra.s32 v0, s20  }
0x4b: {  	v0 =	vunpack.i.l.bf16.f32 v0  }
0x4c: {  	v0 =	vmul.f32 v0, v1;
	_ =	sdelay $0x1  }
0x4d: {  	s11 =	sadd.s32 $0x17E00, s11;
	[tilespmem:s23+$0xFFFFFFC0] =	vst v0  }
0x4e: {  	v0 =	vld [tilespmem:s11+$0x10];
	_ =	sdelay $0x1  }
0x4f: {  	v1 =	vld [tilespmem:s23+$0xFFFFFFD0];
	_ =	sdelay $0x2  }
0x50: {  	v0 =	vshra.s32 v0, s20  }
0x51: {  	v0 =	vunpack.i.l.bf16.f32 v0  }
0x52: {  	v0 =	vmul.f32 v0, v1;
	_ =	sdelay $0x1  }
0x53: {  	[tilespmem:s23+$0xFFFFFFD0] =	vst v0  }
0x54: {  	v0 =	vld [tilespmem:s11+$0x20];
	_ =	sdelay $0x1  }
0x55: {  	v1 =	vld [tilespmem:s23+$0xFFFFFFE0];
	_ =	sdelay $0x2  }
0x56: {  	v0 =	vshra.s32 v0, s20  }
0x57: {  	v0 =	vunpack.i.l.bf16.f32 v0  }
0x58: {  	v0 =	vmul.f32 v0, v1;
	_ =	sdelay $0x1  }
0x59: {  	[tilespmem:s23+$0xFFFFFFE0] =	vst v0  }
0x5a: {  	v0 =	vld [tilespmem:s11+$0x30];
	_ =	sdelay $0x1  }
0x5b: {  	v1 =	vld [tilespmem:s23+$0xFFFFFFF0];
	_ =	sdelay $0x2  }
0x5c: {  	p0 =	por $0x0, $0x0;
	s11 =	simm.s32 $0x1;
	v0 =	vshra.s32 v0, s20  }
0x5d: {  	s11 =	simm.s32 @!p0 $0x0;
	v0 =	vunpack.i.l.bf16.f32 v0  }
0x5e: {  	s11 =	sadd.s32 $0x0, s11;
	v0 =	vmul.f32 v0, v1  }
0x5f: {  	s21 =	sor.u32 $0x80, s11  }
0x60: {  	s21 =	sshra.s32 s21, $0x1;
	[tilespmem:s23+$0xFFFFFFF0] =	vst v0  }
0x61: {  	v0 =	vld [tilespmem:s21+$0x17E00];
	_ =	sdelay $0x1  }
0x62: {  	v1 =	vld [tilespmem:s23+$0x0];
	_ =	sdelay $0x2  }
0x63: {  	v0 =	vshra.s32 v0, s20  }
0x64: {  	v0 =	vunpack.i.l.bf16.f32 v0  }
0x65: {  	v0 =	vmul.f32 v0, v1  }
0x66: {  	s17 =	sor.u32 $0xA0, s11  }
0x67: {  	s21 =	sshra.s32 s17, $0x1;
	[tilespmem:s23+$0x0] =	vst v0  }
0x68: {  	v0 =	vld [tilespmem:s21+$0x17E00];
	_ =	sdelay $0x1  }
0x69: {  	v1 =	vld [tilespmem:s23+$0x10];
	_ =	sdelay $0x2  }
0x6a: {  	v0 =	vshra.s32 v0, s20  }
0x6b: {  	v0 =	vunpack.i.l.bf16.f32 v0  }
0x6c: {  	v0 =	vmul.f32 v0, v1  }
0x6d: {  	s24 =	sor.u32 $0xC0, s11  }
0x6e: {  	s21 =	sshra.s32 s24, $0x1;
	[tilespmem:s23+$0x10] =	vst v0  }
0x6f: {  	v0 =	vld [tilespmem:s21+$0x17E00];
	_ =	sdelay $0x1  }
0x70: {  	v1 =	vld [tilespmem:s23+$0x20];
	_ =	sdelay $0x2  }
0x71: {  	v0 =	vshra.s32 v0, s20  }
0x72: {  	v0 =	vunpack.i.l.bf16.f32 v0  }
0x73: {  	v0 =	vmul.f32 v0, v1  }
0x74: {  	s11 =	sor.u32 $0xE0, s11  }
0x75: {  	s11 =	sshra.s32 s11, $0x1;
	[tilespmem:s23+$0x20] =	vst v0  }
0x76: {  	v0 =	vld [tilespmem:s11+$0x17E00];
	_ =	sdelay $0x1  }
0x77: {  	v1 =	vld [tilespmem:s23+$0x30];
	_ =	sdelay $0x2  }
0x78: {  	v0 =	vshra.s32 v0, s20  }
0x79: {  	v0 =	vunpack.i.l.bf16.f32 v0  }
0x7a: {  	s21 =	simm.s32 $0x80;
	v0 =	vmul.f32 v0, v1  }
0x7b: {  	s11 =	sand.u32 $0x1F00, s21;
	s20 =	simm.s32 $0x2  }
.LBB2_3:
0x7c: {  	p1 =	sne.s32 s20, $0x3F;
	s11 =	sshrl.u32 s11, $0x1;
	[tilespmem:s23+$0x30] =	vst v0  }
0x7d: {  	v0 =	vld [tilespmem:s11+$0x17E00]  }
0x7e: {  	s23 =	sadd.s32 $0x80, s23  }
0x7f: {  	v1 =	vld [tilespmem:s23+$0xFFFFFFC0]  }
0x80: {  	s10 =	sadd.s32 $0x10, s10  }
0x81: {  	s24 =	sand.u32 $0x10, s10  }
0x82: {  	v0 =	vshra.s32 v0, s24  }
0x83: {  	v0 =	vunpack.i.l.bf16.f32 v0  }
0x84: {  	v0 =	vmul.f32 v0, v1;
	_ =	sdelay $0x1  }
0x85: {  	s11 =	sadd.s32 $0x17E00, s11;
	[tilespmem:s23+$0xFFFFFFC0] =	vst v0  }
0x86: {  	v0 =	vld [tilespmem:s11+$0x10];
	_ =	sdelay $0x1  }
0x87: {  	v1 =	vld [tilespmem:s23+$0xFFFFFFD0];
	_ =	sdelay $0x2  }
0x88: {  	v0 =	vshra.s32 v0, s24  }
0x89: {  	v0 =	vunpack.i.l.bf16.f32 v0  }
0x8a: {  	v0 =	vmul.f32 v0, v1;
	_ =	sdelay $0x1  }
0x8b: {  	[tilespmem:s23+$0xFFFFFFD0] =	vst v0  }
0x8c: {  	v0 =	vld [tilespmem:s11+$0x20];
	_ =	sdelay $0x1  }
0x8d: {  	v1 =	vld [tilespmem:s23+$0xFFFFFFE0];
	_ =	sdelay $0x2  }
0x8e: {  	v0 =	vshra.s32 v0, s24  }
0x8f: {  	v0 =	vunpack.i.l.bf16.f32 v0  }
0x90: {  	v0 =	vmul.f32 v0, v1;
	_ =	sdelay $0x1  }
0x91: {  	[tilespmem:s23+$0xFFFFFFE0] =	vst v0  }
0x92: {  	v0 =	vld [tilespmem:s11+$0x30];
	_ =	sdelay $0x1  }
0x93: {  	v1 =	vld [tilespmem:s23+$0xFFFFFFF0];
	_ =	sdelay $0x2  }
0x94: {  	p0 =	por !p0, !p0;
	s11 =	simm.s32 $0x1;
	v0 =	vshra.s32 v0, s24  }
0x95: {  	s11 =	simm.s32 @!p0 $0x0;
	v0 =	vunpack.i.l.bf16.f32 v0  }
0x96: {  	s11 =	sadd.s32 s11, s21;
	v0 =	vmul.f32 v0, v1  }
0x97: {  	s2 =	sor.u32 $0x80, s11  }
0x98: {  	s2 =	sshra.s32 s2, $0x1;
	[tilespmem:s23+$0xFFFFFFF0] =	vst v0  }
0x99: {  	v0 =	vld [tilespmem:s2+$0x17E00];
	_ =	sdelay $0x1  }
0x9a: {  	v1 =	vld [tilespmem:s23+$0x0];
	_ =	sdelay $0x2  }
0x9b: {  	v0 =	vshra.s32 v0, s24  }
0x9c: {  	v0 =	vunpack.i.l.bf16.f32 v0  }
0x9d: {  	v0 =	vmul.f32 v0, v1  }
0x9e: {  	s2 =	sor.u32 $0xA0, s11  }
0x9f: {  	s2 =	sshra.s32 s2, $0x1;
	[tilespmem:s23+$0x0] =	vst v0  }
0xa0: {  	v0 =	vld [tilespmem:s2+$0x17E00];
	_ =	sdelay $0x1  }
0xa1: {  	v1 =	vld [tilespmem:s23+$0x10];
	_ =	sdelay $0x2  }
0xa2: {  	v0 =	vshra.s32 v0, s24  }
0xa3: {  	v0 =	vunpack.i.l.bf16.f32 v0  }
0xa4: {  	v0 =	vmul.f32 v0, v1  }
0xa5: {  	s2 =	sor.u32 $0xC0, s11  }
0xa6: {  	s2 =	sshra.s32 s2, $0x1;
	[tilespmem:s23+$0x10] =	vst v0  }
0xa7: {  	v0 =	vld [tilespmem:s2+$0x17E00];
	_ =	sdelay $0x1  }
0xa8: {  	v1 =	vld [tilespmem:s23+$0x20];
	_ =	sdelay $0x2  }
0xa9: {  	v0 =	vshra.s32 v0, s24  }
0xaa: {  	v0 =	vunpack.i.l.bf16.f32 v0  }
0xab: {  	v0 =	vmul.f32 v0, v1  }
0xac: {  	s2 =	sor.u32 $0xE0, s11  }
0xad: {  	s2 =	sshra.s32 s2, $0x1;
	[tilespmem:s23+$0x20] =	vst v0  }
0xae: {  	v0 =	vld [tilespmem:s2+$0x17E00];
	_ =	sdelay $0x1  }
0xaf: {  	v1 =	vld [tilespmem:s23+$0x30];
	_ =	sdelay $0x1  }
.Ltmp0:
0xb0: {  	(pc) =	sbr.rel @p1 .LBB2_3-.Ltmp0, $4  }
0xb1: {  	v0 =	vshra.s32 v0, s24  }
0xb2: {  	v0 =	vunpack.i.l.bf16.f32 v0  }
0xb3: {  	s21 =	sadd.s32 $0x80, s21;
	v0 =	vmul.f32 v0, v1  }
0xb4: {  	s20 =	sadd.s32 $0x1, s20;
	s11 =	sand.u32 $0x1F00, s21  }
0xb5: {  	s2 =	sshrl.u32 s11, $0x1;
	[tilespmem:s23+$0x30] =	vst v0  }
0xb6: {  	v0 =	vld [tilespmem:s2+$0x17E00]  }
0xb7: {  	s23 =	sadd.s32 $0x80, s23  }
0xb8: {  	v1 =	vld [tilespmem:s23+$0xFFFFFFC0]  }
0xb9: {  	s10 =	sadd.s32 $0x10, s10  }
0xba: {  	s10 =	sand.u32 $0x10, s10  }
0xbb: {  	v0 =	vshra.s32 v0, s10  }
0xbc: {  	v0 =	vunpack.i.l.bf16.f32 v0  }
0xbd: {  	v0 =	vmul.f32 v0, v1;
	_ =	sdelay $0x1  }
0xbe: {  	s2 =	sadd.s32 $0x17E00, s2;
	[tilespmem:s23+$0xFFFFFFC0] =	vst v0  }
0xbf: {  	v0 =	vld [tilespmem:s2+$0x10];
	_ =	sdelay $0x1  }
0xc0: {  	v1 =	vld [tilespmem:s23+$0xFFFFFFD0];
	_ =	sdelay $0x2  }
0xc1: {  	v0 =	vshra.s32 v0, s10  }
0xc2: {  	v0 =	vunpack.i.l.bf16.f32 v0  }
0xc3: {  	v0 =	vmul.f32 v0, v1;
	_ =	sdelay $0x1  }
0xc4: {  	[tilespmem:s23+$0xFFFFFFD0] =	vst v0  }
0xc5: {  	v0 =	vld [tilespmem:s2+$0x20];
	_ =	sdelay $0x1  }
0xc6: {  	v1 =	vld [tilespmem:s23+$0xFFFFFFE0];
	_ =	sdelay $0x2  }
0xc7: {  	v0 =	vshra.s32 v0, s10  }
0xc8: {  	v0 =	vunpack.i.l.bf16.f32 v0  }
0xc9: {  	v0 =	vmul.f32 v0, v1;
	_ =	sdelay $0x1  }
0xca: {  	[tilespmem:s23+$0xFFFFFFE0] =	vst v0  }
0xcb: {  	v0 =	vld [tilespmem:s2+$0x30];
	_ =	sdelay $0x1  }
0xcc: {  	v1 =	vld [tilespmem:s23+$0xFFFFFFF0];
	_ =	sdelay $0x2  }
0xcd: {  	p0 =	por !p0, !p0;
	s2 =	simm.s32 $0x1;
	v0 =	vshra.s32 v0, s10  }
0xce: {  	s2 =	simm.s32 @!p0 $0x0;
	v0 =	vunpack.i.l.bf16.f32 v0  }
0xcf: {  	s2 =	sadd.s32 s2, s21;
	v0 =	vmul.f32 v0, v1  }
0xd0: {  	s20 =	sor.u32 $0x80, s2  }
0xd1: {  	s20 =	sshra.s32 s20, $0x1;
	[tilespmem:s23+$0xFFFFFFF0] =	vst v0  }
0xd2: {  	v0 =	vld [tilespmem:s20+$0x17E00];
	_ =	sdelay $0x1  }
0xd3: {  	v1 =	vld [tilespmem:s23+$0x0];
	_ =	sdelay $0x2  }
0xd4: {  	v0 =	vshra.s32 v0, s10  }
0xd5: {  	v0 =	vunpack.i.l.bf16.f32 v0  }
0xd6: {  	v0 =	vmul.f32 v0, v1  }
0xd7: {  	s24 =	sor.u32 $0xA0, s2  }
0xd8: {  	s20 =	sshra.s32 s24, $0x1;
	[tilespmem:s23+$0x0] =	vst v0  }
0xd9: {  	v0 =	vld [tilespmem:s20+$0x17E00];
	_ =	sdelay $0x1  }
0xda: {  	v1 =	vld [tilespmem:s23+$0x10];
	_ =	sdelay $0x2  }
0xdb: {  	v0 =	vshra.s32 v0, s10  }
0xdc: {  	v0 =	vunpack.i.l.bf16.f32 v0  }
0xdd: {  	v0 =	vmul.f32 v0, v1  }
0xde: {  	s17 =	sor.u32 $0xC0, s2  }
0xdf: {  	s20 =	sshra.s32 s17, $0x1;
	[tilespmem:s23+$0x10] =	vst v0  }
0xe0: {  	v0 =	vld [tilespmem:s20+$0x17E00];
	_ =	sdelay $0x1  }
0xe1: {  	v1 =	vld [tilespmem:s23+$0x20];
	_ =	sdelay $0x2  }
0xe2: {  	v0 =	vshra.s32 v0, s10  }
0xe3: {  	v0 =	vunpack.i.l.bf16.f32 v0  }
0xe4: {  	v0 =	vmul.f32 v0, v1  }
0xe5: {  	s2 =	sor.u32 $0xE0, s2  }
0xe6: {  	s2 =	sshra.s32 s2, $0x1;
	[tilespmem:s23+$0x20] =	vst v0  }
0xe7: {  	v0 =	vld [tilespmem:s2+$0x17E00];
	_ =	sdelay $0x1  }
0xe8: {  	v1 =	vld [tilespmem:s23+$0x30];
	_ =	sdelay $0x2  }
0xe9: {  	v0 =	vshra.s32 v0, s10  }
0xea: {  	v0 =	vunpack.i.l.bf16.f32 v0  }
0xeb: {  	v0 =	vmul.f32 v0, v1;
	_ =	sdelay $0x1  }
0xec: {  	[tilespmem:s23+$0x30] =	vst v0  }
0xed: {  	[spmem:s3] =	stream.indirect.scatter.add.f32 [tilespmem:s0], [sflag:$0x7], $0x80, s26, s31, $0xb8;
	[tilespmem:$0x19F00] =	vst v63  }
0xee: {  	_ =	swait.ge [sflag:s14], $0x2000  }
0xef: {  	s23 =	sshll.u32 s22, $0x7;
	s21 =	rddreg [dreg:$0xd]  }
0xf0: {  	s2 =	sadd.s32 s23, s21  }
0xf1: {  	[sflag:s14] =	ssyncset.done $0x0;
	s24 =	sshrl.u32 s2, $0x3  }
0xf2: {  	s10 =	simm.s32 $0x0;
	[sflag:s14] =	ssyncadd.s32 $0xFFFFE000;
	s17 =	sadd.s32 s5, s24  }
0xf3: {  	[tilespmem:s25], [sflag:$0x1] =	stream.linear.gather [hbm4b:s17+s10], $0x40, $0x38;
	[tilespmem:$0x19F00] =	vst v63  }
0xf4: {  	s11 =	sadd.s32 s6, s24  }
0xf5: {  	[tilespmem:s26], [sflag:$0x1] =	stream.linear.gather [hbm4b:s11+s10], $0x40, $0x38;
	[tilespmem:$0x19F00] =	vst v63  }
0xf6: {  	_ =	swait.ge [sflag:s30], $0x40  }
0xf7: {  	[sflag:s30] =	ssyncset.done $0x0  }
0xf8: {  	[sflag:s30] =	ssyncadd.s32 $0xFFFFFFC0  }
0xf9: {  	_ =	swait.ge [sflag:s30], $0x40  }
0xfa: {  	s2 =	sshll.u32 s2, $0x3;
	[sflag:s30] =	ssyncset.done $0x0  }
0xfb: {  	s2 =	sand.u32 $0xFFFFF80, s2;
	[sflag:s30] =	ssyncadd.s32 $0xFFFFFFC0  }
0xfc: {  	[tilespmem:s0], [sflag:$0x3] =	stream.indirect.gather [hbm4b:s1+s31], $0x80, s25, s31, $0xb8;
	[tilespmem:$0x19F00] =	vst v63  }
0xfd: {  	s20 =	simm.s32 $0x17E00;
	s2 =	sadd.s32 s7, s2  }
0xfe: {  	[tilespmem:s20], [sflag:$0x5] =	stream.linear.gather [hbm4b:s2+s10], $0x1000, $0x38;
	[tilespmem:$0x19F00] =	vst v63  }
0xff: {  	_ =	swait.ge [sflag:s15], $0x2000  }
0x100: {  	[sflag:s15] =	ssyncset.done $0x0  }
0x101: {  	[sflag:s15] =	ssyncadd.s32 $0xFFFFE000  }
0x102: {  	_ =	swait.ge [sflag:s16], $0x1000  }
0x103: {  	s21 =	sand.u32 $0x1F00, s10;
	[sflag:s16] =	ssyncset.done $0x0  }
0x104: {  	s2 =	sshrl.u32 s21, $0x1;
	[sflag:s16] =	ssyncadd.s32 $0xFFFFF000  }
0x105: {  	v0 =	vld [tilespmem:s2+$0x18E00]  }
0x106: {  	s21 =	simm.s32 $0x15E40  }
0x107: {  	v1 =	vld [tilespmem:s21+$0xFFFFFFC0];
	_ =	sdelay $0x1  }
0x108: {  	s11 =	sand.u32 $0x10, s10  }
0x109: {  	v0 =	vshra.s32 v0, s11  }
0x10a: {  	v0 =	vunpack.i.l.bf16.f32 v0  }
0x10b: {  	v0 =	vmul.f32 v0, v1;
	_ =	sdelay $0x1  }
0x10c: {  	s2 =	sadd.s32 $0x18E00, s2;
	[tilespmem:s21+$0xFFFFFFC0] =	vst v0  }
0x10d: {  	v0 =	vld [tilespmem:s2+$0x10];
	_ =	sdelay $0x1  }
0x10e: {  	v1 =	vld [tilespmem:s21+$0xFFFFFFD0];
	_ =	sdelay $0x2  }
0x10f: {  	v0 =	vshra.s32 v0, s11  }
0x110: {  	v0 =	vunpack.i.l.bf16.f32 v0  }
0x111: {  	v0 =	vmul.f32 v0, v1;
	_ =	sdelay $0x1  }
0x112: {  	[tilespmem:s21+$0xFFFFFFD0] =	vst v0  }
0x113: {  	v0 =	vld [tilespmem:s2+$0x20];
	_ =	sdelay $0x1  }
0x114: {  	v1 =	vld [tilespmem:s21+$0xFFFFFFE0];
	_ =	sdelay $0x2  }
0x115: {  	v0 =	vshra.s32 v0, s11  }
0x116: {  	v0 =	vunpack.i.l.bf16.f32 v0  }
0x117: {  	v0 =	vmul.f32 v0, v1;
	_ =	sdelay $0x1  }
0x118: {  	[tilespmem:s21+$0xFFFFFFE0] =	vst v0  }
0x119: {  	v0 =	vld [tilespmem:s2+$0x30];
	_ =	sdelay $0x1  }
0x11a: {  	v1 =	vld [tilespmem:s21+$0xFFFFFFF0];
	_ =	sdelay $0x2  }
0x11b: {  	p0 =	por $0x0, $0x0;
	s2 =	simm.s32 $0x1;
	v0 =	vshra.s32 v0, s11  }
0x11c: {  	s2 =	simm.s32 @!p0 $0x0;
	v0 =	vunpack.i.l.bf16.f32 v0  }
0x11d: {  	s2 =	sadd.s32 $0x0, s2;
	v0 =	vmul.f32 v0, v1  }
0x11e: {  	s24 =	sor.u32 $0x80, s2  }
0x11f: {  	s20 =	sshra.s32 s24, $0x1;
	[tilespmem:s21+$0xFFFFFFF0] =	vst v0  }
0x120: {  	v0 =	vld [tilespmem:s20+$0x18E00];
	_ =	sdelay $0x1  }
0x121: {  	v1 =	vld [tilespmem:s21+$0x0];
	_ =	sdelay $0x2  }
0x122: {  	v0 =	vshra.s32 v0, s11  }
0x123: {  	v0 =	vunpack.i.l.bf16.f32 v0  }
0x124: {  	v0 =	vmul.f32 v0, v1  }
0x125: {  	s17 =	sor.u32 $0xA0, s2  }
0x126: {  	s20 =	sshra.s32 s17, $0x1;
	[tilespmem:s21+$0x0] =	vst v0  }
0x127: {  	v0 =	vld [tilespmem:s20+$0x18E00];
	_ =	sdelay $0x1  }
0x128: {  	v1 =	vld [tilespmem:s21+$0x10];
	_ =	sdelay $0x2  }
0x129: {  	v0 =	vshra.s32 v0, s11  }
0x12a: {  	v0 =	vunpack.i.l.bf16.f32 v0  }
0x12b: {  	v0 =	vmul.f32 v0, v1  }
0x12c: {  	s24 =	sor.u32 $0xC0, s2  }
0x12d: {  	s20 =	sshra.s32 s24, $0x1;
	[tilespmem:s21+$0x10] =	vst v0  }
0x12e: {  	v0 =	vld [tilespmem:s20+$0x18E00];
	_ =	sdelay $0x1  }
0x12f: {  	v1 =	vld [tilespmem:s21+$0x20];
	_ =	sdelay $0x2  }
0x130: {  	v0 =	vshra.s32 v0, s11  }
0x131: {  	v0 =	vunpack.i.l.bf16.f32 v0  }
0x132: {  	v0 =	vmul.f32 v0, v1  }
0x133: {  	s2 =	sor.u32 $0xE0, s2  }
0x134: {  	s2 =	sshra.s32 s2, $0x1;
	[tilespmem:s21+$0x20] =	vst v0  }
0x135: {  	v0 =	vld [tilespmem:s2+$0x18E00];
	_ =	sdelay $0x1  }
0x136: {  	v1 =	vld [tilespmem:s21+$0x30];
	_ =	sdelay $0x2  }
0x137: {  	v0 =	vshra.s32 v0, s11  }
0x138: {  	v0 =	vunpack.i.l.bf16.f32 v0  }
0x139: {  	s20 =	simm.s32 $0x80;
	v0 =	vmul.f32 v0, v1  }
0x13a: {  	s24 =	simm.s32 $0x2;
	s11 =	sand.u32 $0x1F00, s20  }
.LBB2_5:
0x13b: {  	p1 =	sne.s32 s24, $0x3F;
	s2 =	sshrl.u32 s11, $0x1;
	[tilespmem:s21+$0x30] =	vst v0  }
0x13c: {  	v0 =	vld [tilespmem:s2+$0x18E00]  }
0x13d: {  	s21 =	sadd.s32 $0x80, s21  }
0x13e: {  	v1 =	vld [tilespmem:s21+$0xFFFFFFC0]  }
0x13f: {  	s10 =	sadd.s32 $0x10, s10  }
0x140: {  	s11 =	sand.u32 $0x10, s10  }
0x141: {  	v0 =	vshra.s32 v0, s11  }
0x142: {  	v0 =	vunpack.i.l.bf16.f32 v0  }
0x143: {  	v0 =	vmul.f32 v0, v1;
	_ =	sdelay $0x1  }
0x144: {  	s2 =	sadd.s32 $0x18E00, s2;
	[tilespmem:s21+$0xFFFFFFC0] =	vst v0  }
0x145: {  	v0 =	vld [tilespmem:s2+$0x10];
	_ =	sdelay $0x1  }
0x146: {  	v1 =	vld [tilespmem:s21+$0xFFFFFFD0];
	_ =	sdelay $0x2  }
0x147: {  	v0 =	vshra.s32 v0, s11  }
0x148: {  	v0 =	vunpack.i.l.bf16.f32 v0  }
0x149: {  	v0 =	vmul.f32 v0, v1;
	_ =	sdelay $0x1  }
0x14a: {  	[tilespmem:s21+$0xFFFFFFD0] =	vst v0  }
0x14b: {  	v0 =	vld [tilespmem:s2+$0x20];
	_ =	sdelay $0x1  }
0x14c: {  	v1 =	vld [tilespmem:s21+$0xFFFFFFE0];
	_ =	sdelay $0x2  }
0x14d: {  	v0 =	vshra.s32 v0, s11  }
0x14e: {  	v0 =	vunpack.i.l.bf16.f32 v0  }
0x14f: {  	v0 =	vmul.f32 v0, v1;
	_ =	sdelay $0x1  }
0x150: {  	[tilespmem:s21+$0xFFFFFFE0] =	vst v0  }
0x151: {  	v0 =	vld [tilespmem:s2+$0x30];
	_ =	sdelay $0x1  }
0x152: {  	v1 =	vld [tilespmem:s21+$0xFFFFFFF0];
	_ =	sdelay $0x2  }
0x153: {  	p0 =	por !p0, !p0;
	s2 =	simm.s32 $0x1;
	v0 =	vshra.s32 v0, s11  }
0x154: {  	s2 =	simm.s32 @!p0 $0x0;
	v0 =	vunpack.i.l.bf16.f32 v0  }
0x155: {  	s2 =	sadd.s32 s2, s20;
	v0 =	vmul.f32 v0, v1  }
0x156: {  	s17 =	sor.u32 $0x80, s2  }
0x157: {  	s17 =	sshra.s32 s17, $0x1;
	[tilespmem:s21+$0xFFFFFFF0] =	vst v0  }
0x158: {  	v0 =	vld [tilespmem:s17+$0x18E00];
	_ =	sdelay $0x1  }
0x159: {  	v1 =	vld [tilespmem:s21+$0x0];
	_ =	sdelay $0x2  }
0x15a: {  	v0 =	vshra.s32 v0, s11  }
0x15b: {  	v0 =	vunpack.i.l.bf16.f32 v0  }
0x15c: {  	v0 =	vmul.f32 v0, v1  }
0x15d: {  	s17 =	sor.u32 $0xA0, s2  }
0x15e: {  	s17 =	sshra.s32 s17, $0x1;
	[tilespmem:s21+$0x0] =	vst v0  }
0x15f: {  	v0 =	vld [tilespmem:s17+$0x18E00];
	_ =	sdelay $0x1  }
0x160: {  	v1 =	vld [tilespmem:s21+$0x10];
	_ =	sdelay $0x2  }
0x161: {  	v0 =	vshra.s32 v0, s11  }
0x162: {  	v0 =	vunpack.i.l.bf16.f32 v0  }
0x163: {  	v0 =	vmul.f32 v0, v1  }
0x164: {  	s17 =	sor.u32 $0xC0, s2  }
0x165: {  	s17 =	sshra.s32 s17, $0x1;
	[tilespmem:s21+$0x10] =	vst v0  }
0x166: {  	v0 =	vld [tilespmem:s17+$0x18E00];
	_ =	sdelay $0x1  }
0x167: {  	v1 =	vld [tilespmem:s21+$0x20];
	_ =	sdelay $0x2  }
0x168: {  	v0 =	vshra.s32 v0, s11  }
0x169: {  	v0 =	vunpack.i.l.bf16.f32 v0  }
0x16a: {  	v0 =	vmul.f32 v0, v1  }
0x16b: {  	s2 =	sor.u32 $0xE0, s2  }
0x16c: {  	s2 =	sshra.s32 s2, $0x1;
	[tilespmem:s21+$0x20] =	vst v0  }
0x16d: {  	v0 =	vld [tilespmem:s2+$0x18E00];
	_ =	sdelay $0x1  }
0x16e: {  	v1 =	vld [tilespmem:s21+$0x30];
	_ =	sdelay $0x1  }
.Ltmp1:
0x16f: {  	(pc) =	sbr.rel @p1 .LBB2_5-.Ltmp1, $4  }
0x170: {  	v0 =	vshra.s32 v0, s11  }
0x171: {  	v0 =	vunpack.i.l.bf16.f32 v0  }
0x172: {  	s20 =	sadd.s32 $0x80, s20;
	v0 =	vmul.f32 v0, v1  }
0x173: {  	s24 =	sadd.s32 $0x1, s24;
	s11 =	sand.u32 $0x1F00, s20  }
0x174: {  	s2 =	sshrl.u32 s11, $0x1;
	[tilespmem:s21+$0x30] =	vst v0  }
0x175: {  	v0 =	vld [tilespmem:s2+$0x18E00]  }
0x176: {  	s11 =	sadd.s32 $0x80, s21  }
0x177: {  	v1 =	vld [tilespmem:s11+$0xFFFFFFC0]  }
0x178: {  	s10 =	sadd.s32 $0x10, s10  }
0x179: {  	s10 =	sand.u32 $0x10, s10  }
0x17a: {  	v0 =	vshra.s32 v0, s10  }
0x17b: {  	v0 =	vunpack.i.l.bf16.f32 v0  }
0x17c: {  	v0 =	vmul.f32 v0, v1;
	_ =	sdelay $0x1  }
0x17d: {  	s2 =	sadd.s32 $0x18E00, s2;
	[tilespmem:s11+$0xFFFFFFC0] =	vst v0  }
0x17e: {  	v0 =	vld [tilespmem:s2+$0x10];
	_ =	sdelay $0x1  }
0x17f: {  	v57 =	vld [tilespmem:s11+$0xFFFFFFD0];
	_ =	sdelay $0x2  }
0x180: {  	v0 =	vshra.s32 v0, s10  }
0x181: {  	v0 =	vunpack.i.l.bf16.f32 v0  }
0x182: {  	v0 =	vmul.f32 v0, v57;
	_ =	sdelay $0x1  }
0x183: {  	[tilespmem:s11+$0xFFFFFFD0] =	vst v0  }
0x184: {  	v0 =	vld [tilespmem:s2+$0x20];
	_ =	sdelay $0x1  }
0x185: {  	v58 =	vld [tilespmem:s11+$0xFFFFFFE0];
	_ =	sdelay $0x2  }
0x186: {  	v0 =	vshra.s32 v0, s10  }
0x187: {  	v0 =	vunpack.i.l.bf16.f32 v0  }
0x188: {  	v0 =	vmul.f32 v0, v58;
	_ =	sdelay $0x1  }
0x189: {  	[tilespmem:s11+$0xFFFFFFE0] =	vst v0  }
0x18a: {  	v0 =	vld [tilespmem:s2+$0x30];
	_ =	sdelay $0x1  }
0x18b: {  	v59 =	vld [tilespmem:s11+$0xFFFFFFF0];
	_ =	sdelay $0x2  }
0x18c: {  	p0 =	por !p0, !p0;
	s2 =	simm.s32 $0x1;
	v0 =	vshra.s32 v0, s10  }
0x18d: {  	s2 =	simm.s32 @!p0 $0x0;
	v0 =	vunpack.i.l.bf16.f32 v0  }
0x18e: {  	s2 =	sadd.s32 s2, s20;
	v0 =	vmul.f32 v0, v59  }
0x18f: {  	s17 =	sor.u32 $0x80, s2  }
0x190: {  	s17 =	sshra.s32 s17, $0x1;
	[tilespmem:s11+$0xFFFFFFF0] =	vst v0  }
0x191: {  	v0 =	vld [tilespmem:s17+$0x18E00];
	_ =	sdelay $0x1  }
0x192: {  	v60 =	vld [tilespmem:s11+$0x0];
	_ =	sdelay $0x2  }
0x193: {  	v0 =	vshra.s32 v0, s10  }
0x194: {  	v0 =	vunpack.i.l.bf16.f32 v0  }
0x195: {  	v0 =	vmul.f32 v0, v60  }
0x196: {  	s21 =	sor.u32 $0xA0, s2  }
0x197: {  	s17 =	sshra.s32 s21, $0x1;
	[tilespmem:s11+$0x0] =	vst v0  }
0x198: {  	v0 =	vld [tilespmem:s17+$0x18E00];
	_ =	sdelay $0x1  }
0x199: {  	v61 =	vld [tilespmem:s11+$0x10];
	_ =	sdelay $0x2  }
0x19a: {  	v0 =	vshra.s32 v0, s10  }
0x19b: {  	v0 =	vunpack.i.l.bf16.f32 v0  }
0x19c: {  	v0 =	vmul.f32 v0, v61  }
0x19d: {  	s24 =	sor.u32 $0xC0, s2  }
0x19e: {  	s17 =	sshra.s32 s24, $0x1;
	[tilespmem:s11+$0x10] =	vst v0  }
0x19f: {  	v0 =	vld [tilespmem:s17+$0x18E00];
	_ =	sdelay $0x1  }
0x1a0: {  	v62 =	vld [tilespmem:s11+$0x20];
	_ =	sdelay $0x2  }
0x1a1: {  	v0 =	vshra.s32 v0, s10  }
0x1a2: {  	v0 =	vunpack.i.l.bf16.f32 v0  }
0x1a3: {  	v0 =	vmul.f32 v0, v62  }
0x1a4: {  	s2 =	sor.u32 $0xE0, s2  }
0x1a5: {  	s2 =	sshra.s32 s2, $0x1;
	[tilespmem:s11+$0x20] =	vst v0  }
0x1a6: {  	v0 =	vld [tilespmem:s2+$0x18E00];
	_ =	sdelay $0x1  }
0x1a7: {  	v63 =	vld [tilespmem:s11+$0x30];
	_ =	sdelay $0x2  }
0x1a8: {  	v0 =	vshra.s32 v0, s10  }
0x1a9: {  	v0 =	vunpack.i.l.bf16.f32 v0  }
0x1aa: {  	v0 =	vmul.f32 v0, v63;
	_ =	sdelay $0x1  }
0x1ab: {  	[tilespmem:s11+$0x30] =	vst v0  }
0x1ac: {  	[spmem:s3] =	stream.indirect.scatter.add.f32 [tilespmem:s9], [sflag:$0x8], $0x80, s29, s31, $0xb8;
	[tilespmem:$0x19F00] =	vst v63  }
0x1ad: {  	s20 =	sadd.s32 s23, s18;
	_ =	swait.ge [sflag:s19], $0x2000  }
0x1ae: {  	s21 =	sshrl.u32 s20, $0x3;
	[sflag:s19] =	ssyncset.done $0x0  }
0x1af: {  	s23 =	sadd.s32 s5, s21;
	[sflag:s19] =	ssyncadd.s32 $0xFFFFE000  }
0x1b0: {  	[tilespmem:s28], [sflag:$0x2] =	stream.linear.gather [hbm4b:s23+s4], $0x40, $0x38;
	[tilespmem:$0x19F00] =	vst v63  }
0x1b1: {  	s10 =	sadd.s32 s6, s21  }
0x1b2: {  	[tilespmem:s29], [sflag:$0x2] =	stream.linear.gather [hbm4b:s10+s4], $0x40, $0x38;
	[tilespmem:$0x19F00] =	vst v63  }
0x1b3: {  	_ =	swait.ge [sflag:s8], $0x40  }
0x1b4: {  	[sflag:s8] =	ssyncset.done $0x0  }
0x1b5: {  	s22 =	sadd.s32 $0x1, s22;
	[sflag:s8] =	ssyncadd.s32 $0xFFFFFFC0  }
0x1b6: {  	p0 =	sne.s32 s22, $0x4D;
	_ =	swait.ge [sflag:s8], $0x40  }
.Ltmp2:
0x1b7: {  	s2 =	sshll.u32 s20, $0x3;
	[sflag:s8] =	ssyncset.done $0x0;
	(pc) =	sbr.rel @p0 .LBB2_2-.Ltmp2, $4  }
0x1b8: {  	s2 =	sand.u32 $0xFFFFF80, s2;
	[sflag:s8] =	ssyncadd.s32 $0xFFFFFFC0  }
0x1b9: {  	[tilespmem:s9], [sflag:$0x4] =	stream.indirect.gather [hbm4b:s1+s31], $0x80, s28, s31, $0xb8;
	[tilespmem:$0x19F00] =	vst v63  }
0x1ba: {  	s24 =	simm.s32 $0x18E00;
	s2 =	sadd.s32 s7, s2  }
0x1bb: {  	[tilespmem:s24], [sflag:$0x6] =	stream.linear.gather [hbm4b:s2+s4], $0x1000, $0x38;
	[tilespmem:$0x19F00] =	vst v63  }
0x1bc: {  	_ =	swait.ge [sflag:s12], $0x2000  }
0x1bd: {  	[sflag:s12] =	ssyncset.done $0x0  }
0x1be: {  	[sflag:s12] =	ssyncadd.s32 $0xFFFFE000  }
0x1bf: {  	s10 =	simm.s32 $0x0;
	_ =	swait.ge [sflag:s13], $0x1000  }
0x1c0: {  	s2 =	sand.u32 $0x1F00, s10;
	[sflag:s13] =	ssyncset.done $0x0  }
0x1c1: {  	s2 =	sshrl.u32 s2, $0x1;
	[sflag:s13] =	ssyncadd.s32 $0xFFFFF000  }
0x1c2: {  	v0 =	vld [tilespmem:s2+$0x17E00]  }
0x1c3: {  	s21 =	simm.s32 $0x13E40  }
0x1c4: {  	v1 =	vld [tilespmem:s21+$0xFFFFFFC0];
	_ =	sdelay $0x1  }
0x1c5: {  	s11 =	sand.u32 $0x10, s10  }
0x1c6: {  	v0 =	vshra.s32 v0, s11  }
0x1c7: {  	v0 =	vunpack.i.l.bf16.f32 v0  }
0x1c8: {  	v0 =	vmul.f32 v0, v1;
	_ =	sdelay $0x1  }
0x1c9: {  	s2 =	sadd.s32 $0x17E00, s2;
	[tilespmem:s21+$0xFFFFFFC0] =	vst v0  }
0x1ca: {  	v0 =	vld [tilespmem:s2+$0x10];
	_ =	sdelay $0x1  }
0x1cb: {  	v1 =	vld [tilespmem:s21+$0xFFFFFFD0];
	_ =	sdelay $0x2  }
0x1cc: {  	v0 =	vshra.s32 v0, s11  }
0x1cd: {  	v0 =	vunpack.i.l.bf16.f32 v0  }
0x1ce: {  	v0 =	vmul.f32 v0, v1;
	_ =	sdelay $0x1  }
0x1cf: {  	[tilespmem:s21+$0xFFFFFFD0] =	vst v0  }
0x1d0: {  	v0 =	vld [tilespmem:s2+$0x20];
	_ =	sdelay $0x1  }
0x1d1: {  	v1 =	vld [tilespmem:s21+$0xFFFFFFE0];
	_ =	sdelay $0x2  }
0x1d2: {  	v0 =	vshra.s32 v0, s11  }
0x1d3: {  	v0 =	vunpack.i.l.bf16.f32 v0  }
0x1d4: {  	v0 =	vmul.f32 v0, v1;
	_ =	sdelay $0x1  }
0x1d5: {  	[tilespmem:s21+$0xFFFFFFE0] =	vst v0  }
0x1d6: {  	v0 =	vld [tilespmem:s2+$0x30];
	_ =	sdelay $0x1  }
0x1d7: {  	v1 =	vld [tilespmem:s21+$0xFFFFFFF0];
	_ =	sdelay $0x2  }
0x1d8: {  	p0 =	por $0x0, $0x0;
	s2 =	simm.s32 $0x1;
	v0 =	vshra.s32 v0, s11  }
0x1d9: {  	s2 =	simm.s32 @!p0 $0x0;
	v0 =	vunpack.i.l.bf16.f32 v0  }
0x1da: {  	s2 =	sadd.s32 $0x0, s2;
	v0 =	vmul.f32 v0, v1  }
0x1db: {  	s17 =	sor.u32 $0x80, s2  }
0x1dc: {  	s17 =	sshra.s32 s17, $0x1;
	[tilespmem:s21+$0xFFFFFFF0] =	vst v0  }
0x1dd: {  	v0 =	vld [tilespmem:s17+$0x17E00];
	_ =	sdelay $0x1  }
0x1de: {  	v1 =	vld [tilespmem:s21+$0x0];
	_ =	sdelay $0x2  }
0x1df: {  	v0 =	vshra.s32 v0, s11  }
0x1e0: {  	v0 =	vunpack.i.l.bf16.f32 v0  }
0x1e1: {  	v0 =	vmul.f32 v0, v1  }
0x1e2: {  	s23 =	sor.u32 $0xA0, s2  }
0x1e3: {  	s17 =	sshra.s32 s23, $0x1;
	[tilespmem:s21+$0x0] =	vst v0  }
0x1e4: {  	v0 =	vld [tilespmem:s17+$0x17E00];
	_ =	sdelay $0x1  }
0x1e5: {  	v1 =	vld [tilespmem:s21+$0x10];
	_ =	sdelay $0x2  }
0x1e6: {  	v0 =	vshra.s32 v0, s11  }
0x1e7: {  	v0 =	vunpack.i.l.bf16.f32 v0  }
0x1e8: {  	v0 =	vmul.f32 v0, v1  }
0x1e9: {  	s24 =	sor.u32 $0xC0, s2  }
0x1ea: {  	s17 =	sshra.s32 s24, $0x1;
	[tilespmem:s21+$0x10] =	vst v0  }
0x1eb: {  	v0 =	vld [tilespmem:s17+$0x17E00];
	_ =	sdelay $0x1  }
0x1ec: {  	v1 =	vld [tilespmem:s21+$0x20];
	_ =	sdelay $0x2  }
0x1ed: {  	v0 =	vshra.s32 v0, s11  }
0x1ee: {  	v0 =	vunpack.i.l.bf16.f32 v0  }
0x1ef: {  	v0 =	vmul.f32 v0, v1  }
0x1f0: {  	s2 =	sor.u32 $0xE0, s2  }
0x1f1: {  	s2 =	sshra.s32 s2, $0x1;
	[tilespmem:s21+$0x20] =	vst v0  }
0x1f2: {  	v0 =	vld [tilespmem:s2+$0x17E00];
	_ =	sdelay $0x1  }
0x1f3: {  	v1 =	vld [tilespmem:s21+$0x30];
	_ =	sdelay $0x2  }
0x1f4: {  	v0 =	vshra.s32 v0, s11  }
0x1f5: {  	v0 =	vunpack.i.l.bf16.f32 v0  }
0x1f6: {  	s20 =	simm.s32 $0x80;
	v0 =	vmul.f32 v0, v1  }
0x1f7: {  	s22 =	simm.s32 $0x2;
	s11 =	sand.u32 $0x1F00, s20  }
.LBB2_8:
0x1f8: {  	p1 =	sne.s32 s22, $0x3F;
	s2 =	sshrl.u32 s11, $0x1;
	[tilespmem:s21+$0x30] =	vst v0  }
0x1f9: {  	v0 =	vld [tilespmem:s2+$0x17E00]  }
0x1fa: {  	s21 =	sadd.s32 $0x80, s21  }
0x1fb: {  	v1 =	vld [tilespmem:s21+$0xFFFFFFC0]  }
0x1fc: {  	s10 =	sadd.s32 $0x10, s10  }
0x1fd: {  	s11 =	sand.u32 $0x10, s10  }
0x1fe: {  	v0 =	vshra.s32 v0, s11  }
0x1ff: {  	v0 =	vunpack.i.l.bf16.f32 v0  }
0x200: {  	v0 =	vmul.f32 v0, v1;
	_ =	sdelay $0x1  }
0x201: {  	s2 =	sadd.s32 $0x17E00, s2;
	[tilespmem:s21+$0xFFFFFFC0] =	vst v0  }
0x202: {  	v0 =	vld [tilespmem:s2+$0x10];
	_ =	sdelay $0x1  }
0x203: {  	v1 =	vld [tilespmem:s21+$0xFFFFFFD0];
	_ =	sdelay $0x2  }
0x204: {  	v0 =	vshra.s32 v0, s11  }
0x205: {  	v0 =	vunpack.i.l.bf16.f32 v0  }
0x206: {  	v0 =	vmul.f32 v0, v1;
	_ =	sdelay $0x1  }
0x207: {  	[tilespmem:s21+$0xFFFFFFD0] =	vst v0  }
0x208: {  	v0 =	vld [tilespmem:s2+$0x20];
	_ =	sdelay $0x1  }
0x209: {  	v1 =	vld [tilespmem:s21+$0xFFFFFFE0];
	_ =	sdelay $0x2  }
0x20a: {  	v0 =	vshra.s32 v0, s11  }
0x20b: {  	v0 =	vunpack.i.l.bf16.f32 v0  }
0x20c: {  	v0 =	vmul.f32 v0, v1;
	_ =	sdelay $0x1  }
0x20d: {  	[tilespmem:s21+$0xFFFFFFE0] =	vst v0  }
0x20e: {  	v0 =	vld [tilespmem:s2+$0x30];
	_ =	sdelay $0x1  }
0x20f: {  	v1 =	vld [tilespmem:s21+$0xFFFFFFF0];
	_ =	sdelay $0x2  }
0x210: {  	p0 =	por !p0, !p0;
	s2 =	simm.s32 $0x1;
	v0 =	vshra.s32 v0, s11  }
0x211: {  	s2 =	simm.s32 @!p0 $0x0;
	v0 =	vunpack.i.l.bf16.f32 v0  }
0x212: {  	s2 =	sadd.s32 s2, s20;
	v0 =	vmul.f32 v0, v1  }
0x213: {  	s17 =	sor.u32 $0x80, s2  }
0x214: {  	s17 =	sshra.s32 s17, $0x1;
	[tilespmem:s21+$0xFFFFFFF0] =	vst v0  }
0x215: {  	v0 =	vld [tilespmem:s17+$0x17E00];
	_ =	sdelay $0x1  }
0x216: {  	v1 =	vld [tilespmem:s21+$0x0];
	_ =	sdelay $0x2  }
0x217: {  	v0 =	vshra.s32 v0, s11  }
0x218: {  	v0 =	vunpack.i.l.bf16.f32 v0  }
0x219: {  	v0 =	vmul.f32 v0, v1  }
0x21a: {  	s17 =	sor.u32 $0xA0, s2  }
0x21b: {  	s17 =	sshra.s32 s17, $0x1;
	[tilespmem:s21+$0x0] =	vst v0  }
0x21c: {  	v0 =	vld [tilespmem:s17+$0x17E00];
	_ =	sdelay $0x1  }
0x21d: {  	v1 =	vld [tilespmem:s21+$0x10];
	_ =	sdelay $0x2  }
0x21e: {  	v0 =	vshra.s32 v0, s11  }
0x21f: {  	v0 =	vunpack.i.l.bf16.f32 v0  }
0x220: {  	v0 =	vmul.f32 v0, v1  }
0x221: {  	s17 =	sor.u32 $0xC0, s2  }
0x222: {  	s17 =	sshra.s32 s17, $0x1;
	[tilespmem:s21+$0x10] =	vst v0  }
0x223: {  	v0 =	vld [tilespmem:s17+$0x17E00];
	_ =	sdelay $0x1  }
0x224: {  	v1 =	vld [tilespmem:s21+$0x20];
	_ =	sdelay $0x2  }
0x225: {  	v0 =	vshra.s32 v0, s11  }
0x226: {  	v0 =	vunpack.i.l.bf16.f32 v0  }
0x227: {  	v0 =	vmul.f32 v0, v1  }
0x228: {  	s2 =	sor.u32 $0xE0, s2  }
0x229: {  	s2 =	sshra.s32 s2, $0x1;
	[tilespmem:s21+$0x20] =	vst v0  }
0x22a: {  	v0 =	vld [tilespmem:s2+$0x17E00];
	_ =	sdelay $0x1  }
0x22b: {  	v1 =	vld [tilespmem:s21+$0x30];
	_ =	sdelay $0x1  }
.Ltmp3:
0x22c: {  	(pc) =	sbr.rel @p1 .LBB2_8-.Ltmp3, $4  }
0x22d: {  	v0 =	vshra.s32 v0, s11  }
0x22e: {  	v0 =	vunpack.i.l.bf16.f32 v0  }
0x22f: {  	s20 =	sadd.s32 $0x80, s20;
	v0 =	vmul.f32 v0, v1  }
0x230: {  	s22 =	sadd.s32 $0x1, s22;
	s11 =	sand.u32 $0x1F00, s20  }
0x231: {  	s2 =	sshrl.u32 s11, $0x1;
	[tilespmem:s21+$0x30] =	vst v0  }
0x232: {  	v0 =	vld [tilespmem:s2+$0x17E00]  }
0x233: {  	s22 =	sadd.s32 $0x80, s21  }
0x234: {  	v1 =	vld [tilespmem:s22+$0xFFFFFFC0]  }
0x235: {  	s10 =	sadd.s32 $0x10, s10  }
0x236: {  	s10 =	sand.u32 $0x10, s10  }
0x237: {  	v0 =	vshra.s32 v0, s10  }
0x238: {  	v0 =	vunpack.i.l.bf16.f32 v0  }
0x239: {  	v0 =	vmul.f32 v0, v1;
	_ =	sdelay $0x1  }
0x23a: {  	s2 =	sadd.s32 $0x17E00, s2;
	[tilespmem:s22+$0xFFFFFFC0] =	vst v0  }
0x23b: {  	v0 =	vld [tilespmem:s2+$0x10];
	_ =	sdelay $0x1  }
0x23c: {  	v1 =	vld [tilespmem:s22+$0xFFFFFFD0];
	_ =	sdelay $0x2  }
0x23d: {  	v0 =	vshra.s32 v0, s10  }
0x23e: {  	v0 =	vunpack.i.l.bf16.f32 v0  }
0x23f: {  	v0 =	vmul.f32 v0, v1;
	_ =	sdelay $0x1  }
0x240: {  	[tilespmem:s22+$0xFFFFFFD0] =	vst v0  }
0x241: {  	v0 =	vld [tilespmem:s2+$0x20];
	_ =	sdelay $0x1  }
0x242: {  	v1 =	vld [tilespmem:s22+$0xFFFFFFE0];
	_ =	sdelay $0x2  }
0x243: {  	v0 =	vshra.s32 v0, s10  }
0x244: {  	v0 =	vunpack.i.l.bf16.f32 v0  }
0x245: {  	v0 =	vmul.f32 v0, v1;
	_ =	sdelay $0x1  }
0x246: {  	[tilespmem:s22+$0xFFFFFFE0] =	vst v0  }
0x247: {  	v0 =	vld [tilespmem:s2+$0x30];
	_ =	sdelay $0x1  }
0x248: {  	v1 =	vld [tilespmem:s22+$0xFFFFFFF0];
	_ =	sdelay $0x2  }
0x249: {  	p0 =	por !p0, !p0;
	s2 =	simm.s32 $0x1;
	v0 =	vshra.s32 v0, s10  }
0x24a: {  	s2 =	simm.s32 @!p0 $0x0;
	v0 =	vunpack.i.l.bf16.f32 v0  }
0x24b: {  	s2 =	sadd.s32 s2, s20;
	v0 =	vmul.f32 v0, v1  }
0x24c: {  	s17 =	sor.u32 $0x80, s2  }
0x24d: {  	s17 =	sshra.s32 s17, $0x1;
	[tilespmem:s22+$0xFFFFFFF0] =	vst v0  }
0x24e: {  	v0 =	vld [tilespmem:s17+$0x17E00];
	_ =	sdelay $0x1  }
0x24f: {  	v1 =	vld [tilespmem:s22+$0x0];
	_ =	sdelay $0x2  }
0x250: {  	v0 =	vshra.s32 v0, s10  }
0x251: {  	v0 =	vunpack.i.l.bf16.f32 v0  }
0x252: {  	v0 =	vmul.f32 v0, v1  }
0x253: {  	s23 =	sor.u32 $0xA0, s2  }
0x254: {  	s17 =	sshra.s32 s23, $0x1;
	[tilespmem:s22+$0x0] =	vst v0  }
0x255: {  	v0 =	vld [tilespmem:s17+$0x17E00];
	_ =	sdelay $0x1  }
0x256: {  	v1 =	vld [tilespmem:s22+$0x10];
	_ =	sdelay $0x2  }
0x257: {  	v0 =	vshra.s32 v0, s10  }
0x258: {  	v0 =	vunpack.i.l.bf16.f32 v0  }
0x259: {  	v0 =	vmul.f32 v0, v1  }
0x25a: {  	s24 =	sor.u32 $0xC0, s2  }
0x25b: {  	s17 =	sshra.s32 s24, $0x1;
	[tilespmem:s22+$0x10] =	vst v0  }
0x25c: {  	v0 =	vld [tilespmem:s17+$0x17E00];
	_ =	sdelay $0x1  }
0x25d: {  	v1 =	vld [tilespmem:s22+$0x20];
	_ =	sdelay $0x2  }
0x25e: {  	v0 =	vshra.s32 v0, s10  }
0x25f: {  	v0 =	vunpack.i.l.bf16.f32 v0  }
0x260: {  	v0 =	vmul.f32 v0, v1  }
0x261: {  	s2 =	sor.u32 $0xE0, s2  }
0x262: {  	s2 =	sshra.s32 s2, $0x1;
	[tilespmem:s22+$0x20] =	vst v0  }
0x263: {  	v0 =	vld [tilespmem:s2+$0x17E00];
	_ =	sdelay $0x1  }
0x264: {  	v1 =	vld [tilespmem:s22+$0x30];
	_ =	sdelay $0x2  }
0x265: {  	v0 =	vshra.s32 v0, s10  }
0x266: {  	v0 =	vunpack.i.l.bf16.f32 v0  }
0x267: {  	v0 =	vmul.f32 v0, v1;
	_ =	sdelay $0x1  }
0x268: {  	[tilespmem:s22+$0x30] =	vst v0  }
0x269: {  	[spmem:s3] =	stream.indirect.scatter.add.f32 [tilespmem:s0], [sflag:$0x7], $0x80, s26, s31, $0xb8;
	[tilespmem:$0x19F00] =	vst v63  }
0x26a: {  	_ =	swait.ge [sflag:s15], $0x2000  }
0x26b: {  	[sflag:s15] =	ssyncset.done $0x0  }
0x26c: {  	[sflag:s15] =	ssyncadd.s32 $0xFFFFE000  }
0x26d: {  	s10 =	simm.s32 $0x0;
	_ =	swait.ge [sflag:s16], $0x1000  }
0x26e: {  	s17 =	sand.u32 $0x1F00, s10;
	[sflag:s16] =	ssyncset.done $0x0  }
0x26f: {  	s2 =	sshrl.u32 s17, $0x1;
	[sflag:s16] =	ssyncadd.s32 $0xFFFFF000  }
0x270: {  	v0 =	vld [tilespmem:s2+$0x18E00]  }
0x271: {  	s21 =	simm.s32 $0x15E40  }
0x272: {  	v1 =	vld [tilespmem:s21+$0xFFFFFFC0];
	_ =	sdelay $0x1  }
0x273: {  	s20 =	sand.u32 $0x10, s10  }
0x274: {  	v0 =	vshra.s32 v0, s20  }
0x275: {  	v0 =	vunpack.i.l.bf16.f32 v0  }
0x276: {  	v0 =	vmul.f32 v0, v1;
	_ =	sdelay $0x1  }
0x277: {  	s2 =	sadd.s32 $0x18E00, s2;
	[tilespmem:s21+$0xFFFFFFC0] =	vst v0  }
0x278: {  	v0 =	vld [tilespmem:s2+$0x10];
	_ =	sdelay $0x1  }
0x279: {  	v1 =	vld [tilespmem:s21+$0xFFFFFFD0];
	_ =	sdelay $0x2  }
0x27a: {  	v0 =	vshra.s32 v0, s20  }
0x27b: {  	v0 =	vunpack.i.l.bf16.f32 v0  }
0x27c: {  	v0 =	vmul.f32 v0, v1;
	_ =	sdelay $0x1  }
0x27d: {  	[tilespmem:s21+$0xFFFFFFD0] =	vst v0  }
0x27e: {  	v0 =	vld [tilespmem:s2+$0x20];
	_ =	sdelay $0x1  }
0x27f: {  	v1 =	vld [tilespmem:s21+$0xFFFFFFE0];
	_ =	sdelay $0x2  }
0x280: {  	v0 =	vshra.s32 v0, s20  }
0x281: {  	v0 =	vunpack.i.l.bf16.f32 v0  }
0x282: {  	v0 =	vmul.f32 v0, v1;
	_ =	sdelay $0x1  }
0x283: {  	[tilespmem:s21+$0xFFFFFFE0] =	vst v0  }
0x284: {  	v0 =	vld [tilespmem:s2+$0x30];
	_ =	sdelay $0x1  }
0x285: {  	v1 =	vld [tilespmem:s21+$0xFFFFFFF0];
	_ =	sdelay $0x2  }
0x286: {  	p0 =	por $0x0, $0x0;
	s2 =	simm.s32 $0x1;
	v0 =	vshra.s32 v0, s20  }
0x287: {  	s2 =	simm.s32 @!p0 $0x0;
	v0 =	vunpack.i.l.bf16.f32 v0  }
0x288: {  	s2 =	sadd.s32 $0x0, s2;
	v0 =	vmul.f32 v0, v1  }
0x289: {  	s22 =	sor.u32 $0x80, s2  }
0x28a: {  	s17 =	sshra.s32 s22, $0x1;
	[tilespmem:s21+$0xFFFFFFF0] =	vst v0  }
0x28b: {  	v0 =	vld [tilespmem:s17+$0x18E00];
	_ =	sdelay $0x1  }
0x28c: {  	v1 =	vld [tilespmem:s21+$0x0];
	_ =	sdelay $0x2  }
0x28d: {  	v0 =	vshra.s32 v0, s20  }
0x28e: {  	v0 =	vunpack.i.l.bf16.f32 v0  }
0x28f: {  	v0 =	vmul.f32 v0, v1  }
0x290: {  	s23 =	sor.u32 $0xA0, s2  }
0x291: {  	s17 =	sshra.s32 s23, $0x1;
	[tilespmem:s21+$0x0] =	vst v0  }
0x292: {  	v0 =	vld [tilespmem:s17+$0x18E00];
	_ =	sdelay $0x1  }
0x293: {  	v1 =	vld [tilespmem:s21+$0x10];
	_ =	sdelay $0x2  }
0x294: {  	v0 =	vshra.s32 v0, s20  }
0x295: {  	v0 =	vunpack.i.l.bf16.f32 v0  }
0x296: {  	v0 =	vmul.f32 v0, v1  }
0x297: {  	s24 =	sor.u32 $0xC0, s2  }
0x298: {  	s17 =	sshra.s32 s24, $0x1;
	[tilespmem:s21+$0x10] =	vst v0  }
0x299: {  	v0 =	vld [tilespmem:s17+$0x18E00];
	_ =	sdelay $0x1  }
0x29a: {  	v1 =	vld [tilespmem:s21+$0x20];
	_ =	sdelay $0x2  }
0x29b: {  	v0 =	vshra.s32 v0, s20  }
0x29c: {  	v0 =	vunpack.i.l.bf16.f32 v0  }
0x29d: {  	v0 =	vmul.f32 v0, v1  }
0x29e: {  	s2 =	sor.u32 $0xE0, s2  }
0x29f: {  	s2 =	sshra.s32 s2, $0x1;
	[tilespmem:s21+$0x20] =	vst v0  }
0x2a0: {  	v0 =	vld [tilespmem:s2+$0x18E00];
	_ =	sdelay $0x1  }
0x2a1: {  	v1 =	vld [tilespmem:s21+$0x30];
	_ =	sdelay $0x2  }
0x2a2: {  	v0 =	vshra.s32 v0, s20  }
0x2a3: {  	v0 =	vunpack.i.l.bf16.f32 v0  }
0x2a4: {  	s22 =	simm.s32 $0x2;
	s20 =	simm.s32 $0x80;
	v0 =	vmul.f32 v0, v1  }
0x2a5: {  	s23 =	simm.s32 $0x9;
	s24 =	simm.s32 $0x19E80;
	s11 =	sand.u32 $0x1F00, s20  }
.LBB2_10:
0x2a6: {  	p1 =	sne.s32 s22, $0x3F;
	s2 =	sshrl.u32 s11, $0x1;
	[tilespmem:s21+$0x30] =	vst v0  }
0x2a7: {  	v0 =	vld [tilespmem:s2+$0x18E00]  }
0x2a8: {  	s21 =	sadd.s32 $0x80, s21  }
0x2a9: {  	v1 =	vld [tilespmem:s21+$0xFFFFFFC0]  }
0x2aa: {  	s10 =	sadd.s32 $0x10, s10  }
0x2ab: {  	s11 =	sand.u32 $0x10, s10  }
0x2ac: {  	v0 =	vshra.s32 v0, s11  }
0x2ad: {  	v0 =	vunpack.i.l.bf16.f32 v0  }
0x2ae: {  	v0 =	vmul.f32 v0, v1;
	_ =	sdelay $0x1  }
0x2af: {  	s2 =	sadd.s32 $0x18E00, s2;
	[tilespmem:s21+$0xFFFFFFC0] =	vst v0  }
0x2b0: {  	v0 =	vld [tilespmem:s2+$0x10];
	_ =	sdelay $0x1  }
0x2b1: {  	v1 =	vld [tilespmem:s21+$0xFFFFFFD0];
	_ =	sdelay $0x2  }
0x2b2: {  	v0 =	vshra.s32 v0, s11  }
0x2b3: {  	v0 =	vunpack.i.l.bf16.f32 v0  }
0x2b4: {  	v0 =	vmul.f32 v0, v1;
	_ =	sdelay $0x1  }
0x2b5: {  	[tilespmem:s21+$0xFFFFFFD0] =	vst v0  }
0x2b6: {  	v0 =	vld [tilespmem:s2+$0x20];
	_ =	sdelay $0x1  }
0x2b7: {  	v1 =	vld [tilespmem:s21+$0xFFFFFFE0];
	_ =	sdelay $0x2  }
0x2b8: {  	v0 =	vshra.s32 v0, s11  }
0x2b9: {  	v0 =	vunpack.i.l.bf16.f32 v0  }
0x2ba: {  	v0 =	vmul.f32 v0, v1;
	_ =	sdelay $0x1  }
0x2bb: {  	[tilespmem:s21+$0xFFFFFFE0] =	vst v0  }
0x2bc: {  	v0 =	vld [tilespmem:s2+$0x30];
	_ =	sdelay $0x1  }
0x2bd: {  	v1 =	vld [tilespmem:s21+$0xFFFFFFF0];
	_ =	sdelay $0x2  }
0x2be: {  	p0 =	por !p0, !p0;
	s2 =	simm.s32 $0x1;
	v0 =	vshra.s32 v0, s11  }
0x2bf: {  	s2 =	simm.s32 @!p0 $0x0;
	v0 =	vunpack.i.l.bf16.f32 v0  }
0x2c0: {  	s2 =	sadd.s32 s2, s20;
	v0 =	vmul.f32 v0, v1  }
0x2c1: {  	s17 =	sor.u32 $0x80, s2  }
0x2c2: {  	s17 =	sshra.s32 s17, $0x1;
	[tilespmem:s21+$0xFFFFFFF0] =	vst v0  }
0x2c3: {  	v0 =	vld [tilespmem:s17+$0x18E00];
	_ =	sdelay $0x1  }
0x2c4: {  	v1 =	vld [tilespmem:s21+$0x0];
	_ =	sdelay $0x2  }
0x2c5: {  	v0 =	vshra.s32 v0, s11  }
0x2c6: {  	v0 =	vunpack.i.l.bf16.f32 v0  }
0x2c7: {  	v0 =	vmul.f32 v0, v1  }
0x2c8: {  	s17 =	sor.u32 $0xA0, s2  }
0x2c9: {  	s17 =	sshra.s32 s17, $0x1;
	[tilespmem:s21+$0x0] =	vst v0  }
0x2ca: {  	v0 =	vld [tilespmem:s17+$0x18E00];
	_ =	sdelay $0x1  }
0x2cb: {  	v1 =	vld [tilespmem:s21+$0x10];
	_ =	sdelay $0x2  }
0x2cc: {  	v0 =	vshra.s32 v0, s11  }
0x2cd: {  	v0 =	vunpack.i.l.bf16.f32 v0  }
0x2ce: {  	v0 =	vmul.f32 v0, v1  }
0x2cf: {  	s17 =	sor.u32 $0xC0, s2  }
0x2d0: {  	s17 =	sshra.s32 s17, $0x1;
	[tilespmem:s21+$0x10] =	vst v0  }
0x2d1: {  	v0 =	vld [tilespmem:s17+$0x18E00];
	_ =	sdelay $0x1  }
0x2d2: {  	v1 =	vld [tilespmem:s21+$0x20];
	_ =	sdelay $0x2  }
0x2d3: {  	v0 =	vshra.s32 v0, s11  }
0x2d4: {  	v0 =	vunpack.i.l.bf16.f32 v0  }
0x2d5: {  	v0 =	vmul.f32 v0, v1  }
0x2d6: {  	s2 =	sor.u32 $0xE0, s2  }
0x2d7: {  	s2 =	sshra.s32 s2, $0x1;
	[tilespmem:s21+$0x20] =	vst v0  }
0x2d8: {  	v0 =	vld [tilespmem:s2+$0x18E00];
	_ =	sdelay $0x1  }
0x2d9: {  	v1 =	vld [tilespmem:s21+$0x30];
	_ =	sdelay $0x1  }
.Ltmp4:
0x2da: {  	(pc) =	sbr.rel @p1 .LBB2_10-.Ltmp4, $4  }
0x2db: {  	v0 =	vshra.s32 v0, s11  }
0x2dc: {  	v0 =	vunpack.i.l.bf16.f32 v0  }
0x2dd: {  	s20 =	sadd.s32 $0x80, s20;
	v0 =	vmul.f32 v0, v1  }
0x2de: {  	s22 =	sadd.s32 $0x1, s22;
	s11 =	sand.u32 $0x1F00, s20  }
0x2df: {  	s2 =	sshrl.u32 s11, $0x1;
	[tilespmem:s21+$0x30] =	vst v0  }
0x2e0: {  	v0 =	vld [tilespmem:s2+$0x18E00]  }
0x2e1: {  	s11 =	sadd.s32 $0x80, s21  }
0x2e2: {  	v1 =	vld [tilespmem:s11+$0xFFFFFFC0]  }
0x2e3: {  	s10 =	sadd.s32 $0x10, s10  }
0x2e4: {  	s10 =	sand.u32 $0x10, s10  }
0x2e5: {  	v0 =	vshra.s32 v0, s10  }
0x2e6: {  	v0 =	vunpack.i.l.bf16.f32 v0  }
0x2e7: {  	v0 =	vmul.f32 v0, v1;
	_ =	sdelay $0x1  }
0x2e8: {  	s2 =	sadd.s32 $0x18E00, s2;
	[tilespmem:s11+$0xFFFFFFC0] =	vst v0  }
0x2e9: {  	v0 =	vld [tilespmem:s2+$0x10];
	_ =	sdelay $0x1  }
0x2ea: {  	v1 =	vld [tilespmem:s11+$0xFFFFFFD0];
	_ =	sdelay $0x2  }
0x2eb: {  	v0 =	vshra.s32 v0, s10  }
0x2ec: {  	v0 =	vunpack.i.l.bf16.f32 v0  }
0x2ed: {  	v0 =	vmul.f32 v0, v1;
	_ =	sdelay $0x1  }
0x2ee: {  	[tilespmem:s11+$0xFFFFFFD0] =	vst v0  }
0x2ef: {  	v0 =	vld [tilespmem:s2+$0x20];
	_ =	sdelay $0x1  }
0x2f0: {  	v1 =	vld [tilespmem:s11+$0xFFFFFFE0];
	_ =	sdelay $0x2  }
0x2f1: {  	v0 =	vshra.s32 v0, s10  }
0x2f2: {  	v0 =	vunpack.i.l.bf16.f32 v0  }
0x2f3: {  	v0 =	vmul.f32 v0, v1;
	_ =	sdelay $0x1  }
0x2f4: {  	[tilespmem:s11+$0xFFFFFFE0] =	vst v0  }
0x2f5: {  	v0 =	vld [tilespmem:s2+$0x30];
	_ =	sdelay $0x1  }
0x2f6: {  	v1 =	vld [tilespmem:s11+$0xFFFFFFF0];
	_ =	sdelay $0x2  }
0x2f7: {  	p0 =	por !p0, !p0;
	s2 =	simm.s32 $0x1;
	v0 =	vshra.s32 v0, s10  }
0x2f8: {  	s2 =	simm.s32 @!p0 $0x0;
	v0 =	vunpack.i.l.bf16.f32 v0  }
0x2f9: {  	s2 =	sadd.s32 s2, s20;
	v0 =	vmul.f32 v0, v1  }
0x2fa: {  	s17 =	sor.u32 $0x80, s2  }
0x2fb: {  	s17 =	sshra.s32 s17, $0x1;
	[tilespmem:s11+$0xFFFFFFF0] =	vst v0  }
0x2fc: {  	v0 =	vld [tilespmem:s17+$0x18E00];
	_ =	sdelay $0x1  }
0x2fd: {  	v1 =	vld [tilespmem:s11+$0x0];
	_ =	sdelay $0x2  }
0x2fe: {  	v0 =	vshra.s32 v0, s10  }
0x2ff: {  	v0 =	vunpack.i.l.bf16.f32 v0  }
0x300: {  	v0 =	vmul.f32 v0, v1  }
0x301: {  	s21 =	sor.u32 $0xA0, s2  }
0x302: {  	s17 =	sshra.s32 s21, $0x1;
	[tilespmem:s11+$0x0] =	vst v0  }
0x303: {  	v0 =	vld [tilespmem:s17+$0x18E00];
	_ =	sdelay $0x1  }
0x304: {  	v1 =	vld [tilespmem:s11+$0x10];
	_ =	sdelay $0x2  }
0x305: {  	v0 =	vshra.s32 v0, s10  }
0x306: {  	v0 =	vunpack.i.l.bf16.f32 v0  }
0x307: {  	v0 =	vmul.f32 v0, v1  }
0x308: {  	s22 =	sor.u32 $0xC0, s2  }
0x309: {  	s17 =	sshra.s32 s22, $0x1;
	[tilespmem:s11+$0x10] =	vst v0  }
0x30a: {  	v0 =	vld [tilespmem:s17+$0x18E00];
	_ =	sdelay $0x1  }
0x30b: {  	v1 =	vld [tilespmem:s11+$0x20];
	_ =	sdelay $0x2  }
0x30c: {  	v0 =	vshra.s32 v0, s10  }
0x30d: {  	v0 =	vunpack.i.l.bf16.f32 v0  }
0x30e: {  	v0 =	vmul.f32 v0, v1  }
0x30f: {  	s2 =	sor.u32 $0xE0, s2  }
0x310: {  	s2 =	sshra.s32 s2, $0x1;
	[tilespmem:s11+$0x20] =	vst v0  }
0x311: {  	v0 =	vld [tilespmem:s2+$0x18E00];
	_ =	sdelay $0x1  }
0x312: {  	v1 =	vld [tilespmem:s11+$0x30];
	_ =	sdelay $0x2  }
0x313: {  	v0 =	vshra.s32 v0, s10  }
0x314: {  	v0 =	vunpack.i.l.bf16.f32 v0  }
0x315: {  	v0 =	vmul.f32 v0, v1;
	_ =	sdelay $0x1  }
0x316: {  	[tilespmem:s11+$0x30] =	vst v0  }
0x317: {  	[spmem:s3] =	stream.indirect.scatter.add.f32 [tilespmem:s9], [sflag:$0x8], $0x80, s29, s31, $0xb8;
	[tilespmem:$0x19F00] =	vst v63  }
0x318: {  	_ =	swait.ge [sflag:s14], $0x2000  }
0x319: {  	[sflag:s14] =	ssyncset.done $0x0  }
0x31a: {  	[sflag:s14] =	ssyncadd.s32 $0xFFFFE000  }
0x31b: {  	_ =	swait.ge [sflag:s19], $0x2000  }
0x31c: {  	s20 =	simm.s32 $0x19E00;
	[sflag:s19] =	ssyncset.done $0x0  }
0x31d: {  	s10 =	simm.s32 $0x0;
	s17 =	rddreg [dreg:$0xe];
	[sflag:s19] =	ssyncadd.s32 $0xFFFFE000  }
0x31e: {  	[tilespmem:s20], [sflag:$0x9] =	stream.linear.gather [hbm4b:s17+s10], $0x10, $0x38;
	[tilespmem:$0x19F00] =	vst v63  }
0x31f: {  	_ =	swait.ge [sflag:s23], $0x10  }
0x320: {  	[sflag:s23] =	ssyncset.done $0x0  }
0x321: {  	s21 =	rddreg [dreg:$0xf];
	[sflag:s23] =	ssyncadd.s32 $0xFFFFFFF0  }
0x322: {  	[tilespmem:s24], [sflag:$0x9] =	stream.linear.gather [hbm4b:s21+s10], $0x10, $0x38;
	[tilespmem:$0x19F00] =	vst v63  }
0x323: {  	_ =	swait.ge [sflag:s23], $0x10  }
0x324: {  	[sflag:s23] =	ssyncset.done $0x0  }
0x325: {  	s22 =	simm.s32 $0x10;
	[sflag:s23] =	ssyncadd.s32 $0xFFFFFFF0  }
0x326: {  	[tilespmem:s0], [sflag:$0x3] =	stream.indirect.gather [hbm4b:s1+s22], $0x80, s20, s22, $0xb8;
	[tilespmem:$0x19F00] =	vst v63  }
0x327: {  	_ =	swait.ge [sflag:s12], $0x800  }
0x328: {  	[sflag:s12] =	ssyncset.done $0x0  }
0x329: {  	s20 =	simm.s32 $0x17E00;
	s17 =	rddreg [dreg:$0x10];
	[sflag:s12] =	ssyncadd.s32 $0xFFFFF800  }
0x32a: {  	[tilespmem:s20], [sflag:$0x9] =	stream.linear.gather [hbm4b:s17+s10], $0x400, $0x38;
	[tilespmem:$0x19F00] =	vst v63  }
0x32b: {  	_ =	swait.ge [sflag:s23], $0x400  }
0x32c: {  	s21 =	sand.u32 $0x700, s10;
	[sflag:s23] =	ssyncset.done $0x0  }
0x32d: {  	s2 =	sshrl.u32 s21, $0x1;
	[sflag:s23] =	ssyncadd.s32 $0xFFFFFC00  }
0x32e: {  	v0 =	vld [tilespmem:s2+$0x17E00]  }
0x32f: {  	s21 =	simm.s32 $0x13E40  }
0x330: {  	v1 =	vld [tilespmem:s21+$0xFFFFFFC0];
	_ =	sdelay $0x1  }
0x331: {  	s11 =	sand.u32 $0x10, s10  }
0x332: {  	v0 =	vshra.s32 v0, s11  }
0x333: {  	v0 =	vunpack.i.l.bf16.f32 v0  }
0x334: {  	v0 =	vmul.f32 v0, v1;
	_ =	sdelay $0x1  }
0x335: {  	s2 =	sadd.s32 $0x17E00, s2;
	[tilespmem:s21+$0xFFFFFFC0] =	vst v0  }
0x336: {  	v0 =	vld [tilespmem:s2+$0x10];
	_ =	sdelay $0x1  }
0x337: {  	v1 =	vld [tilespmem:s21+$0xFFFFFFD0];
	_ =	sdelay $0x2  }
0x338: {  	v0 =	vshra.s32 v0, s11  }
0x339: {  	v0 =	vunpack.i.l.bf16.f32 v0  }
0x33a: {  	v0 =	vmul.f32 v0, v1;
	_ =	sdelay $0x1  }
0x33b: {  	[tilespmem:s21+$0xFFFFFFD0] =	vst v0  }
0x33c: {  	v0 =	vld [tilespmem:s2+$0x20];
	_ =	sdelay $0x1  }
0x33d: {  	v1 =	vld [tilespmem:s21+$0xFFFFFFE0];
	_ =	sdelay $0x2  }
0x33e: {  	v0 =	vshra.s32 v0, s11  }
0x33f: {  	v0 =	vunpack.i.l.bf16.f32 v0  }
0x340: {  	v0 =	vmul.f32 v0, v1;
	_ =	sdelay $0x1  }
0x341: {  	[tilespmem:s21+$0xFFFFFFE0] =	vst v0  }
0x342: {  	v0 =	vld [tilespmem:s2+$0x30];
	_ =	sdelay $0x1  }
0x343: {  	v1 =	vld [tilespmem:s21+$0xFFFFFFF0];
	_ =	sdelay $0x2  }
0x344: {  	p0 =	por $0x0, $0x0;
	s2 =	simm.s32 $0x1;
	v0 =	vshra.s32 v0, s11  }
0x345: {  	s2 =	simm.s32 @!p0 $0x0;
	v0 =	vunpack.i.l.bf16.f32 v0  }
0x346: {  	s2 =	sadd.s32 $0x0, s2;
	v0 =	vmul.f32 v0, v1  }
0x347: {  	s22 =	sor.u32 $0x80, s2  }
0x348: {  	s17 =	sshra.s32 s22, $0x1;
	[tilespmem:s21+$0xFFFFFFF0] =	vst v0  }
0x349: {  	v0 =	vld [tilespmem:s17+$0x17E00];
	_ =	sdelay $0x1  }
0x34a: {  	v1 =	vld [tilespmem:s21+$0x0];
	_ =	sdelay $0x2  }
0x34b: {  	v0 =	vshra.s32 v0, s11  }
0x34c: {  	v0 =	vunpack.i.l.bf16.f32 v0  }
0x34d: {  	v0 =	vmul.f32 v0, v1  }
0x34e: {  	s20 =	sor.u32 $0xA0, s2  }
0x34f: {  	s17 =	sshra.s32 s20, $0x1;
	[tilespmem:s21+$0x0] =	vst v0  }
0x350: {  	v0 =	vld [tilespmem:s17+$0x17E00];
	_ =	sdelay $0x1  }
0x351: {  	v1 =	vld [tilespmem:s21+$0x10];
	_ =	sdelay $0x2  }
0x352: {  	v0 =	vshra.s32 v0, s11  }
0x353: {  	v0 =	vunpack.i.l.bf16.f32 v0  }
0x354: {  	v0 =	vmul.f32 v0, v1  }
0x355: {  	s22 =	sor.u32 $0xC0, s2  }
0x356: {  	s17 =	sshra.s32 s22, $0x1;
	[tilespmem:s21+$0x10] =	vst v0  }
0x357: {  	v0 =	vld [tilespmem:s17+$0x17E00];
	_ =	sdelay $0x1  }
0x358: {  	v1 =	vld [tilespmem:s21+$0x20];
	_ =	sdelay $0x2  }
0x359: {  	v0 =	vshra.s32 v0, s11  }
0x35a: {  	v0 =	vunpack.i.l.bf16.f32 v0  }
0x35b: {  	v0 =	vmul.f32 v0, v1  }
0x35c: {  	s2 =	sor.u32 $0xE0, s2  }
0x35d: {  	s2 =	sshra.s32 s2, $0x1;
	[tilespmem:s21+$0x20] =	vst v0  }
0x35e: {  	v0 =	vld [tilespmem:s2+$0x17E00];
	_ =	sdelay $0x1  }
0x35f: {  	v1 =	vld [tilespmem:s21+$0x30];
	_ =	sdelay $0x2  }
0x360: {  	v0 =	vshra.s32 v0, s11  }
0x361: {  	v0 =	vunpack.i.l.bf16.f32 v0  }
0x362: {  	s20 =	simm.s32 $0x80;
	v0 =	vmul.f32 v0, v1  }
0x363: {  	s22 =	simm.s32 $0x2;
	s11 =	sand.u32 $0x700, s20  }
.LBB2_12:
0x364: {  	p1 =	sne.s32 s22, $0xF;
	s2 =	sshrl.u32 s11, $0x1;
	[tilespmem:s21+$0x30] =	vst v0  }
0x365: {  	v0 =	vld [tilespmem:s2+$0x17E00]  }
0x366: {  	s21 =	sadd.s32 $0x80, s21  }
0x367: {  	v1 =	vld [tilespmem:s21+$0xFFFFFFC0]  }
0x368: {  	s10 =	sadd.s32 $0x10, s10  }
0x369: {  	s11 =	sand.u32 $0x10, s10  }
0x36a: {  	v0 =	vshra.s32 v0, s11  }
0x36b: {  	v0 =	vunpack.i.l.bf16.f32 v0  }
0x36c: {  	v0 =	vmul.f32 v0, v1;
	_ =	sdelay $0x1  }
0x36d: {  	s2 =	sadd.s32 $0x17E00, s2;
	[tilespmem:s21+$0xFFFFFFC0] =	vst v0  }
0x36e: {  	v0 =	vld [tilespmem:s2+$0x10];
	_ =	sdelay $0x1  }
0x36f: {  	v1 =	vld [tilespmem:s21+$0xFFFFFFD0];
	_ =	sdelay $0x2  }
0x370: {  	v0 =	vshra.s32 v0, s11  }
0x371: {  	v0 =	vunpack.i.l.bf16.f32 v0  }
0x372: {  	v0 =	vmul.f32 v0, v1;
	_ =	sdelay $0x1  }
0x373: {  	[tilespmem:s21+$0xFFFFFFD0] =	vst v0  }
0x374: {  	v0 =	vld [tilespmem:s2+$0x20];
	_ =	sdelay $0x1  }
0x375: {  	v1 =	vld [tilespmem:s21+$0xFFFFFFE0];
	_ =	sdelay $0x2  }
0x376: {  	v0 =	vshra.s32 v0, s11  }
0x377: {  	v0 =	vunpack.i.l.bf16.f32 v0  }
0x378: {  	v0 =	vmul.f32 v0, v1;
	_ =	sdelay $0x1  }
0x379: {  	[tilespmem:s21+$0xFFFFFFE0] =	vst v0  }
0x37a: {  	v0 =	vld [tilespmem:s2+$0x30];
	_ =	sdelay $0x1  }
0x37b: {  	v1 =	vld [tilespmem:s21+$0xFFFFFFF0];
	_ =	sdelay $0x2  }
0x37c: {  	p0 =	por !p0, !p0;
	s2 =	simm.s32 $0x1;
	v0 =	vshra.s32 v0, s11  }
0x37d: {  	s2 =	simm.s32 @!p0 $0x0;
	v0 =	vunpack.i.l.bf16.f32 v0  }
0x37e: {  	s2 =	sadd.s32 s2, s20;
	v0 =	vmul.f32 v0, v1  }
0x37f: {  	s17 =	sor.u32 $0x80, s2  }
0x380: {  	s17 =	sshra.s32 s17, $0x1;
	[tilespmem:s21+$0xFFFFFFF0] =	vst v0  }
0x381: {  	v0 =	vld [tilespmem:s17+$0x17E00];
	_ =	sdelay $0x1  }
0x382: {  	v1 =	vld [tilespmem:s21+$0x0];
	_ =	sdelay $0x2  }
0x383: {  	v0 =	vshra.s32 v0, s11  }
0x384: {  	v0 =	vunpack.i.l.bf16.f32 v0  }
0x385: {  	v0 =	vmul.f32 v0, v1  }
0x386: {  	s17 =	sor.u32 $0xA0, s2  }
0x387: {  	s17 =	sshra.s32 s17, $0x1;
	[tilespmem:s21+$0x0] =	vst v0  }
0x388: {  	v0 =	vld [tilespmem:s17+$0x17E00];
	_ =	sdelay $0x1  }
0x389: {  	v1 =	vld [tilespmem:s21+$0x10];
	_ =	sdelay $0x2  }
0x38a: {  	v0 =	vshra.s32 v0, s11  }
0x38b: {  	v0 =	vunpack.i.l.bf16.f32 v0  }
0x38c: {  	v0 =	vmul.f32 v0, v1  }
0x38d: {  	s17 =	sor.u32 $0xC0, s2  }
0x38e: {  	s17 =	sshra.s32 s17, $0x1;
	[tilespmem:s21+$0x10] =	vst v0  }
0x38f: {  	v0 =	vld [tilespmem:s17+$0x17E00];
	_ =	sdelay $0x1  }
0x390: {  	v1 =	vld [tilespmem:s21+$0x20];
	_ =	sdelay $0x2  }
0x391: {  	v0 =	vshra.s32 v0, s11  }
0x392: {  	v0 =	vunpack.i.l.bf16.f32 v0  }
0x393: {  	v0 =	vmul.f32 v0, v1  }
0x394: {  	s2 =	sor.u32 $0xE0, s2  }
0x395: {  	s2 =	sshra.s32 s2, $0x1;
	[tilespmem:s21+$0x20] =	vst v0  }
0x396: {  	v0 =	vld [tilespmem:s2+$0x17E00];
	_ =	sdelay $0x1  }
0x397: {  	v1 =	vld [tilespmem:s21+$0x30];
	_ =	sdelay $0x1  }
.Ltmp5:
0x398: {  	(pc) =	sbr.rel @p1 .LBB2_12-.Ltmp5, $4  }
0x399: {  	v0 =	vshra.s32 v0, s11  }
0x39a: {  	v0 =	vunpack.i.l.bf16.f32 v0  }
0x39b: {  	s20 =	sadd.s32 $0x80, s20;
	v0 =	vmul.f32 v0, v1  }
0x39c: {  	s22 =	sadd.s32 $0x1, s22;
	s11 =	sand.u32 $0x700, s20  }
0x39d: {  	s2 =	sshrl.u32 s11, $0x1;
	[tilespmem:s21+$0x30] =	vst v0  }
0x39e: {  	v0 =	vld [tilespmem:s2+$0x17E00]  }
0x39f: {  	s11 =	sadd.s32 $0x80, s21  }
0x3a0: {  	v1 =	vld [tilespmem:s11+$0xFFFFFFC0]  }
0x3a1: {  	s10 =	sadd.s32 $0x10, s10  }
0x3a2: {  	s10 =	sand.u32 $0x10, s10  }
0x3a3: {  	v0 =	vshra.s32 v0, s10  }
0x3a4: {  	v0 =	vunpack.i.l.bf16.f32 v0  }
0x3a5: {  	v0 =	vmul.f32 v0, v1;
	_ =	sdelay $0x1  }
0x3a6: {  	s2 =	sadd.s32 $0x17E00, s2;
	[tilespmem:s11+$0xFFFFFFC0] =	vst v0  }
0x3a7: {  	v0 =	vld [tilespmem:s2+$0x10];
	_ =	sdelay $0x1  }
0x3a8: {  	v57 =	vld [tilespmem:s11+$0xFFFFFFD0];
	_ =	sdelay $0x2  }
0x3a9: {  	v0 =	vshra.s32 v0, s10  }
0x3aa: {  	v0 =	vunpack.i.l.bf16.f32 v0  }
0x3ab: {  	v0 =	vmul.f32 v0, v57;
	_ =	sdelay $0x1  }
0x3ac: {  	[tilespmem:s11+$0xFFFFFFD0] =	vst v0  }
0x3ad: {  	v0 =	vld [tilespmem:s2+$0x20];
	_ =	sdelay $0x1  }
0x3ae: {  	v58 =	vld [tilespmem:s11+$0xFFFFFFE0];
	_ =	sdelay $0x2  }
0x3af: {  	v0 =	vshra.s32 v0, s10  }
0x3b0: {  	v0 =	vunpack.i.l.bf16.f32 v0  }
0x3b1: {  	v0 =	vmul.f32 v0, v58;
	_ =	sdelay $0x1  }
0x3b2: {  	[tilespmem:s11+$0xFFFFFFE0] =	vst v0  }
0x3b3: {  	v0 =	vld [tilespmem:s2+$0x30];
	_ =	sdelay $0x1  }
0x3b4: {  	v59 =	vld [tilespmem:s11+$0xFFFFFFF0];
	_ =	sdelay $0x2  }
0x3b5: {  	p0 =	por !p0, !p0;
	s2 =	simm.s32 $0x1;
	v0 =	vshra.s32 v0, s10  }
0x3b6: {  	s2 =	simm.s32 @!p0 $0x0;
	v0 =	vunpack.i.l.bf16.f32 v0  }
0x3b7: {  	s2 =	sadd.s32 s2, s20;
	v0 =	vmul.f32 v0, v59  }
0x3b8: {  	s17 =	sor.u32 $0x80, s2  }
0x3b9: {  	s17 =	sshra.s32 s17, $0x1;
	[tilespmem:s11+$0xFFFFFFF0] =	vst v0  }
0x3ba: {  	v0 =	vld [tilespmem:s17+$0x17E00];
	_ =	sdelay $0x1  }
0x3bb: {  	v60 =	vld [tilespmem:s11+$0x0];
	_ =	sdelay $0x2  }
0x3bc: {  	v0 =	vshra.s32 v0, s10  }
0x3bd: {  	v0 =	vunpack.i.l.bf16.f32 v0  }
0x3be: {  	v0 =	vmul.f32 v0, v60  }
0x3bf: {  	s21 =	sor.u32 $0xA0, s2  }
0x3c0: {  	s17 =	sshra.s32 s21, $0x1;
	[tilespmem:s11+$0x0] =	vst v0  }
0x3c1: {  	v0 =	vld [tilespmem:s17+$0x17E00];
	_ =	sdelay $0x1  }
0x3c2: {  	v61 =	vld [tilespmem:s11+$0x10];
	_ =	sdelay $0x2  }
0x3c3: {  	v0 =	vshra.s32 v0, s10  }
0x3c4: {  	v0 =	vunpack.i.l.bf16.f32 v0  }
0x3c5: {  	v0 =	vmul.f32 v0, v61  }
0x3c6: {  	s22 =	sor.u32 $0xC0, s2  }
0x3c7: {  	s17 =	sshra.s32 s22, $0x1;
	[tilespmem:s11+$0x10] =	vst v0  }
0x3c8: {  	v0 =	vld [tilespmem:s17+$0x17E00];
	_ =	sdelay $0x1  }
0x3c9: {  	v62 =	vld [tilespmem:s11+$0x20];
	_ =	sdelay $0x2  }
0x3ca: {  	v0 =	vshra.s32 v0, s10  }
0x3cb: {  	v0 =	vunpack.i.l.bf16.f32 v0  }
0x3cc: {  	v0 =	vmul.f32 v0, v62  }
0x3cd: {  	s2 =	sor.u32 $0xE0, s2  }
0x3ce: {  	s2 =	sshra.s32 s2, $0x1;
	[tilespmem:s11+$0x20] =	vst v0  }
0x3cf: {  	v0 =	vld [tilespmem:s2+$0x17E00];
	_ =	sdelay $0x1  }
0x3d0: {  	v63 =	vld [tilespmem:s11+$0x30];
	_ =	sdelay $0x2  }
0x3d1: {  	v0 =	vshra.s32 v0, s10  }
0x3d2: {  	v0 =	vunpack.i.l.bf16.f32 v0  }
0x3d3: {  	v0 =	vmul.f32 v0, v63;
	_ =	sdelay $0x1  }
0x3d4: {  	s17 =	simm.s32 $0x10;
	[tilespmem:s11+$0x30] =	vst v0  }
0x3d5: {  	[spmem:s3] =	stream.indirect.scatter.add.f32 [tilespmem:s0], [sflag:$0x9], $0x80, s24, s17, $0xb8;
	[tilespmem:$0x19F00] =	vst v63  }
0x3d6: {  	_ =	swait.ge [sflag:s23], $0x800  }
0x3d7: {  	[sflag:s23] =	ssyncset.done $0x0  }
0x3d8: {  	[sflag:s23] =	ssyncadd.s32 $0xFFFFF800  }
0x3d9: {  	[bflag:$0x0] =	sbarrier.arrive $0xFFFF  }
0x3da: {  	s17 =	rddreg [dreg:$0x6]  }
0x3db: {  	s20 =	rddreg [dreg:$0x12]  }
0x3dc: {  	s21 =	rddreg [dreg:$0x14]  }
0x3dd: {  	[hbm:s20], [sflag:s17] =	dma.local [spmem:s21], $0x2780  }
0x3de: {  	_ =	swait.ge [sflag:s23], $0x2780  }
0x3df: {  	s22 =	rddreg [dreg:$0x13]  }
0x3e0: {  	s24 =	rddreg [dreg:$0x11];
	s10 =	sadd.s32 $0x1, s22  }
0x3e1: {  	p0 =	sne.s32 s10, s24  }
.Ltmp6:
0x3e2: {  	_ = 	snop;
	(pc) =	sbr.rel @p0 .LBB2_1-.Ltmp6, $3  }
0x3e3: {  	_ =	sdelay $0x1  }
0x3e4: {  	[sflag:s23] =	ssyncset.done $0x0  }
0x3e5: {  	[sflag:s23] =	ssyncadd.s32 $0xFFFFD880  }
0x3e6: {  	_ =	sfence.sel $0x180000  }
0x3e7: {  	[bflag:$0x0] =	sbarrier.arrive $0xFFFF  }
0x3e8: {  	_ =	strace $0x9000004A  }
0x3e9: {  	s0 =	stileid.u32;
	[bflag:$0x2] =	sbarrier.arrive $0xFFFF  }
0x3ea: {  	p0 =	sne.s32 s0, $0x0;
	s0 =	rddreg [dreg:$0x3]  }
0x3eb: {  	s0 =	sadd.s32 @!p0 $0x100000, s0  }
0x3ec: {  	[sflag:s0] =	ssyncadd.tile.s32 @!p0 $0x1;
	_ =	shalt  }
.Lfunc_end2:
_tile_overlayer_lowered:
.L_overlay_start_2:
0x3ed: {  	(tag) =	ssettag $0x2  }
0x3ee: {  	s0 =	rddreg [dreg:$0x0];
	s2 =	stileid.u32  }
0x3ef: {  	s1 =	rddreg [dreg:$0x1];
	p0 =	sne.s32 s2, $0x0  }
0x3f0: {  	s3 =	rddreg [dreg:$0x2];
	[bflag:$0x3] =	sbarrier.arrive $0xFFFF;
	s2 =	simm.s32 @!p0 $0x1C09  }
0x3f1: {  	[timem:s3], [sflag:s2] =	dma.local @!p0 [hbm:s0], s1  }
0x3f2: {  	s0 =	simm.s32 @!p0 $0x9  }
0x3f3: {  	_ =	swait.ge @!p0 [sflag:s0], s1  }
0x3f4: {  	s1 =	ssub.s32 @!p0 $0x0, s1;
	[sflag:s0] =	ssyncset.done @!p0 $0x0  }
0x3f5: {  	[sflag:s0] =	ssyncadd.s32 @!p0 s1  }
0x3f6: {  	[bflag:$0x3] =	sbarrier.arrive $0xFFFF  }
0x3f7: {  	_ =	shalt  }

// kernel: kernel.8.cloned.1.call-start
scs
__scs_entry_jumppad:
0x0: {  	(pc) =	sbr.rel $0x88, $3  }
0x1: {  	(tag) =	ssettag $0x0;
	lr =	simm.s32 $0x1  }
0x2: {  	[smem:$0x3F8A] =	sst lr;
	_ =	strace $0xD0000000  }
0x3: {  	_ = 	snop  }
0x4: {  	_ = 	snop  }
0x5: {  	_ = 	snop  }
0x6: {  	_ = 	snop  }
0x7: {  	_ = 	snop  }
__scs_overlays_trampoline_lowered:
0x8: {  	[smem:$0x3F99] =	sst s0  }
0x9: {  	[smem:$0x3F9A] =	sst s1  }
0xa: {  	[smem:$0x3F9B] =	sst s2  }
0xb: {  	[smem:$0x3F9C] =	sst s3  }
0xc: {  	[smem:$0x3F9D] =	sst s4  }
0xd: {  	[smem:$0x3F9E] =	sst s5  }
0xe: {  	[smem:$0x3F9F] =	sst s6  }
0xf: {  	[smem:$0x3FA0] =	sst s7  }
0x10: {  	[smem:$0x3FA1] =	sst s8  }
0x11: {  	[smem:$0x3FA2] =	sst s9;
	s0 =	simm.s32 @!p0 $0x0  }
0x12: {  	s1 =	sld [smem:$0x3F88];
	s0 =	simm.s32 @p0 $0x1  }
0x13: {  	[smem:$0x3FA3] =	sst s0;
	s0 =	simm.s32 @!p1 $0x0  }
0x14: {  	s2 =	sld [smem:$0x3F87];
	s0 =	simm.s32 @p1 $0x1  }
0x15: {  	[smem:$0x3FA4] =	sst s0;
	s0 =	simm.s32 @!p2 $0x0  }
0x16: {  	s3 =	sld [smem:$0x3FDB];
	s0 =	simm.s32 @p2 $0x1  }
0x17: {  	s4 =	simm.s32 $0x1BF5;
	[smem:$0x3FA6] =	sst s0  }
0x18: {  	s0 =	sld [smem:$0x3F89];
	_ =	swait.ge [sflag:s4], $0x0  }
0x19: {  	s7 =	sld [smem:$0x3F8A]  }
0x1a: {  	s8 =	sadd.s32 $0xFFFFE003, lr  }
0x1b: {  	s9 =	sadd.s32 $0xFFFFFEF7, lr;
	s5 =	simm.s32 $0xFFFFFFFF;
	p2 =	slt.u32 s8, $0xFFFFF086  }
0x1c: {  	p1 =	slt.u32 s9, $0xF7A;
	s5 =	simm.s32 @!p2 $0x0  }
0x1d: {  	s5 =	simm.s32 @p1 $0x1;
	p0 =	seq.s32 s7, s2  }
0x1e: {  	s7 =	smul.u32 @!p0 $0xF7A, s2;
	p2 =	seq.s32 @!p0 s5, $0x0  }
0x1f: {  	s9 =	smul.u32 $0xF7A, s1;
	s8 =	simm.s32 @!p0 $0x1BF5;
	p2 =	por !p2, p0  }
0x20: {  	[sflag:s8] =	ssyncset.s32 @!p0 $0xFFFFF086;
	s6 =	sadd.s32 @!p0 s3, s7;
	s7 =	simm.s32 @!p0 $0x108  }
0x21: {  	s3 =	sadd.s32 s3, s9;
	s6 =	sadd.s32 @!p0 $0x88, s6;
	s7 =	simm.s32 @p2 $0x1082  }
0x22: {  	[simem:s7], [sflag:s8] =	dma.local @!p0 [hbm:s6], $0xF7A  }
0x23: {  	s9 =	sor.u32 $0xD0000000, s2;
	s6 =	simm.s32 $0x108;
	_ =	swait.ge @!p0 [sflag:s8], $0x0  }
0x24: {  	s3 =	sadd.s32 $0x88, s3;
	s6 =	simm.s32 @!p1 $0x1082;
	[sflag:s4] =	ssyncset.s32 $0xFFFFF086  }
0x25: {  	[simem:s6], [sflag:s4] =	dma.local [hbm:s3], $0xF7A  }
0x26: {  	[smem:$0x3F8A] =	sst s1;
	(tag) =	ssettag s2;
	_ =	strace s9  }
0x27: {  	s1 =	sld [smem:$0x3F9A]  }
0x28: {  	s2 =	sld [smem:$0x3F9B]  }
0x29: {  	s4 =	sld [smem:$0x3F9D]  }
0x2a: {  	p0 =	seq.s32 s5, $0x0;
	s5 =	sld [smem:$0x3F9E]  }
0x2b: {  	s6 =	sld [smem:$0x3F9F]  }
0x2c: {  	s7 =	sld [smem:$0x3FA0]  }
0x2d: {  	s3 =	simm.s32 $0x108;
	s8 =	sld [smem:$0x3FA1]  }
0x2e: {  	s3 =	simm.s32 @!p0 $0x1082;
	s9 =	sld [smem:$0x3FA2]  }
0x2f: {  	lr =	sadd.s32 s0, s3;
	s0 =	sld [smem:$0x3F99]  }
0x30: {  	s3 =	sld [smem:$0x3F9C]  }
0x31: {  	[smem:$0x3FA5] =	sst s10  }
0x32: {  	s10 =	sld [smem:$0x3FA3];
	_ =	sdelay $0x3  }
0x33: {  	p0 =	seq.s32 s10, $0x1;
	s10 =	sld [smem:$0x3FA5];
	_ =	sdelay $0x3  }
0x34: {  	[smem:$0x3FA5] =	sst s10  }
0x35: {  	s10 =	sld [smem:$0x3FA4];
	_ =	sdelay $0x3  }
0x36: {  	p1 =	seq.s32 s10, $0x1;
	s10 =	sld [smem:$0x3FA5];
	_ =	sdelay $0x3  }
0x37: {  	[smem:$0x3FA5] =	sst s10  }
0x38: {  	s10 =	sld [smem:$0x3FA6]  }
0x39: {  	_ = 	snop;
	(pc) =	sbr.ind lr, $3  }
0x3a: {  	_ = 	snop  }
0x3b: {  	_ = 	snop  }
0x3c: {  	p2 =	seq.s32 s10, $0x1;
	s10 =	sld [smem:$0x3FA5]  }
0x3d: {  	_ =	shalt  }
0x3e: {  	_ =	shalt  }
0x3f: {  	_ =	shalt  }
0x40: {  	_ =	shalt  }
0x41: {  	_ =	shalt  }
0x42: {  	_ =	shalt  }
0x43: {  	_ =	shalt  }
0x44: {  	_ =	shalt  }
0x45: {  	_ =	shalt  }
0x46: {  	_ =	shalt  }
0x47: {  	_ =	shalt  }
0x48: {  	_ =	shalt  }
0x49: {  	_ =	shalt  }
0x4a: {  	_ =	shalt  }
0x4b: {  	_ =	shalt  }
0x4c: {  	_ =	shalt  }
0x4d: {  	_ =	shalt  }
0x4e: {  	_ =	shalt  }
0x4f: {  	_ =	shalt  }
0x50: {  	_ =	shalt  }
0x51: {  	_ =	shalt  }
0x52: {  	_ =	shalt  }
0x53: {  	_ =	shalt  }
0x54: {  	_ =	shalt  }
0x55: {  	_ =	shalt  }
0x56: {  	_ =	shalt  }
0x57: {  	_ =	shalt  }
0x58: {  	_ =	shalt  }
0x59: {  	_ =	shalt  }
0x5a: {  	_ =	shalt  }
0x5b: {  	_ =	shalt  }
0x5c: {  	_ =	shalt  }
0x5d: {  	_ =	shalt  }
0x5e: {  	_ =	shalt  }
0x5f: {  	_ =	shalt  }
0x60: {  	_ =	shalt  }
0x61: {  	_ =	shalt  }
0x62: {  	_ =	shalt  }
0x63: {  	_ =	shalt  }
0x64: {  	_ =	shalt  }
0x65: {  	_ =	shalt  }
0x66: {  	_ =	shalt  }
0x67: {  	_ =	shalt  }
0x68: {  	_ =	shalt  }
0x69: {  	_ =	shalt  }
0x6a: {  	_ =	shalt  }
0x6b: {  	_ =	shalt  }
0x6c: {  	_ =	shalt  }
0x6d: {  	_ =	shalt  }
0x6e: {  	_ =	shalt  }
0x6f: {  	_ =	shalt  }
0x70: {  	_ =	shalt  }
0x71: {  	_ =	shalt  }
0x72: {  	_ =	shalt  }
0x73: {  	_ =	shalt  }
0x74: {  	_ =	shalt  }
0x75: {  	_ =	shalt  }
0x76: {  	_ =	shalt  }
0x77: {  	_ =	shalt  }
0x78: {  	_ =	shalt  }
0x79: {  	_ =	shalt  }
0x7a: {  	_ =	shalt  }
0x7b: {  	_ =	shalt  }
0x7c: {  	_ =	shalt  }
0x7d: {  	_ =	shalt  }
0x7e: {  	_ =	shalt  }
0x7f: {  	_ =	shalt  }
0x80: {  	_ =	shalt  }
0x81: {  	_ =	shalt  }
0x82: {  	_ =	shalt  }
0x83: {  	_ =	shalt  }
0x84: {  	_ =	shalt  }
0x85: {  	_ =	shalt  }
0x86: {  	_ =	shalt  }
0x87: {  	_ =	shalt  }
.Lfunc_end0:
.L_simem_size_0:
called_computation_lowered:
.L_overlay_start_0:
0x88: {  	s2 =	sld [smem:$0x3FD9]  }
0x89: {  	s3 =	sld [smem:$0x3FFE];
	_ =	sdelay $0x1  }
0x8a: {  	s1 =	srdreg.scid  }
0x8b: {  	s0 =	sand.u32 $0x1, s1  }
0x8c: {  	s17 =	sshll.u32 s0, $0xA;
	s2 =	sadd.s32 s3, s2  }
0x8d: {  	s2 =	sadd.s32 s2, s17  }
0x8e: {  	[smem:$0x3FB1] =	sst s2  }
0x8f: {  	_ = 	snop  }
0x90: {  	s2 =	sld [smem:$0x3FC5]  }
0x91: {  	s18 =	sld [smem:$0x3FC4];
	(tm) =	ssettm $0x1  }
0x92: {  	s4 =	sld [smem:$0x3FFB];
	_ =	sdelay $0x3  }
0x93: {  	_ =	strace s4  }
0x94: {  	s4 =	sld [smem:$0x3FFC];
	_ =	sdelay $0x3  }
0x95: {  	_ =	strace s4  }
0x96: {  	s4 =	sld [smem:$0x3FFD];
	_ =	sdelay $0x3  }
0x97: {  	_ =	strace s4  }
0x98: {  	_ =	strace $0x8FFFFFFF  }
0x99: {  	s19 =	sld [smem:$0x3FDB];
	_ =	sdelay $0x1  }
0x9a: {  	s5 =	simm.s32 $_scs_section_size  }
0x9b: {  	s6 =	simm.s32 $_size__tile_overlayer_lowered;
	s7 =	simm.s32 $_tile_overlayer_lowered  }
0x9c: {  	s22 =	simm.s32 $0x1BFF;
	s21 =	sshll.u32 s7, $0x1;
	s4 =	sadd.s32 s5, s19  }
0x9d: {  	s8 =	simm.s32 $0x0;
	s20 =	sshll.u32 s6, $0x1;
	s6 =	sadd.s32 s21, s4  }
0x9e: {  	[timem:s8], [sflag:s22] =	dma.local [hbm:s6], s20  }
0x9f: {  	_ =	swait.ge [sflag:s22], s20  }
0xa0: {  	s5 =	ssub.s32 $0x0, s20;
	[sflag:s22] =	ssyncset.done $0x0  }
0xa1: {  	[sflag:s22] =	ssyncadd.s32 s5;
	_ =	sdelay $0x1  }
0xa2: {  	s23 =	simm.s32 $0x1B8B  }
0xa3: {  	_ =	swait.ge [sflag:s23], $0x1  }
0xa4: {  	[sflag:s23] =	ssyncset.done $0x0  }
0xa5: {  	s25 =	simm.s32 $0x1B8E;
	s24 =	sld [smem:$0x3FFE];
	[sflag:s23] =	ssyncadd.s32 $0xFFFFFFFF  }
0xa6: {  	s26 =	simm.s32 $execute0_lowered;
	[smem:$0x3FD2] =	sst s25  }
0xa7: {  	s6 =	sshll.u32 s26, $0x1;
	_ =	strace $0x80000046;
	[dreg:$0x1] =	wrdreg $0xFFFFFFFF  }
0xa8: {  	s28 =	simm.s32 $_size_execute0_lowered;
	s4 =	sadd.s32 s4, s6;
	[dreg:$0x0] =	wrdreg $0x0  }
0xa9: {  	s6 =	sshll.u32 s28, $0x1;
	[dreg:$0x2] =	wrdreg s4  }
0xaa: {  	[dreg:$0x3] =	wrdreg s6  }
0xab: {  	[dreg:$0x4] =	wrdreg $0xC0  }
0xac: {  	_ =	task [dreg:s8], $0x5FFFF  }
0xad: {  	[dreg:$0x1] =	wrdreg $0xFFFFFFFF  }
0xae: {  	[dreg:$0x0] =	wrdreg $0x60  }
0xaf: {  	[dreg:$0x2] =	wrdreg s24  }
0xb0: {  	[dreg:$0x3] =	wrdreg s2  }
0xb1: {  	[dreg:$0x4] =	wrdreg s18  }
0xb2: {  	[dreg:$0x5] =	wrdreg $0x0  }
0xb3: {  	[dreg:$0x6] =	wrdreg $0x9  }
0xb4: {  	_ =	task.clear_ibuf [dreg:s8], $0x7FFFF;
	_ =	strace $0x90000046  }
0xb5: {  	s29 =	simm.s32 $0x9;
	_ =	strace $0x80000048  }
0xb6: {  	_ =	swait.ge [sflag:s29], $0x1  }
0xb7: {  	[sflag:s29] =	ssyncadd.s32 $0xFFFFFFFF  }
0xb8: {  	_ =	strace $0x90000048  }
0xb9: {  	_ =	sfence  }
0xba: {  	s30 =	sld [smem:$0x0];
	_ =	sdelay $0x2  }
0xbb: {  	s31 =	sshll.u32 s1, $0xD;
	s1 =	sshrl.u32 s1, $0x2  }
0xbc: {  	s3 =	sand.u32 $0x4000, s31;
	s1 =	sadd.s32 s1, s30  }
0xbd: {  	s0 =	sor.u32 s3, s0;
	s1 =	sshll.u32 s1, $0x11  }
0xbe: {  	s0 =	sor.u32 s1, s0  }
0xbf: {  	s0 =	sadd.s32 $0x8F2B, s0  }
0xc0: {  	[sflag:s0] =	ssyncadd.remote.s32 $0x1  }
0xc1: {  	_ =	sfence.sel $0xFFFF  }
0xc2: {  	[dreg:$0x0] =	wrdreg $0xFFFFFFFF;
	(pc) =	sbr.abs _section_cstart, $3  }
0xc3: {  	[dreg:$0x1] =	wrdreg $0xFFFFFFFF  }
0xc4: {  	_ =	task.clear_ibuf [dreg:s8], $0x2FFFF;
	_ =	strace $0x9FFFFFFF  }
0xc5: {  	(tm) =	ssettm $0x7FFFFFFF  }
tec
execute0_lowered:
.L_overlay_start_1:
0x0: {  	(tag) =	ssettag $0x1  }
0x1: {  	s0 =	rddreg [dreg:$0x0]  }
0x2: {  	s1 =	rddreg [dreg:$0x1]  }
0x3: {  	s2 =	rddreg [dreg:$0x2]  }
0x4: {  	s4 =	rddreg [dreg:$0x3]  }
0x5: {  	s5 =	simm.s32 $0x0;
	s12 =	stileid.u32;
	s3 =	srdreg.scid  }
0x6: {  	s28 =	simm.s32 $0x80;
	s29 =	simm.s32 $0x13E00;
	s30 =	simm.s32 $0x2  }
0x7: {  	s31 =	simm.s32 $0x17E00;
	[smem:$0x7FF] =	sst s5;
	s7 =	smul.u32 $0x2780, s12  }
0x8: {  	s3 =	sand.u32 $0x1, s3;
	s6 =	sadd.s32 $0x3600, s0;
	s8 =	smul.u32 $0x4F000, s12  }
0x9: {  	s18 =	sshll.u32 s12, $0x6;
	_ =	strace $0x80000047;
	s9 =	sshll.u32 s3, $0x4  }
0xa: {  	s17 =	ssub.s32 $0x2, s3;
	s23 =	smul.u32 $0x27100, s3;
	p0 =	seq.s32 s3, $0x1  }
0xb: {  	s3 =	simm.s32 $0x2C3800;
	s0 =	sadd.s32 s7, s0;
	s9 =	sor.u32 s12, s9  }
0xc: {  	s10 =	sshrl.u32 s17, $0x1;
	s8 =	sshrl.u32 s8, $0x2;
	s12 =	smul.u32 $0x2710, s12  }
0xd: {  	s3 =	simm.s32 @!p0 $0x29C000;
	s11 =	smul.u32 $0x2710, s9;
	s7 =	ssub.s32 s17, s10  }
0xe: {  	s8 =	sadd.s32 s8, s4;
	s19 =	sadd.s32 $0x274800, s0;
	s9 =	sor.u32 $0x1C07, s18  }
0xf: {  	s0 =	sadd.s32 s3, s0;
	s3 =	simm.s32 $0x5;
	[dreg:$0x5] =	wrdreg s8  }
0x10: {  	[dreg:$0x6] =	wrdreg s19;
	s10 =	sadd.s32 s12, s23;
	s7 =	smax.u32 s7, $0x1  }
0x11: {  	[dreg:$0xe] =	wrdreg s0;
	s23 =	simm.s32 $0x13D00;
	s0 =	simm.s32 $0x3  }
0x12: {  	s12 =	simm.s32 $0x10;
	s20 =	sshrl.u32 s11, $0x3;
	s25 =	sadd.s32 $0x180, s10  }
0x13: {  	[dreg:$0xd] =	wrdreg s7;
	s7 =	simm.s32 $0x4;
	s21 =	sadd.s32 s1, s20  }
0x14: {  	s22 =	sadd.s32 s2, s20;
	s11 =	sadd.s32 $0x10, s20;
	s8 =	sadd.s32 $0x4E0, s20  }
0x15: {  	s26 =	sshrl.u32 s25, $0x3;
	s20 =	sadd.s32 $0x100, s10;
	[dreg:$0x7] =	wrdreg s21  }
0x16: {  	s25 =	simm.s32 $0x13D80;
	[dreg:$0x8] =	wrdreg s22;
	s13 =	sadd.s32 s1, s11  }
0x17: {  	s11 =	sadd.s32 s2, s11;
	s24 =	sadd.s32 s1, s8;
	[dreg:$0x9] =	wrdreg s13  }
0x18: {  	s8 =	sadd.s32 s2, s8;
	s18 =	sadd.s32 s26, s2;
	[dreg:$0xa] =	wrdreg s11  }
0x19: {  	s19 =	sadd.s32 s26, s1;
	s21 =	simm.s32 $0x7;
	[dreg:$0xb] =	wrdreg s24  }
0x1a: {  	s22 =	simm.s32 $0x13C00;
	s26 =	simm.s32 $0x1;
	[dreg:$0xc] =	wrdreg s8  }
0x1b: {  	s24 =	simm.s32 $0x13C80;
	s8 =	simm.s32 $0x6;
	s13 =	simm.s32 $0x0  }
.LBB2_1:
0x1c: {  	s10 =	rddreg [dreg:$0x5]  }
0x1d: {  	s15 =	rddreg [dreg:$0x6];
	s14 =	sshrl.u32 s10, $0x3  }
0x1e: {  	[spmem:s14], [sflag:s9] =	dma.local [hbm:s15], $0x2780  }
0x1f: {  	_ =	swait.ge [sflag:s21], $0x2780  }
0x20: {  	[sflag:s21] =	ssyncset.done $0x0  }
0x21: {  	s16 =	rddreg [dreg:$0x7];
	[sflag:s21] =	ssyncadd.s32 $0xFFFFD880  }
0x22: {  	[tilespmem:s22], [sflag:$0x1] =	stream.linear.gather [hbm4b:s16+s5], $0x80, $0x38;
	[tilespmem:$0x1BF00] =	vst v63  }
0x23: {  	s17 =	rddreg [dreg:$0x8]  }
0x24: {  	[tilespmem:s23], [sflag:$0x1] =	stream.linear.gather [hbm4b:s17+s5], $0x80, $0x38;
	[tilespmem:$0x1BF00] =	vst v63  }
0x25: {  	s11 =	rddreg [dreg:$0x9]  }
0x26: {  	[tilespmem:s24], [sflag:$0x2] =	stream.linear.gather [hbm4b:s11+s5], $0x80, $0x38;
	[tilespmem:$0x1BF00] =	vst v63  }
0x27: {  	s15 =	rddreg [dreg:$0xa]  }
0x28: {  	[tilespmem:s25], [sflag:$0x2] =	stream.linear.gather [hbm4b:s15+s5], $0x80, $0x38;
	[tilespmem:$0x1BF00] =	vst v63  }
0x29: {  	_ =	swait.ge [sflag:s26], $0x80  }
0x2a: {  	[sflag:s26] =	ssyncset.done $0x0  }
0x2b: {  	[sflag:s26] =	ssyncadd.s32 $0xFFFFFF80  }
0x2c: {  	_ =	swait.ge [sflag:s26], $0x80  }
0x2d: {  	[sflag:s26] =	ssyncset.done $0x0  }
0x2e: {  	[sflag:s26] =	ssyncadd.s32 $0xFFFFFF80  }
0x2f: {  	[tilespmem:s29], [sflag:$0x3] =	stream.indirect.gather [hbm4b:s6+s28], $0x80, s22, s28, $0xb8;
	[tilespmem:$0x1BF00] =	vst v63  }
0x30: {  	[bflag:$0x0] =	sbarrier.arrive $0xFFFF  }
0x31: {  	_ =	swait.ge [sflag:s30], $0x80  }
0x32: {  	[sflag:s30] =	ssyncset.done $0x0  }
0x33: {  	[sflag:s30] =	ssyncadd.s32 $0xFFFFFF80  }
0x34: {  	_ =	swait.ge [sflag:s30], $0x80  }
0x35: {  	[sflag:s30] =	ssyncset.done $0x0  }
0x36: {  	[sflag:s30] =	ssyncadd.s32 $0xFFFFFF80  }
0x37: {  	[tilespmem:s31], [sflag:$0x4] =	stream.indirect.gather [hbm4b:s6+s28], $0x80, s24, s28, $0xb8;
	[tilespmem:$0x1BF00] =	vst v63  }
0x38: {  	_ =	swait.ge [sflag:s0], $0x4000  }
0x39: {  	[sflag:s0] =	ssyncset.done $0x0  }
0x3a: {  	[sflag:s0] =	ssyncadd.s32 $0xFFFFC000  }
0x3b: {  	[spmem:s4] =	stream.indirect.scatter.add.f32 [tilespmem:s29], [sflag:$0x5], $0x80, s23, s28, $0xb8;
	[tilespmem:$0x1BF00] =	vst v63  }
0x3c: {  	_ =	swait.ge [sflag:s3], $0x4000  }
0x3d: {  	s15 =	sshrl.u32 s20, $0x3;
	[sflag:s3] =	ssyncset.done $0x0  }
0x3e: {  	s16 =	sadd.s32 s1, s15;
	[sflag:s3] =	ssyncadd.s32 $0xFFFFC000  }
0x3f: {  	[tilespmem:s22], [sflag:$0x1] =	stream.linear.gather [hbm4b:s16+s5], $0x80, $0x38;
	[tilespmem:$0x1BF00] =	vst v63  }
0x40: {  	s15 =	sadd.s32 s2, s15  }
0x41: {  	[tilespmem:s23], [sflag:$0x1] =	stream.linear.gather [hbm4b:s15+s5], $0x80, $0x38;
	[tilespmem:$0x1BF00] =	vst v63  }
0x42: {  	_ =	swait.ge [sflag:s26], $0x80  }
0x43: {  	[sflag:s26] =	ssyncset.done $0x0  }
0x44: {  	[sflag:s26] =	ssyncadd.s32 $0xFFFFFF80  }
0x45: {  	_ =	swait.ge [sflag:s26], $0x80  }
0x46: {  	[sflag:s26] =	ssyncset.done $0x0  }
0x47: {  	[sflag:s26] =	ssyncadd.s32 $0xFFFFFF80  }
0x48: {  	[tilespmem:s29], [sflag:$0x3] =	stream.indirect.gather [hbm4b:s6+s28], $0x80, s22, s28, $0xb8;
	[tilespmem:$0x1BF00] =	vst v63  }
0x49: {  	_ =	swait.ge [sflag:s7], $0x4000  }
0x4a: {  	[sflag:s7] =	ssyncset.done $0x0  }
0x4b: {  	[sflag:s7] =	ssyncadd.s32 $0xFFFFC000  }
0x4c: {  	[spmem:s4] =	stream.indirect.scatter.add.f32 [tilespmem:s31], [sflag:$0x6], $0x80, s25, s28, $0xb8;
	[tilespmem:$0x1BF00] =	vst v63  }
0x4d: {  	_ =	swait.ge [sflag:s8], $0x4000  }
0x4e: {  	[sflag:s8] =	ssyncset.done $0x0  }
0x4f: {  	s16 =	sadd.s32 $0x0, s19;
	[sflag:s8] =	ssyncadd.s32 $0xFFFFC000  }
0x50: {  	[tilespmem:s24], [sflag:$0x2] =	stream.linear.gather [hbm4b:s16+s5], $0x80, $0x38;
	[tilespmem:$0x1BF00] =	vst v63  }
0x51: {  	s17 =	sadd.s32 $0x0, s18  }
0x52: {  	[tilespmem:s25], [sflag:$0x2] =	stream.linear.gather [hbm4b:s17+s5], $0x80, $0x38;
	[tilespmem:$0x1BF00] =	vst v63  }
0x53: {  	_ =	swait.ge [sflag:s30], $0x80  }
0x54: {  	[sflag:s30] =	ssyncset.done $0x0  }
0x55: {  	[sflag:s30] =	ssyncadd.s32 $0xFFFFFF80  }
0x56: {  	_ =	swait.ge [sflag:s30], $0x80  }
0x57: {  	[sflag:s30] =	ssyncset.done $0x0  }
0x58: {  	s15 =	simm.s32 $0x20;
	s16 =	sadd.s32 $0x100, s20;
	[sflag:s30] =	ssyncadd.s32 $0xFFFFFF80  }
.LBB2_2:
0x59: {  	[tilespmem:s31], [sflag:$0x4] =	stream.indirect.gather [hbm4b:s6+s28], $0x80, s24, s28, $0xb8;
	[tilespmem:$0x1BF00] =	vst v63  }
0x5a: {  	s17 =	smov.u32 s15  }
0x5b: {  	p0 =	sne.s32 s15, $0x4A0;
	s15 =	sadd.s32 $0x20, s15;
	_ =	swait.ge [sflag:s0], $0x4000  }
0x5c: {  	[sflag:s0] =	ssyncset.done $0x0  }
0x5d: {  	[sflag:s0] =	ssyncadd.s32 $0xFFFFC000  }
0x5e: {  	[spmem:s4] =	stream.indirect.scatter.add.f32 [tilespmem:s29], [sflag:$0x5], $0x80, s23, s28, $0xb8;
	[tilespmem:$0x1BF00] =	vst v63  }
0x5f: {  	_ =	swait.ge [sflag:s3], $0x4000  }
0x60: {  	s10 =	sshrl.u32 s16, $0x3;
	[sflag:s3] =	ssyncset.done $0x0  }
0x61: {  	s11 =	sadd.s32 s1, s10;
	[sflag:s3] =	ssyncadd.s32 $0xFFFFC000  }
0x62: {  	[tilespmem:s22], [sflag:$0x1] =	stream.linear.gather [hbm4b:s11+s5], $0x80, $0x38;
	[tilespmem:$0x1BF00] =	vst v63  }
0x63: {  	s10 =	sadd.s32 s2, s10  }
0x64: {  	[tilespmem:s23], [sflag:$0x1] =	stream.linear.gather [hbm4b:s10+s5], $0x80, $0x38;
	[tilespmem:$0x1BF00] =	vst v63  }
0x65: {  	_ =	swait.ge [sflag:s26], $0x80  }
0x66: {  	[sflag:s26] =	ssyncset.done $0x0  }
0x67: {  	[sflag:s26] =	ssyncadd.s32 $0xFFFFFF80  }
0x68: {  	_ =	swait.ge [sflag:s26], $0x80  }
0x69: {  	[sflag:s26] =	ssyncset.done $0x0  }
0x6a: {  	[sflag:s26] =	ssyncadd.s32 $0xFFFFFF80  }
0x6b: {  	[tilespmem:s29], [sflag:$0x3] =	stream.indirect.gather [hbm4b:s6+s28], $0x80, s22, s28, $0xb8;
	[tilespmem:$0x1BF00] =	vst v63  }
0x6c: {  	_ =	swait.ge [sflag:s7], $0x4000  }
0x6d: {  	[sflag:s7] =	ssyncset.done $0x0  }
0x6e: {  	[sflag:s7] =	ssyncadd.s32 $0xFFFFC000  }
0x6f: {  	[spmem:s4] =	stream.indirect.scatter.add.f32 [tilespmem:s31], [sflag:$0x6], $0x80, s25, s28, $0xb8;
	[tilespmem:$0x1BF00] =	vst v63  }
0x70: {  	_ =	swait.ge [sflag:s8], $0x4000  }
0x71: {  	[sflag:s8] =	ssyncset.done $0x0  }
0x72: {  	s10 =	sadd.s32 s17, s19;
	[sflag:s8] =	ssyncadd.s32 $0xFFFFC000  }
0x73: {  	[tilespmem:s24], [sflag:$0x2] =	stream.linear.gather [hbm4b:s10+s5], $0x80, $0x38;
	[tilespmem:$0x1BF00] =	vst v63  }
0x74: {  	s10 =	sadd.s32 s17, s18  }
0x75: {  	[tilespmem:s25], [sflag:$0x2] =	stream.linear.gather [hbm4b:s10+s5], $0x80, $0x38;
	[tilespmem:$0x1BF00] =	vst v63  }
0x76: {  	_ =	swait.ge [sflag:s30], $0x80  }
.Ltmp0:
0x77: {  	[sflag:s30] =	ssyncset.done $0x0;
	(pc) =	sbr.rel @p0 .LBB2_2-.Ltmp0, $4  }
0x78: {  	[sflag:s30] =	ssyncadd.s32 $0xFFFFFF80  }
0x79: {  	_ =	swait.ge [sflag:s30], $0x80  }
0x7a: {  	[sflag:s30] =	ssyncset.done $0x0  }
0x7b: {  	s16 =	sadd.s32 $0x100, s16;
	[sflag:s30] =	ssyncadd.s32 $0xFFFFFF80  }
0x7c: {  	[tilespmem:s31], [sflag:$0x4] =	stream.indirect.gather [hbm4b:s6+s28], $0x80, s24, s28, $0xb8;
	[tilespmem:$0x1BF00] =	vst v63  }
0x7d: {  	_ =	swait.ge [sflag:s0], $0x4000  }
0x7e: {  	[sflag:s0] =	ssyncset.done $0x0  }
0x7f: {  	[sflag:s0] =	ssyncadd.s32 $0xFFFFC000  }
0x80: {  	[spmem:s4] =	stream.indirect.scatter.add.f32 [tilespmem:s29], [sflag:$0x5], $0x80, s23, s28, $0xb8;
	[tilespmem:$0x1BF00] =	vst v63  }
0x81: {  	_ =	swait.ge [sflag:s7], $0x4000  }
0x82: {  	[sflag:s7] =	ssyncset.done $0x0  }
0x83: {  	[sflag:s7] =	ssyncadd.s32 $0xFFFFC000  }
0x84: {  	[spmem:s4] =	stream.indirect.scatter.add.f32 [tilespmem:s31], [sflag:$0x6], $0x80, s25, s28, $0xb8;
	[tilespmem:$0x1BF00] =	vst v63  }
0x85: {  	_ =	swait.ge [sflag:s3], $0x4000  }
0x86: {  	[sflag:s3] =	ssyncset.done $0x0  }
0x87: {  	[sflag:s3] =	ssyncadd.s32 $0xFFFFC000  }
0x88: {  	_ =	swait.ge [sflag:s8], $0x4000  }
0x89: {  	[sflag:s8] =	ssyncset.done $0x0  }
0x8a: {  	s11 =	simm.s32 $0x1BE00;
	s10 =	rddreg [dreg:$0xb];
	[sflag:s8] =	ssyncadd.s32 $0xFFFFC000  }
0x8b: {  	[tilespmem:s11], [sflag:$0x7] =	stream.linear.gather [hbm4b:s10+s5], $0x10, $0x38;
	[tilespmem:$0x1BF00] =	vst v63  }
0x8c: {  	_ =	swait.ge [sflag:s21], $0x10  }
0x8d: {  	[sflag:s21] =	ssyncset.done $0x0  }
0x8e: {  	s15 =	simm.s32 $0x1BE80;
	s17 =	rddreg [dreg:$0xc];
	[sflag:s21] =	ssyncadd.s32 $0xFFFFFFF0  }
0x8f: {  	[tilespmem:s15], [sflag:$0x7] =	stream.linear.gather [hbm4b:s17+s5], $0x10, $0x38;
	[tilespmem:$0x1BF00] =	vst v63  }
0x90: {  	_ =	swait.ge [sflag:s21], $0x10  }
0x91: {  	[sflag:s21] =	ssyncset.done $0x0  }
0x92: {  	[sflag:s21] =	ssyncadd.s32 $0xFFFFFFF0  }
0x93: {  	[tilespmem:s29], [sflag:$0x3] =	stream.indirect.gather [hbm4b:s6+s12], $0x80, s11, s12, $0xb8;
	[tilespmem:$0x1BF00] =	vst v63  }
0x94: {  	_ =	swait.ge [sflag:s0], $0x800  }
0x95: {  	[sflag:s0] =	ssyncset.done $0x0  }
0x96: {  	[sflag:s0] =	ssyncadd.s32 $0xFFFFF800  }
0x97: {  	[spmem:s4] =	stream.indirect.scatter.add.f32 [tilespmem:s29], [sflag:$0x7], $0x80, s15, s12, $0xb8;
	[tilespmem:$0x1BF00] =	vst v63  }
0x98: {  	_ =	swait.ge [sflag:s21], $0x800  }
0x99: {  	[sflag:s21] =	ssyncset.done $0x0  }
0x9a: {  	[sflag:s21] =	ssyncadd.s32 $0xFFFFF800  }
0x9b: {  	[bflag:$0x0] =	sbarrier.arrive $0xFFFF  }
0x9c: {  	s16 =	rddreg [dreg:$0xe]  }
0x9d: {  	[hbm:s16], [sflag:s9] =	dma.local [spmem:s14], $0x2780  }
0x9e: {  	_ =	swait.ge [sflag:s21], $0x2780  }
0x9f: {  	s13 =	sadd.s32 $0x1, s13;
	s17 =	rddreg [dreg:$0xd]  }
0xa0: {  	p0 =	sne.s32 s13, s17  }
.Ltmp1:
0xa1: {  	_ = 	snop;
	(pc) =	sbr.rel @p0 .LBB2_1-.Ltmp1, $3  }
0xa2: {  	_ =	sdelay $0x1  }
0xa3: {  	[sflag:s21] =	ssyncset.done $0x0  }
0xa4: {  	[sflag:s21] =	ssyncadd.s32 $0xFFFFD880  }
0xa5: {  	_ =	sfence.sel $0x180000  }
0xa6: {  	[bflag:$0x0] =	sbarrier.arrive $0xFFFF  }
0xa7: {  	_ =	strace $0x90000047  }
0xa8: {  	s0 =	stileid.u32;
	[bflag:$0x2] =	sbarrier.arrive $0xFFFF  }
0xa9: {  	p0 =	sne.s32 s0, $0x0;
	s0 =	rddreg [dreg:$0x4]  }
0xaa: {  	s0 =	sadd.s32 @!p0 $0x100000, s0  }
0xab: {  	[sflag:s0] =	ssyncadd.tile.s32 @!p0 $0x1;
	_ =	shalt  }
.Lfunc_end2:
_tile_overlayer_lowered:
.L_overlay_start_2:
0xac: {  	(tag) =	ssettag $0x2  }
0xad: {  	s0 =	rddreg [dreg:$0x0];
	s2 =	stileid.u32  }
0xae: {  	s1 =	rddreg [dreg:$0x1];
	p0 =	sne.s32 s2, $0x0  }
0xaf: {  	s3 =	rddreg [dreg:$0x2];
	[bflag:$0x3] =	sbarrier.arrive $0xFFFF;
	s2 =	simm.s32 @!p0 $0x1C07  }
0xb0: {  	[timem:s3], [sflag:s2] =	dma.local @!p0 [hbm:s0], s1  }
0xb1: {  	s0 =	simm.s32 @!p0 $0x7  }
0xb2: {  	_ =	swait.ge @!p0 [sflag:s0], s1  }
0xb3: {  	s1 =	ssub.s32 @!p0 $0x0, s1;
	[sflag:s0] =	ssyncset.done @!p0 $0x0  }
0xb4: {  	[sflag:s0] =	ssyncadd.s32 @!p0 s1  }
0xb5: {  	[bflag:$0x3] =	sbarrier.arrive $0xFFFF  }
0xb6: {  	_ =	shalt  }

</sc_bundles>
